<compile_context>
chip_gen: v7x
topology: tpu7x:2x2x1
jax: 0.10.2.dev20260603
libtpu: 0.0.44.dev20260713+nightly
codegen_flags: <defaults>
</compile_context>

<pallas_src>
import functools

import jax
import jax.numpy as jnp
from jax import lax
from jax.experimental import pallas as pl
from jax.experimental.pallas import tpu as pltpu
from jax.experimental.pallas import tpu_sc as plsc

N_SAMPLES = 16384
N_CLASSES = 1000
LANES = 16
N_WORKERS = 32

SC_N = 8192
TC_N = N_SAMPLES - SC_N

SPW = SC_N // N_WORKERS
SB = 128
N_BLOCKS = SPW // SB
SUBS = SB // LANES
CHUNK = 128
ROWS = [CHUNK] * 7 + [N_CLASSES - 7 * CHUNK]
N_CHUNKS = len(ROWS)
N_SLOTS = 4

W_TC = 1024
NEG = -10.0 ** 10
MARGIN_FY = 0.8
MARGIN_FNY = 0.3


def _sc_body(xt_hbm, lbl_hbm, out_hbm, xbuf, lblbuf, ostage, *sems):
    wid = lax.axis_index("c") * 16 + lax.axis_index("s")
    s0 = TC_N + wid * SPW

    pltpu.sync_copy(lbl_hbm.at[pl.ds(s0, SPW)], lblbuf)

    lane = lax.iota(jnp.int32, LANES)

    def dma(b, k, sem):
        slot = k % N_SLOTS
        src = xt_hbm.at[pl.ds(CHUNK * k, ROWS[k]), pl.ds(s0 + b * SB, SB)]
        dst = xbuf.at[slot, pl.ds(0, ROWS[k]), :]
        return pltpu.make_async_copy(src, dst, sem)

    for k in range(N_SLOTS - 1):
        dma(0, k, sems[k % N_SLOTS]).start()

    def block_body(b, acc):
        m = [jnp.full((LANES,), NEG, jnp.float32) for _ in range(SUBS)]
        fy = [jnp.zeros((LANES,), jnp.float32) for _ in range(SUBS)]

        for k in range(N_CHUNKS):
            rows_k = ROWS[k]
            slot = k % N_SLOTS
            sem = sems[slot]
            dma(b, k, sem).wait()

            pre = k + N_SLOTS - 1
            if pre < N_CHUNKS:
                dma(b, pre, sems[pre % N_SLOTS]).start()
            else:
                pk = pre - N_CHUNKS

                @pl.when(b + 1 < N_BLOCKS)
                def _():
                    dma(b + 1, pk, sems[pk % N_SLOTS]).start()

            slot_vec = jnp.full((LANES,), slot, jnp.int32)
            neg_vec = jnp.full((LANES,), NEG, jnp.float32)
            for sub in range(SUBS):
                lbl_sub = lblbuf[pl.ds(b * SB + sub * LANES, LANES)]
                rel = lbl_sub - CHUNK * k
                mask = (rel >= 0) & (rel < rows_k)
                relc = jnp.clip(rel, 0, rows_k - 1)
                got = plsc.load_gather(
                    xbuf, [slot_vec, relc, sub * LANES + lane], mask=mask)
                fy[sub] = jnp.where(mask, got, fy[sub])
                plsc.store_scatter(
                    xbuf, [slot_vec, relc, sub * LANES + lane], neg_vec,
                    mask=mask)

            def row_body(ri, ms, _slot=slot):
                r = 4 * ri
                for dr in range(4):
                    ms = tuple(
                        jnp.maximum(
                            ms[i],
                            xbuf[_slot, r + dr, pl.ds(LANES * i, LANES)])
                        for i in range(SUBS))
                return ms

            m = list(lax.fori_loop(0, rows_k // 4, row_body, tuple(m)))

        for sub in range(SUBS):
            acc = acc + (jnp.maximum(MARGIN_FY - fy[sub], 0.0)
                         + jnp.maximum(MARGIN_FNY + m[sub], 0.0))
        return acc

    acc = lax.fori_loop(0, N_BLOCKS, block_body,
                        jnp.zeros((LANES,), jnp.float32))
    ostage[...] = acc * (1.0 / N_SAMPLES)
    pltpu.sync_copy(ostage, out_hbm.at[wid])


_sc_loss = functools.partial(
    pl.kernel,
    out_type=jax.ShapeDtypeStruct((N_WORKERS, LANES), jnp.float32),
    mesh=plsc.VectorSubcoreMesh(core_axis_name="c", subcore_axis_name="s"),
    compiler_params=pltpu.CompilerParams(needs_layout_passes=False,
                                         use_tc_tiling_on_sc=True),
    scratch_types=[
        pltpu.VMEM((N_SLOTS, CHUNK, SB), jnp.float32),
        pltpu.VMEM((SPW,), jnp.int32),
        pltpu.VMEM((LANES,), jnp.float32),
    ] + [pltpu.SemaphoreType.DMA] * N_SLOTS,
)(_sc_body)


def _tc_body(lbl_ref, xt_ref, out_ref):
    j = pl.program_id(0)
    lbl = lbl_ref[0, 0, :]
    xb = xt_ref[...]
    rows = lax.broadcasted_iota(jnp.int32, (N_CLASSES, W_TC), 0)
    eq = rows == lbl[None, :]
    fy = jnp.max(jnp.where(eq, xb, NEG), axis=0)
    m = jnp.max(jnp.where(eq, NEG, xb), axis=0)
    l = (jnp.maximum(MARGIN_FY - fy, 0.0)
         + jnp.maximum(MARGIN_FNY + m, 0.0))
    s = (jnp.sum(l) * (1.0 / N_SAMPLES)).reshape(1, 1)

    @pl.when(j == 0)
    def _():
        out_ref[...] = jnp.zeros((1, 1), jnp.float32)

    out_ref[...] += s


_tc_loss = pl.pallas_call(
    _tc_body,
    grid=(TC_N // W_TC,),
    in_specs=[
        pl.BlockSpec((1, 1, W_TC), lambda j: (j, 0, 0)),
        pl.BlockSpec((N_CLASSES, W_TC), lambda j: (0, j)),
    ],
    out_specs=pl.BlockSpec((1, 1), lambda j: (0, 0)),
    out_shape=jax.ShapeDtypeStruct((1, 1), jnp.float32),
)


def kernel(x, label):
    xt = x.T
    lbl = label.astype(jnp.int32)
    sc_parts = _sc_loss(xt, lbl)
    lbl3d = lbl.reshape(N_SAMPLES // W_TC, 1, W_TC)
    tc_part = _tc_loss(lbl3d, xt)
    return jnp.sum(sc_parts) + tc_part[0, 0]

# --- scband reference (transcript-rebuilt; emitter-appended) ---
"""Pipeline reference for scband-p-nnloss-39599598469770 (READ-ONLY COPY).

The authoritative reference and input builder live on the scoring server;
editing this copy changes nothing except your own understanding.
"""

import jax, jax.numpy as jnp
import numpy as np

M = 0.3
T = 0.5

def setup_inputs(seed: int = 0) -> dict:
    key = jax.random.key(seed)
    k1, k2 = jax.random.split(key, 2)
    x = jax.random.normal(k1, (16384, 1000), dtype=jnp.float32)
    label = jax.random.randint(k2, (16384,), 0, 1000, dtype=jnp.int64)
    return {"x": x, "label": label}

def reference(x, label):
    # nn is modeled as identity: prediction = nn(x) = x
    prediction = x
    label2 = label.reshape(-1, 1)
    # fy = prediction.gather(1, label)
    fy = jnp.take_along_axis(prediction, label2, axis=1).reshape(-1, 1)
    # fny = prediction.scatter_(1, label, -10**10)
    rows = jnp.arange(prediction.shape[0])
    fny = prediction.at[rows, label].set(-10.0 ** 10)
    fnym = jnp.max(fny, axis=1).reshape(-1, 1)
    l = jnp.maximum(M + T - fy, 0.0) + jnp.maximum(M + fnym, 0.0)
    L = jnp.mean(l)
    return L

if __name__ == "__main__":
    import jax
    _d = setup_inputs()
    print(jax.jit(kernel)(*tuple(_d.values())))

</pallas_src>

<mosaic_0001>
#map = affine_map<(d0, d1) -> (0, 0)>
#map1 = affine_map<(d0, d1) -> (0)>
module attributes {stable_mosaic.version = 14 : i64} {
  func.func @_sc_body(%arg0: i32, %arg1: i32, %arg2: memref<1000x16384xf32, #tpu.memory_space<hbm>>, %arg3: memref<16384xi32, #tpu.memory_space<hbm>>, %arg4: memref<32x16xf32, #tpu.memory_space<hbm>>, %arg5: memref<4x128x128xf32, #tpu.memory_space<vmem>>, %arg6: memref<256xi32, #tpu.memory_space<vmem>>, %arg7: memref<16xf32, #tpu.memory_space<vmem>>, %arg8: memref<!tpu.dma_semaphore, #tpu.memory_space<semaphore_mem>>, %arg9: memref<!tpu.dma_semaphore, #tpu.memory_space<semaphore_mem>>, %arg10: memref<!tpu.dma_semaphore, #tpu.memory_space<semaphore_mem>>, %arg11: memref<!tpu.dma_semaphore, #tpu.memory_space<semaphore_mem>>) attributes {dimension_semantics = [#tpu.dimension_semantics<core_parallel>, #tpu.dimension_semantics<subcore_parallel>], iteration_bounds = array<i64: 2, 16>, scalar_prefetch = 0 : i64, scratch_operands = 7 : i64, tpu.core_type = #tpu.core_type<sc_vector_subcore>, window_params = [{transform_indices = #map}, {transform_indices = #map1}, {transform_indices = #map}]} {
    %mul3A = arith.constant 16 : i32
    %mul3A_0 = arith.muli %arg0, %mul3A : i32
    %add3A = arith.addi %mul3A_0, %arg1 : i32
    %mul3A_1 = arith.constant 256 : i32
    %mul3A_2 = arith.muli %add3A, %mul3A_1 : i32
    %add3A_3 = arith.constant 8192 : i32
    %add3A_4 = arith.addi %add3A_3, %mul3A_2 : i32
    "tpu.region"() ({
      %run_scoped3A = tpu.sem_alloc : memref<!tpu.dma_semaphore, #tpu.memory_space<semaphore_mem>>
      %dma_start3A_59 = tpu.memref_slice %arg3[%add3A_4] : memref<16384xi32, #tpu.memory_space<hbm>> -> memref<256xi32, #tpu.memory_space<hbm>>
      %dma_start3A_60 = tpu.memref_slice %arg3[%add3A_4] : memref<16384xi32, #tpu.memory_space<hbm>> -> memref<256xi32, #tpu.memory_space<hbm>>
      tpu.enqueue_dma source(%dma_start3A_60 : memref<256xi32, #tpu.memory_space<hbm>>) target(%arg6 : memref<256xi32, #tpu.memory_space<vmem>>) target_semaphore(%run_scoped3A : memref<!tpu.dma_semaphore, #tpu.memory_space<semaphore_mem>>)
      %dma_wait3A = tpu.memref_slice %arg3[%add3A_4] : memref<16384xi32, #tpu.memory_space<hbm>> -> memref<256xi32, #tpu.memory_space<hbm>>
      %dma_wait3A_61 = tpu.memref_slice %arg3[%add3A_4] : memref<16384xi32, #tpu.memory_space<hbm>> -> memref<256xi32, #tpu.memory_space<hbm>>
      tpu.wait_dma2 semaphore(%run_scoped3A : memref<!tpu.dma_semaphore, #tpu.memory_space<semaphore_mem>>) src(%dma_wait3A_61 : memref<256xi32, #tpu.memory_space<hbm>>) dst(%arg6 : memref<256xi32, #tpu.memory_space<vmem>>)
      tpu.yield
    }) : () -> ()
    %iota3A = tpu.iota {dimensions = array<i32: 0>} : vector<16xi32>
    %add3A_5 = arith.constant 0 : i32
    %add3A_6 = arith.addi %add3A_4, %add3A_5 : i32
    %dma_start3A = arith.constant 0 : i32
    %dma_start3A_7 = arith.constant 0 : i32
    %dma_start3A_8 = arith.constant 0 : i32
    %dma_start3A_9 = tpu.memref_slice %arg5[%dma_start3A, %dma_start3A_7, %dma_start3A_8] : memref<4x128x128xf32, #tpu.memory_space<vmem>> -> memref<1x128x128xf32, #tpu.memory_space<vmem>>
    %dma_start3A_10 = tpu.memref_squeeze %dma_start3A_9 : memref<1x128x128xf32, #tpu.memory_space<vmem>> -> memref<128x128xf32, #tpu.memory_space<vmem>>
    %dma_start3A_11 = arith.constant 0 : i32
    %dma_start3A_12 = tpu.memref_slice %arg2[%dma_start3A_11, %add3A_6] : memref<1000x16384xf32, #tpu.memory_space<hbm>> -> memref<128x128xf32, #tpu.memory_space<hbm>>
    %dma_start3A_13 = arith.constant 0 : i32
    %dma_start3A_14 = arith.constant 0 : i32
    %dma_start3A_15 = tpu.memref_slice %arg5[%dma_start3A, %dma_start3A_13, %dma_start3A_14] : memref<4x128x128xf32, #tpu.memory_space<vmem>> -> memref<1x128x128xf32, #tpu.memory_space<vmem>>
    %dma_start3A_16 = tpu.memref_squeeze %dma_start3A_15 : memref<1x128x128xf32, #tpu.memory_space<vmem>> -> memref<128x128xf32, #tpu.memory_space<vmem>>
    %dma_start3A_17 = arith.constant 0 : i32
    %dma_start3A_18 = tpu.memref_slice %arg2[%dma_start3A_17, %add3A_6] : memref<1000x16384xf32, #tpu.memory_space<hbm>> -> memref<128x128xf32, #tpu.memory_space<hbm>>
    tpu.enqueue_dma source(%dma_start3A_18 : memref<128x128xf32, #tpu.memory_space<hbm>>) target(%dma_start3A_16 : memref<128x128xf32, #tpu.memory_space<vmem>>) target_semaphore(%arg8 : memref<!tpu.dma_semaphore, #tpu.memory_space<semaphore_mem>>)
    %add3A_19 = arith.constant 0 : i32
    %add3A_20 = arith.addi %add3A_4, %add3A_19 : i32
    %dma_start3A_21 = arith.constant 1 : i32
    %dma_start3A_22 = arith.constant 0 : i32
    %dma_start3A_23 = arith.constant 0 : i32
    %dma_start3A_24 = tpu.memref_slice %arg5[%dma_start3A_21, %dma_start3A_22, %dma_start3A_23] : memref<4x128x128xf32, #tpu.memory_space<vmem>> -> memref<1x128x128xf32, #tpu.memory_space<vmem>>
    %dma_start3A_25 = tpu.memref_squeeze %dma_start3A_24 : memref<1x128x128xf32, #tpu.memory_space<vmem>> -> memref<128x128xf32, #tpu.memory_space<vmem>>
    %dma_start3A_26 = arith.constant 128 : i32
    %dma_start3A_27 = tpu.memref_slice %arg2[%dma_start3A_26, %add3A_20] : memref<1000x16384xf32, #tpu.memory_space<hbm>> -> memref<128x128xf32, #tpu.memory_space<hbm>>
    %dma_start3A_28 = arith.constant 0 : i32
    %dma_start3A_29 = arith.constant 0 : i32
    %dma_start3A_30 = tpu.memref_slice %arg5[%dma_start3A_21, %dma_start3A_28, %dma_start3A_29] : memref<4x128x128xf32, #tpu.memory_space<vmem>> -> memref<1x128x128xf32, #tpu.memory_space<vmem>>
    %dma_start3A_31 = tpu.memref_squeeze %dma_start3A_30 : memref<1x128x128xf32, #tpu.memory_space<vmem>> -> memref<128x128xf32, #tpu.memory_space<vmem>>
    %dma_start3A_32 = arith.constant 128 : i32
    %dma_start3A_33 = tpu.memref_slice %arg2[%dma_start3A_32, %add3A_20] : memref<1000x16384xf32, #tpu.memory_space<hbm>> -> memref<128x128xf32, #tpu.memory_space<hbm>>
    tpu.enqueue_dma source(%dma_start3A_33 : memref<128x128xf32, #tpu.memory_space<hbm>>) target(%dma_start3A_31 : memref<128x128xf32, #tpu.memory_space<vmem>>) target_semaphore(%arg9 : memref<!tpu.dma_semaphore, #tpu.memory_space<semaphore_mem>>)
    %add3A_34 = arith.constant 0 : i32
    %add3A_35 = arith.addi %add3A_4, %add3A_34 : i32
    %dma_start3A_36 = arith.constant 2 : i32
    %dma_start3A_37 = arith.constant 0 : i32
    %dma_start3A_38 = arith.constant 0 : i32
    %dma_start3A_39 = tpu.memref_slice %arg5[%dma_start3A_36, %dma_start3A_37, %dma_start3A_38] : memref<4x128x128xf32, #tpu.memory_space<vmem>> -> memref<1x128x128xf32, #tpu.memory_space<vmem>>
    %dma_start3A_40 = tpu.memref_squeeze %dma_start3A_39 : memref<1x128x128xf32, #tpu.memory_space<vmem>> -> memref<128x128xf32, #tpu.memory_space<vmem>>
    %dma_start3A_41 = arith.constant 256 : i32
    %dma_start3A_42 = tpu.memref_slice %arg2[%dma_start3A_41, %add3A_35] : memref<1000x16384xf32, #tpu.memory_space<hbm>> -> memref<128x128xf32, #tpu.memory_space<hbm>>
    %dma_start3A_43 = arith.constant 0 : i32
    %dma_start3A_44 = arith.constant 0 : i32
    %dma_start3A_45 = tpu.memref_slice %arg5[%dma_start3A_36, %dma_start3A_43, %dma_start3A_44] : memref<4x128x128xf32, #tpu.memory_space<vmem>> -> memref<1x128x128xf32, #tpu.memory_space<vmem>>
    %dma_start3A_46 = tpu.memref_squeeze %dma_start3A_45 : memref<1x128x128xf32, #tpu.memory_space<vmem>> -> memref<128x128xf32, #tpu.memory_space<vmem>>
    %dma_start3A_47 = arith.constant 256 : i32
    %dma_start3A_48 = tpu.memref_slice %arg2[%dma_start3A_47, %add3A_35] : memref<1000x16384xf32, #tpu.memory_space<hbm>> -> memref<128x128xf32, #tpu.memory_space<hbm>>
    tpu.enqueue_dma source(%dma_start3A_48 : memref<128x128xf32, #tpu.memory_space<hbm>>) target(%dma_start3A_46 : memref<128x128xf32, #tpu.memory_space<vmem>>) target_semaphore(%arg10 : memref<!tpu.dma_semaphore, #tpu.memory_space<semaphore_mem>>)
    %broadcast_in_dim3A = arith.constant 0.000000e+00 : f32
    %broadcast_in_dim3A_49 = vector.broadcast %broadcast_in_dim3A : f32 to vector<16xf32>
    %scan3A = arith.constant 0 : i32
    %scan3A_50 = arith.constant 2 : i32
    %scan3A_51 = arith.addi %scan3A, %scan3A_50 : i32
    %scan3A_52 = arith.constant 1 : i32
    %scan3A_53 = scf.for %scan3A_59 = %scan3A to %scan3A_51 step %scan3A_52 iter_args(%scan3A_60 = %broadcast_in_dim3A_49) -> (vector<16xf32>)  : i32 {
      %broadcast_in_dim3A_61 = arith.constant -1.000000e+10 : f32
      %broadcast_in_dim3A_62 = vector.broadcast %broadcast_in_dim3A_61 : f32 to vector<16xf32>
      %broadcast_in_dim3A_63 = arith.constant -1.000000e+10 : f32
      %broadcast_in_dim3A_64 = vector.broadcast %broadcast_in_dim3A_63 : f32 to vector<16xf32>
      %broadcast_in_dim3A_65 = arith.constant -1.000000e+10 : f32
      %broadcast_in_dim3A_66 = vector.broadcast %broadcast_in_dim3A_65 : f32 to vector<16xf32>
      %broadcast_in_dim3A_67 = arith.constant -1.000000e+10 : f32
      %broadcast_in_dim3A_68 = vector.broadcast %broadcast_in_dim3A_67 : f32 to vector<16xf32>
      %broadcast_in_dim3A_69 = arith.constant -1.000000e+10 : f32
      %broadcast_in_dim3A_70 = vector.broadcast %broadcast_in_dim3A_69 : f32 to vector<16xf32>
      %broadcast_in_dim3A_71 = arith.constant -1.000000e+10 : f32
      %broadcast_in_dim3A_72 = vector.broadcast %broadcast_in_dim3A_71 : f32 to vector<16xf32>
      %broadcast_in_dim3A_73 = arith.constant -1.000000e+10 : f32
      %broadcast_in_dim3A_74 = vector.broadcast %broadcast_in_dim3A_73 : f32 to vector<16xf32>
      %broadcast_in_dim3A_75 = arith.constant -1.000000e+10 : f32
      %broadcast_in_dim3A_76 = vector.broadcast %broadcast_in_dim3A_75 : f32 to vector<16xf32>
      %broadcast_in_dim3A_77 = arith.constant 0.000000e+00 : f32
      %broadcast_in_dim3A_78 = vector.broadcast %broadcast_in_dim3A_77 : f32 to vector<16xf32>
      %broadcast_in_dim3A_79 = arith.constant 0.000000e+00 : f32
      %broadcast_in_dim3A_80 = vector.broadcast %broadcast_in_dim3A_79 : f32 to vector<16xf32>
      %broadcast_in_dim3A_81 = arith.constant 0.000000e+00 : f32
      %broadcast_in_dim3A_82 = vector.broadcast %broadcast_in_dim3A_81 : f32 to vector<16xf32>
      %broadcast_in_dim3A_83 = arith.constant 0.000000e+00 : f32
      %broadcast_in_dim3A_84 = vector.broadcast %broadcast_in_dim3A_83 : f32 to vector<16xf32>
      %broadcast_in_dim3A_85 = arith.constant 0.000000e+00 : f32
      %broadcast_in_dim3A_86 = vector.broadcast %broadcast_in_dim3A_85 : f32 to vector<16xf32>
      %broadcast_in_dim3A_87 = arith.constant 0.000000e+00 : f32
      %broadcast_in_dim3A_88 = vector.broadcast %broadcast_in_dim3A_87 : f32 to vector<16xf32>
      %broadcast_in_dim3A_89 = arith.constant 0.000000e+00 : f32
      %broadcast_in_dim3A_90 = vector.broadcast %broadcast_in_dim3A_89 : f32 to vector<16xf32>
      %broadcast_in_dim3A_91 = arith.constant 0.000000e+00 : f32
      %broadcast_in_dim3A_92 = vector.broadcast %broadcast_in_dim3A_91 : f32 to vector<16xf32>
      %mul3A_93 = arith.constant 128 : i32
      %mul3A_94 = arith.muli %scan3A_59, %mul3A_93 : i32
      %add3A_95 = arith.addi %add3A_4, %mul3A_94 : i32
      %dma_wait3A = arith.constant 0 : i32
      %dma_wait3A_96 = arith.constant 0 : i32
      %dma_wait3A_97 = arith.constant 0 : i32
      %dma_wait3A_98 = tpu.memref_slice %arg5[%dma_wait3A, %dma_wait3A_96, %dma_wait3A_97] : memref<4x128x128xf32, #tpu.memory_space<vmem>> -> memref<1x128x128xf32, #tpu.memory_space<vmem>>
      %dma_wait3A_99 = tpu.memref_squeeze %dma_wait3A_98 : memref<1x128x128xf32, #tpu.memory_space<vmem>> -> memref<128x128xf32, #tpu.memory_space<vmem>>
      %dma_wait3A_100 = arith.constant 0 : i32
      %dma_wait3A_101 = tpu.memref_slice %arg2[%dma_wait3A_100, %add3A_95] : memref<1000x16384xf32, #tpu.memory_space<hbm>> -> memref<128x128xf32, #tpu.memory_space<hbm>>
      %dma_wait3A_102 = arith.constant 0 : i32
      %dma_wait3A_103 = arith.constant 0 : i32
      %dma_wait3A_104 = tpu.memref_slice %arg5[%dma_wait3A, %dma_wait3A_102, %dma_wait3A_103] : memref<4x128x128xf32, #tpu.memory_space<vmem>> -> memref<1x128x128xf32, #tpu.memory_space<vmem>>
      %dma_wait3A_105 = tpu.memref_squeeze %dma_wait3A_104 : memref<1x128x128xf32, #tpu.memory_space<vmem>> -> memref<128x128xf32, #tpu.memory_space<vmem>>
      %dma_wait3A_106 = arith.constant 0 : i32
      %dma_wait3A_107 = tpu.memref_slice %arg2[%dma_wait3A_106, %add3A_95] : memref<1000x16384xf32, #tpu.memory_space<hbm>> -> memref<128x128xf32, #tpu.memory_space<hbm>>
      tpu.wait_dma2 semaphore(%arg8 : memref<!tpu.dma_semaphore, #tpu.memory_space<semaphore_mem>>) src(%dma_wait3A_107 : memref<128x128xf32, #tpu.memory_space<hbm>>) dst(%dma_wait3A_105 : memref<128x128xf32, #tpu.memory_space<vmem>>)
      %mul3A_108 = arith.constant 128 : i32
      %mul3A_109 = arith.muli %scan3A_59, %mul3A_108 : i32
      %add3A_110 = arith.addi %add3A_4, %mul3A_109 : i32
      %dma_start3A_111 = arith.constant 3 : i32
      %dma_start3A_112 = arith.constant 0 : i32
      %dma_start3A_113 = arith.constant 0 : i32
      %dma_start3A_114 = tpu.memref_slice %arg5[%dma_start3A_111, %dma_start3A_112, %dma_start3A_113] : memref<4x128x128xf32, #tpu.memory_space<vmem>> -> memref<1x128x128xf32, #tpu.memory_space<vmem>>
      %dma_start3A_115 = tpu.memref_squeeze %dma_start3A_114 : memref<1x128x128xf32, #tpu.memory_space<vmem>> -> memref<128x128xf32, #tpu.memory_space<vmem>>
      %dma_start3A_116 = arith.constant 384 : i32
      %dma_start3A_117 = tpu.memref_slice %arg2[%dma_start3A_116, %add3A_110] : memref<1000x16384xf32, #tpu.memory_space<hbm>> -> memref<128x128xf32, #tpu.memory_space<hbm>>
      %dma_start3A_118 = arith.constant 0 : i32
      %dma_start3A_119 = arith.constant 0 : i32
      %dma_start3A_120 = tpu.memref_slice %arg5[%dma_start3A_111, %dma_start3A_118, %dma_start3A_119] : memref<4x128x128xf32, #tpu.memory_space<vmem>> -> memref<1x128x128xf32, #tpu.memory_space<vmem>>
      %dma_start3A_121 = tpu.memref_squeeze %dma_start3A_120 : memref<1x128x128xf32, #tpu.memory_space<vmem>> -> memref<128x128xf32, #tpu.memory_space<vmem>>
      %dma_start3A_122 = arith.constant 384 : i32
      %dma_start3A_123 = tpu.memref_slice %arg2[%dma_start3A_122, %add3A_110] : memref<1000x16384xf32, #tpu.memory_space<hbm>> -> memref<128x128xf32, #tpu.memory_space<hbm>>
      tpu.enqueue_dma source(%dma_start3A_123 : memref<128x128xf32, #tpu.memory_space<hbm>>) target(%dma_start3A_121 : memref<128x128xf32, #tpu.memory_space<vmem>>) target_semaphore(%arg11 : memref<!tpu.dma_semaphore, #tpu.memory_space<semaphore_mem>>)
      %broadcast_in_dim3A_124 = arith.constant 0 : i32
      %broadcast_in_dim3A_125 = vector.broadcast %broadcast_in_dim3A_124 : i32 to vector<16xi32>
      %broadcast_in_dim3A_126 = arith.constant -1.000000e+10 : f32
      %broadcast_in_dim3A_127 = vector.broadcast %broadcast_in_dim3A_126 : f32 to vector<16xf32>
      %mul3A_128 = arith.constant 128 : i32
      %mul3A_129 = arith.muli %scan3A_59, %mul3A_128 : i32
      %add3A_130 = arith.constant 0 : i32
      %add3A_131 = arith.addi %mul3A_129, %add3A_130 : i32
      %get3A = arith.index_cast %add3A_131 : i32 to index
      %get3A_132 = tpu.vector_load %arg6[%get3A] {strides = array<i32>} : memref<256xi32, #tpu.memory_space<vmem>>, vector<16xi32>,
      %sub3A = arith.constant 0 : i32
      %sub3A_133 = vector.broadcast %sub3A : i32 to vector<16xi32>
      %sub3A_134 = arith.subi %get3A_132, %sub3A_133 : vector<16xi32>
      %ge3A = arith.constant 0 : i32
      %ge3A_135 = vector.broadcast %ge3A : i32 to vector<16xi32>
      %ge3A_136 = arith.cmpi sge, %sub3A_134, %ge3A_135 : vector<16xi32>
      %lt3A = arith.constant 128 : i32
      %lt3A_137 = vector.broadcast %lt3A : i32 to vector<16xi32>
      %lt3A_138 = arith.cmpi slt, %sub3A_134, %lt3A_137 : vector<16xi32>
      %and3A = arith.andi %ge3A_136, %lt3A_138 : vector<16xi1>
      %jit3A = arith.constant 0 : i32
      %jit3A_139 = arith.constant 127 : i32
      %max3A = vector.broadcast %jit3A : i32 to vector<16xi32>
      %max3A_140 = arith.maxsi %max3A, %sub3A_134 : vector<16xi32>
      %min3A = vector.broadcast %jit3A_139 : i32 to vector<16xi32>
      %min3A_141 = arith.minsi %min3A, %max3A_140 : vector<16xi32>
      %add3A_142 = arith.constant 0 : i32
      %add3A_143 = vector.broadcast %add3A_142 : i32 to vector<16xi32>
      %add3A_144 = arith.addi %add3A_143, %iota3A : vector<16xi32>
      %gather3A = tpu.vector_load_idx %arg5[%broadcast_in_dim3A_125, %min3A_141, %add3A_144] masked %and3A : memref<4x128x128xf32, #tpu.memory_space<vmem>>[vector<16xi32>, vector<16xi32>, vector<16xi32>], vector<16xf32>, vector<16xi1>
      %select_n3A = arith.select %and3A, %gather3A, %broadcast_in_dim3A_78 : vector<16xi1>, vector<16xf32>
      %add3A_145 = arith.constant 0 : i32
      %add3A_146 = vector.broadcast %add3A_145 : i32 to vector<16xi32>
      %add3A_147 = arith.addi %add3A_146, %iota3A : vector<16xi32>
      tpu.vector_store_idx %arg5[%broadcast_in_dim3A_125, %min3A_141, %add3A_147], %broadcast_in_dim3A_127 masked %and3A : memref<4x128x128xf32, #tpu.memory_space<vmem>>[vector<16xi32>, vector<16xi32>, vector<16xi32>], vector<16xf32>, vector<16xi1>
      %mul3A_148 = arith.constant 128 : i32
      %mul3A_149 = arith.muli %scan3A_59, %mul3A_148 : i32
      %add3A_150 = arith.constant 16 : i32
      %add3A_151 = arith.addi %mul3A_149, %add3A_150 : i32
      %get3A_152 = arith.index_cast %add3A_151 : i32 to index
      %get3A_153 = tpu.vector_load %arg6[%get3A_152] {strides = array<i32>} : memref<256xi32, #tpu.memory_space<vmem>>, vector<16xi32>,
      %sub3A_154 = arith.constant 0 : i32
      %sub3A_155 = vector.broadcast %sub3A_154 : i32 to vector<16xi32>
      %sub3A_156 = arith.subi %get3A_153, %sub3A_155 : vector<16xi32>
      %ge3A_157 = arith.constant 0 : i32
      %ge3A_158 = vector.broadcast %ge3A_157 : i32 to vector<16xi32>
      %ge3A_159 = arith.cmpi sge, %sub3A_156, %ge3A_158 : vector<16xi32>
      %lt3A_160 = arith.constant 128 : i32
      %lt3A_161 = vector.broadcast %lt3A_160 : i32 to vector<16xi32>
      %lt3A_162 = arith.cmpi slt, %sub3A_156, %lt3A_161 : vector<16xi32>
      %and3A_163 = arith.andi %ge3A_159, %lt3A_162 : vector<16xi1>
      %jit3A_164 = arith.constant 0 : i32
      %jit3A_165 = arith.constant 127 : i32
      %max3A_166 = vector.broadcast %jit3A_164 : i32 to vector<16xi32>
      %max3A_167 = arith.maxsi %max3A_166, %sub3A_156 : vector<16xi32>
      %min3A_168 = vector.broadcast %jit3A_165 : i32 to vector<16xi32>
      %min3A_169 = arith.minsi %min3A_168, %max3A_167 : vector<16xi32>
      %add3A_170 = arith.constant 16 : i32
      %add3A_171 = vector.broadcast %add3A_170 : i32 to vector<16xi32>
      %add3A_172 = arith.addi %add3A_171, %iota3A : vector<16xi32>
      %gather3A_173 = tpu.vector_load_idx %arg5[%broadcast_in_dim3A_125, %min3A_169, %add3A_172] masked %and3A_163 : memref<4x128x128xf32, #tpu.memory_space<vmem>>[vector<16xi32>, vector<16xi32>, vector<16xi32>], vector<16xf32>, vector<16xi1>
      %select_n3A_174 = arith.select %and3A_163, %gather3A_173, %broadcast_in_dim3A_80 : vector<16xi1>, vector<16xf32>
      %add3A_175 = arith.constant 16 : i32
      %add3A_176 = vector.broadcast %add3A_175 : i32 to vector<16xi32>
      %add3A_177 = arith.addi %add3A_176, %iota3A : vector<16xi32>
      tpu.vector_store_idx %arg5[%broadcast_in_dim3A_125, %min3A_169, %add3A_177], %broadcast_in_dim3A_127 masked %and3A_163 : memref<4x128x128xf32, #tpu.memory_space<vmem>>[vector<16xi32>, vector<16xi32>, vector<16xi32>], vector<16xf32>, vector<16xi1>
      %mul3A_178 = arith.constant 128 : i32
      %mul3A_179 = arith.muli %scan3A_59, %mul3A_178 : i32
      %add3A_180 = arith.constant 32 : i32
      %add3A_181 = arith.addi %mul3A_179, %add3A_180 : i32
      %get3A_182 = arith.index_cast %add3A_181 : i32 to index
      %get3A_183 = tpu.vector_load %arg6[%get3A_182] {strides = array<i32>} : memref<256xi32, #tpu.memory_space<vmem>>, vector<16xi32>,
      %sub3A_184 = arith.constant 0 : i32
      %sub3A_185 = vector.broadcast %sub3A_184 : i32 to vector<16xi32>
      %sub3A_186 = arith.subi %get3A_183, %sub3A_185 : vector<16xi32>
      %ge3A_187 = arith.constant 0 : i32
      %ge3A_188 = vector.broadcast %ge3A_187 : i32 to vector<16xi32>
      %ge3A_189 = arith.cmpi sge, %sub3A_186, %ge3A_188 : vector<16xi32>
      %lt3A_190 = arith.constant 128 : i32
      %lt3A_191 = vector.broadcast %lt3A_190 : i32 to vector<16xi32>
      %lt3A_192 = arith.cmpi slt, %sub3A_186, %lt3A_191 : vector<16xi32>
      %and3A_193 = arith.andi %ge3A_189, %lt3A_192 : vector<16xi1>
      %jit3A_194 = arith.constant 0 : i32
      %jit3A_195 = arith.constant 127 : i32
      %max3A_196 = vector.broadcast %jit3A_194 : i32 to vector<16xi32>
      %max3A_197 = arith.maxsi %max3A_196, %sub3A_186 : vector<16xi32>
      %min3A_198 = vector.broadcast %jit3A_195 : i32 to vector<16xi32>
      %min3A_199 = arith.minsi %min3A_198, %max3A_197 : vector<16xi32>
      %add3A_200 = arith.constant 32 : i32
      %add3A_201 = vector.broadcast %add3A_200 : i32 to vector<16xi32>
      %add3A_202 = arith.addi %add3A_201, %iota3A : vector<16xi32>
      %gather3A_203 = tpu.vector_load_idx %arg5[%broadcast_in_dim3A_125, %min3A_199, %add3A_202] masked %and3A_193 : memref<4x128x128xf32, #tpu.memory_space<vmem>>[vector<16xi32>, vector<16xi32>, vector<16xi32>], vector<16xf32>, vector<16xi1>
      %select_n3A_204 = arith.select %and3A_193, %gather3A_203, %broadcast_in_dim3A_82 : vector<16xi1>, vector<16xf32>
      %add3A_205 = arith.constant 32 : i32
      %add3A_206 = vector.broadcast %add3A_205 : i32 to vector<16xi32>
      %add3A_207 = arith.addi %add3A_206, %iota3A : vector<16xi32>
      tpu.vector_store_idx %arg5[%broadcast_in_dim3A_125, %min3A_199, %add3A_207], %broadcast_in_dim3A_127 masked %and3A_193 : memref<4x128x128xf32, #tpu.memory_space<vmem>>[vector<16xi32>, vector<16xi32>, vector<16xi32>], vector<16xf32>, vector<16xi1>
      %mul3A_208 = arith.constant 128 : i32
      %mul3A_209 = arith.muli %scan3A_59, %mul3A_208 : i32
      %add3A_210 = arith.constant 48 : i32
      %add3A_211 = arith.addi %mul3A_209, %add3A_210 : i32
      %get3A_212 = arith.index_cast %add3A_211 : i32 to index
      %get3A_213 = tpu.vector_load %arg6[%get3A_212] {strides = array<i32>} : memref<256xi32, #tpu.memory_space<vmem>>, vector<16xi32>,
      %sub3A_214 = arith.constant 0 : i32
      %sub3A_215 = vector.broadcast %sub3A_214 : i32 to vector<16xi32>
      %sub3A_216 = arith.subi %get3A_213, %sub3A_215 : vector<16xi32>
      %ge3A_217 = arith.constant 0 : i32
      %ge3A_218 = vector.broadcast %ge3A_217 : i32 to vector<16xi32>
      %ge3A_219 = arith.cmpi sge, %sub3A_216, %ge3A_218 : vector<16xi32>
      %lt3A_220 = arith.constant 128 : i32
      %lt3A_221 = vector.broadcast %lt3A_220 : i32 to vector<16xi32>
      %lt3A_222 = arith.cmpi slt, %sub3A_216, %lt3A_221 : vector<16xi32>
      %and3A_223 = arith.andi %ge3A_219, %lt3A_222 : vector<16xi1>
      %jit3A_224 = arith.constant 0 : i32
      %jit3A_225 = arith.constant 127 : i32
      %max3A_226 = vector.broadcast %jit3A_224 : i32 to vector<16xi32>
      %max3A_227 = arith.maxsi %max3A_226, %sub3A_216 : vector<16xi32>
      %min3A_228 = vector.broadcast %jit3A_225 : i32 to vector<16xi32>
      %min3A_229 = arith.minsi %min3A_228, %max3A_227 : vector<16xi32>
      %add3A_230 = arith.constant 48 : i32
      %add3A_231 = vector.broadcast %add3A_230 : i32 to vector<16xi32>
      %add3A_232 = arith.addi %add3A_231, %iota3A : vector<16xi32>
      %gather3A_233 = tpu.vector_load_idx %arg5[%broadcast_in_dim3A_125, %min3A_229, %add3A_232] masked %and3A_223 : memref<4x128x128xf32, #tpu.memory_space<vmem>>[vector<16xi32>, vector<16xi32>, vector<16xi32>], vector<16xf32>, vector<16xi1>
      %select_n3A_234 = arith.select %and3A_223, %gather3A_233, %broadcast_in_dim3A_84 : vector<16xi1>, vector<16xf32>
      %add3A_235 = arith.constant 48 : i32
      %add3A_236 = vector.broadcast %add3A_235 : i32 to vector<16xi32>
      %add3A_237 = arith.addi %add3A_236, %iota3A : vector<16xi32>
      tpu.vector_store_idx %arg5[%broadcast_in_dim3A_125, %min3A_229, %add3A_237], %broadcast_in_dim3A_127 masked %and3A_223 : memref<4x128x128xf32, #tpu.memory_space<vmem>>[vector<16xi32>, vector<16xi32>, vector<16xi32>], vector<16xf32>, vector<16xi1>
      %mul3A_238 = arith.constant 128 : i32
      %mul3A_239 = arith.muli %scan3A_59, %mul3A_238 : i32
      %add3A_240 = arith.constant 64 : i32
      %add3A_241 = arith.addi %mul3A_239, %add3A_240 : i32
      %get3A_242 = arith.index_cast %add3A_241 : i32 to index
      %get3A_243 = tpu.vector_load %arg6[%get3A_242] {strides = array<i32>} : memref<256xi32, #tpu.memory_space<vmem>>, vector<16xi32>,
      %sub3A_244 = arith.constant 0 : i32
      %sub3A_245 = vector.broadcast %sub3A_244 : i32 to vector<16xi32>
      %sub3A_246 = arith.subi %get3A_243, %sub3A_245 : vector<16xi32>
      %ge3A_247 = arith.constant 0 : i32
      %ge3A_248 = vector.broadcast %ge3A_247 : i32 to vector<16xi32>
      %ge3A_249 = arith.cmpi sge, %sub3A_246, %ge3A_248 : vector<16xi32>
      %lt3A_250 = arith.constant 128 : i32
      %lt3A_251 = vector.broadcast %lt3A_250 : i32 to vector<16xi32>
      %lt3A_252 = arith.cmpi slt, %sub3A_246, %lt3A_251 : vector<16xi32>
      %and3A_253 = arith.andi %ge3A_249, %lt3A_252 : vector<16xi1>
      %jit3A_254 = arith.constant 0 : i32
      %jit3A_255 = arith.constant 127 : i32
      %max3A_256 = vector.broadcast %jit3A_254 : i32 to vector<16xi32>
      %max3A_257 = arith.maxsi %max3A_256, %sub3A_246 : vector<16xi32>
      %min3A_258 = vector.broadcast %jit3A_255 : i32 to vector<16xi32>
      %min3A_259 = arith.minsi %min3A_258, %max3A_257 : vector<16xi32>
      %add3A_260 = arith.constant 64 : i32
      %add3A_261 = vector.broadcast %add3A_260 : i32 to vector<16xi32>
      %add3A_262 = arith.addi %add3A_261, %iota3A : vector<16xi32>
      %gather3A_263 = tpu.vector_load_idx %arg5[%broadcast_in_dim3A_125, %min3A_259, %add3A_262] masked %and3A_253 : memref<4x128x128xf32, #tpu.memory_space<vmem>>[vector<16xi32>, vector<16xi32>, vector<16xi32>], vector<16xf32>, vector<16xi1>
      %select_n3A_264 = arith.select %and3A_253, %gather3A_263, %broadcast_in_dim3A_86 : vector<16xi1>, vector<16xf32>
      %add3A_265 = arith.constant 64 : i32
      %add3A_266 = vector.broadcast %add3A_265 : i32 to vector<16xi32>
      %add3A_267 = arith.addi %add3A_266, %iota3A : vector<16xi32>
      tpu.vector_store_idx %arg5[%broadcast_in_dim3A_125, %min3A_259, %add3A_267], %broadcast_in_dim3A_127 masked %and3A_253 : memref<4x128x128xf32, #tpu.memory_space<vmem>>[vector<16xi32>, vector<16xi32>, vector<16xi32>], vector<16xf32>, vector<16xi1>
      %mul3A_268 = arith.constant 128 : i32
      %mul3A_269 = arith.muli %scan3A_59, %mul3A_268 : i32
      %add3A_270 = arith.constant 80 : i32
      %add3A_271 = arith.addi %mul3A_269, %add3A_270 : i32
      %get3A_272 = arith.index_cast %add3A_271 : i32 to index
      %get3A_273 = tpu.vector_load %arg6[%get3A_272] {strides = array<i32>} : memref<256xi32, #tpu.memory_space<vmem>>, vector<16xi32>,
      %sub3A_274 = arith.constant 0 : i32
      %sub3A_275 = vector.broadcast %sub3A_274 : i32 to vector<16xi32>
      %sub3A_276 = arith.subi %get3A_273, %sub3A_275 : vector<16xi32>
      %ge3A_277 = arith.constant 0 : i32
      %ge3A_278 = vector.broadcast %ge3A_277 : i32 to vector<16xi32>
      %ge3A_279 = arith.cmpi sge, %sub3A_276, %ge3A_278 : vector<16xi32>
      %lt3A_280 = arith.constant 128 : i32
      %lt3A_281 = vector.broadcast %lt3A_280 : i32 to vector<16xi32>
      %lt3A_282 = arith.cmpi slt, %sub3A_276, %lt3A_281 : vector<16xi32>
      %and3A_283 = arith.andi %ge3A_279, %lt3A_282 : vector<16xi1>
      %jit3A_284 = arith.constant 0 : i32
      %jit3A_285 = arith.constant 127 : i32
      %max3A_286 = vector.broadcast %jit3A_284 : i32 to vector<16xi32>
      %max3A_287 = arith.maxsi %max3A_286, %sub3A_276 : vector<16xi32>
      %min3A_288 = vector.broadcast %jit3A_285 : i32 to vector<16xi32>
      %min3A_289 = arith.minsi %min3A_288, %max3A_287 : vector<16xi32>
      %add3A_290 = arith.constant 80 : i32
      %add3A_291 = vector.broadcast %add3A_290 : i32 to vector<16xi32>
      %add3A_292 = arith.addi %add3A_291, %iota3A : vector<16xi32>
      %gather3A_293 = tpu.vector_load_idx %arg5[%broadcast_in_dim3A_125, %min3A_289, %add3A_292] masked %and3A_283 : memref<4x128x128xf32, #tpu.memory_space<vmem>>[vector<16xi32>, vector<16xi32>, vector<16xi32>], vector<16xf32>, vector<16xi1>
      %select_n3A_294 = arith.select %and3A_283, %gather3A_293, %broadcast_in_dim3A_88 : vector<16xi1>, vector<16xf32>
      %add3A_295 = arith.constant 80 : i32
      %add3A_296 = vector.broadcast %add3A_295 : i32 to vector<16xi32>
      %add3A_297 = arith.addi %add3A_296, %iota3A : vector<16xi32>
      tpu.vector_store_idx %arg5[%broadcast_in_dim3A_125, %min3A_289, %add3A_297], %broadcast_in_dim3A_127 masked %and3A_283 : memref<4x128x128xf32, #tpu.memory_space<vmem>>[vector<16xi32>, vector<16xi32>, vector<16xi32>], vector<16xf32>, vector<16xi1>
      %mul3A_298 = arith.constant 128 : i32
      %mul3A_299 = arith.muli %scan3A_59, %mul3A_298 : i32
      %add3A_300 = arith.constant 96 : i32
      %add3A_301 = arith.addi %mul3A_299, %add3A_300 : i32
      %get3A_302 = arith.index_cast %add3A_301 : i32 to index
      %get3A_303 = tpu.vector_load %arg6[%get3A_302] {strides = array<i32>} : memref<256xi32, #tpu.memory_space<vmem>>, vector<16xi32>,
      %sub3A_304 = arith.constant 0 : i32
      %sub3A_305 = vector.broadcast %sub3A_304 : i32 to vector<16xi32>
      %sub3A_306 = arith.subi %get3A_303, %sub3A_305 : vector<16xi32>
      %ge3A_307 = arith.constant 0 : i32
      %ge3A_308 = vector.broadcast %ge3A_307 : i32 to vector<16xi32>
      %ge3A_309 = arith.cmpi sge, %sub3A_306, %ge3A_308 : vector<16xi32>
      %lt3A_310 = arith.constant 128 : i32
      %lt3A_311 = vector.broadcast %lt3A_310 : i32 to vector<16xi32>
      %lt3A_312 = arith.cmpi slt, %sub3A_306, %lt3A_311 : vector<16xi32>
      %and3A_313 = arith.andi %ge3A_309, %lt3A_312 : vector<16xi1>
      %jit3A_314 = arith.constant 0 : i32
      %jit3A_315 = arith.constant 127 : i32
      %max3A_316 = vector.broadcast %jit3A_314 : i32 to vector<16xi32>
      %max3A_317 = arith.maxsi %max3A_316, %sub3A_306 : vector<16xi32>
      %min3A_318 = vector.broadcast %jit3A_315 : i32 to vector<16xi32>
      %min3A_319 = arith.minsi %min3A_318, %max3A_317 : vector<16xi32>
      %add3A_320 = arith.constant 96 : i32
      %add3A_321 = vector.broadcast %add3A_320 : i32 to vector<16xi32>
      %add3A_322 = arith.addi %add3A_321, %iota3A : vector<16xi32>
      %gather3A_323 = tpu.vector_load_idx %arg5[%broadcast_in_dim3A_125, %min3A_319, %add3A_322] masked %and3A_313 : memref<4x128x128xf32, #tpu.memory_space<vmem>>[vector<16xi32>, vector<16xi32>, vector<16xi32>], vector<16xf32>, vector<16xi1>
      %select_n3A_324 = arith.select %and3A_313, %gather3A_323, %broadcast_in_dim3A_90 : vector<16xi1>, vector<16xf32>
      %add3A_325 = arith.constant 96 : i32
      %add3A_326 = vector.broadcast %add3A_325 : i32 to vector<16xi32>
      %add3A_327 = arith.addi %add3A_326, %iota3A : vector<16xi32>
      tpu.vector_store_idx %arg5[%broadcast_in_dim3A_125, %min3A_319, %add3A_327], %broadcast_in_dim3A_127 masked %and3A_313 : memref<4x128x128xf32, #tpu.memory_space<vmem>>[vector<16xi32>, vector<16xi32>, vector<16xi32>], vector<16xf32>, vector<16xi1>
      %mul3A_328 = arith.constant 128 : i32
      %mul3A_329 = arith.muli %scan3A_59, %mul3A_328 : i32
      %add3A_330 = arith.constant 112 : i32
      %add3A_331 = arith.addi %mul3A_329, %add3A_330 : i32
      %get3A_332 = arith.index_cast %add3A_331 : i32 to index
      %get3A_333 = tpu.vector_load %arg6[%get3A_332] {strides = array<i32>} : memref<256xi32, #tpu.memory_space<vmem>>, vector<16xi32>,
      %sub3A_334 = arith.constant 0 : i32
      %sub3A_335 = vector.broadcast %sub3A_334 : i32 to vector<16xi32>
      %sub3A_336 = arith.subi %get3A_333, %sub3A_335 : vector<16xi32>
      %ge3A_337 = arith.constant 0 : i32
      %ge3A_338 = vector.broadcast %ge3A_337 : i32 to vector<16xi32>
      %ge3A_339 = arith.cmpi sge, %sub3A_336, %ge3A_338 : vector<16xi32>
      %lt3A_340 = arith.constant 128 : i32
      %lt3A_341 = vector.broadcast %lt3A_340 : i32 to vector<16xi32>
      %lt3A_342 = arith.cmpi slt, %sub3A_336, %lt3A_341 : vector<16xi32>
      %and3A_343 = arith.andi %ge3A_339, %lt3A_342 : vector<16xi1>
      %jit3A_344 = arith.constant 0 : i32
      %jit3A_345 = arith.constant 127 : i32
      %max3A_346 = vector.broadcast %jit3A_344 : i32 to vector<16xi32>
      %max3A_347 = arith.maxsi %max3A_346, %sub3A_336 : vector<16xi32>
      %min3A_348 = vector.broadcast %jit3A_345 : i32 to vector<16xi32>
      %min3A_349 = arith.minsi %min3A_348, %max3A_347 : vector<16xi32>
      %add3A_350 = arith.constant 112 : i32
      %add3A_351 = vector.broadcast %add3A_350 : i32 to vector<16xi32>
      %add3A_352 = arith.addi %add3A_351, %iota3A : vector<16xi32>
      %gather3A_353 = tpu.vector_load_idx %arg5[%broadcast_in_dim3A_125, %min3A_349, %add3A_352] masked %and3A_343 : memref<4x128x128xf32, #tpu.memory_space<vmem>>[vector<16xi32>, vector<16xi32>, vector<16xi32>], vector<16xf32>, vector<16xi1>
      %select_n3A_354 = arith.select %and3A_343, %gather3A_353, %broadcast_in_dim3A_92 : vector<16xi1>, vector<16xf32>
      %add3A_355 = arith.constant 112 : i32
      %add3A_356 = vector.broadcast %add3A_355 : i32 to vector<16xi32>
      %add3A_357 = arith.addi %add3A_356, %iota3A : vector<16xi32>
      tpu.vector_store_idx %arg5[%broadcast_in_dim3A_125, %min3A_349, %add3A_357], %broadcast_in_dim3A_127 masked %and3A_343 : memref<4x128x128xf32, #tpu.memory_space<vmem>>[vector<16xi32>, vector<16xi32>, vector<16xi32>], vector<16xf32>, vector<16xi1>
      %scan3A_358 = arith.constant 0 : i32
      %scan3A_359 = arith.constant 32 : i32
      %scan3A_360 = arith.addi %scan3A_358, %scan3A_359 : i32
      %scan3A_361 = arith.constant 1 : i32
      %scan3A_362:8 = scf.for %scan3A_2421 = %scan3A_358 to %scan3A_360 step %scan3A_361 iter_args(%scan3A_2422 = %broadcast_in_dim3A_62, %scan3A_2423 = %broadcast_in_dim3A_64, %scan3A_2424 = %broadcast_in_dim3A_66, %scan3A_2425 = %broadcast_in_dim3A_68, %scan3A_2426 = %broadcast_in_dim3A_70, %scan3A_2427 = %broadcast_in_dim3A_72, %scan3A_2428 = %broadcast_in_dim3A_74, %scan3A_2429 = %broadcast_in_dim3A_76) -> (vector<16xf32>, vector<16xf32>, vector<16xf32>, vector<16xf32>, vector<16xf32>, vector<16xf32>, vector<16xf32>, vector<16xf32>)  : i32 {
        %mul3A_2430 = arith.constant 4 : i32
        %mul3A_2431 = arith.muli %mul3A_2430, %scan3A_2421 : i32
        %add3A_2432 = arith.constant 0 : i32
        %add3A_2433 = arith.addi %mul3A_2431, %add3A_2432 : i32
        %get3A_2434 = arith.constant 0 : i32
        %get3A_2435 = arith.index_cast %get3A_2434 : i32 to index
        %get3A_2436 = arith.index_cast %add3A_2433 : i32 to index
        %get3A_2437 = arith.constant 0 : index
        %get3A_2438 = tpu.vector_load %arg5[%get3A_2435, %get3A_2436, %get3A_2437] {strides = array<i32>} : memref<4x128x128xf32, #tpu.memory_space<vmem>>, vector<16xf32>,
        %max3A_2439 = arith.maximumf %scan3A_2422, %get3A_2438 : vector<16xf32>
        %add3A_2440 = arith.constant 0 : i32
        %add3A_2441 = arith.addi %mul3A_2431, %add3A_2440 : i32
        %get3A_2442 = arith.constant 0 : i32
        %get3A_2443 = arith.index_cast %get3A_2442 : i32 to index
        %get3A_2444 = arith.index_cast %add3A_2441 : i32 to index
        %get3A_2445 = arith.constant 16 : index
        %get3A_2446 = tpu.vector_load %arg5[%get3A_2443, %get3A_2444, %get3A_2445] {strides = array<i32>} : memref<4x128x128xf32, #tpu.memory_space<vmem>>, vector<16xf32>,
        %max3A_2447 = arith.maximumf %scan3A_2423, %get3A_2446 : vector<16xf32>
        %add3A_2448 = arith.constant 0 : i32
        %add3A_2449 = arith.addi %mul3A_2431, %add3A_2448 : i32
        %get3A_2450 = arith.constant 0 : i32
        %get3A_2451 = arith.index_cast %get3A_2450 : i32 to index
        %get3A_2452 = arith.index_cast %add3A_2449 : i32 to index
        %get3A_2453 = arith.constant 32 : index
        %get3A_2454 = tpu.vector_load %arg5[%get3A_2451, %get3A_2452, %get3A_2453] {strides = array<i32>} : memref<4x128x128xf32, #tpu.memory_space<vmem>>, vector<16xf32>,
        %max3A_2455 = arith.maximumf %scan3A_2424, %get3A_2454 : vector<16xf32>
        %add3A_2456 = arith.constant 0 : i32
        %add3A_2457 = arith.addi %mul3A_2431, %add3A_2456 : i32
        %get3A_2458 = arith.constant 0 : i32
        %get3A_2459 = arith.index_cast %get3A_2458 : i32 to index
        %get3A_2460 = arith.index_cast %add3A_2457 : i32 to index
        %get3A_2461 = arith.constant 48 : index
        %get3A_2462 = tpu.vector_load %arg5[%get3A_2459, %get3A_2460, %get3A_2461] {strides = array<i32>} : memref<4x128x128xf32, #tpu.memory_space<vmem>>, vector<16xf32>,
        %max3A_2463 = arith.maximumf %scan3A_2425, %get3A_2462 : vector<16xf32>
        %add3A_2464 = arith.constant 0 : i32
        %add3A_2465 = arith.addi %mul3A_2431, %add3A_2464 : i32
        %get3A_2466 = arith.constant 0 : i32
        %get3A_2467 = arith.index_cast %get3A_2466 : i32 to index
        %get3A_2468 = arith.index_cast %add3A_2465 : i32 to index
        %get3A_2469 = arith.constant 64 : index
        %get3A_2470 = tpu.vector_load %arg5[%get3A_2467, %get3A_2468, %get3A_2469] {strides = array<i32>} : memref<4x128x128xf32, #tpu.memory_space<vmem>>, vector<16xf32>,
        %max3A_2471 = arith.maximumf %scan3A_2426, %get3A_2470 : vector<16xf32>
        %add3A_2472 = arith.constant 0 : i32
        %add3A_2473 = arith.addi %mul3A_2431, %add3A_2472 : i32
        %get3A_2474 = arith.constant 0 : i32
        %get3A_2475 = arith.index_cast %get3A_2474 : i32 to index
        %get3A_2476 = arith.index_cast %add3A_2473 : i32 to index
        %get3A_2477 = arith.constant 80 : index
        %get3A_2478 = tpu.vector_load %arg5[%get3A_2475, %get3A_2476, %get3A_2477] {strides = array<i32>} : memref<4x128x128xf32, #tpu.memory_space<vmem>>, vector<16xf32>,
        %max3A_2479 = arith.maximumf %scan3A_2427, %get3A_2478 : vector<16xf32>
        %add3A_2480 = arith.constant 0 : i32
        %add3A_2481 = arith.addi %mul3A_2431, %add3A_2480 : i32
        %get3A_2482 = arith.constant 0 : i32
        %get3A_2483 = arith.index_cast %get3A_2482 : i32 to index
        %get3A_2484 = arith.index_cast %add3A_2481 : i32 to index
        %get3A_2485 = arith.constant 96 : index
        %get3A_2486 = tpu.vector_load %arg5[%get3A_2483, %get3A_2484, %get3A_2485] {strides = array<i32>} : memref<4x128x128xf32, #tpu.memory_space<vmem>>, vector<16xf32>,
        %max3A_2487 = arith.maximumf %scan3A_2428, %get3A_2486 : vector<16xf32>
        %add3A_2488 = arith.constant 0 : i32
        %add3A_2489 = arith.addi %mul3A_2431, %add3A_2488 : i32
        %get3A_2490 = arith.constant 0 : i32
        %get3A_2491 = arith.index_cast %get3A_2490 : i32 to index
        %get3A_2492 = arith.index_cast %add3A_2489 : i32 to index
        %get3A_2493 = arith.constant 112 : index
        %get3A_2494 = tpu.vector_load %arg5[%get3A_2491, %get3A_2492, %get3A_2493] {strides = array<i32>} : memref<4x128x128xf32, #tpu.memory_space<vmem>>, vector<16xf32>,
        %max3A_2495 = arith.maximumf %scan3A_2429, %get3A_2494 : vector<16xf32>
        %add3A_2496 = arith.constant 1 : i32
        %add3A_2497 = arith.addi %mul3A_2431, %add3A_2496 : i32
        %get3A_2498 = arith.constant 0 : i32
        %get3A_2499 = arith.index_cast %get3A_2498 : i32 to index
        %get3A_2500 = arith.index_cast %add3A_2497 : i32 to index
        %get3A_2501 = arith.constant 0 : index
        %get3A_2502 = tpu.vector_load %arg5[%get3A_2499, %get3A_2500, %get3A_2501] {strides = array<i32>} : memref<4x128x128xf32, #tpu.memory_space<vmem>>, vector<16xf32>,
        %max3A_2503 = arith.maximumf %max3A_2439, %get3A_2502 : vector<16xf32>
        %add3A_2504 = arith.constant 1 : i32
        %add3A_2505 = arith.addi %mul3A_2431, %add3A_2504 : i32
        %get3A_2506 = arith.constant 0 : i32
        %get3A_2507 = arith.index_cast %get3A_2506 : i32 to index
        %get3A_2508 = arith.index_cast %add3A_2505 : i32 to index
        %get3A_2509 = arith.constant 16 : index
        %get3A_2510 = tpu.vector_load %arg5[%get3A_2507, %get3A_2508, %get3A_2509] {strides = array<i32>} : memref<4x128x128xf32, #tpu.memory_space<vmem>>, vector<16xf32>,
        %max3A_2511 = arith.maximumf %max3A_2447, %get3A_2510 : vector<16xf32>
        %add3A_2512 = arith.constant 1 : i32
        %add3A_2513 = arith.addi %mul3A_2431, %add3A_2512 : i32
        %get3A_2514 = arith.constant 0 : i32
        %get3A_2515 = arith.index_cast %get3A_2514 : i32 to index
        %get3A_2516 = arith.index_cast %add3A_2513 : i32 to index
        %get3A_2517 = arith.constant 32 : index
        %get3A_2518 = tpu.vector_load %arg5[%get3A_2515, %get3A_2516, %get3A_2517] {strides = array<i32>} : memref<4x128x128xf32, #tpu.memory_space<vmem>>, vector<16xf32>,
        %max3A_2519 = arith.maximumf %max3A_2455, %get3A_2518 : vector<16xf32>
        %add3A_2520 = arith.constant 1 : i32
        %add3A_2521 = arith.addi %mul3A_2431, %add3A_2520 : i32
        %get3A_2522 = arith.constant 0 : i32
        %get3A_2523 = arith.index_cast %get3A_2522 : i32 to index
        %get3A_2524 = arith.index_cast %add3A_2521 : i32 to index
        %get3A_2525 = arith.constant 48 : index
        %get3A_2526 = tpu.vector_load %arg5[%get3A_2523, %get3A_2524, %get3A_2525] {strides = array<i32>} : memref<4x128x128xf32, #tpu.memory_space<vmem>>, vector<16xf32>,
        %max3A_2527 = arith.maximumf %max3A_2463, %get3A_2526 : vector<16xf32>
        %add3A_2528 = arith.constant 1 : i32
        %add3A_2529 = arith.addi %mul3A_2431, %add3A_2528 : i32
        %get3A_2530 = arith.constant 0 : i32
        %get3A_2531 = arith.index_cast %get3A_2530 : i32 to index
        %get3A_2532 = arith.index_cast %add3A_2529 : i32 to index
        %get3A_2533 = arith.constant 64 : index
        %get3A_2534 = tpu.vector_load %arg5[%get3A_2531, %get3A_2532, %get3A_2533] {strides = array<i32>} : memref<4x128x128xf32, #tpu.memory_space<vmem>>, vector<16xf32>,
        %max3A_2535 = arith.maximumf %max3A_2471, %get3A_2534 : vector<16xf32>
        %add3A_2536 = arith.constant 1 : i32
        %add3A_2537 = arith.addi %mul3A_2431, %add3A_2536 : i32
        %get3A_2538 = arith.constant 0 : i32
        %get3A_2539 = arith.index_cast %get3A_2538 : i32 to index
        %get3A_2540 = arith.index_cast %add3A_2537 : i32 to index
        %get3A_2541 = arith.constant 80 : index
        %get3A_2542 = tpu.vector_load %arg5[%get3A_2539, %get3A_2540, %get3A_2541] {strides = array<i32>} : memref<4x128x128xf32, #tpu.memory_space<vmem>>, vector<16xf32>,
        %max3A_2543 = arith.maximumf %max3A_2479, %get3A_2542 : vector<16xf32>
        %add3A_2544 = arith.constant 1 : i32
        %add3A_2545 = arith.addi %mul3A_2431, %add3A_2544 : i32
        %get3A_2546 = arith.constant 0 : i32
        %get3A_2547 = arith.index_cast %get3A_2546 : i32 to index
        %get3A_2548 = arith.index_cast %add3A_2545 : i32 to index
        %get3A_2549 = arith.constant 96 : index
        %get3A_2550 = tpu.vector_load %arg5[%get3A_2547, %get3A_2548, %get3A_2549] {strides = array<i32>} : memref<4x128x128xf32, #tpu.memory_space<vmem>>, vector<16xf32>,
        %max3A_2551 = arith.maximumf %max3A_2487, %get3A_2550 : vector<16xf32>
        %add3A_2552 = arith.constant 1 : i32
        %add3A_2553 = arith.addi %mul3A_2431, %add3A_2552 : i32
        %get3A_2554 = arith.constant 0 : i32
        %get3A_2555 = arith.index_cast %get3A_2554 : i32 to index
        %get3A_2556 = arith.index_cast %add3A_2553 : i32 to index
        %get3A_2557 = arith.constant 112 : index
        %get3A_2558 = tpu.vector_load %arg5[%get3A_2555, %get3A_2556, %get3A_2557] {strides = array<i32>} : memref<4x128x128xf32, #tpu.memory_space<vmem>>, vector<16xf32>,
        %max3A_2559 = arith.maximumf %max3A_2495, %get3A_2558 : vector<16xf32>
        %add3A_2560 = arith.constant 2 : i32
        %add3A_2561 = arith.addi %mul3A_2431, %add3A_2560 : i32
        %get3A_2562 = arith.constant 0 : i32
        %get3A_2563 = arith.index_cast %get3A_2562 : i32 to index
        %get3A_2564 = arith.index_cast %add3A_2561 : i32 to index
        %get3A_2565 = arith.constant 0 : index
        %get3A_2566 = tpu.vector_load %arg5[%get3A_2563, %get3A_2564, %get3A_2565] {strides = array<i32>} : memref<4x128x128xf32, #tpu.memory_space<vmem>>, vector<16xf32>,
        %max3A_2567 = arith.maximumf %max3A_2503, %get3A_2566 : vector<16xf32>
        %add3A_2568 = arith.constant 2 : i32
        %add3A_2569 = arith.addi %mul3A_2431, %add3A_2568 : i32
        %get3A_2570 = arith.constant 0 : i32
        %get3A_2571 = arith.index_cast %get3A_2570 : i32 to index
        %get3A_2572 = arith.index_cast %add3A_2569 : i32 to index
        %get3A_2573 = arith.constant 16 : index
        %get3A_2574 = tpu.vector_load %arg5[%get3A_2571, %get3A_2572, %get3A_2573] {strides = array<i32>} : memref<4x128x128xf32, #tpu.memory_space<vmem>>, vector<16xf32>,
        %max3A_2575 = arith.maximumf %max3A_2511, %get3A_2574 : vector<16xf32>
        %add3A_2576 = arith.constant 2 : i32
        %add3A_2577 = arith.addi %mul3A_2431, %add3A_2576 : i32
        %get3A_2578 = arith.constant 0 : i32
        %get3A_2579 = arith.index_cast %get3A_2578 : i32 to index
        %get3A_2580 = arith.index_cast %add3A_2577 : i32 to index
        %get3A_2581 = arith.constant 32 : index
        %get3A_2582 = tpu.vector_load %arg5[%get3A_2579, %get3A_2580, %get3A_2581] {strides = array<i32>} : memref<4x128x128xf32, #tpu.memory_space<vmem>>, vector<16xf32>,
        %max3A_2583 = arith.maximumf %max3A_2519, %get3A_2582 : vector<16xf32>
        %add3A_2584 = arith.constant 2 : i32
        %add3A_2585 = arith.addi %mul3A_2431, %add3A_2584 : i32
        %get3A_2586 = arith.constant 0 : i32
        %get3A_2587 = arith.index_cast %get3A_2586 : i32 to index
        %get3A_2588 = arith.index_cast %add3A_2585 : i32 to index
        %get3A_2589 = arith.constant 48 : index
        %get3A_2590 = tpu.vector_load %arg5[%get3A_2587, %get3A_2588, %get3A_2589] {strides = array<i32>} : memref<4x128x128xf32, #tpu.memory_space<vmem>>, vector<16xf32>,
        %max3A_2591 = arith.maximumf %max3A_2527, %get3A_2590 : vector<16xf32>
        %add3A_2592 = arith.constant 2 : i32
        %add3A_2593 = arith.addi %mul3A_2431, %add3A_2592 : i32
        %get3A_2594 = arith.constant 0 : i32
        %get3A_2595 = arith.index_cast %get3A_2594 : i32 to index
        %get3A_2596 = arith.index_cast %add3A_2593 : i32 to index
        %get3A_2597 = arith.constant 64 : index
        %get3A_2598 = tpu.vector_load %arg5[%get3A_2595, %get3A_2596, %get3A_2597] {strides = array<i32>} : memref<4x128x128xf32, #tpu.memory_space<vmem>>, vector<16xf32>,
        %max3A_2599 = arith.maximumf %max3A_2535, %get3A_2598 : vector<16xf32>
        %add3A_2600 = arith.constant 2 : i32
        %add3A_2601 = arith.addi %mul3A_2431, %add3A_2600 : i32
        %get3A_2602 = arith.constant 0 : i32
        %get3A_2603 = arith.index_cast %get3A_2602 : i32 to index
        %get3A_2604 = arith.index_cast %add3A_2601 : i32 to index
        %get3A_2605 = arith.constant 80 : index
        %get3A_2606 = tpu.vector_load %arg5[%get3A_2603, %get3A_2604, %get3A_2605] {strides = array<i32>} : memref<4x128x128xf32, #tpu.memory_space<vmem>>, vector<16xf32>,
        %max3A_2607 = arith.maximumf %max3A_2543, %get3A_2606 : vector<16xf32>
        %add3A_2608 = arith.constant 2 : i32
        %add3A_2609 = arith.addi %mul3A_2431, %add3A_2608 : i32
        %get3A_2610 = arith.constant 0 : i32
        %get3A_2611 = arith.index_cast %get3A_2610 : i32 to index
        %get3A_2612 = arith.index_cast %add3A_2609 : i32 to index
        %get3A_2613 = arith.constant 96 : index
        %get3A_2614 = tpu.vector_load %arg5[%get3A_2611, %get3A_2612, %get3A_2613] {strides = array<i32>} : memref<4x128x128xf32, #tpu.memory_space<vmem>>, vector<16xf32>,
        %max3A_2615 = arith.maximumf %max3A_2551, %get3A_2614 : vector<16xf32>
        %add3A_2616 = arith.constant 2 : i32
        %add3A_2617 = arith.addi %mul3A_2431, %add3A_2616 : i32
        %get3A_2618 = arith.constant 0 : i32
        %get3A_2619 = arith.index_cast %get3A_2618 : i32 to index
        %get3A_2620 = arith.index_cast %add3A_2617 : i32 to index
        %get3A_2621 = arith.constant 112 : index
        %get3A_2622 = tpu.vector_load %arg5[%get3A_2619, %get3A_2620, %get3A_2621] {strides = array<i32>} : memref<4x128x128xf32, #tpu.memory_space<vmem>>, vector<16xf32>,
        %max3A_2623 = arith.maximumf %max3A_2559, %get3A_2622 : vector<16xf32>
        %add3A_2624 = arith.constant 3 : i32
        %add3A_2625 = arith.addi %mul3A_2431, %add3A_2624 : i32
        %get3A_2626 = arith.constant 0 : i32
        %get3A_2627 = arith.index_cast %get3A_2626 : i32 to index
        %get3A_2628 = arith.index_cast %add3A_2625 : i32 to index
        %get3A_2629 = arith.constant 0 : index
        %get3A_2630 = tpu.vector_load %arg5[%get3A_2627, %get3A_2628, %get3A_2629] {strides = array<i32>} : memref<4x128x128xf32, #tpu.memory_space<vmem>>, vector<16xf32>,
        %max3A_2631 = arith.maximumf %max3A_2567, %get3A_2630 : vector<16xf32>
        %add3A_2632 = arith.constant 3 : i32
        %add3A_2633 = arith.addi %mul3A_2431, %add3A_2632 : i32
        %get3A_2634 = arith.constant 0 : i32
        %get3A_2635 = arith.index_cast %get3A_2634 : i32 to index
        %get3A_2636 = arith.index_cast %add3A_2633 : i32 to index
        %get3A_2637 = arith.constant 16 : index
        %get3A_2638 = tpu.vector_load %arg5[%get3A_2635, %get3A_2636, %get3A_2637] {strides = array<i32>} : memref<4x128x128xf32, #tpu.memory_space<vmem>>, vector<16xf32>,
        %max3A_2639 = arith.maximumf %max3A_2575, %get3A_2638 : vector<16xf32>
        %add3A_2640 = arith.constant 3 : i32
        %add3A_2641 = arith.addi %mul3A_2431, %add3A_2640 : i32
        %get3A_2642 = arith.constant 0 : i32
        %get3A_2643 = arith.index_cast %get3A_2642 : i32 to index
        %get3A_2644 = arith.index_cast %add3A_2641 : i32 to index
        %get3A_2645 = arith.constant 32 : index
        %get3A_2646 = tpu.vector_load %arg5[%get3A_2643, %get3A_2644, %get3A_2645] {strides = array<i32>} : memref<4x128x128xf32, #tpu.memory_space<vmem>>, vector<16xf32>,
        %max3A_2647 = arith.maximumf %max3A_2583, %get3A_2646 : vector<16xf32>
        %add3A_2648 = arith.constant 3 : i32
        %add3A_2649 = arith.addi %mul3A_2431, %add3A_2648 : i32
        %get3A_2650 = arith.constant 0 : i32
        %get3A_2651 = arith.index_cast %get3A_2650 : i32 to index
        %get3A_2652 = arith.index_cast %add3A_2649 : i32 to index
        %get3A_2653 = arith.constant 48 : index
        %get3A_2654 = tpu.vector_load %arg5[%get3A_2651, %get3A_2652, %get3A_2653] {strides = array<i32>} : memref<4x128x128xf32, #tpu.memory_space<vmem>>, vector<16xf32>,
        %max3A_2655 = arith.maximumf %max3A_2591, %get3A_2654 : vector<16xf32>
        %add3A_2656 = arith.constant 3 : i32
        %add3A_2657 = arith.addi %mul3A_2431, %add3A_2656 : i32
        %get3A_2658 = arith.constant 0 : i32
        %get3A_2659 = arith.index_cast %get3A_2658 : i32 to index
        %get3A_2660 = arith.index_cast %add3A_2657 : i32 to index
        %get3A_2661 = arith.constant 64 : index
        %get3A_2662 = tpu.vector_load %arg5[%get3A_2659, %get3A_2660, %get3A_2661] {strides = array<i32>} : memref<4x128x128xf32, #tpu.memory_space<vmem>>, vector<16xf32>,
        %max3A_2663 = arith.maximumf %max3A_2599, %get3A_2662 : vector<16xf32>
        %add3A_2664 = arith.constant 3 : i32
        %add3A_2665 = arith.addi %mul3A_2431, %add3A_2664 : i32
        %get3A_2666 = arith.constant 0 : i32
        %get3A_2667 = arith.index_cast %get3A_2666 : i32 to index
        %get3A_2668 = arith.index_cast %add3A_2665 : i32 to index
        %get3A_2669 = arith.constant 80 : index
        %get3A_2670 = tpu.vector_load %arg5[%get3A_2667, %get3A_2668, %get3A_2669] {strides = array<i32>} : memref<4x128x128xf32, #tpu.memory_space<vmem>>, vector<16xf32>,
        %max3A_2671 = arith.maximumf %max3A_2607, %get3A_2670 : vector<16xf32>
        %add3A_2672 = arith.constant 3 : i32
        %add3A_2673 = arith.addi %mul3A_2431, %add3A_2672 : i32
        %get3A_2674 = arith.constant 0 : i32
        %get3A_2675 = arith.index_cast %get3A_2674 : i32 to index
        %get3A_2676 = arith.index_cast %add3A_2673 : i32 to index
        %get3A_2677 = arith.constant 96 : index
        %get3A_2678 = tpu.vector_load %arg5[%get3A_2675, %get3A_2676, %get3A_2677] {strides = array<i32>} : memref<4x128x128xf32, #tpu.memory_space<vmem>>, vector<16xf32>,
        %max3A_2679 = arith.maximumf %max3A_2615, %get3A_2678 : vector<16xf32>
        %add3A_2680 = arith.constant 3 : i32
        %add3A_2681 = arith.addi %mul3A_2431, %add3A_2680 : i32
        %get3A_2682 = arith.constant 0 : i32
        %get3A_2683 = arith.index_cast %get3A_2682 : i32 to index
        %get3A_2684 = arith.index_cast %add3A_2681 : i32 to index
        %get3A_2685 = arith.constant 112 : index
        %get3A_2686 = tpu.vector_load %arg5[%get3A_2683, %get3A_2684, %get3A_2685] {strides = array<i32>} : memref<4x128x128xf32, #tpu.memory_space<vmem>>, vector<16xf32>,
        %max3A_2687 = arith.maximumf %max3A_2623, %get3A_2686 : vector<16xf32>
        scf.yield %max3A_2631, %max3A_2639, %max3A_2647, %max3A_2655, %max3A_2663, %max3A_2671, %max3A_2679, %max3A_2687 : vector<16xf32>, vector<16xf32>, vector<16xf32>, vector<16xf32>, vector<16xf32>, vector<16xf32>, vector<16xf32>, vector<16xf32>
      }
      %scan3A_363 = arith.constant 32 : i32
      %mul3A_364 = arith.constant 128 : i32
      %mul3A_365 = arith.muli %scan3A_59, %mul3A_364 : i32
      %add3A_366 = arith.addi %add3A_4, %mul3A_365 : i32
      %dma_wait3A_367 = arith.constant 1 : i32
      %dma_wait3A_368 = arith.constant 0 : i32
      %dma_wait3A_369 = arith.constant 0 : i32
      %dma_wait3A_370 = tpu.memref_slice %arg5[%dma_wait3A_367, %dma_wait3A_368, %dma_wait3A_369] : memref<4x128x128xf32, #tpu.memory_space<vmem>> -> memref<1x128x128xf32, #tpu.memory_space<vmem>>
      %dma_wait3A_371 = tpu.memref_squeeze %dma_wait3A_370 : memref<1x128x128xf32, #tpu.memory_space<vmem>> -> memref<128x128xf32, #tpu.memory_space<vmem>>
      %dma_wait3A_372 = arith.constant 128 : i32
      %dma_wait3A_373 = tpu.memref_slice %arg2[%dma_wait3A_372, %add3A_366] : memref<1000x16384xf32, #tpu.memory_space<hbm>> -> memref<128x128xf32, #tpu.memory_space<hbm>>
      %dma_wait3A_374 = arith.constant 0 : i32
      %dma_wait3A_375 = arith.constant 0 : i32
      %dma_wait3A_376 = tpu.memref_slice %arg5[%dma_wait3A_367, %dma_wait3A_374, %dma_wait3A_375] : memref<4x128x128xf32, #tpu.memory_space<vmem>> -> memref<1x128x128xf32, #tpu.memory_space<vmem>>
      %dma_wait3A_377 = tpu.memref_squeeze %dma_wait3A_376 : memref<1x128x128xf32, #tpu.memory_space<vmem>> -> memref<128x128xf32, #tpu.memory_space<vmem>>
      %dma_wait3A_378 = arith.constant 128 : i32
      %dma_wait3A_379 = tpu.memref_slice %arg2[%dma_wait3A_378, %add3A_366] : memref<1000x16384xf32, #tpu.memory_space<hbm>> -> memref<128x128xf32, #tpu.memory_space<hbm>>
      tpu.wait_dma2 semaphore(%arg9 : memref<!tpu.dma_semaphore, #tpu.memory_space<semaphore_mem>>) src(%dma_wait3A_379 : memref<128x128xf32, #tpu.memory_space<hbm>>) dst(%dma_wait3A_377 : memref<128x128xf32, #tpu.memory_space<vmem>>)
      %mul3A_380 = arith.constant 128 : i32
      %mul3A_381 = arith.muli %scan3A_59, %mul3A_380 : i32
      %add3A_382 = arith.addi %add3A_4, %mul3A_381 : i32
      %dma_start3A_383 = arith.constant 0 : i32
      %dma_start3A_384 = arith.constant 0 : i32
      %dma_start3A_385 = arith.constant 0 : i32
      %dma_start3A_386 = tpu.memref_slice %arg5[%dma_start3A_383, %dma_start3A_384, %dma_start3A_385] : memref<4x128x128xf32, #tpu.memory_space<vmem>> -> memref<1x128x128xf32, #tpu.memory_space<vmem>>
      %dma_start3A_387 = tpu.memref_squeeze %dma_start3A_386 : memref<1x128x128xf32, #tpu.memory_space<vmem>> -> memref<128x128xf32, #tpu.memory_space<vmem>>
      %dma_start3A_388 = arith.constant 512 : i32
      %dma_start3A_389 = tpu.memref_slice %arg2[%dma_start3A_388, %add3A_382] : memref<1000x16384xf32, #tpu.memory_space<hbm>> -> memref<128x128xf32, #tpu.memory_space<hbm>>
      %dma_start3A_390 = arith.constant 0 : i32
      %dma_start3A_391 = arith.constant 0 : i32
      %dma_start3A_392 = tpu.memref_slice %arg5[%dma_start3A_383, %dma_start3A_390, %dma_start3A_391] : memref<4x128x128xf32, #tpu.memory_space<vmem>> -> memref<1x128x128xf32, #tpu.memory_space<vmem>>
      %dma_start3A_393 = tpu.memref_squeeze %dma_start3A_392 : memref<1x128x128xf32, #tpu.memory_space<vmem>> -> memref<128x128xf32, #tpu.memory_space<vmem>>
      %dma_start3A_394 = arith.constant 512 : i32
      %dma_start3A_395 = tpu.memref_slice %arg2[%dma_start3A_394, %add3A_382] : memref<1000x16384xf32, #tpu.memory_space<hbm>> -> memref<128x128xf32, #tpu.memory_space<hbm>>
      tpu.enqueue_dma source(%dma_start3A_395 : memref<128x128xf32, #tpu.memory_space<hbm>>) target(%dma_start3A_393 : memref<128x128xf32, #tpu.memory_space<vmem>>) target_semaphore(%arg8 : memref<!tpu.dma_semaphore, #tpu.memory_space<semaphore_mem>>)
      %broadcast_in_dim3A_396 = arith.constant 1 : i32
      %broadcast_in_dim3A_397 = vector.broadcast %broadcast_in_dim3A_396 : i32 to vector<16xi32>
      %broadcast_in_dim3A_398 = arith.constant -1.000000e+10 : f32
      %broadcast_in_dim3A_399 = vector.broadcast %broadcast_in_dim3A_398 : f32 to vector<16xf32>
      %mul3A_400 = arith.constant 128 : i32
      %mul3A_401 = arith.muli %scan3A_59, %mul3A_400 : i32
      %add3A_402 = arith.constant 0 : i32
      %add3A_403 = arith.addi %mul3A_401, %add3A_402 : i32
      %get3A_404 = arith.index_cast %add3A_403 : i32 to index
      %get3A_405 = tpu.vector_load %arg6[%get3A_404] {strides = array<i32>} : memref<256xi32, #tpu.memory_space<vmem>>, vector<16xi32>,
      %sub3A_406 = arith.constant 128 : i32
      %sub3A_407 = vector.broadcast %sub3A_406 : i32 to vector<16xi32>
      %sub3A_408 = arith.subi %get3A_405, %sub3A_407 : vector<16xi32>
      %ge3A_409 = arith.constant 0 : i32
      %ge3A_410 = vector.broadcast %ge3A_409 : i32 to vector<16xi32>
      %ge3A_411 = arith.cmpi sge, %sub3A_408, %ge3A_410 : vector<16xi32>
      %lt3A_412 = arith.constant 128 : i32
      %lt3A_413 = vector.broadcast %lt3A_412 : i32 to vector<16xi32>
      %lt3A_414 = arith.cmpi slt, %sub3A_408, %lt3A_413 : vector<16xi32>
      %and3A_415 = arith.andi %ge3A_411, %lt3A_414 : vector<16xi1>
      %jit3A_416 = arith.constant 0 : i32
      %jit3A_417 = arith.constant 127 : i32
      %max3A_418 = vector.broadcast %jit3A_416 : i32 to vector<16xi32>
      %max3A_419 = arith.maxsi %max3A_418, %sub3A_408 : vector<16xi32>
      %min3A_420 = vector.broadcast %jit3A_417 : i32 to vector<16xi32>
      %min3A_421 = arith.minsi %min3A_420, %max3A_419 : vector<16xi32>
      %add3A_422 = arith.constant 0 : i32
      %add3A_423 = vector.broadcast %add3A_422 : i32 to vector<16xi32>
      %add3A_424 = arith.addi %add3A_423, %iota3A : vector<16xi32>
      %gather3A_425 = tpu.vector_load_idx %arg5[%broadcast_in_dim3A_397, %min3A_421, %add3A_424] masked %and3A_415 : memref<4x128x128xf32, #tpu.memory_space<vmem>>[vector<16xi32>, vector<16xi32>, vector<16xi32>], vector<16xf32>, vector<16xi1>
      %select_n3A_426 = arith.select %and3A_415, %gather3A_425, %select_n3A : vector<16xi1>, vector<16xf32>
      %add3A_427 = arith.constant 0 : i32
      %add3A_428 = vector.broadcast %add3A_427 : i32 to vector<16xi32>
      %add3A_429 = arith.addi %add3A_428, %iota3A : vector<16xi32>
      tpu.vector_store_idx %arg5[%broadcast_in_dim3A_397, %min3A_421, %add3A_429], %broadcast_in_dim3A_399 masked %and3A_415 : memref<4x128x128xf32, #tpu.memory_space<vmem>>[vector<16xi32>, vector<16xi32>, vector<16xi32>], vector<16xf32>, vector<16xi1>
      %mul3A_430 = arith.constant 128 : i32
      %mul3A_431 = arith.muli %scan3A_59, %mul3A_430 : i32
      %add3A_432 = arith.constant 16 : i32
      %add3A_433 = arith.addi %mul3A_431, %add3A_432 : i32
      %get3A_434 = arith.index_cast %add3A_433 : i32 to index
      %get3A_435 = tpu.vector_load %arg6[%get3A_434] {strides = array<i32>} : memref<256xi32, #tpu.memory_space<vmem>>, vector<16xi32>,
      %sub3A_436 = arith.constant 128 : i32
      %sub3A_437 = vector.broadcast %sub3A_436 : i32 to vector<16xi32>
      %sub3A_438 = arith.subi %get3A_435, %sub3A_437 : vector<16xi32>
      %ge3A_439 = arith.constant 0 : i32
      %ge3A_440 = vector.broadcast %ge3A_439 : i32 to vector<16xi32>
      %ge3A_441 = arith.cmpi sge, %sub3A_438, %ge3A_440 : vector<16xi32>
      %lt3A_442 = arith.constant 128 : i32
      %lt3A_443 = vector.broadcast %lt3A_442 : i32 to vector<16xi32>
      %lt3A_444 = arith.cmpi slt, %sub3A_438, %lt3A_443 : vector<16xi32>
      %and3A_445 = arith.andi %ge3A_441, %lt3A_444 : vector<16xi1>
      %jit3A_446 = arith.constant 0 : i32
      %jit3A_447 = arith.constant 127 : i32
      %max3A_448 = vector.broadcast %jit3A_446 : i32 to vector<16xi32>
      %max3A_449 = arith.maxsi %max3A_448, %sub3A_438 : vector<16xi32>
      %min3A_450 = vector.broadcast %jit3A_447 : i32 to vector<16xi32>
      %min3A_451 = arith.minsi %min3A_450, %max3A_449 : vector<16xi32>
      %add3A_452 = arith.constant 16 : i32
      %add3A_453 = vector.broadcast %add3A_452 : i32 to vector<16xi32>
      %add3A_454 = arith.addi %add3A_453, %iota3A : vector<16xi32>
      %gather3A_455 = tpu.vector_load_idx %arg5[%broadcast_in_dim3A_397, %min3A_451, %add3A_454] masked %and3A_445 : memref<4x128x128xf32, #tpu.memory_space<vmem>>[vector<16xi32>, vector<16xi32>, vector<16xi32>], vector<16xf32>, vector<16xi1>
      %select_n3A_456 = arith.select %and3A_445, %gather3A_455, %select_n3A_174 : vector<16xi1>, vector<16xf32>
      %add3A_457 = arith.constant 16 : i32
      %add3A_458 = vector.broadcast %add3A_457 : i32 to vector<16xi32>
      %add3A_459 = arith.addi %add3A_458, %iota3A : vector<16xi32>
      tpu.vector_store_idx %arg5[%broadcast_in_dim3A_397, %min3A_451, %add3A_459], %broadcast_in_dim3A_399 masked %and3A_445 : memref<4x128x128xf32, #tpu.memory_space<vmem>>[vector<16xi32>, vector<16xi32>, vector<16xi32>], vector<16xf32>, vector<16xi1>
      %mul3A_460 = arith.constant 128 : i32
      %mul3A_461 = arith.muli %scan3A_59, %mul3A_460 : i32
      %add3A_462 = arith.constant 32 : i32
      %add3A_463 = arith.addi %mul3A_461, %add3A_462 : i32
      %get3A_464 = arith.index_cast %add3A_463 : i32 to index
      %get3A_465 = tpu.vector_load %arg6[%get3A_464] {strides = array<i32>} : memref<256xi32, #tpu.memory_space<vmem>>, vector<16xi32>,
      %sub3A_466 = arith.constant 128 : i32
      %sub3A_467 = vector.broadcast %sub3A_466 : i32 to vector<16xi32>
      %sub3A_468 = arith.subi %get3A_465, %sub3A_467 : vector<16xi32>
      %ge3A_469 = arith.constant 0 : i32
      %ge3A_470 = vector.broadcast %ge3A_469 : i32 to vector<16xi32>
      %ge3A_471 = arith.cmpi sge, %sub3A_468, %ge3A_470 : vector<16xi32>
      %lt3A_472 = arith.constant 128 : i32
      %lt3A_473 = vector.broadcast %lt3A_472 : i32 to vector<16xi32>
      %lt3A_474 = arith.cmpi slt, %sub3A_468, %lt3A_473 : vector<16xi32>
      %and3A_475 = arith.andi %ge3A_471, %lt3A_474 : vector<16xi1>
      %jit3A_476 = arith.constant 0 : i32
      %jit3A_477 = arith.constant 127 : i32
      %max3A_478 = vector.broadcast %jit3A_476 : i32 to vector<16xi32>
      %max3A_479 = arith.maxsi %max3A_478, %sub3A_468 : vector<16xi32>
      %min3A_480 = vector.broadcast %jit3A_477 : i32 to vector<16xi32>
      %min3A_481 = arith.minsi %min3A_480, %max3A_479 : vector<16xi32>
      %add3A_482 = arith.constant 32 : i32
      %add3A_483 = vector.broadcast %add3A_482 : i32 to vector<16xi32>
      %add3A_484 = arith.addi %add3A_483, %iota3A : vector<16xi32>
      %gather3A_485 = tpu.vector_load_idx %arg5[%broadcast_in_dim3A_397, %min3A_481, %add3A_484] masked %and3A_475 : memref<4x128x128xf32, #tpu.memory_space<vmem>>[vector<16xi32>, vector<16xi32>, vector<16xi32>], vector<16xf32>, vector<16xi1>
      %select_n3A_486 = arith.select %and3A_475, %gather3A_485, %select_n3A_204 : vector<16xi1>, vector<16xf32>
      %add3A_487 = arith.constant 32 : i32
      %add3A_488 = vector.broadcast %add3A_487 : i32 to vector<16xi32>
      %add3A_489 = arith.addi %add3A_488, %iota3A : vector<16xi32>
      tpu.vector_store_idx %arg5[%broadcast_in_dim3A_397, %min3A_481, %add3A_489], %broadcast_in_dim3A_399 masked %and3A_475 : memref<4x128x128xf32, #tpu.memory_space<vmem>>[vector<16xi32>, vector<16xi32>, vector<16xi32>], vector<16xf32>, vector<16xi1>
      %mul3A_490 = arith.constant 128 : i32
      %mul3A_491 = arith.muli %scan3A_59, %mul3A_490 : i32
      %add3A_492 = arith.constant 48 : i32
      %add3A_493 = arith.addi %mul3A_491, %add3A_492 : i32
      %get3A_494 = arith.index_cast %add3A_493 : i32 to index
      %get3A_495 = tpu.vector_load %arg6[%get3A_494] {strides = array<i32>} : memref<256xi32, #tpu.memory_space<vmem>>, vector<16xi32>,
      %sub3A_496 = arith.constant 128 : i32
      %sub3A_497 = vector.broadcast %sub3A_496 : i32 to vector<16xi32>
      %sub3A_498 = arith.subi %get3A_495, %sub3A_497 : vector<16xi32>
      %ge3A_499 = arith.constant 0 : i32
      %ge3A_500 = vector.broadcast %ge3A_499 : i32 to vector<16xi32>
      %ge3A_501 = arith.cmpi sge, %sub3A_498, %ge3A_500 : vector<16xi32>
      %lt3A_502 = arith.constant 128 : i32
      %lt3A_503 = vector.broadcast %lt3A_502 : i32 to vector<16xi32>
      %lt3A_504 = arith.cmpi slt, %sub3A_498, %lt3A_503 : vector<16xi32>
      %and3A_505 = arith.andi %ge3A_501, %lt3A_504 : vector<16xi1>
      %jit3A_506 = arith.constant 0 : i32
      %jit3A_507 = arith.constant 127 : i32
      %max3A_508 = vector.broadcast %jit3A_506 : i32 to vector<16xi32>
      %max3A_509 = arith.maxsi %max3A_508, %sub3A_498 : vector<16xi32>
      %min3A_510 = vector.broadcast %jit3A_507 : i32 to vector<16xi32>
      %min3A_511 = arith.minsi %min3A_510, %max3A_509 : vector<16xi32>
      %add3A_512 = arith.constant 48 : i32
      %add3A_513 = vector.broadcast %add3A_512 : i32 to vector<16xi32>
      %add3A_514 = arith.addi %add3A_513, %iota3A : vector<16xi32>
      %gather3A_515 = tpu.vector_load_idx %arg5[%broadcast_in_dim3A_397, %min3A_511, %add3A_514] masked %and3A_505 : memref<4x128x128xf32, #tpu.memory_space<vmem>>[vector<16xi32>, vector<16xi32>, vector<16xi32>], vector<16xf32>, vector<16xi1>
      %select_n3A_516 = arith.select %and3A_505, %gather3A_515, %select_n3A_234 : vector<16xi1>, vector<16xf32>
      %add3A_517 = arith.constant 48 : i32
      %add3A_518 = vector.broadcast %add3A_517 : i32 to vector<16xi32>
      %add3A_519 = arith.addi %add3A_518, %iota3A : vector<16xi32>
      tpu.vector_store_idx %arg5[%broadcast_in_dim3A_397, %min3A_511, %add3A_519], %broadcast_in_dim3A_399 masked %and3A_505 : memref<4x128x128xf32, #tpu.memory_space<vmem>>[vector<16xi32>, vector<16xi32>, vector<16xi32>], vector<16xf32>, vector<16xi1>
      %mul3A_520 = arith.constant 128 : i32
      %mul3A_521 = arith.muli %scan3A_59, %mul3A_520 : i32
      %add3A_522 = arith.constant 64 : i32
      %add3A_523 = arith.addi %mul3A_521, %add3A_522 : i32
      %get3A_524 = arith.index_cast %add3A_523 : i32 to index
      %get3A_525 = tpu.vector_load %arg6[%get3A_524] {strides = array<i32>} : memref<256xi32, #tpu.memory_space<vmem>>, vector<16xi32>,
      %sub3A_526 = arith.constant 128 : i32
      %sub3A_527 = vector.broadcast %sub3A_526 : i32 to vector<16xi32>
      %sub3A_528 = arith.subi %get3A_525, %sub3A_527 : vector<16xi32>
      %ge3A_529 = arith.constant 0 : i32
      %ge3A_530 = vector.broadcast %ge3A_529 : i32 to vector<16xi32>
      %ge3A_531 = arith.cmpi sge, %sub3A_528, %ge3A_530 : vector<16xi32>
      %lt3A_532 = arith.constant 128 : i32
      %lt3A_533 = vector.broadcast %lt3A_532 : i32 to vector<16xi32>
      %lt3A_534 = arith.cmpi slt, %sub3A_528, %lt3A_533 : vector<16xi32>
      %and3A_535 = arith.andi %ge3A_531, %lt3A_534 : vector<16xi1>
      %jit3A_536 = arith.constant 0 : i32
      %jit3A_537 = arith.constant 127 : i32
      %max3A_538 = vector.broadcast %jit3A_536 : i32 to vector<16xi32>
      %max3A_539 = arith.maxsi %max3A_538, %sub3A_528 : vector<16xi32>
      %min3A_540 = vector.broadcast %jit3A_537 : i32 to vector<16xi32>
      %min3A_541 = arith.minsi %min3A_540, %max3A_539 : vector<16xi32>
      %add3A_542 = arith.constant 64 : i32
      %add3A_543 = vector.broadcast %add3A_542 : i32 to vector<16xi32>
      %add3A_544 = arith.addi %add3A_543, %iota3A : vector<16xi32>
      %gather3A_545 = tpu.vector_load_idx %arg5[%broadcast_in_dim3A_397, %min3A_541, %add3A_544] masked %and3A_535 : memref<4x128x128xf32, #tpu.memory_space<vmem>>[vector<16xi32>, vector<16xi32>, vector<16xi32>], vector<16xf32>, vector<16xi1>
      %select_n3A_546 = arith.select %and3A_535, %gather3A_545, %select_n3A_264 : vector<16xi1>, vector<16xf32>
      %add3A_547 = arith.constant 64 : i32
      %add3A_548 = vector.broadcast %add3A_547 : i32 to vector<16xi32>
      %add3A_549 = arith.addi %add3A_548, %iota3A : vector<16xi32>
      tpu.vector_store_idx %arg5[%broadcast_in_dim3A_397, %min3A_541, %add3A_549], %broadcast_in_dim3A_399 masked %and3A_535 : memref<4x128x128xf32, #tpu.memory_space<vmem>>[vector<16xi32>, vector<16xi32>, vector<16xi32>], vector<16xf32>, vector<16xi1>
      %mul3A_550 = arith.constant 128 : i32
      %mul3A_551 = arith.muli %scan3A_59, %mul3A_550 : i32
      %add3A_552 = arith.constant 80 : i32
      %add3A_553 = arith.addi %mul3A_551, %add3A_552 : i32
      %get3A_554 = arith.index_cast %add3A_553 : i32 to index
      %get3A_555 = tpu.vector_load %arg6[%get3A_554] {strides = array<i32>} : memref<256xi32, #tpu.memory_space<vmem>>, vector<16xi32>,
      %sub3A_556 = arith.constant 128 : i32
      %sub3A_557 = vector.broadcast %sub3A_556 : i32 to vector<16xi32>
      %sub3A_558 = arith.subi %get3A_555, %sub3A_557 : vector<16xi32>
      %ge3A_559 = arith.constant 0 : i32
      %ge3A_560 = vector.broadcast %ge3A_559 : i32 to vector<16xi32>
      %ge3A_561 = arith.cmpi sge, %sub3A_558, %ge3A_560 : vector<16xi32>
      %lt3A_562 = arith.constant 128 : i32
      %lt3A_563 = vector.broadcast %lt3A_562 : i32 to vector<16xi32>
      %lt3A_564 = arith.cmpi slt, %sub3A_558, %lt3A_563 : vector<16xi32>
      %and3A_565 = arith.andi %ge3A_561, %lt3A_564 : vector<16xi1>
      %jit3A_566 = arith.constant 0 : i32
      %jit3A_567 = arith.constant 127 : i32
      %max3A_568 = vector.broadcast %jit3A_566 : i32 to vector<16xi32>
      %max3A_569 = arith.maxsi %max3A_568, %sub3A_558 : vector<16xi32>
      %min3A_570 = vector.broadcast %jit3A_567 : i32 to vector<16xi32>
      %min3A_571 = arith.minsi %min3A_570, %max3A_569 : vector<16xi32>
      %add3A_572 = arith.constant 80 : i32
      %add3A_573 = vector.broadcast %add3A_572 : i32 to vector<16xi32>
      %add3A_574 = arith.addi %add3A_573, %iota3A : vector<16xi32>
      %gather3A_575 = tpu.vector_load_idx %arg5[%broadcast_in_dim3A_397, %min3A_571, %add3A_574] masked %and3A_565 : memref<4x128x128xf32, #tpu.memory_space<vmem>>[vector<16xi32>, vector<16xi32>, vector<16xi32>], vector<16xf32>, vector<16xi1>
      %select_n3A_576 = arith.select %and3A_565, %gather3A_575, %select_n3A_294 : vector<16xi1>, vector<16xf32>
      %add3A_577 = arith.constant 80 : i32
      %add3A_578 = vector.broadcast %add3A_577 : i32 to vector<16xi32>
      %add3A_579 = arith.addi %add3A_578, %iota3A : vector<16xi32>
      tpu.vector_store_idx %arg5[%broadcast_in_dim3A_397, %min3A_571, %add3A_579], %broadcast_in_dim3A_399 masked %and3A_565 : memref<4x128x128xf32, #tpu.memory_space<vmem>>[vector<16xi32>, vector<16xi32>, vector<16xi32>], vector<16xf32>, vector<16xi1>
      %mul3A_580 = arith.constant 128 : i32
      %mul3A_581 = arith.muli %scan3A_59, %mul3A_580 : i32
      %add3A_582 = arith.constant 96 : i32
      %add3A_583 = arith.addi %mul3A_581, %add3A_582 : i32
      %get3A_584 = arith.index_cast %add3A_583 : i32 to index
      %get3A_585 = tpu.vector_load %arg6[%get3A_584] {strides = array<i32>} : memref<256xi32, #tpu.memory_space<vmem>>, vector<16xi32>,
      %sub3A_586 = arith.constant 128 : i32
      %sub3A_587 = vector.broadcast %sub3A_586 : i32 to vector<16xi32>
      %sub3A_588 = arith.subi %get3A_585, %sub3A_587 : vector<16xi32>
      %ge3A_589 = arith.constant 0 : i32
      %ge3A_590 = vector.broadcast %ge3A_589 : i32 to vector<16xi32>
      %ge3A_591 = arith.cmpi sge, %sub3A_588, %ge3A_590 : vector<16xi32>
      %lt3A_592 = arith.constant 128 : i32
      %lt3A_593 = vector.broadcast %lt3A_592 : i32 to vector<16xi32>
      %lt3A_594 = arith.cmpi slt, %sub3A_588, %lt3A_593 : vector<16xi32>
      %and3A_595 = arith.andi %ge3A_591, %lt3A_594 : vector<16xi1>
      %jit3A_596 = arith.constant 0 : i32
      %jit3A_597 = arith.constant 127 : i32
      %max3A_598 = vector.broadcast %jit3A_596 : i32 to vector<16xi32>
      %max3A_599 = arith.maxsi %max3A_598, %sub3A_588 : vector<16xi32>
      %min3A_600 = vector.broadcast %jit3A_597 : i32 to vector<16xi32>
      %min3A_601 = arith.minsi %min3A_600, %max3A_599 : vector<16xi32>
      %add3A_602 = arith.constant 96 : i32
      %add3A_603 = vector.broadcast %add3A_602 : i32 to vector<16xi32>
      %add3A_604 = arith.addi %add3A_603, %iota3A : vector<16xi32>
      %gather3A_605 = tpu.vector_load_idx %arg5[%broadcast_in_dim3A_397, %min3A_601, %add3A_604] masked %and3A_595 : memref<4x128x128xf32, #tpu.memory_space<vmem>>[vector<16xi32>, vector<16xi32>, vector<16xi32>], vector<16xf32>, vector<16xi1>
      %select_n3A_606 = arith.select %and3A_595, %gather3A_605, %select_n3A_324 : vector<16xi1>, vector<16xf32>
      %add3A_607 = arith.constant 96 : i32
      %add3A_608 = vector.broadcast %add3A_607 : i32 to vector<16xi32>
      %add3A_609 = arith.addi %add3A_608, %iota3A : vector<16xi32>
      tpu.vector_store_idx %arg5[%broadcast_in_dim3A_397, %min3A_601, %add3A_609], %broadcast_in_dim3A_399 masked %and3A_595 : memref<4x128x128xf32, #tpu.memory_space<vmem>>[vector<16xi32>, vector<16xi32>, vector<16xi32>], vector<16xf32>, vector<16xi1>
      %mul3A_610 = arith.constant 128 : i32
      %mul3A_611 = arith.muli %scan3A_59, %mul3A_610 : i32
      %add3A_612 = arith.constant 112 : i32
      %add3A_613 = arith.addi %mul3A_611, %add3A_612 : i32
      %get3A_614 = arith.index_cast %add3A_613 : i32 to index
      %get3A_615 = tpu.vector_load %arg6[%get3A_614] {strides = array<i32>} : memref<256xi32, #tpu.memory_space<vmem>>, vector<16xi32>,
      %sub3A_616 = arith.constant 128 : i32
      %sub3A_617 = vector.broadcast %sub3A_616 : i32 to vector<16xi32>
      %sub3A_618 = arith.subi %get3A_615, %sub3A_617 : vector<16xi32>
      %ge3A_619 = arith.constant 0 : i32
      %ge3A_620 = vector.broadcast %ge3A_619 : i32 to vector<16xi32>
      %ge3A_621 = arith.cmpi sge, %sub3A_618, %ge3A_620 : vector<16xi32>
      %lt3A_622 = arith.constant 128 : i32
      %lt3A_623 = vector.broadcast %lt3A_622 : i32 to vector<16xi32>
      %lt3A_624 = arith.cmpi slt, %sub3A_618, %lt3A_623 : vector<16xi32>
      %and3A_625 = arith.andi %ge3A_621, %lt3A_624 : vector<16xi1>
      %jit3A_626 = arith.constant 0 : i32
      %jit3A_627 = arith.constant 127 : i32
      %max3A_628 = vector.broadcast %jit3A_626 : i32 to vector<16xi32>
      %max3A_629 = arith.maxsi %max3A_628, %sub3A_618 : vector<16xi32>
      %min3A_630 = vector.broadcast %jit3A_627 : i32 to vector<16xi32>
      %min3A_631 = arith.minsi %min3A_630, %max3A_629 : vector<16xi32>
      %add3A_632 = arith.constant 112 : i32
      %add3A_633 = vector.broadcast %add3A_632 : i32 to vector<16xi32>
      %add3A_634 = arith.addi %add3A_633, %iota3A : vector<16xi32>
      %gather3A_635 = tpu.vector_load_idx %arg5[%broadcast_in_dim3A_397, %min3A_631, %add3A_634] masked %and3A_625 : memref<4x128x128xf32, #tpu.memory_space<vmem>>[vector<16xi32>, vector<16xi32>, vector<16xi32>], vector<16xf32>, vector<16xi1>
      %select_n3A_636 = arith.select %and3A_625, %gather3A_635, %select_n3A_354 : vector<16xi1>, vector<16xf32>
      %add3A_637 = arith.constant 112 : i32
      %add3A_638 = vector.broadcast %add3A_637 : i32 to vector<16xi32>
      %add3A_639 = arith.addi %add3A_638, %iota3A : vector<16xi32>
      tpu.vector_store_idx %arg5[%broadcast_in_dim3A_397, %min3A_631, %add3A_639], %broadcast_in_dim3A_399 masked %and3A_625 : memref<4x128x128xf32, #tpu.memory_space<vmem>>[vector<16xi32>, vector<16xi32>, vector<16xi32>], vector<16xf32>, vector<16xi1>
      %scan3A_640 = arith.constant 0 : i32
      %scan3A_641 = arith.constant 32 : i32
      %scan3A_642 = arith.addi %scan3A_640, %scan3A_641 : i32
      %scan3A_643 = arith.constant 1 : i32
      %scan3A_644:8 = scf.for %scan3A_2421 = %scan3A_640 to %scan3A_642 step %scan3A_643 iter_args(%scan3A_2422 = %scan3A_362#0, %scan3A_2423 = %scan3A_362#1, %scan3A_2424 = %scan3A_362#2, %scan3A_2425 = %scan3A_362#3, %scan3A_2426 = %scan3A_362#4, %scan3A_2427 = %scan3A_362#5, %scan3A_2428 = %scan3A_362#6, %scan3A_2429 = %scan3A_362#7) -> (vector<16xf32>, vector<16xf32>, vector<16xf32>, vector<16xf32>, vector<16xf32>, vector<16xf32>, vector<16xf32>, vector<16xf32>)  : i32 {
        %mul3A_2430 = arith.constant 4 : i32
        %mul3A_2431 = arith.muli %mul3A_2430, %scan3A_2421 : i32
        %add3A_2432 = arith.constant 0 : i32
        %add3A_2433 = arith.addi %mul3A_2431, %add3A_2432 : i32
        %get3A_2434 = arith.constant 1 : i32
        %get3A_2435 = arith.index_cast %get3A_2434 : i32 to index
        %get3A_2436 = arith.index_cast %add3A_2433 : i32 to index
        %get3A_2437 = arith.constant 0 : index
        %get3A_2438 = tpu.vector_load %arg5[%get3A_2435, %get3A_2436, %get3A_2437] {strides = array<i32>} : memref<4x128x128xf32, #tpu.memory_space<vmem>>, vector<16xf32>,
        %max3A_2439 = arith.maximumf %scan3A_2422, %get3A_2438 : vector<16xf32>
        %add3A_2440 = arith.constant 0 : i32
        %add3A_2441 = arith.addi %mul3A_2431, %add3A_2440 : i32
        %get3A_2442 = arith.constant 1 : i32
        %get3A_2443 = arith.index_cast %get3A_2442 : i32 to index
        %get3A_2444 = arith.index_cast %add3A_2441 : i32 to index
        %get3A_2445 = arith.constant 16 : index
        %get3A_2446 = tpu.vector_load %arg5[%get3A_2443, %get3A_2444, %get3A_2445] {strides = array<i32>} : memref<4x128x128xf32, #tpu.memory_space<vmem>>, vector<16xf32>,
        %max3A_2447 = arith.maximumf %scan3A_2423, %get3A_2446 : vector<16xf32>
        %add3A_2448 = arith.constant 0 : i32
        %add3A_2449 = arith.addi %mul3A_2431, %add3A_2448 : i32
        %get3A_2450 = arith.constant 1 : i32
        %get3A_2451 = arith.index_cast %get3A_2450 : i32 to index
        %get3A_2452 = arith.index_cast %add3A_2449 : i32 to index
        %get3A_2453 = arith.constant 32 : index
        %get3A_2454 = tpu.vector_load %arg5[%get3A_2451, %get3A_2452, %get3A_2453] {strides = array<i32>} : memref<4x128x128xf32, #tpu.memory_space<vmem>>, vector<16xf32>,
        %max3A_2455 = arith.maximumf %scan3A_2424, %get3A_2454 : vector<16xf32>
        %add3A_2456 = arith.constant 0 : i32
        %add3A_2457 = arith.addi %mul3A_2431, %add3A_2456 : i32
        %get3A_2458 = arith.constant 1 : i32
        %get3A_2459 = arith.index_cast %get3A_2458 : i32 to index
        %get3A_2460 = arith.index_cast %add3A_2457 : i32 to index
        %get3A_2461 = arith.constant 48 : index
        %get3A_2462 = tpu.vector_load %arg5[%get3A_2459, %get3A_2460, %get3A_2461] {strides = array<i32>} : memref<4x128x128xf32, #tpu.memory_space<vmem>>, vector<16xf32>,
        %max3A_2463 = arith.maximumf %scan3A_2425, %get3A_2462 : vector<16xf32>
        %add3A_2464 = arith.constant 0 : i32
        %add3A_2465 = arith.addi %mul3A_2431, %add3A_2464 : i32
        %get3A_2466 = arith.constant 1 : i32
        %get3A_2467 = arith.index_cast %get3A_2466 : i32 to index
        %get3A_2468 = arith.index_cast %add3A_2465 : i32 to index
        %get3A_2469 = arith.constant 64 : index
        %get3A_2470 = tpu.vector_load %arg5[%get3A_2467, %get3A_2468, %get3A_2469] {strides = array<i32>} : memref<4x128x128xf32, #tpu.memory_space<vmem>>, vector<16xf32>,
        %max3A_2471 = arith.maximumf %scan3A_2426, %get3A_2470 : vector<16xf32>
        %add3A_2472 = arith.constant 0 : i32
        %add3A_2473 = arith.addi %mul3A_2431, %add3A_2472 : i32
        %get3A_2474 = arith.constant 1 : i32
        %get3A_2475 = arith.index_cast %get3A_2474 : i32 to index
        %get3A_2476 = arith.index_cast %add3A_2473 : i32 to index
        %get3A_2477 = arith.constant 80 : index
        %get3A_2478 = tpu.vector_load %arg5[%get3A_2475, %get3A_2476, %get3A_2477] {strides = array<i32>} : memref<4x128x128xf32, #tpu.memory_space<vmem>>, vector<16xf32>,
        %max3A_2479 = arith.maximumf %scan3A_2427, %get3A_2478 : vector<16xf32>
        %add3A_2480 = arith.constant 0 : i32
        %add3A_2481 = arith.addi %mul3A_2431, %add3A_2480 : i32
        %get3A_2482 = arith.constant 1 : i32
        %get3A_2483 = arith.index_cast %get3A_2482 : i32 to index
        %get3A_2484 = arith.index_cast %add3A_2481 : i32 to index
        %get3A_2485 = arith.constant 96 : index
        %get3A_2486 = tpu.vector_load %arg5[%get3A_2483, %get3A_2484, %get3A_2485] {strides = array<i32>} : memref<4x128x128xf32, #tpu.memory_space<vmem>>, vector<16xf32>,
        %max3A_2487 = arith.maximumf %scan3A_2428, %get3A_2486 : vector<16xf32>
        %add3A_2488 = arith.constant 0 : i32
        %add3A_2489 = arith.addi %mul3A_2431, %add3A_2488 : i32
        %get3A_2490 = arith.constant 1 : i32
        %get3A_2491 = arith.index_cast %get3A_2490 : i32 to index
        %get3A_2492 = arith.index_cast %add3A_2489 : i32 to index
        %get3A_2493 = arith.constant 112 : index
        %get3A_2494 = tpu.vector_load %arg5[%get3A_2491, %get3A_2492, %get3A_2493] {strides = array<i32>} : memref<4x128x128xf32, #tpu.memory_space<vmem>>, vector<16xf32>,
        %max3A_2495 = arith.maximumf %scan3A_2429, %get3A_2494 : vector<16xf32>
        %add3A_2496 = arith.constant 1 : i32
        %add3A_2497 = arith.addi %mul3A_2431, %add3A_2496 : i32
        %get3A_2498 = arith.constant 1 : i32
        %get3A_2499 = arith.index_cast %get3A_2498 : i32 to index
        %get3A_2500 = arith.index_cast %add3A_2497 : i32 to index
        %get3A_2501 = arith.constant 0 : index
        %get3A_2502 = tpu.vector_load %arg5[%get3A_2499, %get3A_2500, %get3A_2501] {strides = array<i32>} : memref<4x128x128xf32, #tpu.memory_space<vmem>>, vector<16xf32>,
        %max3A_2503 = arith.maximumf %max3A_2439, %get3A_2502 : vector<16xf32>
        %add3A_2504 = arith.constant 1 : i32
        %add3A_2505 = arith.addi %mul3A_2431, %add3A_2504 : i32
        %get3A_2506 = arith.constant 1 : i32
        %get3A_2507 = arith.index_cast %get3A_2506 : i32 to index
        %get3A_2508 = arith.index_cast %add3A_2505 : i32 to index
        %get3A_2509 = arith.constant 16 : index
        %get3A_2510 = tpu.vector_load %arg5[%get3A_2507, %get3A_2508, %get3A_2509] {strides = array<i32>} : memref<4x128x128xf32, #tpu.memory_space<vmem>>, vector<16xf32>,
        %max3A_2511 = arith.maximumf %max3A_2447, %get3A_2510 : vector<16xf32>
        %add3A_2512 = arith.constant 1 : i32
        %add3A_2513 = arith.addi %mul3A_2431, %add3A_2512 : i32
        %get3A_2514 = arith.constant 1 : i32
        %get3A_2515 = arith.index_cast %get3A_2514 : i32 to index
        %get3A_2516 = arith.index_cast %add3A_2513 : i32 to index
        %get3A_2517 = arith.constant 32 : index
        %get3A_2518 = tpu.vector_load %arg5[%get3A_2515, %get3A_2516, %get3A_2517] {strides = array<i32>} : memref<4x128x128xf32, #tpu.memory_space<vmem>>, vector<16xf32>,
        %max3A_2519 = arith.maximumf %max3A_2455, %get3A_2518 : vector<16xf32>
        %add3A_2520 = arith.constant 1 : i32
        %add3A_2521 = arith.addi %mul3A_2431, %add3A_2520 : i32
        %get3A_2522 = arith.constant 1 : i32
        %get3A_2523 = arith.index_cast %get3A_2522 : i32 to index
        %get3A_2524 = arith.index_cast %add3A_2521 : i32 to index
        %get3A_2525 = arith.constant 48 : index
        %get3A_2526 = tpu.vector_load %arg5[%get3A_2523, %get3A_2524, %get3A_2525] {strides = array<i32>} : memref<4x128x128xf32, #tpu.memory_space<vmem>>, vector<16xf32>,
        %max3A_2527 = arith.maximumf %max3A_2463, %get3A_2526 : vector<16xf32>
        %add3A_2528 = arith.constant 1 : i32
        %add3A_2529 = arith.addi %mul3A_2431, %add3A_2528 : i32
        %get3A_2530 = arith.constant 1 : i32
        %get3A_2531 = arith.index_cast %get3A_2530 : i32 to index
        %get3A_2532 = arith.index_cast %add3A_2529 : i32 to index
        %get3A_2533 = arith.constant 64 : index
        %get3A_2534 = tpu.vector_load %arg5[%get3A_2531, %get3A_2532, %get3A_2533] {strides = array<i32>} : memref<4x128x128xf32, #tpu.memory_space<vmem>>, vector<16xf32>,
        %max3A_2535 = arith.maximumf %max3A_2471, %get3A_2534 : vector<16xf32>
        %add3A_2536 = arith.constant 1 : i32
        %add3A_2537 = arith.addi %mul3A_2431, %add3A_2536 : i32
        %get3A_2538 = arith.constant 1 : i32
        %get3A_2539 = arith.index_cast %get3A_2538 : i32 to index
        %get3A_2540 = arith.index_cast %add3A_2537 : i32 to index
        %get3A_2541 = arith.constant 80 : index
        %get3A_2542 = tpu.vector_load %arg5[%get3A_2539, %get3A_2540, %get3A_2541] {strides = array<i32>} : memref<4x128x128xf32, #tpu.memory_space<vmem>>, vector<16xf32>,
        %max3A_2543 = arith.maximumf %max3A_2479, %get3A_2542 : vector<16xf32>
        %add3A_2544 = arith.constant 1 : i32
        %add3A_2545 = arith.addi %mul3A_2431, %add3A_2544 : i32
        %get3A_2546 = arith.constant 1 : i32
        %get3A_2547 = arith.index_cast %get3A_2546 : i32 to index
        %get3A_2548 = arith.index_cast %add3A_2545 : i32 to index
        %get3A_2549 = arith.constant 96 : index
        %get3A_2550 = tpu.vector_load %arg5[%get3A_2547, %get3A_2548, %get3A_2549] {strides = array<i32>} : memref<4x128x128xf32, #tpu.memory_space<vmem>>, vector<16xf32>,
        %max3A_2551 = arith.maximumf %max3A_2487, %get3A_2550 : vector<16xf32>
        %add3A_2552 = arith.constant 1 : i32
        %add3A_2553 = arith.addi %mul3A_2431, %add3A_2552 : i32
        %get3A_2554 = arith.constant 1 : i32
        %get3A_2555 = arith.index_cast %get3A_2554 : i32 to index
        %get3A_2556 = arith.index_cast %add3A_2553 : i32 to index
        %get3A_2557 = arith.constant 112 : index
        %get3A_2558 = tpu.vector_load %arg5[%get3A_2555, %get3A_2556, %get3A_2557] {strides = array<i32>} : memref<4x128x128xf32, #tpu.memory_space<vmem>>, vector<16xf32>,
        %max3A_2559 = arith.maximumf %max3A_2495, %get3A_2558 : vector<16xf32>
        %add3A_2560 = arith.constant 2 : i32
        %add3A_2561 = arith.addi %mul3A_2431, %add3A_2560 : i32
        %get3A_2562 = arith.constant 1 : i32
        %get3A_2563 = arith.index_cast %get3A_2562 : i32 to index
        %get3A_2564 = arith.index_cast %add3A_2561 : i32 to index
        %get3A_2565 = arith.constant 0 : index
        %get3A_2566 = tpu.vector_load %arg5[%get3A_2563, %get3A_2564, %get3A_2565] {strides = array<i32>} : memref<4x128x128xf32, #tpu.memory_space<vmem>>, vector<16xf32>,
        %max3A_2567 = arith.maximumf %max3A_2503, %get3A_2566 : vector<16xf32>
        %add3A_2568 = arith.constant 2 : i32
        %add3A_2569 = arith.addi %mul3A_2431, %add3A_2568 : i32
        %get3A_2570 = arith.constant 1 : i32
        %get3A_2571 = arith.index_cast %get3A_2570 : i32 to index
        %get3A_2572 = arith.index_cast %add3A_2569 : i32 to index
        %get3A_2573 = arith.constant 16 : index
        %get3A_2574 = tpu.vector_load %arg5[%get3A_2571, %get3A_2572, %get3A_2573] {strides = array<i32>} : memref<4x128x128xf32, #tpu.memory_space<vmem>>, vector<16xf32>,
        %max3A_2575 = arith.maximumf %max3A_2511, %get3A_2574 : vector<16xf32>
        %add3A_2576 = arith.constant 2 : i32
        %add3A_2577 = arith.addi %mul3A_2431, %add3A_2576 : i32
        %get3A_2578 = arith.constant 1 : i32
        %get3A_2579 = arith.index_cast %get3A_2578 : i32 to index
        %get3A_2580 = arith.index_cast %add3A_2577 : i32 to index
        %get3A_2581 = arith.constant 32 : index
        %get3A_2582 = tpu.vector_load %arg5[%get3A_2579, %get3A_2580, %get3A_2581] {strides = array<i32>} : memref<4x128x128xf32, #tpu.memory_space<vmem>>, vector<16xf32>,
        %max3A_2583 = arith.maximumf %max3A_2519, %get3A_2582 : vector<16xf32>
        %add3A_2584 = arith.constant 2 : i32
        %add3A_2585 = arith.addi %mul3A_2431, %add3A_2584 : i32
        %get3A_2586 = arith.constant 1 : i32
        %get3A_2587 = arith.index_cast %get3A_2586 : i32 to index
        %get3A_2588 = arith.index_cast %add3A_2585 : i32 to index
        %get3A_2589 = arith.constant 48 : index
        %get3A_2590 = tpu.vector_load %arg5[%get3A_2587, %get3A_2588, %get3A_2589] {strides = array<i32>} : memref<4x128x128xf32, #tpu.memory_space<vmem>>, vector<16xf32>,
        %max3A_2591 = arith.maximumf %max3A_2527, %get3A_2590 : vector<16xf32>
        %add3A_2592 = arith.constant 2 : i32
        %add3A_2593 = arith.addi %mul3A_2431, %add3A_2592 : i32
        %get3A_2594 = arith.constant 1 : i32
        %get3A_2595 = arith.index_cast %get3A_2594 : i32 to index
        %get3A_2596 = arith.index_cast %add3A_2593 : i32 to index
        %get3A_2597 = arith.constant 64 : index
        %get3A_2598 = tpu.vector_load %arg5[%get3A_2595, %get3A_2596, %get3A_2597] {strides = array<i32>} : memref<4x128x128xf32, #tpu.memory_space<vmem>>, vector<16xf32>,
        %max3A_2599 = arith.maximumf %max3A_2535, %get3A_2598 : vector<16xf32>
        %add3A_2600 = arith.constant 2 : i32
        %add3A_2601 = arith.addi %mul3A_2431, %add3A_2600 : i32
        %get3A_2602 = arith.constant 1 : i32
        %get3A_2603 = arith.index_cast %get3A_2602 : i32 to index
        %get3A_2604 = arith.index_cast %add3A_2601 : i32 to index
        %get3A_2605 = arith.constant 80 : index
        %get3A_2606 = tpu.vector_load %arg5[%get3A_2603, %get3A_2604, %get3A_2605] {strides = array<i32>} : memref<4x128x128xf32, #tpu.memory_space<vmem>>, vector<16xf32>,
        %max3A_2607 = arith.maximumf %max3A_2543, %get3A_2606 : vector<16xf32>
        %add3A_2608 = arith.constant 2 : i32
        %add3A_2609 = arith.addi %mul3A_2431, %add3A_2608 : i32
        %get3A_2610 = arith.constant 1 : i32
        %get3A_2611 = arith.index_cast %get3A_2610 : i32 to index
        %get3A_2612 = arith.index_cast %add3A_2609 : i32 to index
        %get3A_2613 = arith.constant 96 : index
        %get3A_2614 = tpu.vector_load %arg5[%get3A_2611, %get3A_2612, %get3A_2613] {strides = array<i32>} : memref<4x128x128xf32, #tpu.memory_space<vmem>>, vector<16xf32>,
        %max3A_2615 = arith.maximumf %max3A_2551, %get3A_2614 : vector<16xf32>
        %add3A_2616 = arith.constant 2 : i32
        %add3A_2617 = arith.addi %mul3A_2431, %add3A_2616 : i32
        %get3A_2618 = arith.constant 1 : i32
        %get3A_2619 = arith.index_cast %get3A_2618 : i32 to index
        %get3A_2620 = arith.index_cast %add3A_2617 : i32 to index
        %get3A_2621 = arith.constant 112 : index
        %get3A_2622 = tpu.vector_load %arg5[%get3A_2619, %get3A_2620, %get3A_2621] {strides = array<i32>} : memref<4x128x128xf32, #tpu.memory_space<vmem>>, vector<16xf32>,
        %max3A_2623 = arith.maximumf %max3A_2559, %get3A_2622 : vector<16xf32>
        %add3A_2624 = arith.constant 3 : i32
        %add3A_2625 = arith.addi %mul3A_2431, %add3A_2624 : i32
        %get3A_2626 = arith.constant 1 : i32
        %get3A_2627 = arith.index_cast %get3A_2626 : i32 to index
        %get3A_2628 = arith.index_cast %add3A_2625 : i32 to index
        %get3A_2629 = arith.constant 0 : index
        %get3A_2630 = tpu.vector_load %arg5[%get3A_2627, %get3A_2628, %get3A_2629] {strides = array<i32>} : memref<4x128x128xf32, #tpu.memory_space<vmem>>, vector<16xf32>,
        %max3A_2631 = arith.maximumf %max3A_2567, %get3A_2630 : vector<16xf32>
        %add3A_2632 = arith.constant 3 : i32
        %add3A_2633 = arith.addi %mul3A_2431, %add3A_2632 : i32
        %get3A_2634 = arith.constant 1 : i32
        %get3A_2635 = arith.index_cast %get3A_2634 : i32 to index
        %get3A_2636 = arith.index_cast %add3A_2633 : i32 to index
        %get3A_2637 = arith.constant 16 : index
        %get3A_2638 = tpu.vector_load %arg5[%get3A_2635, %get3A_2636, %get3A_2637] {strides = array<i32>} : memref<4x128x128xf32, #tpu.memory_space<vmem>>, vector<16xf32>,
        %max3A_2639 = arith.maximumf %max3A_2575, %get3A_2638 : vector<16xf32>
        %add3A_2640 = arith.constant 3 : i32
        %add3A_2641 = arith.addi %mul3A_2431, %add3A_2640 : i32
        %get3A_2642 = arith.constant 1 : i32
        %get3A_2643 = arith.index_cast %get3A_2642 : i32 to index
        %get3A_2644 = arith.index_cast %add3A_2641 : i32 to index
        %get3A_2645 = arith.constant 32 : index
        %get3A_2646 = tpu.vector_load %arg5[%get3A_2643, %get3A_2644, %get3A_2645] {strides = array<i32>} : memref<4x128x128xf32, #tpu.memory_space<vmem>>, vector<16xf32>,
        %max3A_2647 = arith.maximumf %max3A_2583, %get3A_2646 : vector<16xf32>
        %add3A_2648 = arith.constant 3 : i32
        %add3A_2649 = arith.addi %mul3A_2431, %add3A_2648 : i32
        %get3A_2650 = arith.constant 1 : i32
        %get3A_2651 = arith.index_cast %get3A_2650 : i32 to index
        %get3A_2652 = arith.index_cast %add3A_2649 : i32 to index
        %get3A_2653 = arith.constant 48 : index
        %get3A_2654 = tpu.vector_load %arg5[%get3A_2651, %get3A_2652, %get3A_2653] {strides = array<i32>} : memref<4x128x128xf32, #tpu.memory_space<vmem>>, vector<16xf32>,
        %max3A_2655 = arith.maximumf %max3A_2591, %get3A_2654 : vector<16xf32>
        %add3A_2656 = arith.constant 3 : i32
        %add3A_2657 = arith.addi %mul3A_2431, %add3A_2656 : i32
        %get3A_2658 = arith.constant 1 : i32
        %get3A_2659 = arith.index_cast %get3A_2658 : i32 to index
        %get3A_2660 = arith.index_cast %add3A_2657 : i32 to index
        %get3A_2661 = arith.constant 64 : index
        %get3A_2662 = tpu.vector_load %arg5[%get3A_2659, %get3A_2660, %get3A_2661] {strides = array<i32>} : memref<4x128x128xf32, #tpu.memory_space<vmem>>, vector<16xf32>,
        %max3A_2663 = arith.maximumf %max3A_2599, %get3A_2662 : vector<16xf32>
        %add3A_2664 = arith.constant 3 : i32
        %add3A_2665 = arith.addi %mul3A_2431, %add3A_2664 : i32
        %get3A_2666 = arith.constant 1 : i32
        %get3A_2667 = arith.index_cast %get3A_2666 : i32 to index
        %get3A_2668 = arith.index_cast %add3A_2665 : i32 to index
        %get3A_2669 = arith.constant 80 : index
        %get3A_2670 = tpu.vector_load %arg5[%get3A_2667, %get3A_2668, %get3A_2669] {strides = array<i32>} : memref<4x128x128xf32, #tpu.memory_space<vmem>>, vector<16xf32>,
        %max3A_2671 = arith.maximumf %max3A_2607, %get3A_2670 : vector<16xf32>
        %add3A_2672 = arith.constant 3 : i32
        %add3A_2673 = arith.addi %mul3A_2431, %add3A_2672 : i32
        %get3A_2674 = arith.constant 1 : i32
        %get3A_2675 = arith.index_cast %get3A_2674 : i32 to index
        %get3A_2676 = arith.index_cast %add3A_2673 : i32 to index
        %get3A_2677 = arith.constant 96 : index
        %get3A_2678 = tpu.vector_load %arg5[%get3A_2675, %get3A_2676, %get3A_2677] {strides = array<i32>} : memref<4x128x128xf32, #tpu.memory_space<vmem>>, vector<16xf32>,
        %max3A_2679 = arith.maximumf %max3A_2615, %get3A_2678 : vector<16xf32>
        %add3A_2680 = arith.constant 3 : i32
        %add3A_2681 = arith.addi %mul3A_2431, %add3A_2680 : i32
        %get3A_2682 = arith.constant 1 : i32
        %get3A_2683 = arith.index_cast %get3A_2682 : i32 to index
        %get3A_2684 = arith.index_cast %add3A_2681 : i32 to index
        %get3A_2685 = arith.constant 112 : index
        %get3A_2686 = tpu.vector_load %arg5[%get3A_2683, %get3A_2684, %get3A_2685] {strides = array<i32>} : memref<4x128x128xf32, #tpu.memory_space<vmem>>, vector<16xf32>,
        %max3A_2687 = arith.maximumf %max3A_2623, %get3A_2686 : vector<16xf32>
        scf.yield %max3A_2631, %max3A_2639, %max3A_2647, %max3A_2655, %max3A_2663, %max3A_2671, %max3A_2679, %max3A_2687 : vector<16xf32>, vector<16xf32>, vector<16xf32>, vector<16xf32>, vector<16xf32>, vector<16xf32>, vector<16xf32>, vector<16xf32>
      }
      %scan3A_645 = arith.constant 32 : i32
      %mul3A_646 = arith.constant 128 : i32
      %mul3A_647 = arith.muli %scan3A_59, %mul3A_646 : i32
      %add3A_648 = arith.addi %add3A_4, %mul3A_647 : i32
      %dma_wait3A_649 = arith.constant 2 : i32
      %dma_wait3A_650 = arith.constant 0 : i32
      %dma_wait3A_651 = arith.constant 0 : i32
      %dma_wait3A_652 = tpu.memref_slice %arg5[%dma_wait3A_649, %dma_wait3A_650, %dma_wait3A_651] : memref<4x128x128xf32, #tpu.memory_space<vmem>> -> memref<1x128x128xf32, #tpu.memory_space<vmem>>
      %dma_wait3A_653 = tpu.memref_squeeze %dma_wait3A_652 : memref<1x128x128xf32, #tpu.memory_space<vmem>> -> memref<128x128xf32, #tpu.memory_space<vmem>>
      %dma_wait3A_654 = arith.constant 256 : i32
      %dma_wait3A_655 = tpu.memref_slice %arg2[%dma_wait3A_654, %add3A_648] : memref<1000x16384xf32, #tpu.memory_space<hbm>> -> memref<128x128xf32, #tpu.memory_space<hbm>>
      %dma_wait3A_656 = arith.constant 0 : i32
      %dma_wait3A_657 = arith.constant 0 : i32
      %dma_wait3A_658 = tpu.memref_slice %arg5[%dma_wait3A_649, %dma_wait3A_656, %dma_wait3A_657] : memref<4x128x128xf32, #tpu.memory_space<vmem>> -> memref<1x128x128xf32, #tpu.memory_space<vmem>>
      %dma_wait3A_659 = tpu.memref_squeeze %dma_wait3A_658 : memref<1x128x128xf32, #tpu.memory_space<vmem>> -> memref<128x128xf32, #tpu.memory_space<vmem>>
      %dma_wait3A_660 = arith.constant 256 : i32
      %dma_wait3A_661 = tpu.memref_slice %arg2[%dma_wait3A_660, %add3A_648] : memref<1000x16384xf32, #tpu.memory_space<hbm>> -> memref<128x128xf32, #tpu.memory_space<hbm>>
      tpu.wait_dma2 semaphore(%arg10 : memref<!tpu.dma_semaphore, #tpu.memory_space<semaphore_mem>>) src(%dma_wait3A_661 : memref<128x128xf32, #tpu.memory_space<hbm>>) dst(%dma_wait3A_659 : memref<128x128xf32, #tpu.memory_space<vmem>>)
      %mul3A_662 = arith.constant 128 : i32
      %mul3A_663 = arith.muli %scan3A_59, %mul3A_662 : i32
      %add3A_664 = arith.addi %add3A_4, %mul3A_663 : i32
      %dma_start3A_665 = arith.constant 1 : i32
      %dma_start3A_666 = arith.constant 0 : i32
      %dma_start3A_667 = arith.constant 0 : i32
      %dma_start3A_668 = tpu.memref_slice %arg5[%dma_start3A_665, %dma_start3A_666, %dma_start3A_667] : memref<4x128x128xf32, #tpu.memory_space<vmem>> -> memref<1x128x128xf32, #tpu.memory_space<vmem>>
      %dma_start3A_669 = tpu.memref_squeeze %dma_start3A_668 : memref<1x128x128xf32, #tpu.memory_space<vmem>> -> memref<128x128xf32, #tpu.memory_space<vmem>>
      %dma_start3A_670 = arith.constant 640 : i32
      %dma_start3A_671 = tpu.memref_slice %arg2[%dma_start3A_670, %add3A_664] : memref<1000x16384xf32, #tpu.memory_space<hbm>> -> memref<128x128xf32, #tpu.memory_space<hbm>>
      %dma_start3A_672 = arith.constant 0 : i32
      %dma_start3A_673 = arith.constant 0 : i32
      %dma_start3A_674 = tpu.memref_slice %arg5[%dma_start3A_665, %dma_start3A_672, %dma_start3A_673] : memref<4x128x128xf32, #tpu.memory_space<vmem>> -> memref<1x128x128xf32, #tpu.memory_space<vmem>>
      %dma_start3A_675 = tpu.memref_squeeze %dma_start3A_674 : memref<1x128x128xf32, #tpu.memory_space<vmem>> -> memref<128x128xf32, #tpu.memory_space<vmem>>
      %dma_start3A_676 = arith.constant 640 : i32
      %dma_start3A_677 = tpu.memref_slice %arg2[%dma_start3A_676, %add3A_664] : memref<1000x16384xf32, #tpu.memory_space<hbm>> -> memref<128x128xf32, #tpu.memory_space<hbm>>
      tpu.enqueue_dma source(%dma_start3A_677 : memref<128x128xf32, #tpu.memory_space<hbm>>) target(%dma_start3A_675 : memref<128x128xf32, #tpu.memory_space<vmem>>) target_semaphore(%arg9 : memref<!tpu.dma_semaphore, #tpu.memory_space<semaphore_mem>>)
      %broadcast_in_dim3A_678 = arith.constant 2 : i32
      %broadcast_in_dim3A_679 = vector.broadcast %broadcast_in_dim3A_678 : i32 to vector<16xi32>
      %broadcast_in_dim3A_680 = arith.constant -1.000000e+10 : f32
      %broadcast_in_dim3A_681 = vector.broadcast %broadcast_in_dim3A_680 : f32 to vector<16xf32>
      %mul3A_682 = arith.constant 128 : i32
      %mul3A_683 = arith.muli %scan3A_59, %mul3A_682 : i32
      %add3A_684 = arith.constant 0 : i32
      %add3A_685 = arith.addi %mul3A_683, %add3A_684 : i32
      %get3A_686 = arith.index_cast %add3A_685 : i32 to index
      %get3A_687 = tpu.vector_load %arg6[%get3A_686] {strides = array<i32>} : memref<256xi32, #tpu.memory_space<vmem>>, vector<16xi32>,
      %sub3A_688 = arith.constant 256 : i32
      %sub3A_689 = vector.broadcast %sub3A_688 : i32 to vector<16xi32>
      %sub3A_690 = arith.subi %get3A_687, %sub3A_689 : vector<16xi32>
      %ge3A_691 = arith.constant 0 : i32
      %ge3A_692 = vector.broadcast %ge3A_691 : i32 to vector<16xi32>
      %ge3A_693 = arith.cmpi sge, %sub3A_690, %ge3A_692 : vector<16xi32>
      %lt3A_694 = arith.constant 128 : i32
      %lt3A_695 = vector.broadcast %lt3A_694 : i32 to vector<16xi32>
      %lt3A_696 = arith.cmpi slt, %sub3A_690, %lt3A_695 : vector<16xi32>
      %and3A_697 = arith.andi %ge3A_693, %lt3A_696 : vector<16xi1>
      %jit3A_698 = arith.constant 0 : i32
      %jit3A_699 = arith.constant 127 : i32
      %max3A_700 = vector.broadcast %jit3A_698 : i32 to vector<16xi32>
      %max3A_701 = arith.maxsi %max3A_700, %sub3A_690 : vector<16xi32>
      %min3A_702 = vector.broadcast %jit3A_699 : i32 to vector<16xi32>
      %min3A_703 = arith.minsi %min3A_702, %max3A_701 : vector<16xi32>
      %add3A_704 = arith.constant 0 : i32
      %add3A_705 = vector.broadcast %add3A_704 : i32 to vector<16xi32>
      %add3A_706 = arith.addi %add3A_705, %iota3A : vector<16xi32>
      %gather3A_707 = tpu.vector_load_idx %arg5[%broadcast_in_dim3A_679, %min3A_703, %add3A_706] masked %and3A_697 : memref<4x128x128xf32, #tpu.memory_space<vmem>>[vector<16xi32>, vector<16xi32>, vector<16xi32>], vector<16xf32>, vector<16xi1>
      %select_n3A_708 = arith.select %and3A_697, %gather3A_707, %select_n3A_426 : vector<16xi1>, vector<16xf32>
      %add3A_709 = arith.constant 0 : i32
      %add3A_710 = vector.broadcast %add3A_709 : i32 to vector<16xi32>
      %add3A_711 = arith.addi %add3A_710, %iota3A : vector<16xi32>
      tpu.vector_store_idx %arg5[%broadcast_in_dim3A_679, %min3A_703, %add3A_711], %broadcast_in_dim3A_681 masked %and3A_697 : memref<4x128x128xf32, #tpu.memory_space<vmem>>[vector<16xi32>, vector<16xi32>, vector<16xi32>], vector<16xf32>, vector<16xi1>
      %mul3A_712 = arith.constant 128 : i32
      %mul3A_713 = arith.muli %scan3A_59, %mul3A_712 : i32
      %add3A_714 = arith.constant 16 : i32
      %add3A_715 = arith.addi %mul3A_713, %add3A_714 : i32
      %get3A_716 = arith.index_cast %add3A_715 : i32 to index
      %get3A_717 = tpu.vector_load %arg6[%get3A_716] {strides = array<i32>} : memref<256xi32, #tpu.memory_space<vmem>>, vector<16xi32>,
      %sub3A_718 = arith.constant 256 : i32
      %sub3A_719 = vector.broadcast %sub3A_718 : i32 to vector<16xi32>
      %sub3A_720 = arith.subi %get3A_717, %sub3A_719 : vector<16xi32>
      %ge3A_721 = arith.constant 0 : i32
      %ge3A_722 = vector.broadcast %ge3A_721 : i32 to vector<16xi32>
      %ge3A_723 = arith.cmpi sge, %sub3A_720, %ge3A_722 : vector<16xi32>
      %lt3A_724 = arith.constant 128 : i32
      %lt3A_725 = vector.broadcast %lt3A_724 : i32 to vector<16xi32>
      %lt3A_726 = arith.cmpi slt, %sub3A_720, %lt3A_725 : vector<16xi32>
      %and3A_727 = arith.andi %ge3A_723, %lt3A_726 : vector<16xi1>
      %jit3A_728 = arith.constant 0 : i32
      %jit3A_729 = arith.constant 127 : i32
      %max3A_730 = vector.broadcast %jit3A_728 : i32 to vector<16xi32>
      %max3A_731 = arith.maxsi %max3A_730, %sub3A_720 : vector<16xi32>
      %min3A_732 = vector.broadcast %jit3A_729 : i32 to vector<16xi32>
      %min3A_733 = arith.minsi %min3A_732, %max3A_731 : vector<16xi32>
      %add3A_734 = arith.constant 16 : i32
      %add3A_735 = vector.broadcast %add3A_734 : i32 to vector<16xi32>
      %add3A_736 = arith.addi %add3A_735, %iota3A : vector<16xi32>
      %gather3A_737 = tpu.vector_load_idx %arg5[%broadcast_in_dim3A_679, %min3A_733, %add3A_736] masked %and3A_727 : memref<4x128x128xf32, #tpu.memory_space<vmem>>[vector<16xi32>, vector<16xi32>, vector<16xi32>], vector<16xf32>, vector<16xi1>
      %select_n3A_738 = arith.select %and3A_727, %gather3A_737, %select_n3A_456 : vector<16xi1>, vector<16xf32>
      %add3A_739 = arith.constant 16 : i32
      %add3A_740 = vector.broadcast %add3A_739 : i32 to vector<16xi32>
      %add3A_741 = arith.addi %add3A_740, %iota3A : vector<16xi32>
      tpu.vector_store_idx %arg5[%broadcast_in_dim3A_679, %min3A_733, %add3A_741], %broadcast_in_dim3A_681 masked %and3A_727 : memref<4x128x128xf32, #tpu.memory_space<vmem>>[vector<16xi32>, vector<16xi32>, vector<16xi32>], vector<16xf32>, vector<16xi1>
      %mul3A_742 = arith.constant 128 : i32
      %mul3A_743 = arith.muli %scan3A_59, %mul3A_742 : i32
      %add3A_744 = arith.constant 32 : i32
      %add3A_745 = arith.addi %mul3A_743, %add3A_744 : i32
      %get3A_746 = arith.index_cast %add3A_745 : i32 to index
      %get3A_747 = tpu.vector_load %arg6[%get3A_746] {strides = array<i32>} : memref<256xi32, #tpu.memory_space<vmem>>, vector<16xi32>,
      %sub3A_748 = arith.constant 256 : i32
      %sub3A_749 = vector.broadcast %sub3A_748 : i32 to vector<16xi32>
      %sub3A_750 = arith.subi %get3A_747, %sub3A_749 : vector<16xi32>
      %ge3A_751 = arith.constant 0 : i32
      %ge3A_752 = vector.broadcast %ge3A_751 : i32 to vector<16xi32>
      %ge3A_753 = arith.cmpi sge, %sub3A_750, %ge3A_752 : vector<16xi32>
      %lt3A_754 = arith.constant 128 : i32
      %lt3A_755 = vector.broadcast %lt3A_754 : i32 to vector<16xi32>
      %lt3A_756 = arith.cmpi slt, %sub3A_750, %lt3A_755 : vector<16xi32>
      %and3A_757 = arith.andi %ge3A_753, %lt3A_756 : vector<16xi1>
      %jit3A_758 = arith.constant 0 : i32
      %jit3A_759 = arith.constant 127 : i32
      %max3A_760 = vector.broadcast %jit3A_758 : i32 to vector<16xi32>
      %max3A_761 = arith.maxsi %max3A_760, %sub3A_750 : vector<16xi32>
      %min3A_762 = vector.broadcast %jit3A_759 : i32 to vector<16xi32>
      %min3A_763 = arith.minsi %min3A_762, %max3A_761 : vector<16xi32>
      %add3A_764 = arith.constant 32 : i32
      %add3A_765 = vector.broadcast %add3A_764 : i32 to vector<16xi32>
      %add3A_766 = arith.addi %add3A_765, %iota3A : vector<16xi32>
      %gather3A_767 = tpu.vector_load_idx %arg5[%broadcast_in_dim3A_679, %min3A_763, %add3A_766] masked %and3A_757 : memref<4x128x128xf32, #tpu.memory_space<vmem>>[vector<16xi32>, vector<16xi32>, vector<16xi32>], vector<16xf32>, vector<16xi1>
      %select_n3A_768 = arith.select %and3A_757, %gather3A_767, %select_n3A_486 : vector<16xi1>, vector<16xf32>
      %add3A_769 = arith.constant 32 : i32
      %add3A_770 = vector.broadcast %add3A_769 : i32 to vector<16xi32>
      %add3A_771 = arith.addi %add3A_770, %iota3A : vector<16xi32>
      tpu.vector_store_idx %arg5[%broadcast_in_dim3A_679, %min3A_763, %add3A_771], %broadcast_in_dim3A_681 masked %and3A_757 : memref<4x128x128xf32, #tpu.memory_space<vmem>>[vector<16xi32>, vector<16xi32>, vector<16xi32>], vector<16xf32>, vector<16xi1>
      %mul3A_772 = arith.constant 128 : i32
      %mul3A_773 = arith.muli %scan3A_59, %mul3A_772 : i32
      %add3A_774 = arith.constant 48 : i32
      %add3A_775 = arith.addi %mul3A_773, %add3A_774 : i32
      %get3A_776 = arith.index_cast %add3A_775 : i32 to index
      %get3A_777 = tpu.vector_load %arg6[%get3A_776] {strides = array<i32>} : memref<256xi32, #tpu.memory_space<vmem>>, vector<16xi32>,
      %sub3A_778 = arith.constant 256 : i32
      %sub3A_779 = vector.broadcast %sub3A_778 : i32 to vector<16xi32>
      %sub3A_780 = arith.subi %get3A_777, %sub3A_779 : vector<16xi32>
      %ge3A_781 = arith.constant 0 : i32
      %ge3A_782 = vector.broadcast %ge3A_781 : i32 to vector<16xi32>
      %ge3A_783 = arith.cmpi sge, %sub3A_780, %ge3A_782 : vector<16xi32>
      %lt3A_784 = arith.constant 128 : i32
      %lt3A_785 = vector.broadcast %lt3A_784 : i32 to vector<16xi32>
      %lt3A_786 = arith.cmpi slt, %sub3A_780, %lt3A_785 : vector<16xi32>
      %and3A_787 = arith.andi %ge3A_783, %lt3A_786 : vector<16xi1>
      %jit3A_788 = arith.constant 0 : i32
      %jit3A_789 = arith.constant 127 : i32
      %max3A_790 = vector.broadcast %jit3A_788 : i32 to vector<16xi32>
      %max3A_791 = arith.maxsi %max3A_790, %sub3A_780 : vector<16xi32>
      %min3A_792 = vector.broadcast %jit3A_789 : i32 to vector<16xi32>
      %min3A_793 = arith.minsi %min3A_792, %max3A_791 : vector<16xi32>
      %add3A_794 = arith.constant 48 : i32
      %add3A_795 = vector.broadcast %add3A_794 : i32 to vector<16xi32>
      %add3A_796 = arith.addi %add3A_795, %iota3A : vector<16xi32>
      %gather3A_797 = tpu.vector_load_idx %arg5[%broadcast_in_dim3A_679, %min3A_793, %add3A_796] masked %and3A_787 : memref<4x128x128xf32, #tpu.memory_space<vmem>>[vector<16xi32>, vector<16xi32>, vector<16xi32>], vector<16xf32>, vector<16xi1>
      %select_n3A_798 = arith.select %and3A_787, %gather3A_797, %select_n3A_516 : vector<16xi1>, vector<16xf32>
      %add3A_799 = arith.constant 48 : i32
      %add3A_800 = vector.broadcast %add3A_799 : i32 to vector<16xi32>
      %add3A_801 = arith.addi %add3A_800, %iota3A : vector<16xi32>
      tpu.vector_store_idx %arg5[%broadcast_in_dim3A_679, %min3A_793, %add3A_801], %broadcast_in_dim3A_681 masked %and3A_787 : memref<4x128x128xf32, #tpu.memory_space<vmem>>[vector<16xi32>, vector<16xi32>, vector<16xi32>], vector<16xf32>, vector<16xi1>
      %mul3A_802 = arith.constant 128 : i32
      %mul3A_803 = arith.muli %scan3A_59, %mul3A_802 : i32
      %add3A_804 = arith.constant 64 : i32
      %add3A_805 = arith.addi %mul3A_803, %add3A_804 : i32
      %get3A_806 = arith.index_cast %add3A_805 : i32 to index
      %get3A_807 = tpu.vector_load %arg6[%get3A_806] {strides = array<i32>} : memref<256xi32, #tpu.memory_space<vmem>>, vector<16xi32>,
      %sub3A_808 = arith.constant 256 : i32
      %sub3A_809 = vector.broadcast %sub3A_808 : i32 to vector<16xi32>
      %sub3A_810 = arith.subi %get3A_807, %sub3A_809 : vector<16xi32>
      %ge3A_811 = arith.constant 0 : i32
      %ge3A_812 = vector.broadcast %ge3A_811 : i32 to vector<16xi32>
      %ge3A_813 = arith.cmpi sge, %sub3A_810, %ge3A_812 : vector<16xi32>
      %lt3A_814 = arith.constant 128 : i32
      %lt3A_815 = vector.broadcast %lt3A_814 : i32 to vector<16xi32>
      %lt3A_816 = arith.cmpi slt, %sub3A_810, %lt3A_815 : vector<16xi32>
      %and3A_817 = arith.andi %ge3A_813, %lt3A_816 : vector<16xi1>
      %jit3A_818 = arith.constant 0 : i32
      %jit3A_819 = arith.constant 127 : i32
      %max3A_820 = vector.broadcast %jit3A_818 : i32 to vector<16xi32>
      %max3A_821 = arith.maxsi %max3A_820, %sub3A_810 : vector<16xi32>
      %min3A_822 = vector.broadcast %jit3A_819 : i32 to vector<16xi32>
      %min3A_823 = arith.minsi %min3A_822, %max3A_821 : vector<16xi32>
      %add3A_824 = arith.constant 64 : i32
      %add3A_825 = vector.broadcast %add3A_824 : i32 to vector<16xi32>
      %add3A_826 = arith.addi %add3A_825, %iota3A : vector<16xi32>
      %gather3A_827 = tpu.vector_load_idx %arg5[%broadcast_in_dim3A_679, %min3A_823, %add3A_826] masked %and3A_817 : memref<4x128x128xf32, #tpu.memory_space<vmem>>[vector<16xi32>, vector<16xi32>, vector<16xi32>], vector<16xf32>, vector<16xi1>
      %select_n3A_828 = arith.select %and3A_817, %gather3A_827, %select_n3A_546 : vector<16xi1>, vector<16xf32>
      %add3A_829 = arith.constant 64 : i32
      %add3A_830 = vector.broadcast %add3A_829 : i32 to vector<16xi32>
      %add3A_831 = arith.addi %add3A_830, %iota3A : vector<16xi32>
      tpu.vector_store_idx %arg5[%broadcast_in_dim3A_679, %min3A_823, %add3A_831], %broadcast_in_dim3A_681 masked %and3A_817 : memref<4x128x128xf32, #tpu.memory_space<vmem>>[vector<16xi32>, vector<16xi32>, vector<16xi32>], vector<16xf32>, vector<16xi1>
      %mul3A_832 = arith.constant 128 : i32
      %mul3A_833 = arith.muli %scan3A_59, %mul3A_832 : i32
      %add3A_834 = arith.constant 80 : i32
      %add3A_835 = arith.addi %mul3A_833, %add3A_834 : i32
      %get3A_836 = arith.index_cast %add3A_835 : i32 to index
      %get3A_837 = tpu.vector_load %arg6[%get3A_836] {strides = array<i32>} : memref<256xi32, #tpu.memory_space<vmem>>, vector<16xi32>,
      %sub3A_838 = arith.constant 256 : i32
      %sub3A_839 = vector.broadcast %sub3A_838 : i32 to vector<16xi32>
      %sub3A_840 = arith.subi %get3A_837, %sub3A_839 : vector<16xi32>
      %ge3A_841 = arith.constant 0 : i32
      %ge3A_842 = vector.broadcast %ge3A_841 : i32 to vector<16xi32>
      %ge3A_843 = arith.cmpi sge, %sub3A_840, %ge3A_842 : vector<16xi32>
      %lt3A_844 = arith.constant 128 : i32
      %lt3A_845 = vector.broadcast %lt3A_844 : i32 to vector<16xi32>
      %lt3A_846 = arith.cmpi slt, %sub3A_840, %lt3A_845 : vector<16xi32>
      %and3A_847 = arith.andi %ge3A_843, %lt3A_846 : vector<16xi1>
      %jit3A_848 = arith.constant 0 : i32
      %jit3A_849 = arith.constant 127 : i32
      %max3A_850 = vector.broadcast %jit3A_848 : i32 to vector<16xi32>
      %max3A_851 = arith.maxsi %max3A_850, %sub3A_840 : vector<16xi32>
      %min3A_852 = vector.broadcast %jit3A_849 : i32 to vector<16xi32>
      %min3A_853 = arith.minsi %min3A_852, %max3A_851 : vector<16xi32>
      %add3A_854 = arith.constant 80 : i32
      %add3A_855 = vector.broadcast %add3A_854 : i32 to vector<16xi32>
      %add3A_856 = arith.addi %add3A_855, %iota3A : vector<16xi32>
      %gather3A_857 = tpu.vector_load_idx %arg5[%broadcast_in_dim3A_679, %min3A_853, %add3A_856] masked %and3A_847 : memref<4x128x128xf32, #tpu.memory_space<vmem>>[vector<16xi32>, vector<16xi32>, vector<16xi32>], vector<16xf32>, vector<16xi1>
      %select_n3A_858 = arith.select %and3A_847, %gather3A_857, %select_n3A_576 : vector<16xi1>, vector<16xf32>
      %add3A_859 = arith.constant 80 : i32
      %add3A_860 = vector.broadcast %add3A_859 : i32 to vector<16xi32>
      %add3A_861 = arith.addi %add3A_860, %iota3A : vector<16xi32>
      tpu.vector_store_idx %arg5[%broadcast_in_dim3A_679, %min3A_853, %add3A_861], %broadcast_in_dim3A_681 masked %and3A_847 : memref<4x128x128xf32, #tpu.memory_space<vmem>>[vector<16xi32>, vector<16xi32>, vector<16xi32>], vector<16xf32>, vector<16xi1>
      %mul3A_862 = arith.constant 128 : i32
      %mul3A_863 = arith.muli %scan3A_59, %mul3A_862 : i32
      %add3A_864 = arith.constant 96 : i32
      %add3A_865 = arith.addi %mul3A_863, %add3A_864 : i32
      %get3A_866 = arith.index_cast %add3A_865 : i32 to index
      %get3A_867 = tpu.vector_load %arg6[%get3A_866] {strides = array<i32>} : memref<256xi32, #tpu.memory_space<vmem>>, vector<16xi32>,
      %sub3A_868 = arith.constant 256 : i32
      %sub3A_869 = vector.broadcast %sub3A_868 : i32 to vector<16xi32>
      %sub3A_870 = arith.subi %get3A_867, %sub3A_869 : vector<16xi32>
      %ge3A_871 = arith.constant 0 : i32
      %ge3A_872 = vector.broadcast %ge3A_871 : i32 to vector<16xi32>
      %ge3A_873 = arith.cmpi sge, %sub3A_870, %ge3A_872 : vector<16xi32>
      %lt3A_874 = arith.constant 128 : i32
      %lt3A_875 = vector.broadcast %lt3A_874 : i32 to vector<16xi32>
      %lt3A_876 = arith.cmpi slt, %sub3A_870, %lt3A_875 : vector<16xi32>
      %and3A_877 = arith.andi %ge3A_873, %lt3A_876 : vector<16xi1>
      %jit3A_878 = arith.constant 0 : i32
      %jit3A_879 = arith.constant 127 : i32
      %max3A_880 = vector.broadcast %jit3A_878 : i32 to vector<16xi32>
      %max3A_881 = arith.maxsi %max3A_880, %sub3A_870 : vector<16xi32>
      %min3A_882 = vector.broadcast %jit3A_879 : i32 to vector<16xi32>
      %min3A_883 = arith.minsi %min3A_882, %max3A_881 : vector<16xi32>
      %add3A_884 = arith.constant 96 : i32
      %add3A_885 = vector.broadcast %add3A_884 : i32 to vector<16xi32>
      %add3A_886 = arith.addi %add3A_885, %iota3A : vector<16xi32>
      %gather3A_887 = tpu.vector_load_idx %arg5[%broadcast_in_dim3A_679, %min3A_883, %add3A_886] masked %and3A_877 : memref<4x128x128xf32, #tpu.memory_space<vmem>>[vector<16xi32>, vector<16xi32>, vector<16xi32>], vector<16xf32>, vector<16xi1>
      %select_n3A_888 = arith.select %and3A_877, %gather3A_887, %select_n3A_606 : vector<16xi1>, vector<16xf32>
      %add3A_889 = arith.constant 96 : i32
      %add3A_890 = vector.broadcast %add3A_889 : i32 to vector<16xi32>
      %add3A_891 = arith.addi %add3A_890, %iota3A : vector<16xi32>
      tpu.vector_store_idx %arg5[%broadcast_in_dim3A_679, %min3A_883, %add3A_891], %broadcast_in_dim3A_681 masked %and3A_877 : memref<4x128x128xf32, #tpu.memory_space<vmem>>[vector<16xi32>, vector<16xi32>, vector<16xi32>], vector<16xf32>, vector<16xi1>
      %mul3A_892 = arith.constant 128 : i32
      %mul3A_893 = arith.muli %scan3A_59, %mul3A_892 : i32
      %add3A_894 = arith.constant 112 : i32
      %add3A_895 = arith.addi %mul3A_893, %add3A_894 : i32
      %get3A_896 = arith.index_cast %add3A_895 : i32 to index
      %get3A_897 = tpu.vector_load %arg6[%get3A_896] {strides = array<i32>} : memref<256xi32, #tpu.memory_space<vmem>>, vector<16xi32>,
      %sub3A_898 = arith.constant 256 : i32
      %sub3A_899 = vector.broadcast %sub3A_898 : i32 to vector<16xi32>
      %sub3A_900 = arith.subi %get3A_897, %sub3A_899 : vector<16xi32>
      %ge3A_901 = arith.constant 0 : i32
      %ge3A_902 = vector.broadcast %ge3A_901 : i32 to vector<16xi32>
      %ge3A_903 = arith.cmpi sge, %sub3A_900, %ge3A_902 : vector<16xi32>
      %lt3A_904 = arith.constant 128 : i32
      %lt3A_905 = vector.broadcast %lt3A_904 : i32 to vector<16xi32>
      %lt3A_906 = arith.cmpi slt, %sub3A_900, %lt3A_905 : vector<16xi32>
      %and3A_907 = arith.andi %ge3A_903, %lt3A_906 : vector<16xi1>
      %jit3A_908 = arith.constant 0 : i32
      %jit3A_909 = arith.constant 127 : i32
      %max3A_910 = vector.broadcast %jit3A_908 : i32 to vector<16xi32>
      %max3A_911 = arith.maxsi %max3A_910, %sub3A_900 : vector<16xi32>
      %min3A_912 = vector.broadcast %jit3A_909 : i32 to vector<16xi32>
      %min3A_913 = arith.minsi %min3A_912, %max3A_911 : vector<16xi32>
      %add3A_914 = arith.constant 112 : i32
      %add3A_915 = vector.broadcast %add3A_914 : i32 to vector<16xi32>
      %add3A_916 = arith.addi %add3A_915, %iota3A : vector<16xi32>
      %gather3A_917 = tpu.vector_load_idx %arg5[%broadcast_in_dim3A_679, %min3A_913, %add3A_916] masked %and3A_907 : memref<4x128x128xf32, #tpu.memory_space<vmem>>[vector<16xi32>, vector<16xi32>, vector<16xi32>], vector<16xf32>, vector<16xi1>
      %select_n3A_918 = arith.select %and3A_907, %gather3A_917, %select_n3A_636 : vector<16xi1>, vector<16xf32>
      %add3A_919 = arith.constant 112 : i32
      %add3A_920 = vector.broadcast %add3A_919 : i32 to vector<16xi32>
      %add3A_921 = arith.addi %add3A_920, %iota3A : vector<16xi32>
      tpu.vector_store_idx %arg5[%broadcast_in_dim3A_679, %min3A_913, %add3A_921], %broadcast_in_dim3A_681 masked %and3A_907 : memref<4x128x128xf32, #tpu.memory_space<vmem>>[vector<16xi32>, vector<16xi32>, vector<16xi32>], vector<16xf32>, vector<16xi1>
      %scan3A_922 = arith.constant 0 : i32
      %scan3A_923 = arith.constant 32 : i32
      %scan3A_924 = arith.addi %scan3A_922, %scan3A_923 : i32
      %scan3A_925 = arith.constant 1 : i32
      %scan3A_926:8 = scf.for %scan3A_2421 = %scan3A_922 to %scan3A_924 step %scan3A_925 iter_args(%scan3A_2422 = %scan3A_644#0, %scan3A_2423 = %scan3A_644#1, %scan3A_2424 = %scan3A_644#2, %scan3A_2425 = %scan3A_644#3, %scan3A_2426 = %scan3A_644#4, %scan3A_2427 = %scan3A_644#5, %scan3A_2428 = %scan3A_644#6, %scan3A_2429 = %scan3A_644#7) -> (vector<16xf32>, vector<16xf32>, vector<16xf32>, vector<16xf32>, vector<16xf32>, vector<16xf32>, vector<16xf32>, vector<16xf32>)  : i32 {
        %mul3A_2430 = arith.constant 4 : i32
        %mul3A_2431 = arith.muli %mul3A_2430, %scan3A_2421 : i32
        %add3A_2432 = arith.constant 0 : i32
        %add3A_2433 = arith.addi %mul3A_2431, %add3A_2432 : i32
        %get3A_2434 = arith.constant 2 : i32
        %get3A_2435 = arith.index_cast %get3A_2434 : i32 to index
        %get3A_2436 = arith.index_cast %add3A_2433 : i32 to index
        %get3A_2437 = arith.constant 0 : index
        %get3A_2438 = tpu.vector_load %arg5[%get3A_2435, %get3A_2436, %get3A_2437] {strides = array<i32>} : memref<4x128x128xf32, #tpu.memory_space<vmem>>, vector<16xf32>,
        %max3A_2439 = arith.maximumf %scan3A_2422, %get3A_2438 : vector<16xf32>
        %add3A_2440 = arith.constant 0 : i32
        %add3A_2441 = arith.addi %mul3A_2431, %add3A_2440 : i32
        %get3A_2442 = arith.constant 2 : i32
        %get3A_2443 = arith.index_cast %get3A_2442 : i32 to index
        %get3A_2444 = arith.index_cast %add3A_2441 : i32 to index
        %get3A_2445 = arith.constant 16 : index
        %get3A_2446 = tpu.vector_load %arg5[%get3A_2443, %get3A_2444, %get3A_2445] {strides = array<i32>} : memref<4x128x128xf32, #tpu.memory_space<vmem>>, vector<16xf32>,
        %max3A_2447 = arith.maximumf %scan3A_2423, %get3A_2446 : vector<16xf32>
        %add3A_2448 = arith.constant 0 : i32
        %add3A_2449 = arith.addi %mul3A_2431, %add3A_2448 : i32
        %get3A_2450 = arith.constant 2 : i32
        %get3A_2451 = arith.index_cast %get3A_2450 : i32 to index
        %get3A_2452 = arith.index_cast %add3A_2449 : i32 to index
        %get3A_2453 = arith.constant 32 : index
        %get3A_2454 = tpu.vector_load %arg5[%get3A_2451, %get3A_2452, %get3A_2453] {strides = array<i32>} : memref<4x128x128xf32, #tpu.memory_space<vmem>>, vector<16xf32>,
        %max3A_2455 = arith.maximumf %scan3A_2424, %get3A_2454 : vector<16xf32>
        %add3A_2456 = arith.constant 0 : i32
        %add3A_2457 = arith.addi %mul3A_2431, %add3A_2456 : i32
        %get3A_2458 = arith.constant 2 : i32
        %get3A_2459 = arith.index_cast %get3A_2458 : i32 to index
        %get3A_2460 = arith.index_cast %add3A_2457 : i32 to index
        %get3A_2461 = arith.constant 48 : index
        %get3A_2462 = tpu.vector_load %arg5[%get3A_2459, %get3A_2460, %get3A_2461] {strides = array<i32>} : memref<4x128x128xf32, #tpu.memory_space<vmem>>, vector<16xf32>,
        %max3A_2463 = arith.maximumf %scan3A_2425, %get3A_2462 : vector<16xf32>
        %add3A_2464 = arith.constant 0 : i32
        %add3A_2465 = arith.addi %mul3A_2431, %add3A_2464 : i32
        %get3A_2466 = arith.constant 2 : i32
        %get3A_2467 = arith.index_cast %get3A_2466 : i32 to index
        %get3A_2468 = arith.index_cast %add3A_2465 : i32 to index
        %get3A_2469 = arith.constant 64 : index
        %get3A_2470 = tpu.vector_load %arg5[%get3A_2467, %get3A_2468, %get3A_2469] {strides = array<i32>} : memref<4x128x128xf32, #tpu.memory_space<vmem>>, vector<16xf32>,
        %max3A_2471 = arith.maximumf %scan3A_2426, %get3A_2470 : vector<16xf32>
        %add3A_2472 = arith.constant 0 : i32
        %add3A_2473 = arith.addi %mul3A_2431, %add3A_2472 : i32
        %get3A_2474 = arith.constant 2 : i32
        %get3A_2475 = arith.index_cast %get3A_2474 : i32 to index
        %get3A_2476 = arith.index_cast %add3A_2473 : i32 to index
        %get3A_2477 = arith.constant 80 : index
        %get3A_2478 = tpu.vector_load %arg5[%get3A_2475, %get3A_2476, %get3A_2477] {strides = array<i32>} : memref<4x128x128xf32, #tpu.memory_space<vmem>>, vector<16xf32>,
        %max3A_2479 = arith.maximumf %scan3A_2427, %get3A_2478 : vector<16xf32>
        %add3A_2480 = arith.constant 0 : i32
        %add3A_2481 = arith.addi %mul3A_2431, %add3A_2480 : i32
        %get3A_2482 = arith.constant 2 : i32
        %get3A_2483 = arith.index_cast %get3A_2482 : i32 to index
        %get3A_2484 = arith.index_cast %add3A_2481 : i32 to index
        %get3A_2485 = arith.constant 96 : index
        %get3A_2486 = tpu.vector_load %arg5[%get3A_2483, %get3A_2484, %get3A_2485] {strides = array<i32>} : memref<4x128x128xf32, #tpu.memory_space<vmem>>, vector<16xf32>,
        %max3A_2487 = arith.maximumf %scan3A_2428, %get3A_2486 : vector<16xf32>
        %add3A_2488 = arith.constant 0 : i32
        %add3A_2489 = arith.addi %mul3A_2431, %add3A_2488 : i32
        %get3A_2490 = arith.constant 2 : i32
        %get3A_2491 = arith.index_cast %get3A_2490 : i32 to index
        %get3A_2492 = arith.index_cast %add3A_2489 : i32 to index
        %get3A_2493 = arith.constant 112 : index
        %get3A_2494 = tpu.vector_load %arg5[%get3A_2491, %get3A_2492, %get3A_2493] {strides = array<i32>} : memref<4x128x128xf32, #tpu.memory_space<vmem>>, vector<16xf32>,
        %max3A_2495 = arith.maximumf %scan3A_2429, %get3A_2494 : vector<16xf32>
        %add3A_2496 = arith.constant 1 : i32
        %add3A_2497 = arith.addi %mul3A_2431, %add3A_2496 : i32
        %get3A_2498 = arith.constant 2 : i32
        %get3A_2499 = arith.index_cast %get3A_2498 : i32 to index
        %get3A_2500 = arith.index_cast %add3A_2497 : i32 to index
        %get3A_2501 = arith.constant 0 : index
        %get3A_2502 = tpu.vector_load %arg5[%get3A_2499, %get3A_2500, %get3A_2501] {strides = array<i32>} : memref<4x128x128xf32, #tpu.memory_space<vmem>>, vector<16xf32>,
        %max3A_2503 = arith.maximumf %max3A_2439, %get3A_2502 : vector<16xf32>
        %add3A_2504 = arith.constant 1 : i32
        %add3A_2505 = arith.addi %mul3A_2431, %add3A_2504 : i32
        %get3A_2506 = arith.constant 2 : i32
        %get3A_2507 = arith.index_cast %get3A_2506 : i32 to index
        %get3A_2508 = arith.index_cast %add3A_2505 : i32 to index
        %get3A_2509 = arith.constant 16 : index
        %get3A_2510 = tpu.vector_load %arg5[%get3A_2507, %get3A_2508, %get3A_2509] {strides = array<i32>} : memref<4x128x128xf32, #tpu.memory_space<vmem>>, vector<16xf32>,
        %max3A_2511 = arith.maximumf %max3A_2447, %get3A_2510 : vector<16xf32>
        %add3A_2512 = arith.constant 1 : i32
        %add3A_2513 = arith.addi %mul3A_2431, %add3A_2512 : i32
        %get3A_2514 = arith.constant 2 : i32
        %get3A_2515 = arith.index_cast %get3A_2514 : i32 to index
        %get3A_2516 = arith.index_cast %add3A_2513 : i32 to index
        %get3A_2517 = arith.constant 32 : index
        %get3A_2518 = tpu.vector_load %arg5[%get3A_2515, %get3A_2516, %get3A_2517] {strides = array<i32>} : memref<4x128x128xf32, #tpu.memory_space<vmem>>, vector<16xf32>,
        %max3A_2519 = arith.maximumf %max3A_2455, %get3A_2518 : vector<16xf32>
        %add3A_2520 = arith.constant 1 : i32
        %add3A_2521 = arith.addi %mul3A_2431, %add3A_2520 : i32
        %get3A_2522 = arith.constant 2 : i32
        %get3A_2523 = arith.index_cast %get3A_2522 : i32 to index
        %get3A_2524 = arith.index_cast %add3A_2521 : i32 to index
        %get3A_2525 = arith.constant 48 : index
        %get3A_2526 = tpu.vector_load %arg5[%get3A_2523, %get3A_2524, %get3A_2525] {strides = array<i32>} : memref<4x128x128xf32, #tpu.memory_space<vmem>>, vector<16xf32>,
        %max3A_2527 = arith.maximumf %max3A_2463, %get3A_2526 : vector<16xf32>
        %add3A_2528 = arith.constant 1 : i32
        %add3A_2529 = arith.addi %mul3A_2431, %add3A_2528 : i32
        %get3A_2530 = arith.constant 2 : i32
        %get3A_2531 = arith.index_cast %get3A_2530 : i32 to index
        %get3A_2532 = arith.index_cast %add3A_2529 : i32 to index
        %get3A_2533 = arith.constant 64 : index
        %get3A_2534 = tpu.vector_load %arg5[%get3A_2531, %get3A_2532, %get3A_2533] {strides = array<i32>} : memref<4x128x128xf32, #tpu.memory_space<vmem>>, vector<16xf32>,
        %max3A_2535 = arith.maximumf %max3A_2471, %get3A_2534 : vector<16xf32>
        %add3A_2536 = arith.constant 1 : i32
        %add3A_2537 = arith.addi %mul3A_2431, %add3A_2536 : i32
        %get3A_2538 = arith.constant 2 : i32
        %get3A_2539 = arith.index_cast %get3A_2538 : i32 to index
        %get3A_2540 = arith.index_cast %add3A_2537 : i32 to index
        %get3A_2541 = arith.constant 80 : index
        %get3A_2542 = tpu.vector_load %arg5[%get3A_2539, %get3A_2540, %get3A_2541] {strides = array<i32>} : memref<4x128x128xf32, #tpu.memory_space<vmem>>, vector<16xf32>,
        %max3A_2543 = arith.maximumf %max3A_2479, %get3A_2542 : vector<16xf32>
        %add3A_2544 = arith.constant 1 : i32
        %add3A_2545 = arith.addi %mul3A_2431, %add3A_2544 : i32
        %get3A_2546 = arith.constant 2 : i32
        %get3A_2547 = arith.index_cast %get3A_2546 : i32 to index
        %get3A_2548 = arith.index_cast %add3A_2545 : i32 to index
        %get3A_2549 = arith.constant 96 : index
        %get3A_2550 = tpu.vector_load %arg5[%get3A_2547, %get3A_2548, %get3A_2549] {strides = array<i32>} : memref<4x128x128xf32, #tpu.memory_space<vmem>>, vector<16xf32>,
        %max3A_2551 = arith.maximumf %max3A_2487, %get3A_2550 : vector<16xf32>
        %add3A_2552 = arith.constant 1 : i32
        %add3A_2553 = arith.addi %mul3A_2431, %add3A_2552 : i32
        %get3A_2554 = arith.constant 2 : i32
        %get3A_2555 = arith.index_cast %get3A_2554 : i32 to index
        %get3A_2556 = arith.index_cast %add3A_2553 : i32 to index
        %get3A_2557 = arith.constant 112 : index
        %get3A_2558 = tpu.vector_load %arg5[%get3A_2555, %get3A_2556, %get3A_2557] {strides = array<i32>} : memref<4x128x128xf32, #tpu.memory_space<vmem>>, vector<16xf32>,
        %max3A_2559 = arith.maximumf %max3A_2495, %get3A_2558 : vector<16xf32>
        %add3A_2560 = arith.constant 2 : i32
        %add3A_2561 = arith.addi %mul3A_2431, %add3A_2560 : i32
        %get3A_2562 = arith.constant 2 : i32
        %get3A_2563 = arith.index_cast %get3A_2562 : i32 to index
        %get3A_2564 = arith.index_cast %add3A_2561 : i32 to index
        %get3A_2565 = arith.constant 0 : index
        %get3A_2566 = tpu.vector_load %arg5[%get3A_2563, %get3A_2564, %get3A_2565] {strides = array<i32>} : memref<4x128x128xf32, #tpu.memory_space<vmem>>, vector<16xf32>,
        %max3A_2567 = arith.maximumf %max3A_2503, %get3A_2566 : vector<16xf32>
        %add3A_2568 = arith.constant 2 : i32
        %add3A_2569 = arith.addi %mul3A_2431, %add3A_2568 : i32
        %get3A_2570 = arith.constant 2 : i32
        %get3A_2571 = arith.index_cast %get3A_2570 : i32 to index
        %get3A_2572 = arith.index_cast %add3A_2569 : i32 to index
        %get3A_2573 = arith.constant 16 : index
        %get3A_2574 = tpu.vector_load %arg5[%get3A_2571, %get3A_2572, %get3A_2573] {strides = array<i32>} : memref<4x128x128xf32, #tpu.memory_space<vmem>>, vector<16xf32>,
        %max3A_2575 = arith.maximumf %max3A_2511, %get3A_2574 : vector<16xf32>
        %add3A_2576 = arith.constant 2 : i32
        %add3A_2577 = arith.addi %mul3A_2431, %add3A_2576 : i32
        %get3A_2578 = arith.constant 2 : i32
        %get3A_2579 = arith.index_cast %get3A_2578 : i32 to index
        %get3A_2580 = arith.index_cast %add3A_2577 : i32 to index
        %get3A_2581 = arith.constant 32 : index
        %get3A_2582 = tpu.vector_load %arg5[%get3A_2579, %get3A_2580, %get3A_2581] {strides = array<i32>} : memref<4x128x128xf32, #tpu.memory_space<vmem>>, vector<16xf32>,
        %max3A_2583 = arith.maximumf %max3A_2519, %get3A_2582 : vector<16xf32>
        %add3A_2584 = arith.constant 2 : i32
        %add3A_2585 = arith.addi %mul3A_2431, %add3A_2584 : i32
        %get3A_2586 = arith.constant 2 : i32
        %get3A_2587 = arith.index_cast %get3A_2586 : i32 to index
        %get3A_2588 = arith.index_cast %add3A_2585 : i32 to index
        %get3A_2589 = arith.constant 48 : index
        %get3A_2590 = tpu.vector_load %arg5[%get3A_2587, %get3A_2588, %get3A_2589] {strides = array<i32>} : memref<4x128x128xf32, #tpu.memory_space<vmem>>, vector<16xf32>,
        %max3A_2591 = arith.maximumf %max3A_2527, %get3A_2590 : vector<16xf32>
        %add3A_2592 = arith.constant 2 : i32
        %add3A_2593 = arith.addi %mul3A_2431, %add3A_2592 : i32
        %get3A_2594 = arith.constant 2 : i32
        %get3A_2595 = arith.index_cast %get3A_2594 : i32 to index
        %get3A_2596 = arith.index_cast %add3A_2593 : i32 to index
        %get3A_2597 = arith.constant 64 : index
        %get3A_2598 = tpu.vector_load %arg5[%get3A_2595, %get3A_2596, %get3A_2597] {strides = array<i32>} : memref<4x128x128xf32, #tpu.memory_space<vmem>>, vector<16xf32>,
        %max3A_2599 = arith.maximumf %max3A_2535, %get3A_2598 : vector<16xf32>
        %add3A_2600 = arith.constant 2 : i32
        %add3A_2601 = arith.addi %mul3A_2431, %add3A_2600 : i32
        %get3A_2602 = arith.constant 2 : i32
        %get3A_2603 = arith.index_cast %get3A_2602 : i32 to index
        %get3A_2604 = arith.index_cast %add3A_2601 : i32 to index
        %get3A_2605 = arith.constant 80 : index
        %get3A_2606 = tpu.vector_load %arg5[%get3A_2603, %get3A_2604, %get3A_2605] {strides = array<i32>} : memref<4x128x128xf32, #tpu.memory_space<vmem>>, vector<16xf32>,
        %max3A_2607 = arith.maximumf %max3A_2543, %get3A_2606 : vector<16xf32>
        %add3A_2608 = arith.constant 2 : i32
        %add3A_2609 = arith.addi %mul3A_2431, %add3A_2608 : i32
        %get3A_2610 = arith.constant 2 : i32
        %get3A_2611 = arith.index_cast %get3A_2610 : i32 to index
        %get3A_2612 = arith.index_cast %add3A_2609 : i32 to index
        %get3A_2613 = arith.constant 96 : index
        %get3A_2614 = tpu.vector_load %arg5[%get3A_2611, %get3A_2612, %get3A_2613] {strides = array<i32>} : memref<4x128x128xf32, #tpu.memory_space<vmem>>, vector<16xf32>,
        %max3A_2615 = arith.maximumf %max3A_2551, %get3A_2614 : vector<16xf32>
        %add3A_2616 = arith.constant 2 : i32
        %add3A_2617 = arith.addi %mul3A_2431, %add3A_2616 : i32
        %get3A_2618 = arith.constant 2 : i32
        %get3A_2619 = arith.index_cast %get3A_2618 : i32 to index
        %get3A_2620 = arith.index_cast %add3A_2617 : i32 to index
        %get3A_2621 = arith.constant 112 : index
        %get3A_2622 = tpu.vector_load %arg5[%get3A_2619, %get3A_2620, %get3A_2621] {strides = array<i32>} : memref<4x128x128xf32, #tpu.memory_space<vmem>>, vector<16xf32>,
        %max3A_2623 = arith.maximumf %max3A_2559, %get3A_2622 : vector<16xf32>
        %add3A_2624 = arith.constant 3 : i32
        %add3A_2625 = arith.addi %mul3A_2431, %add3A_2624 : i32
        %get3A_2626 = arith.constant 2 : i32
        %get3A_2627 = arith.index_cast %get3A_2626 : i32 to index
        %get3A_2628 = arith.index_cast %add3A_2625 : i32 to index
        %get3A_2629 = arith.constant 0 : index
        %get3A_2630 = tpu.vector_load %arg5[%get3A_2627, %get3A_2628, %get3A_2629] {strides = array<i32>} : memref<4x128x128xf32, #tpu.memory_space<vmem>>, vector<16xf32>,
        %max3A_2631 = arith.maximumf %max3A_2567, %get3A_2630 : vector<16xf32>
        %add3A_2632 = arith.constant 3 : i32
        %add3A_2633 = arith.addi %mul3A_2431, %add3A_2632 : i32
        %get3A_2634 = arith.constant 2 : i32
        %get3A_2635 = arith.index_cast %get3A_2634 : i32 to index
        %get3A_2636 = arith.index_cast %add3A_2633 : i32 to index
        %get3A_2637 = arith.constant 16 : index
        %get3A_2638 = tpu.vector_load %arg5[%get3A_2635, %get3A_2636, %get3A_2637] {strides = array<i32>} : memref<4x128x128xf32, #tpu.memory_space<vmem>>, vector<16xf32>,
        %max3A_2639 = arith.maximumf %max3A_2575, %get3A_2638 : vector<16xf32>
        %add3A_2640 = arith.constant 3 : i32
        %add3A_2641 = arith.addi %mul3A_2431, %add3A_2640 : i32
        %get3A_2642 = arith.constant 2 : i32
        %get3A_2643 = arith.index_cast %get3A_2642 : i32 to index
        %get3A_2644 = arith.index_cast %add3A_2641 : i32 to index
        %get3A_2645 = arith.constant 32 : index
        %get3A_2646 = tpu.vector_load %arg5[%get3A_2643, %get3A_2644, %get3A_2645] {strides = array<i32>} : memref<4x128x128xf32, #tpu.memory_space<vmem>>, vector<16xf32>,
        %max3A_2647 = arith.maximumf %max3A_2583, %get3A_2646 : vector<16xf32>
        %add3A_2648 = arith.constant 3 : i32
        %add3A_2649 = arith.addi %mul3A_2431, %add3A_2648 : i32
        %get3A_2650 = arith.constant 2 : i32
        %get3A_2651 = arith.index_cast %get3A_2650 : i32 to index
        %get3A_2652 = arith.index_cast %add3A_2649 : i32 to index
        %get3A_2653 = arith.constant 48 : index
        %get3A_2654 = tpu.vector_load %arg5[%get3A_2651, %get3A_2652, %get3A_2653] {strides = array<i32>} : memref<4x128x128xf32, #tpu.memory_space<vmem>>, vector<16xf32>,
        %max3A_2655 = arith.maximumf %max3A_2591, %get3A_2654 : vector<16xf32>
        %add3A_2656 = arith.constant 3 : i32
        %add3A_2657 = arith.addi %mul3A_2431, %add3A_2656 : i32
        %get3A_2658 = arith.constant 2 : i32
        %get3A_2659 = arith.index_cast %get3A_2658 : i32 to index
        %get3A_2660 = arith.index_cast %add3A_2657 : i32 to index
        %get3A_2661 = arith.constant 64 : index
        %get3A_2662 = tpu.vector_load %arg5[%get3A_2659, %get3A_2660, %get3A_2661] {strides = array<i32>} : memref<4x128x128xf32, #tpu.memory_space<vmem>>, vector<16xf32>,
        %max3A_2663 = arith.maximumf %max3A_2599, %get3A_2662 : vector<16xf32>
        %add3A_2664 = arith.constant 3 : i32
        %add3A_2665 = arith.addi %mul3A_2431, %add3A_2664 : i32
        %get3A_2666 = arith.constant 2 : i32
        %get3A_2667 = arith.index_cast %get3A_2666 : i32 to index
        %get3A_2668 = arith.index_cast %add3A_2665 : i32 to index
        %get3A_2669 = arith.constant 80 : index
        %get3A_2670 = tpu.vector_load %arg5[%get3A_2667, %get3A_2668, %get3A_2669] {strides = array<i32>} : memref<4x128x128xf32, #tpu.memory_space<vmem>>, vector<16xf32>,
        %max3A_2671 = arith.maximumf %max3A_2607, %get3A_2670 : vector<16xf32>
        %add3A_2672 = arith.constant 3 : i32
        %add3A_2673 = arith.addi %mul3A_2431, %add3A_2672 : i32
        %get3A_2674 = arith.constant 2 : i32
        %get3A_2675 = arith.index_cast %get3A_2674 : i32 to index
        %get3A_2676 = arith.index_cast %add3A_2673 : i32 to index
        %get3A_2677 = arith.constant 96 : index
        %get3A_2678 = tpu.vector_load %arg5[%get3A_2675, %get3A_2676, %get3A_2677] {strides = array<i32>} : memref<4x128x128xf32, #tpu.memory_space<vmem>>, vector<16xf32>,
        %max3A_2679 = arith.maximumf %max3A_2615, %get3A_2678 : vector<16xf32>
        %add3A_2680 = arith.constant 3 : i32
        %add3A_2681 = arith.addi %mul3A_2431, %add3A_2680 : i32
        %get3A_2682 = arith.constant 2 : i32
        %get3A_2683 = arith.index_cast %get3A_2682 : i32 to index
        %get3A_2684 = arith.index_cast %add3A_2681 : i32 to index
        %get3A_2685 = arith.constant 112 : index
        %get3A_2686 = tpu.vector_load %arg5[%get3A_2683, %get3A_2684, %get3A_2685] {strides = array<i32>} : memref<4x128x128xf32, #tpu.memory_space<vmem>>, vector<16xf32>,
        %max3A_2687 = arith.maximumf %max3A_2623, %get3A_2686 : vector<16xf32>
        scf.yield %max3A_2631, %max3A_2639, %max3A_2647, %max3A_2655, %max3A_2663, %max3A_2671, %max3A_2679, %max3A_2687 : vector<16xf32>, vector<16xf32>, vector<16xf32>, vector<16xf32>, vector<16xf32>, vector<16xf32>, vector<16xf32>, vector<16xf32>
      }
      %scan3A_927 = arith.constant 32 : i32
      %mul3A_928 = arith.constant 128 : i32
      %mul3A_929 = arith.muli %scan3A_59, %mul3A_928 : i32
      %add3A_930 = arith.addi %add3A_4, %mul3A_929 : i32
      %dma_wait3A_931 = arith.constant 3 : i32
      %dma_wait3A_932 = arith.constant 0 : i32
      %dma_wait3A_933 = arith.constant 0 : i32
      %dma_wait3A_934 = tpu.memref_slice %arg5[%dma_wait3A_931, %dma_wait3A_932, %dma_wait3A_933] : memref<4x128x128xf32, #tpu.memory_space<vmem>> -> memref<1x128x128xf32, #tpu.memory_space<vmem>>
      %dma_wait3A_935 = tpu.memref_squeeze %dma_wait3A_934 : memref<1x128x128xf32, #tpu.memory_space<vmem>> -> memref<128x128xf32, #tpu.memory_space<vmem>>
      %dma_wait3A_936 = arith.constant 384 : i32
      %dma_wait3A_937 = tpu.memref_slice %arg2[%dma_wait3A_936, %add3A_930] : memref<1000x16384xf32, #tpu.memory_space<hbm>> -> memref<128x128xf32, #tpu.memory_space<hbm>>
      %dma_wait3A_938 = arith.constant 0 : i32
      %dma_wait3A_939 = arith.constant 0 : i32
      %dma_wait3A_940 = tpu.memref_slice %arg5[%dma_wait3A_931, %dma_wait3A_938, %dma_wait3A_939] : memref<4x128x128xf32, #tpu.memory_space<vmem>> -> memref<1x128x128xf32, #tpu.memory_space<vmem>>
      %dma_wait3A_941 = tpu.memref_squeeze %dma_wait3A_940 : memref<1x128x128xf32, #tpu.memory_space<vmem>> -> memref<128x128xf32, #tpu.memory_space<vmem>>
      %dma_wait3A_942 = arith.constant 384 : i32
      %dma_wait3A_943 = tpu.memref_slice %arg2[%dma_wait3A_942, %add3A_930] : memref<1000x16384xf32, #tpu.memory_space<hbm>> -> memref<128x128xf32, #tpu.memory_space<hbm>>
      tpu.wait_dma2 semaphore(%arg11 : memref<!tpu.dma_semaphore, #tpu.memory_space<semaphore_mem>>) src(%dma_wait3A_943 : memref<128x128xf32, #tpu.memory_space<hbm>>) dst(%dma_wait3A_941 : memref<128x128xf32, #tpu.memory_space<vmem>>)
      %mul3A_944 = arith.constant 128 : i32
      %mul3A_945 = arith.muli %scan3A_59, %mul3A_944 : i32
      %add3A_946 = arith.addi %add3A_4, %mul3A_945 : i32
      %dma_start3A_947 = arith.constant 2 : i32
      %dma_start3A_948 = arith.constant 0 : i32
      %dma_start3A_949 = arith.constant 0 : i32
      %dma_start3A_950 = tpu.memref_slice %arg5[%dma_start3A_947, %dma_start3A_948, %dma_start3A_949] : memref<4x128x128xf32, #tpu.memory_space<vmem>> -> memref<1x128x128xf32, #tpu.memory_space<vmem>>
      %dma_start3A_951 = tpu.memref_squeeze %dma_start3A_950 : memref<1x128x128xf32, #tpu.memory_space<vmem>> -> memref<128x128xf32, #tpu.memory_space<vmem>>
      %dma_start3A_952 = arith.constant 768 : i32
      %dma_start3A_953 = tpu.memref_slice %arg2[%dma_start3A_952, %add3A_946] : memref<1000x16384xf32, #tpu.memory_space<hbm>> -> memref<128x128xf32, #tpu.memory_space<hbm>>
      %dma_start3A_954 = arith.constant 0 : i32
      %dma_start3A_955 = arith.constant 0 : i32
      %dma_start3A_956 = tpu.memref_slice %arg5[%dma_start3A_947, %dma_start3A_954, %dma_start3A_955] : memref<4x128x128xf32, #tpu.memory_space<vmem>> -> memref<1x128x128xf32, #tpu.memory_space<vmem>>
      %dma_start3A_957 = tpu.memref_squeeze %dma_start3A_956 : memref<1x128x128xf32, #tpu.memory_space<vmem>> -> memref<128x128xf32, #tpu.memory_space<vmem>>
      %dma_start3A_958 = arith.constant 768 : i32
      %dma_start3A_959 = tpu.memref_slice %arg2[%dma_start3A_958, %add3A_946] : memref<1000x16384xf32, #tpu.memory_space<hbm>> -> memref<128x128xf32, #tpu.memory_space<hbm>>
      tpu.enqueue_dma source(%dma_start3A_959 : memref<128x128xf32, #tpu.memory_space<hbm>>) target(%dma_start3A_957 : memref<128x128xf32, #tpu.memory_space<vmem>>) target_semaphore(%arg10 : memref<!tpu.dma_semaphore, #tpu.memory_space<semaphore_mem>>)
      %broadcast_in_dim3A_960 = arith.constant 3 : i32
      %broadcast_in_dim3A_961 = vector.broadcast %broadcast_in_dim3A_960 : i32 to vector<16xi32>
      %broadcast_in_dim3A_962 = arith.constant -1.000000e+10 : f32
      %broadcast_in_dim3A_963 = vector.broadcast %broadcast_in_dim3A_962 : f32 to vector<16xf32>
      %mul3A_964 = arith.constant 128 : i32
      %mul3A_965 = arith.muli %scan3A_59, %mul3A_964 : i32
      %add3A_966 = arith.constant 0 : i32
      %add3A_967 = arith.addi %mul3A_965, %add3A_966 : i32
      %get3A_968 = arith.index_cast %add3A_967 : i32 to index
      %get3A_969 = tpu.vector_load %arg6[%get3A_968] {strides = array<i32>} : memref<256xi32, #tpu.memory_space<vmem>>, vector<16xi32>,
      %sub3A_970 = arith.constant 384 : i32
      %sub3A_971 = vector.broadcast %sub3A_970 : i32 to vector<16xi32>
      %sub3A_972 = arith.subi %get3A_969, %sub3A_971 : vector<16xi32>
      %ge3A_973 = arith.constant 0 : i32
      %ge3A_974 = vector.broadcast %ge3A_973 : i32 to vector<16xi32>
      %ge3A_975 = arith.cmpi sge, %sub3A_972, %ge3A_974 : vector<16xi32>
      %lt3A_976 = arith.constant 128 : i32
      %lt3A_977 = vector.broadcast %lt3A_976 : i32 to vector<16xi32>
      %lt3A_978 = arith.cmpi slt, %sub3A_972, %lt3A_977 : vector<16xi32>
      %and3A_979 = arith.andi %ge3A_975, %lt3A_978 : vector<16xi1>
      %jit3A_980 = arith.constant 0 : i32
      %jit3A_981 = arith.constant 127 : i32
      %max3A_982 = vector.broadcast %jit3A_980 : i32 to vector<16xi32>
      %max3A_983 = arith.maxsi %max3A_982, %sub3A_972 : vector<16xi32>
      %min3A_984 = vector.broadcast %jit3A_981 : i32 to vector<16xi32>
      %min3A_985 = arith.minsi %min3A_984, %max3A_983 : vector<16xi32>
      %add3A_986 = arith.constant 0 : i32
      %add3A_987 = vector.broadcast %add3A_986 : i32 to vector<16xi32>
      %add3A_988 = arith.addi %add3A_987, %iota3A : vector<16xi32>
      %gather3A_989 = tpu.vector_load_idx %arg5[%broadcast_in_dim3A_961, %min3A_985, %add3A_988] masked %and3A_979 : memref<4x128x128xf32, #tpu.memory_space<vmem>>[vector<16xi32>, vector<16xi32>, vector<16xi32>], vector<16xf32>, vector<16xi1>
      %select_n3A_990 = arith.select %and3A_979, %gather3A_989, %select_n3A_708 : vector<16xi1>, vector<16xf32>
      %add3A_991 = arith.constant 0 : i32
      %add3A_992 = vector.broadcast %add3A_991 : i32 to vector<16xi32>
      %add3A_993 = arith.addi %add3A_992, %iota3A : vector<16xi32>
      tpu.vector_store_idx %arg5[%broadcast_in_dim3A_961, %min3A_985, %add3A_993], %broadcast_in_dim3A_963 masked %and3A_979 : memref<4x128x128xf32, #tpu.memory_space<vmem>>[vector<16xi32>, vector<16xi32>, vector<16xi32>], vector<16xf32>, vector<16xi1>
      %mul3A_994 = arith.constant 128 : i32
      %mul3A_995 = arith.muli %scan3A_59, %mul3A_994 : i32
      %add3A_996 = arith.constant 16 : i32
      %add3A_997 = arith.addi %mul3A_995, %add3A_996 : i32
      %get3A_998 = arith.index_cast %add3A_997 : i32 to index
      %get3A_999 = tpu.vector_load %arg6[%get3A_998] {strides = array<i32>} : memref<256xi32, #tpu.memory_space<vmem>>, vector<16xi32>,
      %sub3A_1000 = arith.constant 384 : i32
      %sub3A_1001 = vector.broadcast %sub3A_1000 : i32 to vector<16xi32>
      %sub3A_1002 = arith.subi %get3A_999, %sub3A_1001 : vector<16xi32>
      %ge3A_1003 = arith.constant 0 : i32
      %ge3A_1004 = vector.broadcast %ge3A_1003 : i32 to vector<16xi32>
      %ge3A_1005 = arith.cmpi sge, %sub3A_1002, %ge3A_1004 : vector<16xi32>
      %lt3A_1006 = arith.constant 128 : i32
      %lt3A_1007 = vector.broadcast %lt3A_1006 : i32 to vector<16xi32>
      %lt3A_1008 = arith.cmpi slt, %sub3A_1002, %lt3A_1007 : vector<16xi32>
      %and3A_1009 = arith.andi %ge3A_1005, %lt3A_1008 : vector<16xi1>
      %jit3A_1010 = arith.constant 0 : i32
      %jit3A_1011 = arith.constant 127 : i32
      %max3A_1012 = vector.broadcast %jit3A_1010 : i32 to vector<16xi32>
      %max3A_1013 = arith.maxsi %max3A_1012, %sub3A_1002 : vector<16xi32>
      %min3A_1014 = vector.broadcast %jit3A_1011 : i32 to vector<16xi32>
      %min3A_1015 = arith.minsi %min3A_1014, %max3A_1013 : vector<16xi32>
      %add3A_1016 = arith.constant 16 : i32
      %add3A_1017 = vector.broadcast %add3A_1016 : i32 to vector<16xi32>
      %add3A_1018 = arith.addi %add3A_1017, %iota3A : vector<16xi32>
      %gather3A_1019 = tpu.vector_load_idx %arg5[%broadcast_in_dim3A_961, %min3A_1015, %add3A_1018] masked %and3A_1009 : memref<4x128x128xf32, #tpu.memory_space<vmem>>[vector<16xi32>, vector<16xi32>, vector<16xi32>], vector<16xf32>, vector<16xi1>
      %select_n3A_1020 = arith.select %and3A_1009, %gather3A_1019, %select_n3A_738 : vector<16xi1>, vector<16xf32>
      %add3A_1021 = arith.constant 16 : i32
      %add3A_1022 = vector.broadcast %add3A_1021 : i32 to vector<16xi32>
      %add3A_1023 = arith.addi %add3A_1022, %iota3A : vector<16xi32>
      tpu.vector_store_idx %arg5[%broadcast_in_dim3A_961, %min3A_1015, %add3A_1023], %broadcast_in_dim3A_963 masked %and3A_1009 : memref<4x128x128xf32, #tpu.memory_space<vmem>>[vector<16xi32>, vector<16xi32>, vector<16xi32>], vector<16xf32>, vector<16xi1>
      %mul3A_1024 = arith.constant 128 : i32
      %mul3A_1025 = arith.muli %scan3A_59, %mul3A_1024 : i32
      %add3A_1026 = arith.constant 32 : i32
      %add3A_1027 = arith.addi %mul3A_1025, %add3A_1026 : i32
      %get3A_1028 = arith.index_cast %add3A_1027 : i32 to index
      %get3A_1029 = tpu.vector_load %arg6[%get3A_1028] {strides = array<i32>} : memref<256xi32, #tpu.memory_space<vmem>>, vector<16xi32>,
      %sub3A_1030 = arith.constant 384 : i32
      %sub3A_1031 = vector.broadcast %sub3A_1030 : i32 to vector<16xi32>
      %sub3A_1032 = arith.subi %get3A_1029, %sub3A_1031 : vector<16xi32>
      %ge3A_1033 = arith.constant 0 : i32
      %ge3A_1034 = vector.broadcast %ge3A_1033 : i32 to vector<16xi32>
      %ge3A_1035 = arith.cmpi sge, %sub3A_1032, %ge3A_1034 : vector<16xi32>
      %lt3A_1036 = arith.constant 128 : i32
      %lt3A_1037 = vector.broadcast %lt3A_1036 : i32 to vector<16xi32>
      %lt3A_1038 = arith.cmpi slt, %sub3A_1032, %lt3A_1037 : vector<16xi32>
      %and3A_1039 = arith.andi %ge3A_1035, %lt3A_1038 : vector<16xi1>
      %jit3A_1040 = arith.constant 0 : i32
      %jit3A_1041 = arith.constant 127 : i32
      %max3A_1042 = vector.broadcast %jit3A_1040 : i32 to vector<16xi32>
      %max3A_1043 = arith.maxsi %max3A_1042, %sub3A_1032 : vector<16xi32>
      %min3A_1044 = vector.broadcast %jit3A_1041 : i32 to vector<16xi32>
      %min3A_1045 = arith.minsi %min3A_1044, %max3A_1043 : vector<16xi32>
      %add3A_1046 = arith.constant 32 : i32
      %add3A_1047 = vector.broadcast %add3A_1046 : i32 to vector<16xi32>
      %add3A_1048 = arith.addi %add3A_1047, %iota3A : vector<16xi32>
      %gather3A_1049 = tpu.vector_load_idx %arg5[%broadcast_in_dim3A_961, %min3A_1045, %add3A_1048] masked %and3A_1039 : memref<4x128x128xf32, #tpu.memory_space<vmem>>[vector<16xi32>, vector<16xi32>, vector<16xi32>], vector<16xf32>, vector<16xi1>
      %select_n3A_1050 = arith.select %and3A_1039, %gather3A_1049, %select_n3A_768 : vector<16xi1>, vector<16xf32>
      %add3A_1051 = arith.constant 32 : i32
      %add3A_1052 = vector.broadcast %add3A_1051 : i32 to vector<16xi32>
      %add3A_1053 = arith.addi %add3A_1052, %iota3A : vector<16xi32>
      tpu.vector_store_idx %arg5[%broadcast_in_dim3A_961, %min3A_1045, %add3A_1053], %broadcast_in_dim3A_963 masked %and3A_1039 : memref<4x128x128xf32, #tpu.memory_space<vmem>>[vector<16xi32>, vector<16xi32>, vector<16xi32>], vector<16xf32>, vector<16xi1>
      %mul3A_1054 = arith.constant 128 : i32
      %mul3A_1055 = arith.muli %scan3A_59, %mul3A_1054 : i32
      %add3A_1056 = arith.constant 48 : i32
      %add3A_1057 = arith.addi %mul3A_1055, %add3A_1056 : i32
      %get3A_1058 = arith.index_cast %add3A_1057 : i32 to index
      %get3A_1059 = tpu.vector_load %arg6[%get3A_1058] {strides = array<i32>} : memref<256xi32, #tpu.memory_space<vmem>>, vector<16xi32>,
      %sub3A_1060 = arith.constant 384 : i32
      %sub3A_1061 = vector.broadcast %sub3A_1060 : i32 to vector<16xi32>
      %sub3A_1062 = arith.subi %get3A_1059, %sub3A_1061 : vector<16xi32>
      %ge3A_1063 = arith.constant 0 : i32
      %ge3A_1064 = vector.broadcast %ge3A_1063 : i32 to vector<16xi32>
      %ge3A_1065 = arith.cmpi sge, %sub3A_1062, %ge3A_1064 : vector<16xi32>
      %lt3A_1066 = arith.constant 128 : i32
      %lt3A_1067 = vector.broadcast %lt3A_1066 : i32 to vector<16xi32>
      %lt3A_1068 = arith.cmpi slt, %sub3A_1062, %lt3A_1067 : vector<16xi32>
      %and3A_1069 = arith.andi %ge3A_1065, %lt3A_1068 : vector<16xi1>
      %jit3A_1070 = arith.constant 0 : i32
      %jit3A_1071 = arith.constant 127 : i32
      %max3A_1072 = vector.broadcast %jit3A_1070 : i32 to vector<16xi32>
      %max3A_1073 = arith.maxsi %max3A_1072, %sub3A_1062 : vector<16xi32>
      %min3A_1074 = vector.broadcast %jit3A_1071 : i32 to vector<16xi32>
      %min3A_1075 = arith.minsi %min3A_1074, %max3A_1073 : vector<16xi32>
      %add3A_1076 = arith.constant 48 : i32
      %add3A_1077 = vector.broadcast %add3A_1076 : i32 to vector<16xi32>
      %add3A_1078 = arith.addi %add3A_1077, %iota3A : vector<16xi32>
      %gather3A_1079 = tpu.vector_load_idx %arg5[%broadcast_in_dim3A_961, %min3A_1075, %add3A_1078] masked %and3A_1069 : memref<4x128x128xf32, #tpu.memory_space<vmem>>[vector<16xi32>, vector<16xi32>, vector<16xi32>], vector<16xf32>, vector<16xi1>
      %select_n3A_1080 = arith.select %and3A_1069, %gather3A_1079, %select_n3A_798 : vector<16xi1>, vector<16xf32>
      %add3A_1081 = arith.constant 48 : i32
      %add3A_1082 = vector.broadcast %add3A_1081 : i32 to vector<16xi32>
      %add3A_1083 = arith.addi %add3A_1082, %iota3A : vector<16xi32>
      tpu.vector_store_idx %arg5[%broadcast_in_dim3A_961, %min3A_1075, %add3A_1083], %broadcast_in_dim3A_963 masked %and3A_1069 : memref<4x128x128xf32, #tpu.memory_space<vmem>>[vector<16xi32>, vector<16xi32>, vector<16xi32>], vector<16xf32>, vector<16xi1>
      %mul3A_1084 = arith.constant 128 : i32
      %mul3A_1085 = arith.muli %scan3A_59, %mul3A_1084 : i32
      %add3A_1086 = arith.constant 64 : i32
      %add3A_1087 = arith.addi %mul3A_1085, %add3A_1086 : i32
      %get3A_1088 = arith.index_cast %add3A_1087 : i32 to index
      %get3A_1089 = tpu.vector_load %arg6[%get3A_1088] {strides = array<i32>} : memref<256xi32, #tpu.memory_space<vmem>>, vector<16xi32>,
      %sub3A_1090 = arith.constant 384 : i32
      %sub3A_1091 = vector.broadcast %sub3A_1090 : i32 to vector<16xi32>
      %sub3A_1092 = arith.subi %get3A_1089, %sub3A_1091 : vector<16xi32>
      %ge3A_1093 = arith.constant 0 : i32
      %ge3A_1094 = vector.broadcast %ge3A_1093 : i32 to vector<16xi32>
      %ge3A_1095 = arith.cmpi sge, %sub3A_1092, %ge3A_1094 : vector<16xi32>
      %lt3A_1096 = arith.constant 128 : i32
      %lt3A_1097 = vector.broadcast %lt3A_1096 : i32 to vector<16xi32>
      %lt3A_1098 = arith.cmpi slt, %sub3A_1092, %lt3A_1097 : vector<16xi32>
      %and3A_1099 = arith.andi %ge3A_1095, %lt3A_1098 : vector<16xi1>
      %jit3A_1100 = arith.constant 0 : i32
      %jit3A_1101 = arith.constant 127 : i32
      %max3A_1102 = vector.broadcast %jit3A_1100 : i32 to vector<16xi32>
      %max3A_1103 = arith.maxsi %max3A_1102, %sub3A_1092 : vector<16xi32>
      %min3A_1104 = vector.broadcast %jit3A_1101 : i32 to vector<16xi32>
      %min3A_1105 = arith.minsi %min3A_1104, %max3A_1103 : vector<16xi32>
      %add3A_1106 = arith.constant 64 : i32
      %add3A_1107 = vector.broadcast %add3A_1106 : i32 to vector<16xi32>
      %add3A_1108 = arith.addi %add3A_1107, %iota3A : vector<16xi32>
      %gather3A_1109 = tpu.vector_load_idx %arg5[%broadcast_in_dim3A_961, %min3A_1105, %add3A_1108] masked %and3A_1099 : memref<4x128x128xf32, #tpu.memory_space<vmem>>[vector<16xi32>, vector<16xi32>, vector<16xi32>], vector<16xf32>, vector<16xi1>
      %select_n3A_1110 = arith.select %and3A_1099, %gather3A_1109, %select_n3A_828 : vector<16xi1>, vector<16xf32>
      %add3A_1111 = arith.constant 64 : i32
      %add3A_1112 = vector.broadcast %add3A_1111 : i32 to vector<16xi32>
      %add3A_1113 = arith.addi %add3A_1112, %iota3A : vector<16xi32>
      tpu.vector_store_idx %arg5[%broadcast_in_dim3A_961, %min3A_1105, %add3A_1113], %broadcast_in_dim3A_963 masked %and3A_1099 : memref<4x128x128xf32, #tpu.memory_space<vmem>>[vector<16xi32>, vector<16xi32>, vector<16xi32>], vector<16xf32>, vector<16xi1>
      %mul3A_1114 = arith.constant 128 : i32
      %mul3A_1115 = arith.muli %scan3A_59, %mul3A_1114 : i32
      %add3A_1116 = arith.constant 80 : i32
      %add3A_1117 = arith.addi %mul3A_1115, %add3A_1116 : i32
      %get3A_1118 = arith.index_cast %add3A_1117 : i32 to index
      %get3A_1119 = tpu.vector_load %arg6[%get3A_1118] {strides = array<i32>} : memref<256xi32, #tpu.memory_space<vmem>>, vector<16xi32>,
      %sub3A_1120 = arith.constant 384 : i32
      %sub3A_1121 = vector.broadcast %sub3A_1120 : i32 to vector<16xi32>
      %sub3A_1122 = arith.subi %get3A_1119, %sub3A_1121 : vector<16xi32>
      %ge3A_1123 = arith.constant 0 : i32
      %ge3A_1124 = vector.broadcast %ge3A_1123 : i32 to vector<16xi32>
      %ge3A_1125 = arith.cmpi sge, %sub3A_1122, %ge3A_1124 : vector<16xi32>
      %lt3A_1126 = arith.constant 128 : i32
      %lt3A_1127 = vector.broadcast %lt3A_1126 : i32 to vector<16xi32>
      %lt3A_1128 = arith.cmpi slt, %sub3A_1122, %lt3A_1127 : vector<16xi32>
      %and3A_1129 = arith.andi %ge3A_1125, %lt3A_1128 : vector<16xi1>
      %jit3A_1130 = arith.constant 0 : i32
      %jit3A_1131 = arith.constant 127 : i32
      %max3A_1132 = vector.broadcast %jit3A_1130 : i32 to vector<16xi32>
      %max3A_1133 = arith.maxsi %max3A_1132, %sub3A_1122 : vector<16xi32>
      %min3A_1134 = vector.broadcast %jit3A_1131 : i32 to vector<16xi32>
      %min3A_1135 = arith.minsi %min3A_1134, %max3A_1133 : vector<16xi32>
      %add3A_1136 = arith.constant 80 : i32
      %add3A_1137 = vector.broadcast %add3A_1136 : i32 to vector<16xi32>
      %add3A_1138 = arith.addi %add3A_1137, %iota3A : vector<16xi32>
      %gather3A_1139 = tpu.vector_load_idx %arg5[%broadcast_in_dim3A_961, %min3A_1135, %add3A_1138] masked %and3A_1129 : memref<4x128x128xf32, #tpu.memory_space<vmem>>[vector<16xi32>, vector<16xi32>, vector<16xi32>], vector<16xf32>, vector<16xi1>
      %select_n3A_1140 = arith.select %and3A_1129, %gather3A_1139, %select_n3A_858 : vector<16xi1>, vector<16xf32>
      %add3A_1141 = arith.constant 80 : i32
      %add3A_1142 = vector.broadcast %add3A_1141 : i32 to vector<16xi32>
      %add3A_1143 = arith.addi %add3A_1142, %iota3A : vector<16xi32>
      tpu.vector_store_idx %arg5[%broadcast_in_dim3A_961, %min3A_1135, %add3A_1143], %broadcast_in_dim3A_963 masked %and3A_1129 : memref<4x128x128xf32, #tpu.memory_space<vmem>>[vector<16xi32>, vector<16xi32>, vector<16xi32>], vector<16xf32>, vector<16xi1>
      %mul3A_1144 = arith.constant 128 : i32
      %mul3A_1145 = arith.muli %scan3A_59, %mul3A_1144 : i32
      %add3A_1146 = arith.constant 96 : i32
      %add3A_1147 = arith.addi %mul3A_1145, %add3A_1146 : i32
      %get3A_1148 = arith.index_cast %add3A_1147 : i32 to index
      %get3A_1149 = tpu.vector_load %arg6[%get3A_1148] {strides = array<i32>} : memref<256xi32, #tpu.memory_space<vmem>>, vector<16xi32>,
      %sub3A_1150 = arith.constant 384 : i32
      %sub3A_1151 = vector.broadcast %sub3A_1150 : i32 to vector<16xi32>
      %sub3A_1152 = arith.subi %get3A_1149, %sub3A_1151 : vector<16xi32>
      %ge3A_1153 = arith.constant 0 : i32
      %ge3A_1154 = vector.broadcast %ge3A_1153 : i32 to vector<16xi32>
      %ge3A_1155 = arith.cmpi sge, %sub3A_1152, %ge3A_1154 : vector<16xi32>
      %lt3A_1156 = arith.constant 128 : i32
      %lt3A_1157 = vector.broadcast %lt3A_1156 : i32 to vector<16xi32>
      %lt3A_1158 = arith.cmpi slt, %sub3A_1152, %lt3A_1157 : vector<16xi32>
      %and3A_1159 = arith.andi %ge3A_1155, %lt3A_1158 : vector<16xi1>
      %jit3A_1160 = arith.constant 0 : i32
      %jit3A_1161 = arith.constant 127 : i32
      %max3A_1162 = vector.broadcast %jit3A_1160 : i32 to vector<16xi32>
      %max3A_1163 = arith.maxsi %max3A_1162, %sub3A_1152 : vector<16xi32>
      %min3A_1164 = vector.broadcast %jit3A_1161 : i32 to vector<16xi32>
      %min3A_1165 = arith.minsi %min3A_1164, %max3A_1163 : vector<16xi32>
      %add3A_1166 = arith.constant 96 : i32
      %add3A_1167 = vector.broadcast %add3A_1166 : i32 to vector<16xi32>
      %add3A_1168 = arith.addi %add3A_1167, %iota3A : vector<16xi32>
      %gather3A_1169 = tpu.vector_load_idx %arg5[%broadcast_in_dim3A_961, %min3A_1165, %add3A_1168] masked %and3A_1159 : memref<4x128x128xf32, #tpu.memory_space<vmem>>[vector<16xi32>, vector<16xi32>, vector<16xi32>], vector<16xf32>, vector<16xi1>
      %select_n3A_1170 = arith.select %and3A_1159, %gather3A_1169, %select_n3A_888 : vector<16xi1>, vector<16xf32>
      %add3A_1171 = arith.constant 96 : i32
      %add3A_1172 = vector.broadcast %add3A_1171 : i32 to vector<16xi32>
      %add3A_1173 = arith.addi %add3A_1172, %iota3A : vector<16xi32>
      tpu.vector_store_idx %arg5[%broadcast_in_dim3A_961, %min3A_1165, %add3A_1173], %broadcast_in_dim3A_963 masked %and3A_1159 : memref<4x128x128xf32, #tpu.memory_space<vmem>>[vector<16xi32>, vector<16xi32>, vector<16xi32>], vector<16xf32>, vector<16xi1>
      %mul3A_1174 = arith.constant 128 : i32
      %mul3A_1175 = arith.muli %scan3A_59, %mul3A_1174 : i32
      %add3A_1176 = arith.constant 112 : i32
      %add3A_1177 = arith.addi %mul3A_1175, %add3A_1176 : i32
      %get3A_1178 = arith.index_cast %add3A_1177 : i32 to index
      %get3A_1179 = tpu.vector_load %arg6[%get3A_1178] {strides = array<i32>} : memref<256xi32, #tpu.memory_space<vmem>>, vector<16xi32>,
      %sub3A_1180 = arith.constant 384 : i32
      %sub3A_1181 = vector.broadcast %sub3A_1180 : i32 to vector<16xi32>
      %sub3A_1182 = arith.subi %get3A_1179, %sub3A_1181 : vector<16xi32>
      %ge3A_1183 = arith.constant 0 : i32
      %ge3A_1184 = vector.broadcast %ge3A_1183 : i32 to vector<16xi32>
      %ge3A_1185 = arith.cmpi sge, %sub3A_1182, %ge3A_1184 : vector<16xi32>
      %lt3A_1186 = arith.constant 128 : i32
      %lt3A_1187 = vector.broadcast %lt3A_1186 : i32 to vector<16xi32>
      %lt3A_1188 = arith.cmpi slt, %sub3A_1182, %lt3A_1187 : vector<16xi32>
      %and3A_1189 = arith.andi %ge3A_1185, %lt3A_1188 : vector<16xi1>
      %jit3A_1190 = arith.constant 0 : i32
      %jit3A_1191 = arith.constant 127 : i32
      %max3A_1192 = vector.broadcast %jit3A_1190 : i32 to vector<16xi32>
      %max3A_1193 = arith.maxsi %max3A_1192, %sub3A_1182 : vector<16xi32>
      %min3A_1194 = vector.broadcast %jit3A_1191 : i32 to vector<16xi32>
      %min3A_1195 = arith.minsi %min3A_1194, %max3A_1193 : vector<16xi32>
      %add3A_1196 = arith.constant 112 : i32
      %add3A_1197 = vector.broadcast %add3A_1196 : i32 to vector<16xi32>
      %add3A_1198 = arith.addi %add3A_1197, %iota3A : vector<16xi32>
      %gather3A_1199 = tpu.vector_load_idx %arg5[%broadcast_in_dim3A_961, %min3A_1195, %add3A_1198] masked %and3A_1189 : memref<4x128x128xf32, #tpu.memory_space<vmem>>[vector<16xi32>, vector<16xi32>, vector<16xi32>], vector<16xf32>, vector<16xi1>
      %select_n3A_1200 = arith.select %and3A_1189, %gather3A_1199, %select_n3A_918 : vector<16xi1>, vector<16xf32>
      %add3A_1201 = arith.constant 112 : i32
      %add3A_1202 = vector.broadcast %add3A_1201 : i32 to vector<16xi32>
      %add3A_1203 = arith.addi %add3A_1202, %iota3A : vector<16xi32>
      tpu.vector_store_idx %arg5[%broadcast_in_dim3A_961, %min3A_1195, %add3A_1203], %broadcast_in_dim3A_963 masked %and3A_1189 : memref<4x128x128xf32, #tpu.memory_space<vmem>>[vector<16xi32>, vector<16xi32>, vector<16xi32>], vector<16xf32>, vector<16xi1>
      %scan3A_1204 = arith.constant 0 : i32
      %scan3A_1205 = arith.constant 32 : i32
      %scan3A_1206 = arith.addi %scan3A_1204, %scan3A_1205 : i32
      %scan3A_1207 = arith.constant 1 : i32
      %scan3A_1208:8 = scf.for %scan3A_2421 = %scan3A_1204 to %scan3A_1206 step %scan3A_1207 iter_args(%scan3A_2422 = %scan3A_926#0, %scan3A_2423 = %scan3A_926#1, %scan3A_2424 = %scan3A_926#2, %scan3A_2425 = %scan3A_926#3, %scan3A_2426 = %scan3A_926#4, %scan3A_2427 = %scan3A_926#5, %scan3A_2428 = %scan3A_926#6, %scan3A_2429 = %scan3A_926#7) -> (vector<16xf32>, vector<16xf32>, vector<16xf32>, vector<16xf32>, vector<16xf32>, vector<16xf32>, vector<16xf32>, vector<16xf32>)  : i32 {
        %mul3A_2430 = arith.constant 4 : i32
        %mul3A_2431 = arith.muli %mul3A_2430, %scan3A_2421 : i32
        %add3A_2432 = arith.constant 0 : i32
        %add3A_2433 = arith.addi %mul3A_2431, %add3A_2432 : i32
        %get3A_2434 = arith.constant 3 : i32
        %get3A_2435 = arith.index_cast %get3A_2434 : i32 to index
        %get3A_2436 = arith.index_cast %add3A_2433 : i32 to index
        %get3A_2437 = arith.constant 0 : index
        %get3A_2438 = tpu.vector_load %arg5[%get3A_2435, %get3A_2436, %get3A_2437] {strides = array<i32>} : memref<4x128x128xf32, #tpu.memory_space<vmem>>, vector<16xf32>,
        %max3A_2439 = arith.maximumf %scan3A_2422, %get3A_2438 : vector<16xf32>
        %add3A_2440 = arith.constant 0 : i32
        %add3A_2441 = arith.addi %mul3A_2431, %add3A_2440 : i32
        %get3A_2442 = arith.constant 3 : i32
        %get3A_2443 = arith.index_cast %get3A_2442 : i32 to index
        %get3A_2444 = arith.index_cast %add3A_2441 : i32 to index
        %get3A_2445 = arith.constant 16 : index
        %get3A_2446 = tpu.vector_load %arg5[%get3A_2443, %get3A_2444, %get3A_2445] {strides = array<i32>} : memref<4x128x128xf32, #tpu.memory_space<vmem>>, vector<16xf32>,
        %max3A_2447 = arith.maximumf %scan3A_2423, %get3A_2446 : vector<16xf32>
        %add3A_2448 = arith.constant 0 : i32
        %add3A_2449 = arith.addi %mul3A_2431, %add3A_2448 : i32
        %get3A_2450 = arith.constant 3 : i32
        %get3A_2451 = arith.index_cast %get3A_2450 : i32 to index
        %get3A_2452 = arith.index_cast %add3A_2449 : i32 to index
        %get3A_2453 = arith.constant 32 : index
        %get3A_2454 = tpu.vector_load %arg5[%get3A_2451, %get3A_2452, %get3A_2453] {strides = array<i32>} : memref<4x128x128xf32, #tpu.memory_space<vmem>>, vector<16xf32>,
        %max3A_2455 = arith.maximumf %scan3A_2424, %get3A_2454 : vector<16xf32>
        %add3A_2456 = arith.constant 0 : i32
        %add3A_2457 = arith.addi %mul3A_2431, %add3A_2456 : i32
        %get3A_2458 = arith.constant 3 : i32
        %get3A_2459 = arith.index_cast %get3A_2458 : i32 to index
        %get3A_2460 = arith.index_cast %add3A_2457 : i32 to index
        %get3A_2461 = arith.constant 48 : index
        %get3A_2462 = tpu.vector_load %arg5[%get3A_2459, %get3A_2460, %get3A_2461] {strides = array<i32>} : memref<4x128x128xf32, #tpu.memory_space<vmem>>, vector<16xf32>,
        %max3A_2463 = arith.maximumf %scan3A_2425, %get3A_2462 : vector<16xf32>
        %add3A_2464 = arith.constant 0 : i32
        %add3A_2465 = arith.addi %mul3A_2431, %add3A_2464 : i32
        %get3A_2466 = arith.constant 3 : i32
        %get3A_2467 = arith.index_cast %get3A_2466 : i32 to index
        %get3A_2468 = arith.index_cast %add3A_2465 : i32 to index
        %get3A_2469 = arith.constant 64 : index
        %get3A_2470 = tpu.vector_load %arg5[%get3A_2467, %get3A_2468, %get3A_2469] {strides = array<i32>} : memref<4x128x128xf32, #tpu.memory_space<vmem>>, vector<16xf32>,
        %max3A_2471 = arith.maximumf %scan3A_2426, %get3A_2470 : vector<16xf32>
        %add3A_2472 = arith.constant 0 : i32
        %add3A_2473 = arith.addi %mul3A_2431, %add3A_2472 : i32
        %get3A_2474 = arith.constant 3 : i32
        %get3A_2475 = arith.index_cast %get3A_2474 : i32 to index
        %get3A_2476 = arith.index_cast %add3A_2473 : i32 to index
        %get3A_2477 = arith.constant 80 : index
        %get3A_2478 = tpu.vector_load %arg5[%get3A_2475, %get3A_2476, %get3A_2477] {strides = array<i32>} : memref<4x128x128xf32, #tpu.memory_space<vmem>>, vector<16xf32>,
        %max3A_2479 = arith.maximumf %scan3A_2427, %get3A_2478 : vector<16xf32>
        %add3A_2480 = arith.constant 0 : i32
        %add3A_2481 = arith.addi %mul3A_2431, %add3A_2480 : i32
        %get3A_2482 = arith.constant 3 : i32
        %get3A_2483 = arith.index_cast %get3A_2482 : i32 to index
        %get3A_2484 = arith.index_cast %add3A_2481 : i32 to index
        %get3A_2485 = arith.constant 96 : index
        %get3A_2486 = tpu.vector_load %arg5[%get3A_2483, %get3A_2484, %get3A_2485] {strides = array<i32>} : memref<4x128x128xf32, #tpu.memory_space<vmem>>, vector<16xf32>,
        %max3A_2487 = arith.maximumf %scan3A_2428, %get3A_2486 : vector<16xf32>
        %add3A_2488 = arith.constant 0 : i32
        %add3A_2489 = arith.addi %mul3A_2431, %add3A_2488 : i32
        %get3A_2490 = arith.constant 3 : i32
        %get3A_2491 = arith.index_cast %get3A_2490 : i32 to index
        %get3A_2492 = arith.index_cast %add3A_2489 : i32 to index
        %get3A_2493 = arith.constant 112 : index
        %get3A_2494 = tpu.vector_load %arg5[%get3A_2491, %get3A_2492, %get3A_2493] {strides = array<i32>} : memref<4x128x128xf32, #tpu.memory_space<vmem>>, vector<16xf32>,
        %max3A_2495 = arith.maximumf %scan3A_2429, %get3A_2494 : vector<16xf32>
        %add3A_2496 = arith.constant 1 : i32
        %add3A_2497 = arith.addi %mul3A_2431, %add3A_2496 : i32
        %get3A_2498 = arith.constant 3 : i32
        %get3A_2499 = arith.index_cast %get3A_2498 : i32 to index
        %get3A_2500 = arith.index_cast %add3A_2497 : i32 to index
        %get3A_2501 = arith.constant 0 : index
        %get3A_2502 = tpu.vector_load %arg5[%get3A_2499, %get3A_2500, %get3A_2501] {strides = array<i32>} : memref<4x128x128xf32, #tpu.memory_space<vmem>>, vector<16xf32>,
        %max3A_2503 = arith.maximumf %max3A_2439, %get3A_2502 : vector<16xf32>
        %add3A_2504 = arith.constant 1 : i32
        %add3A_2505 = arith.addi %mul3A_2431, %add3A_2504 : i32
        %get3A_2506 = arith.constant 3 : i32
        %get3A_2507 = arith.index_cast %get3A_2506 : i32 to index
        %get3A_2508 = arith.index_cast %add3A_2505 : i32 to index
        %get3A_2509 = arith.constant 16 : index
        %get3A_2510 = tpu.vector_load %arg5[%get3A_2507, %get3A_2508, %get3A_2509] {strides = array<i32>} : memref<4x128x128xf32, #tpu.memory_space<vmem>>, vector<16xf32>,
        %max3A_2511 = arith.maximumf %max3A_2447, %get3A_2510 : vector<16xf32>
        %add3A_2512 = arith.constant 1 : i32
        %add3A_2513 = arith.addi %mul3A_2431, %add3A_2512 : i32
        %get3A_2514 = arith.constant 3 : i32
        %get3A_2515 = arith.index_cast %get3A_2514 : i32 to index
        %get3A_2516 = arith.index_cast %add3A_2513 : i32 to index
        %get3A_2517 = arith.constant 32 : index
        %get3A_2518 = tpu.vector_load %arg5[%get3A_2515, %get3A_2516, %get3A_2517] {strides = array<i32>} : memref<4x128x128xf32, #tpu.memory_space<vmem>>, vector<16xf32>,
        %max3A_2519 = arith.maximumf %max3A_2455, %get3A_2518 : vector<16xf32>
        %add3A_2520 = arith.constant 1 : i32
        %add3A_2521 = arith.addi %mul3A_2431, %add3A_2520 : i32
        %get3A_2522 = arith.constant 3 : i32
        %get3A_2523 = arith.index_cast %get3A_2522 : i32 to index
        %get3A_2524 = arith.index_cast %add3A_2521 : i32 to index
        %get3A_2525 = arith.constant 48 : index
        %get3A_2526 = tpu.vector_load %arg5[%get3A_2523, %get3A_2524, %get3A_2525] {strides = array<i32>} : memref<4x128x128xf32, #tpu.memory_space<vmem>>, vector<16xf32>,
        %max3A_2527 = arith.maximumf %max3A_2463, %get3A_2526 : vector<16xf32>
        %add3A_2528 = arith.constant 1 : i32
        %add3A_2529 = arith.addi %mul3A_2431, %add3A_2528 : i32
        %get3A_2530 = arith.constant 3 : i32
        %get3A_2531 = arith.index_cast %get3A_2530 : i32 to index
        %get3A_2532 = arith.index_cast %add3A_2529 : i32 to index
        %get3A_2533 = arith.constant 64 : index
        %get3A_2534 = tpu.vector_load %arg5[%get3A_2531, %get3A_2532, %get3A_2533] {strides = array<i32>} : memref<4x128x128xf32, #tpu.memory_space<vmem>>, vector<16xf32>,
        %max3A_2535 = arith.maximumf %max3A_2471, %get3A_2534 : vector<16xf32>
        %add3A_2536 = arith.constant 1 : i32
        %add3A_2537 = arith.addi %mul3A_2431, %add3A_2536 : i32
        %get3A_2538 = arith.constant 3 : i32
        %get3A_2539 = arith.index_cast %get3A_2538 : i32 to index
        %get3A_2540 = arith.index_cast %add3A_2537 : i32 to index
        %get3A_2541 = arith.constant 80 : index
        %get3A_2542 = tpu.vector_load %arg5[%get3A_2539, %get3A_2540, %get3A_2541] {strides = array<i32>} : memref<4x128x128xf32, #tpu.memory_space<vmem>>, vector<16xf32>,
        %max3A_2543 = arith.maximumf %max3A_2479, %get3A_2542 : vector<16xf32>
        %add3A_2544 = arith.constant 1 : i32
        %add3A_2545 = arith.addi %mul3A_2431, %add3A_2544 : i32
        %get3A_2546 = arith.constant 3 : i32
        %get3A_2547 = arith.index_cast %get3A_2546 : i32 to index
        %get3A_2548 = arith.index_cast %add3A_2545 : i32 to index
        %get3A_2549 = arith.constant 96 : index
        %get3A_2550 = tpu.vector_load %arg5[%get3A_2547, %get3A_2548, %get3A_2549] {strides = array<i32>} : memref<4x128x128xf32, #tpu.memory_space<vmem>>, vector<16xf32>,
        %max3A_2551 = arith.maximumf %max3A_2487, %get3A_2550 : vector<16xf32>
        %add3A_2552 = arith.constant 1 : i32
        %add3A_2553 = arith.addi %mul3A_2431, %add3A_2552 : i32
        %get3A_2554 = arith.constant 3 : i32
        %get3A_2555 = arith.index_cast %get3A_2554 : i32 to index
        %get3A_2556 = arith.index_cast %add3A_2553 : i32 to index
        %get3A_2557 = arith.constant 112 : index
        %get3A_2558 = tpu.vector_load %arg5[%get3A_2555, %get3A_2556, %get3A_2557] {strides = array<i32>} : memref<4x128x128xf32, #tpu.memory_space<vmem>>, vector<16xf32>,
        %max3A_2559 = arith.maximumf %max3A_2495, %get3A_2558 : vector<16xf32>
        %add3A_2560 = arith.constant 2 : i32
        %add3A_2561 = arith.addi %mul3A_2431, %add3A_2560 : i32
        %get3A_2562 = arith.constant 3 : i32
        %get3A_2563 = arith.index_cast %get3A_2562 : i32 to index
        %get3A_2564 = arith.index_cast %add3A_2561 : i32 to index
        %get3A_2565 = arith.constant 0 : index
        %get3A_2566 = tpu.vector_load %arg5[%get3A_2563, %get3A_2564, %get3A_2565] {strides = array<i32>} : memref<4x128x128xf32, #tpu.memory_space<vmem>>, vector<16xf32>,
        %max3A_2567 = arith.maximumf %max3A_2503, %get3A_2566 : vector<16xf32>
        %add3A_2568 = arith.constant 2 : i32
        %add3A_2569 = arith.addi %mul3A_2431, %add3A_2568 : i32
        %get3A_2570 = arith.constant 3 : i32
        %get3A_2571 = arith.index_cast %get3A_2570 : i32 to index
        %get3A_2572 = arith.index_cast %add3A_2569 : i32 to index
        %get3A_2573 = arith.constant 16 : index
        %get3A_2574 = tpu.vector_load %arg5[%get3A_2571, %get3A_2572, %get3A_2573] {strides = array<i32>} : memref<4x128x128xf32, #tpu.memory_space<vmem>>, vector<16xf32>,
        %max3A_2575 = arith.maximumf %max3A_2511, %get3A_2574 : vector<16xf32>
        %add3A_2576 = arith.constant 2 : i32
        %add3A_2577 = arith.addi %mul3A_2431, %add3A_2576 : i32
        %get3A_2578 = arith.constant 3 : i32
        %get3A_2579 = arith.index_cast %get3A_2578 : i32 to index
        %get3A_2580 = arith.index_cast %add3A_2577 : i32 to index
        %get3A_2581 = arith.constant 32 : index
        %get3A_2582 = tpu.vector_load %arg5[%get3A_2579, %get3A_2580, %get3A_2581] {strides = array<i32>} : memref<4x128x128xf32, #tpu.memory_space<vmem>>, vector<16xf32>,
        %max3A_2583 = arith.maximumf %max3A_2519, %get3A_2582 : vector<16xf32>
        %add3A_2584 = arith.constant 2 : i32
        %add3A_2585 = arith.addi %mul3A_2431, %add3A_2584 : i32
        %get3A_2586 = arith.constant 3 : i32
        %get3A_2587 = arith.index_cast %get3A_2586 : i32 to index
        %get3A_2588 = arith.index_cast %add3A_2585 : i32 to index
        %get3A_2589 = arith.constant 48 : index
        %get3A_2590 = tpu.vector_load %arg5[%get3A_2587, %get3A_2588, %get3A_2589] {strides = array<i32>} : memref<4x128x128xf32, #tpu.memory_space<vmem>>, vector<16xf32>,
        %max3A_2591 = arith.maximumf %max3A_2527, %get3A_2590 : vector<16xf32>
        %add3A_2592 = arith.constant 2 : i32
        %add3A_2593 = arith.addi %mul3A_2431, %add3A_2592 : i32
        %get3A_2594 = arith.constant 3 : i32
        %get3A_2595 = arith.index_cast %get3A_2594 : i32 to index
        %get3A_2596 = arith.index_cast %add3A_2593 : i32 to index
        %get3A_2597 = arith.constant 64 : index
        %get3A_2598 = tpu.vector_load %arg5[%get3A_2595, %get3A_2596, %get3A_2597] {strides = array<i32>} : memref<4x128x128xf32, #tpu.memory_space<vmem>>, vector<16xf32>,
        %max3A_2599 = arith.maximumf %max3A_2535, %get3A_2598 : vector<16xf32>
        %add3A_2600 = arith.constant 2 : i32
        %add3A_2601 = arith.addi %mul3A_2431, %add3A_2600 : i32
        %get3A_2602 = arith.constant 3 : i32
        %get3A_2603 = arith.index_cast %get3A_2602 : i32 to index
        %get3A_2604 = arith.index_cast %add3A_2601 : i32 to index
        %get3A_2605 = arith.constant 80 : index
        %get3A_2606 = tpu.vector_load %arg5[%get3A_2603, %get3A_2604, %get3A_2605] {strides = array<i32>} : memref<4x128x128xf32, #tpu.memory_space<vmem>>, vector<16xf32>,
        %max3A_2607 = arith.maximumf %max3A_2543, %get3A_2606 : vector<16xf32>
        %add3A_2608 = arith.constant 2 : i32
        %add3A_2609 = arith.addi %mul3A_2431, %add3A_2608 : i32
        %get3A_2610 = arith.constant 3 : i32
        %get3A_2611 = arith.index_cast %get3A_2610 : i32 to index
        %get3A_2612 = arith.index_cast %add3A_2609 : i32 to index
        %get3A_2613 = arith.constant 96 : index
        %get3A_2614 = tpu.vector_load %arg5[%get3A_2611, %get3A_2612, %get3A_2613] {strides = array<i32>} : memref<4x128x128xf32, #tpu.memory_space<vmem>>, vector<16xf32>,
        %max3A_2615 = arith.maximumf %max3A_2551, %get3A_2614 : vector<16xf32>
        %add3A_2616 = arith.constant 2 : i32
        %add3A_2617 = arith.addi %mul3A_2431, %add3A_2616 : i32
        %get3A_2618 = arith.constant 3 : i32
        %get3A_2619 = arith.index_cast %get3A_2618 : i32 to index
        %get3A_2620 = arith.index_cast %add3A_2617 : i32 to index
        %get3A_2621 = arith.constant 112 : index
        %get3A_2622 = tpu.vector_load %arg5[%get3A_2619, %get3A_2620, %get3A_2621] {strides = array<i32>} : memref<4x128x128xf32, #tpu.memory_space<vmem>>, vector<16xf32>,
        %max3A_2623 = arith.maximumf %max3A_2559, %get3A_2622 : vector<16xf32>
        %add3A_2624 = arith.constant 3 : i32
        %add3A_2625 = arith.addi %mul3A_2431, %add3A_2624 : i32
        %get3A_2626 = arith.constant 3 : i32
        %get3A_2627 = arith.index_cast %get3A_2626 : i32 to index
        %get3A_2628 = arith.index_cast %add3A_2625 : i32 to index
        %get3A_2629 = arith.constant 0 : index
        %get3A_2630 = tpu.vector_load %arg5[%get3A_2627, %get3A_2628, %get3A_2629] {strides = array<i32>} : memref<4x128x128xf32, #tpu.memory_space<vmem>>, vector<16xf32>,
        %max3A_2631 = arith.maximumf %max3A_2567, %get3A_2630 : vector<16xf32>
        %add3A_2632 = arith.constant 3 : i32
        %add3A_2633 = arith.addi %mul3A_2431, %add3A_2632 : i32
        %get3A_2634 = arith.constant 3 : i32
        %get3A_2635 = arith.index_cast %get3A_2634 : i32 to index
        %get3A_2636 = arith.index_cast %add3A_2633 : i32 to index
        %get3A_2637 = arith.constant 16 : index
        %get3A_2638 = tpu.vector_load %arg5[%get3A_2635, %get3A_2636, %get3A_2637] {strides = array<i32>} : memref<4x128x128xf32, #tpu.memory_space<vmem>>, vector<16xf32>,
        %max3A_2639 = arith.maximumf %max3A_2575, %get3A_2638 : vector<16xf32>
        %add3A_2640 = arith.constant 3 : i32
        %add3A_2641 = arith.addi %mul3A_2431, %add3A_2640 : i32
        %get3A_2642 = arith.constant 3 : i32
        %get3A_2643 = arith.index_cast %get3A_2642 : i32 to index
        %get3A_2644 = arith.index_cast %add3A_2641 : i32 to index
        %get3A_2645 = arith.constant 32 : index
        %get3A_2646 = tpu.vector_load %arg5[%get3A_2643, %get3A_2644, %get3A_2645] {strides = array<i32>} : memref<4x128x128xf32, #tpu.memory_space<vmem>>, vector<16xf32>,
        %max3A_2647 = arith.maximumf %max3A_2583, %get3A_2646 : vector<16xf32>
        %add3A_2648 = arith.constant 3 : i32
        %add3A_2649 = arith.addi %mul3A_2431, %add3A_2648 : i32
        %get3A_2650 = arith.constant 3 : i32
        %get3A_2651 = arith.index_cast %get3A_2650 : i32 to index
        %get3A_2652 = arith.index_cast %add3A_2649 : i32 to index
        %get3A_2653 = arith.constant 48 : index
        %get3A_2654 = tpu.vector_load %arg5[%get3A_2651, %get3A_2652, %get3A_2653] {strides = array<i32>} : memref<4x128x128xf32, #tpu.memory_space<vmem>>, vector<16xf32>,
        %max3A_2655 = arith.maximumf %max3A_2591, %get3A_2654 : vector<16xf32>
        %add3A_2656 = arith.constant 3 : i32
        %add3A_2657 = arith.addi %mul3A_2431, %add3A_2656 : i32
        %get3A_2658 = arith.constant 3 : i32
        %get3A_2659 = arith.index_cast %get3A_2658 : i32 to index
        %get3A_2660 = arith.index_cast %add3A_2657 : i32 to index
        %get3A_2661 = arith.constant 64 : index
        %get3A_2662 = tpu.vector_load %arg5[%get3A_2659, %get3A_2660, %get3A_2661] {strides = array<i32>} : memref<4x128x128xf32, #tpu.memory_space<vmem>>, vector<16xf32>,
        %max3A_2663 = arith.maximumf %max3A_2599, %get3A_2662 : vector<16xf32>
        %add3A_2664 = arith.constant 3 : i32
        %add3A_2665 = arith.addi %mul3A_2431, %add3A_2664 : i32
        %get3A_2666 = arith.constant 3 : i32
        %get3A_2667 = arith.index_cast %get3A_2666 : i32 to index
        %get3A_2668 = arith.index_cast %add3A_2665 : i32 to index
        %get3A_2669 = arith.constant 80 : index
        %get3A_2670 = tpu.vector_load %arg5[%get3A_2667, %get3A_2668, %get3A_2669] {strides = array<i32>} : memref<4x128x128xf32, #tpu.memory_space<vmem>>, vector<16xf32>,
        %max3A_2671 = arith.maximumf %max3A_2607, %get3A_2670 : vector<16xf32>
        %add3A_2672 = arith.constant 3 : i32
        %add3A_2673 = arith.addi %mul3A_2431, %add3A_2672 : i32
        %get3A_2674 = arith.constant 3 : i32
        %get3A_2675 = arith.index_cast %get3A_2674 : i32 to index
        %get3A_2676 = arith.index_cast %add3A_2673 : i32 to index
        %get3A_2677 = arith.constant 96 : index
        %get3A_2678 = tpu.vector_load %arg5[%get3A_2675, %get3A_2676, %get3A_2677] {strides = array<i32>} : memref<4x128x128xf32, #tpu.memory_space<vmem>>, vector<16xf32>,
        %max3A_2679 = arith.maximumf %max3A_2615, %get3A_2678 : vector<16xf32>
        %add3A_2680 = arith.constant 3 : i32
        %add3A_2681 = arith.addi %mul3A_2431, %add3A_2680 : i32
        %get3A_2682 = arith.constant 3 : i32
        %get3A_2683 = arith.index_cast %get3A_2682 : i32 to index
        %get3A_2684 = arith.index_cast %add3A_2681 : i32 to index
        %get3A_2685 = arith.constant 112 : index
        %get3A_2686 = tpu.vector_load %arg5[%get3A_2683, %get3A_2684, %get3A_2685] {strides = array<i32>} : memref<4x128x128xf32, #tpu.memory_space<vmem>>, vector<16xf32>,
        %max3A_2687 = arith.maximumf %max3A_2623, %get3A_2686 : vector<16xf32>
        scf.yield %max3A_2631, %max3A_2639, %max3A_2647, %max3A_2655, %max3A_2663, %max3A_2671, %max3A_2679, %max3A_2687 : vector<16xf32>, vector<16xf32>, vector<16xf32>, vector<16xf32>, vector<16xf32>, vector<16xf32>, vector<16xf32>, vector<16xf32>
      }
      %scan3A_1209 = arith.constant 32 : i32
      %mul3A_1210 = arith.constant 128 : i32
      %mul3A_1211 = arith.muli %scan3A_59, %mul3A_1210 : i32
      %add3A_1212 = arith.addi %add3A_4, %mul3A_1211 : i32
      %dma_wait3A_1213 = arith.constant 0 : i32
      %dma_wait3A_1214 = arith.constant 0 : i32
      %dma_wait3A_1215 = arith.constant 0 : i32
      %dma_wait3A_1216 = tpu.memref_slice %arg5[%dma_wait3A_1213, %dma_wait3A_1214, %dma_wait3A_1215] : memref<4x128x128xf32, #tpu.memory_space<vmem>> -> memref<1x128x128xf32, #tpu.memory_space<vmem>>
      %dma_wait3A_1217 = tpu.memref_squeeze %dma_wait3A_1216 : memref<1x128x128xf32, #tpu.memory_space<vmem>> -> memref<128x128xf32, #tpu.memory_space<vmem>>
      %dma_wait3A_1218 = arith.constant 512 : i32
      %dma_wait3A_1219 = tpu.memref_slice %arg2[%dma_wait3A_1218, %add3A_1212] : memref<1000x16384xf32, #tpu.memory_space<hbm>> -> memref<128x128xf32, #tpu.memory_space<hbm>>
      %dma_wait3A_1220 = arith.constant 0 : i32
      %dma_wait3A_1221 = arith.constant 0 : i32
      %dma_wait3A_1222 = tpu.memref_slice %arg5[%dma_wait3A_1213, %dma_wait3A_1220, %dma_wait3A_1221] : memref<4x128x128xf32, #tpu.memory_space<vmem>> -> memref<1x128x128xf32, #tpu.memory_space<vmem>>
      %dma_wait3A_1223 = tpu.memref_squeeze %dma_wait3A_1222 : memref<1x128x128xf32, #tpu.memory_space<vmem>> -> memref<128x128xf32, #tpu.memory_space<vmem>>
      %dma_wait3A_1224 = arith.constant 512 : i32
      %dma_wait3A_1225 = tpu.memref_slice %arg2[%dma_wait3A_1224, %add3A_1212] : memref<1000x16384xf32, #tpu.memory_space<hbm>> -> memref<128x128xf32, #tpu.memory_space<hbm>>
      tpu.wait_dma2 semaphore(%arg8 : memref<!tpu.dma_semaphore, #tpu.memory_space<semaphore_mem>>) src(%dma_wait3A_1225 : memref<128x128xf32, #tpu.memory_space<hbm>>) dst(%dma_wait3A_1223 : memref<128x128xf32, #tpu.memory_space<vmem>>)
      %mul3A_1226 = arith.constant 128 : i32
      %mul3A_1227 = arith.muli %scan3A_59, %mul3A_1226 : i32
      %add3A_1228 = arith.addi %add3A_4, %mul3A_1227 : i32
      %dma_start3A_1229 = arith.constant 3 : i32
      %dma_start3A_1230 = arith.constant 0 : i32
      %dma_start3A_1231 = arith.constant 0 : i32
      %dma_start3A_1232 = tpu.memref_slice %arg5[%dma_start3A_1229, %dma_start3A_1230, %dma_start3A_1231] : memref<4x128x128xf32, #tpu.memory_space<vmem>> -> memref<1x104x128xf32, #tpu.memory_space<vmem>>
      %dma_start3A_1233 = tpu.memref_squeeze %dma_start3A_1232 : memref<1x104x128xf32, #tpu.memory_space<vmem>> -> memref<104x128xf32, #tpu.memory_space<vmem>>
      %dma_start3A_1234 = arith.constant 896 : i32
      %dma_start3A_1235 = tpu.memref_slice %arg2[%dma_start3A_1234, %add3A_1228] : memref<1000x16384xf32, #tpu.memory_space<hbm>> -> memref<104x128xf32, #tpu.memory_space<hbm>>
      %dma_start3A_1236 = arith.constant 0 : i32
      %dma_start3A_1237 = arith.constant 0 : i32
      %dma_start3A_1238 = tpu.memref_slice %arg5[%dma_start3A_1229, %dma_start3A_1236, %dma_start3A_1237] : memref<4x128x128xf32, #tpu.memory_space<vmem>> -> memref<1x104x128xf32, #tpu.memory_space<vmem>>
      %dma_start3A_1239 = tpu.memref_squeeze %dma_start3A_1238 : memref<1x104x128xf32, #tpu.memory_space<vmem>> -> memref<104x128xf32, #tpu.memory_space<vmem>>
      %dma_start3A_1240 = arith.constant 896 : i32
      %dma_start3A_1241 = tpu.memref_slice %arg2[%dma_start3A_1240, %add3A_1228] : memref<1000x16384xf32, #tpu.memory_space<hbm>> -> memref<104x128xf32, #tpu.memory_space<hbm>>
      tpu.enqueue_dma source(%dma_start3A_1241 : memref<104x128xf32, #tpu.memory_space<hbm>>) target(%dma_start3A_1239 : memref<104x128xf32, #tpu.memory_space<vmem>>) target_semaphore(%arg11 : memref<!tpu.dma_semaphore, #tpu.memory_space<semaphore_mem>>)
      %broadcast_in_dim3A_1242 = arith.constant 0 : i32
      %broadcast_in_dim3A_1243 = vector.broadcast %broadcast_in_dim3A_1242 : i32 to vector<16xi32>
      %broadcast_in_dim3A_1244 = arith.constant -1.000000e+10 : f32
      %broadcast_in_dim3A_1245 = vector.broadcast %broadcast_in_dim3A_1244 : f32 to vector<16xf32>
      %mul3A_1246 = arith.constant 128 : i32
      %mul3A_1247 = arith.muli %scan3A_59, %mul3A_1246 : i32
      %add3A_1248 = arith.constant 0 : i32
      %add3A_1249 = arith.addi %mul3A_1247, %add3A_1248 : i32
      %get3A_1250 = arith.index_cast %add3A_1249 : i32 to index
      %get3A_1251 = tpu.vector_load %arg6[%get3A_1250] {strides = array<i32>} : memref<256xi32, #tpu.memory_space<vmem>>, vector<16xi32>,
      %sub3A_1252 = arith.constant 512 : i32
      %sub3A_1253 = vector.broadcast %sub3A_1252 : i32 to vector<16xi32>
      %sub3A_1254 = arith.subi %get3A_1251, %sub3A_1253 : vector<16xi32>
      %ge3A_1255 = arith.constant 0 : i32
      %ge3A_1256 = vector.broadcast %ge3A_1255 : i32 to vector<16xi32>
      %ge3A_1257 = arith.cmpi sge, %sub3A_1254, %ge3A_1256 : vector<16xi32>
      %lt3A_1258 = arith.constant 128 : i32
      %lt3A_1259 = vector.broadcast %lt3A_1258 : i32 to vector<16xi32>
      %lt3A_1260 = arith.cmpi slt, %sub3A_1254, %lt3A_1259 : vector<16xi32>
      %and3A_1261 = arith.andi %ge3A_1257, %lt3A_1260 : vector<16xi1>
      %jit3A_1262 = arith.constant 0 : i32
      %jit3A_1263 = arith.constant 127 : i32
      %max3A_1264 = vector.broadcast %jit3A_1262 : i32 to vector<16xi32>
      %max3A_1265 = arith.maxsi %max3A_1264, %sub3A_1254 : vector<16xi32>
      %min3A_1266 = vector.broadcast %jit3A_1263 : i32 to vector<16xi32>
      %min3A_1267 = arith.minsi %min3A_1266, %max3A_1265 : vector<16xi32>
      %add3A_1268 = arith.constant 0 : i32
      %add3A_1269 = vector.broadcast %add3A_1268 : i32 to vector<16xi32>
      %add3A_1270 = arith.addi %add3A_1269, %iota3A : vector<16xi32>
      %gather3A_1271 = tpu.vector_load_idx %arg5[%broadcast_in_dim3A_1243, %min3A_1267, %add3A_1270] masked %and3A_1261 : memref<4x128x128xf32, #tpu.memory_space<vmem>>[vector<16xi32>, vector<16xi32>, vector<16xi32>], vector<16xf32>, vector<16xi1>
      %select_n3A_1272 = arith.select %and3A_1261, %gather3A_1271, %select_n3A_990 : vector<16xi1>, vector<16xf32>
      %add3A_1273 = arith.constant 0 : i32
      %add3A_1274 = vector.broadcast %add3A_1273 : i32 to vector<16xi32>
      %add3A_1275 = arith.addi %add3A_1274, %iota3A : vector<16xi32>
      tpu.vector_store_idx %arg5[%broadcast_in_dim3A_1243, %min3A_1267, %add3A_1275], %broadcast_in_dim3A_1245 masked %and3A_1261 : memref<4x128x128xf32, #tpu.memory_space<vmem>>[vector<16xi32>, vector<16xi32>, vector<16xi32>], vector<16xf32>, vector<16xi1>
      %mul3A_1276 = arith.constant 128 : i32
      %mul3A_1277 = arith.muli %scan3A_59, %mul3A_1276 : i32
      %add3A_1278 = arith.constant 16 : i32
      %add3A_1279 = arith.addi %mul3A_1277, %add3A_1278 : i32
      %get3A_1280 = arith.index_cast %add3A_1279 : i32 to index
      %get3A_1281 = tpu.vector_load %arg6[%get3A_1280] {strides = array<i32>} : memref<256xi32, #tpu.memory_space<vmem>>, vector<16xi32>,
      %sub3A_1282 = arith.constant 512 : i32
      %sub3A_1283 = vector.broadcast %sub3A_1282 : i32 to vector<16xi32>
      %sub3A_1284 = arith.subi %get3A_1281, %sub3A_1283 : vector<16xi32>
      %ge3A_1285 = arith.constant 0 : i32
      %ge3A_1286 = vector.broadcast %ge3A_1285 : i32 to vector<16xi32>
      %ge3A_1287 = arith.cmpi sge, %sub3A_1284, %ge3A_1286 : vector<16xi32>
      %lt3A_1288 = arith.constant 128 : i32
      %lt3A_1289 = vector.broadcast %lt3A_1288 : i32 to vector<16xi32>
      %lt3A_1290 = arith.cmpi slt, %sub3A_1284, %lt3A_1289 : vector<16xi32>
      %and3A_1291 = arith.andi %ge3A_1287, %lt3A_1290 : vector<16xi1>
      %jit3A_1292 = arith.constant 0 : i32
      %jit3A_1293 = arith.constant 127 : i32
      %max3A_1294 = vector.broadcast %jit3A_1292 : i32 to vector<16xi32>
      %max3A_1295 = arith.maxsi %max3A_1294, %sub3A_1284 : vector<16xi32>
      %min3A_1296 = vector.broadcast %jit3A_1293 : i32 to vector<16xi32>
      %min3A_1297 = arith.minsi %min3A_1296, %max3A_1295 : vector<16xi32>
      %add3A_1298 = arith.constant 16 : i32
      %add3A_1299 = vector.broadcast %add3A_1298 : i32 to vector<16xi32>
      %add3A_1300 = arith.addi %add3A_1299, %iota3A : vector<16xi32>
      %gather3A_1301 = tpu.vector_load_idx %arg5[%broadcast_in_dim3A_1243, %min3A_1297, %add3A_1300] masked %and3A_1291 : memref<4x128x128xf32, #tpu.memory_space<vmem>>[vector<16xi32>, vector<16xi32>, vector<16xi32>], vector<16xf32>, vector<16xi1>
      %select_n3A_1302 = arith.select %and3A_1291, %gather3A_1301, %select_n3A_1020 : vector<16xi1>, vector<16xf32>
      %add3A_1303 = arith.constant 16 : i32
      %add3A_1304 = vector.broadcast %add3A_1303 : i32 to vector<16xi32>
      %add3A_1305 = arith.addi %add3A_1304, %iota3A : vector<16xi32>
      tpu.vector_store_idx %arg5[%broadcast_in_dim3A_1243, %min3A_1297, %add3A_1305], %broadcast_in_dim3A_1245 masked %and3A_1291 : memref<4x128x128xf32, #tpu.memory_space<vmem>>[vector<16xi32>, vector<16xi32>, vector<16xi32>], vector<16xf32>, vector<16xi1>
      %mul3A_1306 = arith.constant 128 : i32
      %mul3A_1307 = arith.muli %scan3A_59, %mul3A_1306 : i32
      %add3A_1308 = arith.constant 32 : i32
      %add3A_1309 = arith.addi %mul3A_1307, %add3A_1308 : i32
      %get3A_1310 = arith.index_cast %add3A_1309 : i32 to index
      %get3A_1311 = tpu.vector_load %arg6[%get3A_1310] {strides = array<i32>} : memref<256xi32, #tpu.memory_space<vmem>>, vector<16xi32>,
      %sub3A_1312 = arith.constant 512 : i32
      %sub3A_1313 = vector.broadcast %sub3A_1312 : i32 to vector<16xi32>
      %sub3A_1314 = arith.subi %get3A_1311, %sub3A_1313 : vector<16xi32>
      %ge3A_1315 = arith.constant 0 : i32
      %ge3A_1316 = vector.broadcast %ge3A_1315 : i32 to vector<16xi32>
      %ge3A_1317 = arith.cmpi sge, %sub3A_1314, %ge3A_1316 : vector<16xi32>
      %lt3A_1318 = arith.constant 128 : i32
      %lt3A_1319 = vector.broadcast %lt3A_1318 : i32 to vector<16xi32>
      %lt3A_1320 = arith.cmpi slt, %sub3A_1314, %lt3A_1319 : vector<16xi32>
      %and3A_1321 = arith.andi %ge3A_1317, %lt3A_1320 : vector<16xi1>
      %jit3A_1322 = arith.constant 0 : i32
      %jit3A_1323 = arith.constant 127 : i32
      %max3A_1324 = vector.broadcast %jit3A_1322 : i32 to vector<16xi32>
      %max3A_1325 = arith.maxsi %max3A_1324, %sub3A_1314 : vector<16xi32>
      %min3A_1326 = vector.broadcast %jit3A_1323 : i32 to vector<16xi32>
      %min3A_1327 = arith.minsi %min3A_1326, %max3A_1325 : vector<16xi32>
      %add3A_1328 = arith.constant 32 : i32
      %add3A_1329 = vector.broadcast %add3A_1328 : i32 to vector<16xi32>
      %add3A_1330 = arith.addi %add3A_1329, %iota3A : vector<16xi32>
      %gather3A_1331 = tpu.vector_load_idx %arg5[%broadcast_in_dim3A_1243, %min3A_1327, %add3A_1330] masked %and3A_1321 : memref<4x128x128xf32, #tpu.memory_space<vmem>>[vector<16xi32>, vector<16xi32>, vector<16xi32>], vector<16xf32>, vector<16xi1>
      %select_n3A_1332 = arith.select %and3A_1321, %gather3A_1331, %select_n3A_1050 : vector<16xi1>, vector<16xf32>
      %add3A_1333 = arith.constant 32 : i32
      %add3A_1334 = vector.broadcast %add3A_1333 : i32 to vector<16xi32>
      %add3A_1335 = arith.addi %add3A_1334, %iota3A : vector<16xi32>
      tpu.vector_store_idx %arg5[%broadcast_in_dim3A_1243, %min3A_1327, %add3A_1335], %broadcast_in_dim3A_1245 masked %and3A_1321 : memref<4x128x128xf32, #tpu.memory_space<vmem>>[vector<16xi32>, vector<16xi32>, vector<16xi32>], vector<16xf32>, vector<16xi1>
      %mul3A_1336 = arith.constant 128 : i32
      %mul3A_1337 = arith.muli %scan3A_59, %mul3A_1336 : i32
      %add3A_1338 = arith.constant 48 : i32
      %add3A_1339 = arith.addi %mul3A_1337, %add3A_1338 : i32
      %get3A_1340 = arith.index_cast %add3A_1339 : i32 to index
      %get3A_1341 = tpu.vector_load %arg6[%get3A_1340] {strides = array<i32>} : memref<256xi32, #tpu.memory_space<vmem>>, vector<16xi32>,
      %sub3A_1342 = arith.constant 512 : i32
      %sub3A_1343 = vector.broadcast %sub3A_1342 : i32 to vector<16xi32>
      %sub3A_1344 = arith.subi %get3A_1341, %sub3A_1343 : vector<16xi32>
      %ge3A_1345 = arith.constant 0 : i32
      %ge3A_1346 = vector.broadcast %ge3A_1345 : i32 to vector<16xi32>
      %ge3A_1347 = arith.cmpi sge, %sub3A_1344, %ge3A_1346 : vector<16xi32>
      %lt3A_1348 = arith.constant 128 : i32
      %lt3A_1349 = vector.broadcast %lt3A_1348 : i32 to vector<16xi32>
      %lt3A_1350 = arith.cmpi slt, %sub3A_1344, %lt3A_1349 : vector<16xi32>
      %and3A_1351 = arith.andi %ge3A_1347, %lt3A_1350 : vector<16xi1>
      %jit3A_1352 = arith.constant 0 : i32
      %jit3A_1353 = arith.constant 127 : i32
      %max3A_1354 = vector.broadcast %jit3A_1352 : i32 to vector<16xi32>
      %max3A_1355 = arith.maxsi %max3A_1354, %sub3A_1344 : vector<16xi32>
      %min3A_1356 = vector.broadcast %jit3A_1353 : i32 to vector<16xi32>
      %min3A_1357 = arith.minsi %min3A_1356, %max3A_1355 : vector<16xi32>
      %add3A_1358 = arith.constant 48 : i32
      %add3A_1359 = vector.broadcast %add3A_1358 : i32 to vector<16xi32>
      %add3A_1360 = arith.addi %add3A_1359, %iota3A : vector<16xi32>
      %gather3A_1361 = tpu.vector_load_idx %arg5[%broadcast_in_dim3A_1243, %min3A_1357, %add3A_1360] masked %and3A_1351 : memref<4x128x128xf32, #tpu.memory_space<vmem>>[vector<16xi32>, vector<16xi32>, vector<16xi32>], vector<16xf32>, vector<16xi1>
      %select_n3A_1362 = arith.select %and3A_1351, %gather3A_1361, %select_n3A_1080 : vector<16xi1>, vector<16xf32>
      %add3A_1363 = arith.constant 48 : i32
      %add3A_1364 = vector.broadcast %add3A_1363 : i32 to vector<16xi32>
      %add3A_1365 = arith.addi %add3A_1364, %iota3A : vector<16xi32>
      tpu.vector_store_idx %arg5[%broadcast_in_dim3A_1243, %min3A_1357, %add3A_1365], %broadcast_in_dim3A_1245 masked %and3A_1351 : memref<4x128x128xf32, #tpu.memory_space<vmem>>[vector<16xi32>, vector<16xi32>, vector<16xi32>], vector<16xf32>, vector<16xi1>
      %mul3A_1366 = arith.constant 128 : i32
      %mul3A_1367 = arith.muli %scan3A_59, %mul3A_1366 : i32
      %add3A_1368 = arith.constant 64 : i32
      %add3A_1369 = arith.addi %mul3A_1367, %add3A_1368 : i32
      %get3A_1370 = arith.index_cast %add3A_1369 : i32 to index
      %get3A_1371 = tpu.vector_load %arg6[%get3A_1370] {strides = array<i32>} : memref<256xi32, #tpu.memory_space<vmem>>, vector<16xi32>,
      %sub3A_1372 = arith.constant 512 : i32
      %sub3A_1373 = vector.broadcast %sub3A_1372 : i32 to vector<16xi32>
      %sub3A_1374 = arith.subi %get3A_1371, %sub3A_1373 : vector<16xi32>
      %ge3A_1375 = arith.constant 0 : i32
      %ge3A_1376 = vector.broadcast %ge3A_1375 : i32 to vector<16xi32>
      %ge3A_1377 = arith.cmpi sge, %sub3A_1374, %ge3A_1376 : vector<16xi32>
      %lt3A_1378 = arith.constant 128 : i32
      %lt3A_1379 = vector.broadcast %lt3A_1378 : i32 to vector<16xi32>
      %lt3A_1380 = arith.cmpi slt, %sub3A_1374, %lt3A_1379 : vector<16xi32>
      %and3A_1381 = arith.andi %ge3A_1377, %lt3A_1380 : vector<16xi1>
      %jit3A_1382 = arith.constant 0 : i32
      %jit3A_1383 = arith.constant 127 : i32
      %max3A_1384 = vector.broadcast %jit3A_1382 : i32 to vector<16xi32>
      %max3A_1385 = arith.maxsi %max3A_1384, %sub3A_1374 : vector<16xi32>
      %min3A_1386 = vector.broadcast %jit3A_1383 : i32 to vector<16xi32>
      %min3A_1387 = arith.minsi %min3A_1386, %max3A_1385 : vector<16xi32>
      %add3A_1388 = arith.constant 64 : i32
      %add3A_1389 = vector.broadcast %add3A_1388 : i32 to vector<16xi32>
      %add3A_1390 = arith.addi %add3A_1389, %iota3A : vector<16xi32>
      %gather3A_1391 = tpu.vector_load_idx %arg5[%broadcast_in_dim3A_1243, %min3A_1387, %add3A_1390] masked %and3A_1381 : memref<4x128x128xf32, #tpu.memory_space<vmem>>[vector<16xi32>, vector<16xi32>, vector<16xi32>], vector<16xf32>, vector<16xi1>
      %select_n3A_1392 = arith.select %and3A_1381, %gather3A_1391, %select_n3A_1110 : vector<16xi1>, vector<16xf32>
      %add3A_1393 = arith.constant 64 : i32
      %add3A_1394 = vector.broadcast %add3A_1393 : i32 to vector<16xi32>
      %add3A_1395 = arith.addi %add3A_1394, %iota3A : vector<16xi32>
      tpu.vector_store_idx %arg5[%broadcast_in_dim3A_1243, %min3A_1387, %add3A_1395], %broadcast_in_dim3A_1245 masked %and3A_1381 : memref<4x128x128xf32, #tpu.memory_space<vmem>>[vector<16xi32>, vector<16xi32>, vector<16xi32>], vector<16xf32>, vector<16xi1>
      %mul3A_1396 = arith.constant 128 : i32
      %mul3A_1397 = arith.muli %scan3A_59, %mul3A_1396 : i32
      %add3A_1398 = arith.constant 80 : i32
      %add3A_1399 = arith.addi %mul3A_1397, %add3A_1398 : i32
      %get3A_1400 = arith.index_cast %add3A_1399 : i32 to index
      %get3A_1401 = tpu.vector_load %arg6[%get3A_1400] {strides = array<i32>} : memref<256xi32, #tpu.memory_space<vmem>>, vector<16xi32>,
      %sub3A_1402 = arith.constant 512 : i32
      %sub3A_1403 = vector.broadcast %sub3A_1402 : i32 to vector<16xi32>
      %sub3A_1404 = arith.subi %get3A_1401, %sub3A_1403 : vector<16xi32>
      %ge3A_1405 = arith.constant 0 : i32
      %ge3A_1406 = vector.broadcast %ge3A_1405 : i32 to vector<16xi32>
      %ge3A_1407 = arith.cmpi sge, %sub3A_1404, %ge3A_1406 : vector<16xi32>
      %lt3A_1408 = arith.constant 128 : i32
      %lt3A_1409 = vector.broadcast %lt3A_1408 : i32 to vector<16xi32>
      %lt3A_1410 = arith.cmpi slt, %sub3A_1404, %lt3A_1409 : vector<16xi32>
      %and3A_1411 = arith.andi %ge3A_1407, %lt3A_1410 : vector<16xi1>
      %jit3A_1412 = arith.constant 0 : i32
      %jit3A_1413 = arith.constant 127 : i32
      %max3A_1414 = vector.broadcast %jit3A_1412 : i32 to vector<16xi32>
      %max3A_1415 = arith.maxsi %max3A_1414, %sub3A_1404 : vector<16xi32>
      %min3A_1416 = vector.broadcast %jit3A_1413 : i32 to vector<16xi32>
      %min3A_1417 = arith.minsi %min3A_1416, %max3A_1415 : vector<16xi32>
      %add3A_1418 = arith.constant 80 : i32
      %add3A_1419 = vector.broadcast %add3A_1418 : i32 to vector<16xi32>
      %add3A_1420 = arith.addi %add3A_1419, %iota3A : vector<16xi32>
      %gather3A_1421 = tpu.vector_load_idx %arg5[%broadcast_in_dim3A_1243, %min3A_1417, %add3A_1420] masked %and3A_1411 : memref<4x128x128xf32, #tpu.memory_space<vmem>>[vector<16xi32>, vector<16xi32>, vector<16xi32>], vector<16xf32>, vector<16xi1>
      %select_n3A_1422 = arith.select %and3A_1411, %gather3A_1421, %select_n3A_1140 : vector<16xi1>, vector<16xf32>
      %add3A_1423 = arith.constant 80 : i32
      %add3A_1424 = vector.broadcast %add3A_1423 : i32 to vector<16xi32>
      %add3A_1425 = arith.addi %add3A_1424, %iota3A : vector<16xi32>
      tpu.vector_store_idx %arg5[%broadcast_in_dim3A_1243, %min3A_1417, %add3A_1425], %broadcast_in_dim3A_1245 masked %and3A_1411 : memref<4x128x128xf32, #tpu.memory_space<vmem>>[vector<16xi32>, vector<16xi32>, vector<16xi32>], vector<16xf32>, vector<16xi1>
      %mul3A_1426 = arith.constant 128 : i32
      %mul3A_1427 = arith.muli %scan3A_59, %mul3A_1426 : i32
      %add3A_1428 = arith.constant 96 : i32
      %add3A_1429 = arith.addi %mul3A_1427, %add3A_1428 : i32
      %get3A_1430 = arith.index_cast %add3A_1429 : i32 to index
      %get3A_1431 = tpu.vector_load %arg6[%get3A_1430] {strides = array<i32>} : memref<256xi32, #tpu.memory_space<vmem>>, vector<16xi32>,
      %sub3A_1432 = arith.constant 512 : i32
      %sub3A_1433 = vector.broadcast %sub3A_1432 : i32 to vector<16xi32>
      %sub3A_1434 = arith.subi %get3A_1431, %sub3A_1433 : vector<16xi32>
      %ge3A_1435 = arith.constant 0 : i32
      %ge3A_1436 = vector.broadcast %ge3A_1435 : i32 to vector<16xi32>
      %ge3A_1437 = arith.cmpi sge, %sub3A_1434, %ge3A_1436 : vector<16xi32>
      %lt3A_1438 = arith.constant 128 : i32
      %lt3A_1439 = vector.broadcast %lt3A_1438 : i32 to vector<16xi32>
      %lt3A_1440 = arith.cmpi slt, %sub3A_1434, %lt3A_1439 : vector<16xi32>
      %and3A_1441 = arith.andi %ge3A_1437, %lt3A_1440 : vector<16xi1>
      %jit3A_1442 = arith.constant 0 : i32
      %jit3A_1443 = arith.constant 127 : i32
      %max3A_1444 = vector.broadcast %jit3A_1442 : i32 to vector<16xi32>
      %max3A_1445 = arith.maxsi %max3A_1444, %sub3A_1434 : vector<16xi32>
      %min3A_1446 = vector.broadcast %jit3A_1443 : i32 to vector<16xi32>
      %min3A_1447 = arith.minsi %min3A_1446, %max3A_1445 : vector<16xi32>
      %add3A_1448 = arith.constant 96 : i32
      %add3A_1449 = vector.broadcast %add3A_1448 : i32 to vector<16xi32>
      %add3A_1450 = arith.addi %add3A_1449, %iota3A : vector<16xi32>
      %gather3A_1451 = tpu.vector_load_idx %arg5[%broadcast_in_dim3A_1243, %min3A_1447, %add3A_1450] masked %and3A_1441 : memref<4x128x128xf32, #tpu.memory_space<vmem>>[vector<16xi32>, vector<16xi32>, vector<16xi32>], vector<16xf32>, vector<16xi1>
      %select_n3A_1452 = arith.select %and3A_1441, %gather3A_1451, %select_n3A_1170 : vector<16xi1>, vector<16xf32>
      %add3A_1453 = arith.constant 96 : i32
      %add3A_1454 = vector.broadcast %add3A_1453 : i32 to vector<16xi32>
      %add3A_1455 = arith.addi %add3A_1454, %iota3A : vector<16xi32>
      tpu.vector_store_idx %arg5[%broadcast_in_dim3A_1243, %min3A_1447, %add3A_1455], %broadcast_in_dim3A_1245 masked %and3A_1441 : memref<4x128x128xf32, #tpu.memory_space<vmem>>[vector<16xi32>, vector<16xi32>, vector<16xi32>], vector<16xf32>, vector<16xi1>
      %mul3A_1456 = arith.constant 128 : i32
      %mul3A_1457 = arith.muli %scan3A_59, %mul3A_1456 : i32
      %add3A_1458 = arith.constant 112 : i32
      %add3A_1459 = arith.addi %mul3A_1457, %add3A_1458 : i32
      %get3A_1460 = arith.index_cast %add3A_1459 : i32 to index
      %get3A_1461 = tpu.vector_load %arg6[%get3A_1460] {strides = array<i32>} : memref<256xi32, #tpu.memory_space<vmem>>, vector<16xi32>,
      %sub3A_1462 = arith.constant 512 : i32
      %sub3A_1463 = vector.broadcast %sub3A_1462 : i32 to vector<16xi32>
      %sub3A_1464 = arith.subi %get3A_1461, %sub3A_1463 : vector<16xi32>
      %ge3A_1465 = arith.constant 0 : i32
      %ge3A_1466 = vector.broadcast %ge3A_1465 : i32 to vector<16xi32>
      %ge3A_1467 = arith.cmpi sge, %sub3A_1464, %ge3A_1466 : vector<16xi32>
      %lt3A_1468 = arith.constant 128 : i32
      %lt3A_1469 = vector.broadcast %lt3A_1468 : i32 to vector<16xi32>
      %lt3A_1470 = arith.cmpi slt, %sub3A_1464, %lt3A_1469 : vector<16xi32>
      %and3A_1471 = arith.andi %ge3A_1467, %lt3A_1470 : vector<16xi1>
      %jit3A_1472 = arith.constant 0 : i32
      %jit3A_1473 = arith.constant 127 : i32
      %max3A_1474 = vector.broadcast %jit3A_1472 : i32 to vector<16xi32>
      %max3A_1475 = arith.maxsi %max3A_1474, %sub3A_1464 : vector<16xi32>
      %min3A_1476 = vector.broadcast %jit3A_1473 : i32 to vector<16xi32>
      %min3A_1477 = arith.minsi %min3A_1476, %max3A_1475 : vector<16xi32>
      %add3A_1478 = arith.constant 112 : i32
      %add3A_1479 = vector.broadcast %add3A_1478 : i32 to vector<16xi32>
      %add3A_1480 = arith.addi %add3A_1479, %iota3A : vector<16xi32>
      %gather3A_1481 = tpu.vector_load_idx %arg5[%broadcast_in_dim3A_1243, %min3A_1477, %add3A_1480] masked %and3A_1471 : memref<4x128x128xf32, #tpu.memory_space<vmem>>[vector<16xi32>, vector<16xi32>, vector<16xi32>], vector<16xf32>, vector<16xi1>
      %select_n3A_1482 = arith.select %and3A_1471, %gather3A_1481, %select_n3A_1200 : vector<16xi1>, vector<16xf32>
      %add3A_1483 = arith.constant 112 : i32
      %add3A_1484 = vector.broadcast %add3A_1483 : i32 to vector<16xi32>
      %add3A_1485 = arith.addi %add3A_1484, %iota3A : vector<16xi32>
      tpu.vector_store_idx %arg5[%broadcast_in_dim3A_1243, %min3A_1477, %add3A_1485], %broadcast_in_dim3A_1245 masked %and3A_1471 : memref<4x128x128xf32, #tpu.memory_space<vmem>>[vector<16xi32>, vector<16xi32>, vector<16xi32>], vector<16xf32>, vector<16xi1>
      %scan3A_1486 = arith.constant 0 : i32
      %scan3A_1487 = arith.constant 32 : i32
      %scan3A_1488 = arith.addi %scan3A_1486, %scan3A_1487 : i32
      %scan3A_1489 = arith.constant 1 : i32
      %scan3A_1490:8 = scf.for %scan3A_2421 = %scan3A_1486 to %scan3A_1488 step %scan3A_1489 iter_args(%scan3A_2422 = %scan3A_1208#0, %scan3A_2423 = %scan3A_1208#1, %scan3A_2424 = %scan3A_1208#2, %scan3A_2425 = %scan3A_1208#3, %scan3A_2426 = %scan3A_1208#4, %scan3A_2427 = %scan3A_1208#5, %scan3A_2428 = %scan3A_1208#6, %scan3A_2429 = %scan3A_1208#7) -> (vector<16xf32>, vector<16xf32>, vector<16xf32>, vector<16xf32>, vector<16xf32>, vector<16xf32>, vector<16xf32>, vector<16xf32>)  : i32 {
        %mul3A_2430 = arith.constant 4 : i32
        %mul3A_2431 = arith.muli %mul3A_2430, %scan3A_2421 : i32
        %add3A_2432 = arith.constant 0 : i32
        %add3A_2433 = arith.addi %mul3A_2431, %add3A_2432 : i32
        %get3A_2434 = arith.constant 0 : i32
        %get3A_2435 = arith.index_cast %get3A_2434 : i32 to index
        %get3A_2436 = arith.index_cast %add3A_2433 : i32 to index
        %get3A_2437 = arith.constant 0 : index
        %get3A_2438 = tpu.vector_load %arg5[%get3A_2435, %get3A_2436, %get3A_2437] {strides = array<i32>} : memref<4x128x128xf32, #tpu.memory_space<vmem>>, vector<16xf32>,
        %max3A_2439 = arith.maximumf %scan3A_2422, %get3A_2438 : vector<16xf32>
        %add3A_2440 = arith.constant 0 : i32
        %add3A_2441 = arith.addi %mul3A_2431, %add3A_2440 : i32
        %get3A_2442 = arith.constant 0 : i32
        %get3A_2443 = arith.index_cast %get3A_2442 : i32 to index
        %get3A_2444 = arith.index_cast %add3A_2441 : i32 to index
        %get3A_2445 = arith.constant 16 : index
        %get3A_2446 = tpu.vector_load %arg5[%get3A_2443, %get3A_2444, %get3A_2445] {strides = array<i32>} : memref<4x128x128xf32, #tpu.memory_space<vmem>>, vector<16xf32>,
        %max3A_2447 = arith.maximumf %scan3A_2423, %get3A_2446 : vector<16xf32>
        %add3A_2448 = arith.constant 0 : i32
        %add3A_2449 = arith.addi %mul3A_2431, %add3A_2448 : i32
        %get3A_2450 = arith.constant 0 : i32
        %get3A_2451 = arith.index_cast %get3A_2450 : i32 to index
        %get3A_2452 = arith.index_cast %add3A_2449 : i32 to index
        %get3A_2453 = arith.constant 32 : index
        %get3A_2454 = tpu.vector_load %arg5[%get3A_2451, %get3A_2452, %get3A_2453] {strides = array<i32>} : memref<4x128x128xf32, #tpu.memory_space<vmem>>, vector<16xf32>,
        %max3A_2455 = arith.maximumf %scan3A_2424, %get3A_2454 : vector<16xf32>
        %add3A_2456 = arith.constant 0 : i32
        %add3A_2457 = arith.addi %mul3A_2431, %add3A_2456 : i32
        %get3A_2458 = arith.constant 0 : i32
        %get3A_2459 = arith.index_cast %get3A_2458 : i32 to index
        %get3A_2460 = arith.index_cast %add3A_2457 : i32 to index
        %get3A_2461 = arith.constant 48 : index
        %get3A_2462 = tpu.vector_load %arg5[%get3A_2459, %get3A_2460, %get3A_2461] {strides = array<i32>} : memref<4x128x128xf32, #tpu.memory_space<vmem>>, vector<16xf32>,
        %max3A_2463 = arith.maximumf %scan3A_2425, %get3A_2462 : vector<16xf32>
        %add3A_2464 = arith.constant 0 : i32
        %add3A_2465 = arith.addi %mul3A_2431, %add3A_2464 : i32
        %get3A_2466 = arith.constant 0 : i32
        %get3A_2467 = arith.index_cast %get3A_2466 : i32 to index
        %get3A_2468 = arith.index_cast %add3A_2465 : i32 to index
        %get3A_2469 = arith.constant 64 : index
        %get3A_2470 = tpu.vector_load %arg5[%get3A_2467, %get3A_2468, %get3A_2469] {strides = array<i32>} : memref<4x128x128xf32, #tpu.memory_space<vmem>>, vector<16xf32>,
        %max3A_2471 = arith.maximumf %scan3A_2426, %get3A_2470 : vector<16xf32>
        %add3A_2472 = arith.constant 0 : i32
        %add3A_2473 = arith.addi %mul3A_2431, %add3A_2472 : i32
        %get3A_2474 = arith.constant 0 : i32
        %get3A_2475 = arith.index_cast %get3A_2474 : i32 to index
        %get3A_2476 = arith.index_cast %add3A_2473 : i32 to index
        %get3A_2477 = arith.constant 80 : index
        %get3A_2478 = tpu.vector_load %arg5[%get3A_2475, %get3A_2476, %get3A_2477] {strides = array<i32>} : memref<4x128x128xf32, #tpu.memory_space<vmem>>, vector<16xf32>,
        %max3A_2479 = arith.maximumf %scan3A_2427, %get3A_2478 : vector<16xf32>
        %add3A_2480 = arith.constant 0 : i32
        %add3A_2481 = arith.addi %mul3A_2431, %add3A_2480 : i32
        %get3A_2482 = arith.constant 0 : i32
        %get3A_2483 = arith.index_cast %get3A_2482 : i32 to index
        %get3A_2484 = arith.index_cast %add3A_2481 : i32 to index
        %get3A_2485 = arith.constant 96 : index
        %get3A_2486 = tpu.vector_load %arg5[%get3A_2483, %get3A_2484, %get3A_2485] {strides = array<i32>} : memref<4x128x128xf32, #tpu.memory_space<vmem>>, vector<16xf32>,
        %max3A_2487 = arith.maximumf %scan3A_2428, %get3A_2486 : vector<16xf32>
        %add3A_2488 = arith.constant 0 : i32
        %add3A_2489 = arith.addi %mul3A_2431, %add3A_2488 : i32
        %get3A_2490 = arith.constant 0 : i32
        %get3A_2491 = arith.index_cast %get3A_2490 : i32 to index
        %get3A_2492 = arith.index_cast %add3A_2489 : i32 to index
        %get3A_2493 = arith.constant 112 : index
        %get3A_2494 = tpu.vector_load %arg5[%get3A_2491, %get3A_2492, %get3A_2493] {strides = array<i32>} : memref<4x128x128xf32, #tpu.memory_space<vmem>>, vector<16xf32>,
        %max3A_2495 = arith.maximumf %scan3A_2429, %get3A_2494 : vector<16xf32>
        %add3A_2496 = arith.constant 1 : i32
        %add3A_2497 = arith.addi %mul3A_2431, %add3A_2496 : i32
        %get3A_2498 = arith.constant 0 : i32
        %get3A_2499 = arith.index_cast %get3A_2498 : i32 to index
        %get3A_2500 = arith.index_cast %add3A_2497 : i32 to index
        %get3A_2501 = arith.constant 0 : index
        %get3A_2502 = tpu.vector_load %arg5[%get3A_2499, %get3A_2500, %get3A_2501] {strides = array<i32>} : memref<4x128x128xf32, #tpu.memory_space<vmem>>, vector<16xf32>,
        %max3A_2503 = arith.maximumf %max3A_2439, %get3A_2502 : vector<16xf32>
        %add3A_2504 = arith.constant 1 : i32
        %add3A_2505 = arith.addi %mul3A_2431, %add3A_2504 : i32
        %get3A_2506 = arith.constant 0 : i32
        %get3A_2507 = arith.index_cast %get3A_2506 : i32 to index
        %get3A_2508 = arith.index_cast %add3A_2505 : i32 to index
        %get3A_2509 = arith.constant 16 : index
        %get3A_2510 = tpu.vector_load %arg5[%get3A_2507, %get3A_2508, %get3A_2509] {strides = array<i32>} : memref<4x128x128xf32, #tpu.memory_space<vmem>>, vector<16xf32>,
        %max3A_2511 = arith.maximumf %max3A_2447, %get3A_2510 : vector<16xf32>
        %add3A_2512 = arith.constant 1 : i32
        %add3A_2513 = arith.addi %mul3A_2431, %add3A_2512 : i32
        %get3A_2514 = arith.constant 0 : i32
        %get3A_2515 = arith.index_cast %get3A_2514 : i32 to index
        %get3A_2516 = arith.index_cast %add3A_2513 : i32 to index
        %get3A_2517 = arith.constant 32 : index
        %get3A_2518 = tpu.vector_load %arg5[%get3A_2515, %get3A_2516, %get3A_2517] {strides = array<i32>} : memref<4x128x128xf32, #tpu.memory_space<vmem>>, vector<16xf32>,
        %max3A_2519 = arith.maximumf %max3A_2455, %get3A_2518 : vector<16xf32>
        %add3A_2520 = arith.constant 1 : i32
        %add3A_2521 = arith.addi %mul3A_2431, %add3A_2520 : i32
        %get3A_2522 = arith.constant 0 : i32
        %get3A_2523 = arith.index_cast %get3A_2522 : i32 to index
        %get3A_2524 = arith.index_cast %add3A_2521 : i32 to index
        %get3A_2525 = arith.constant 48 : index
        %get3A_2526 = tpu.vector_load %arg5[%get3A_2523, %get3A_2524, %get3A_2525] {strides = array<i32>} : memref<4x128x128xf32, #tpu.memory_space<vmem>>, vector<16xf32>,
        %max3A_2527 = arith.maximumf %max3A_2463, %get3A_2526 : vector<16xf32>
        %add3A_2528 = arith.constant 1 : i32
        %add3A_2529 = arith.addi %mul3A_2431, %add3A_2528 : i32
        %get3A_2530 = arith.constant 0 : i32
        %get3A_2531 = arith.index_cast %get3A_2530 : i32 to index
        %get3A_2532 = arith.index_cast %add3A_2529 : i32 to index
        %get3A_2533 = arith.constant 64 : index
        %get3A_2534 = tpu.vector_load %arg5[%get3A_2531, %get3A_2532, %get3A_2533] {strides = array<i32>} : memref<4x128x128xf32, #tpu.memory_space<vmem>>, vector<16xf32>,
        %max3A_2535 = arith.maximumf %max3A_2471, %get3A_2534 : vector<16xf32>
        %add3A_2536 = arith.constant 1 : i32
        %add3A_2537 = arith.addi %mul3A_2431, %add3A_2536 : i32
        %get3A_2538 = arith.constant 0 : i32
        %get3A_2539 = arith.index_cast %get3A_2538 : i32 to index
        %get3A_2540 = arith.index_cast %add3A_2537 : i32 to index
        %get3A_2541 = arith.constant 80 : index
        %get3A_2542 = tpu.vector_load %arg5[%get3A_2539, %get3A_2540, %get3A_2541] {strides = array<i32>} : memref<4x128x128xf32, #tpu.memory_space<vmem>>, vector<16xf32>,
        %max3A_2543 = arith.maximumf %max3A_2479, %get3A_2542 : vector<16xf32>
        %add3A_2544 = arith.constant 1 : i32
        %add3A_2545 = arith.addi %mul3A_2431, %add3A_2544 : i32
        %get3A_2546 = arith.constant 0 : i32
        %get3A_2547 = arith.index_cast %get3A_2546 : i32 to index
        %get3A_2548 = arith.index_cast %add3A_2545 : i32 to index
        %get3A_2549 = arith.constant 96 : index
        %get3A_2550 = tpu.vector_load %arg5[%get3A_2547, %get3A_2548, %get3A_2549] {strides = array<i32>} : memref<4x128x128xf32, #tpu.memory_space<vmem>>, vector<16xf32>,
        %max3A_2551 = arith.maximumf %max3A_2487, %get3A_2550 : vector<16xf32>
        %add3A_2552 = arith.constant 1 : i32
        %add3A_2553 = arith.addi %mul3A_2431, %add3A_2552 : i32
        %get3A_2554 = arith.constant 0 : i32
        %get3A_2555 = arith.index_cast %get3A_2554 : i32 to index
        %get3A_2556 = arith.index_cast %add3A_2553 : i32 to index
        %get3A_2557 = arith.constant 112 : index
        %get3A_2558 = tpu.vector_load %arg5[%get3A_2555, %get3A_2556, %get3A_2557] {strides = array<i32>} : memref<4x128x128xf32, #tpu.memory_space<vmem>>, vector<16xf32>,
        %max3A_2559 = arith.maximumf %max3A_2495, %get3A_2558 : vector<16xf32>
        %add3A_2560 = arith.constant 2 : i32
        %add3A_2561 = arith.addi %mul3A_2431, %add3A_2560 : i32
        %get3A_2562 = arith.constant 0 : i32
        %get3A_2563 = arith.index_cast %get3A_2562 : i32 to index
        %get3A_2564 = arith.index_cast %add3A_2561 : i32 to index
        %get3A_2565 = arith.constant 0 : index
        %get3A_2566 = tpu.vector_load %arg5[%get3A_2563, %get3A_2564, %get3A_2565] {strides = array<i32>} : memref<4x128x128xf32, #tpu.memory_space<vmem>>, vector<16xf32>,
        %max3A_2567 = arith.maximumf %max3A_2503, %get3A_2566 : vector<16xf32>
        %add3A_2568 = arith.constant 2 : i32
        %add3A_2569 = arith.addi %mul3A_2431, %add3A_2568 : i32
        %get3A_2570 = arith.constant 0 : i32
        %get3A_2571 = arith.index_cast %get3A_2570 : i32 to index
        %get3A_2572 = arith.index_cast %add3A_2569 : i32 to index
        %get3A_2573 = arith.constant 16 : index
        %get3A_2574 = tpu.vector_load %arg5[%get3A_2571, %get3A_2572, %get3A_2573] {strides = array<i32>} : memref<4x128x128xf32, #tpu.memory_space<vmem>>, vector<16xf32>,
        %max3A_2575 = arith.maximumf %max3A_2511, %get3A_2574 : vector<16xf32>
        %add3A_2576 = arith.constant 2 : i32
        %add3A_2577 = arith.addi %mul3A_2431, %add3A_2576 : i32
        %get3A_2578 = arith.constant 0 : i32
        %get3A_2579 = arith.index_cast %get3A_2578 : i32 to index
        %get3A_2580 = arith.index_cast %add3A_2577 : i32 to index
        %get3A_2581 = arith.constant 32 : index
        %get3A_2582 = tpu.vector_load %arg5[%get3A_2579, %get3A_2580, %get3A_2581] {strides = array<i32>} : memref<4x128x128xf32, #tpu.memory_space<vmem>>, vector<16xf32>,
        %max3A_2583 = arith.maximumf %max3A_2519, %get3A_2582 : vector<16xf32>
        %add3A_2584 = arith.constant 2 : i32
        %add3A_2585 = arith.addi %mul3A_2431, %add3A_2584 : i32
        %get3A_2586 = arith.constant 0 : i32
        %get3A_2587 = arith.index_cast %get3A_2586 : i32 to index
        %get3A_2588 = arith.index_cast %add3A_2585 : i32 to index
        %get3A_2589 = arith.constant 48 : index
        %get3A_2590 = tpu.vector_load %arg5[%get3A_2587, %get3A_2588, %get3A_2589] {strides = array<i32>} : memref<4x128x128xf32, #tpu.memory_space<vmem>>, vector<16xf32>,
        %max3A_2591 = arith.maximumf %max3A_2527, %get3A_2590 : vector<16xf32>
        %add3A_2592 = arith.constant 2 : i32
        %add3A_2593 = arith.addi %mul3A_2431, %add3A_2592 : i32
        %get3A_2594 = arith.constant 0 : i32
        %get3A_2595 = arith.index_cast %get3A_2594 : i32 to index
        %get3A_2596 = arith.index_cast %add3A_2593 : i32 to index
        %get3A_2597 = arith.constant 64 : index
        %get3A_2598 = tpu.vector_load %arg5[%get3A_2595, %get3A_2596, %get3A_2597] {strides = array<i32>} : memref<4x128x128xf32, #tpu.memory_space<vmem>>, vector<16xf32>,
        %max3A_2599 = arith.maximumf %max3A_2535, %get3A_2598 : vector<16xf32>
        %add3A_2600 = arith.constant 2 : i32
        %add3A_2601 = arith.addi %mul3A_2431, %add3A_2600 : i32
        %get3A_2602 = arith.constant 0 : i32
        %get3A_2603 = arith.index_cast %get3A_2602 : i32 to index
        %get3A_2604 = arith.index_cast %add3A_2601 : i32 to index
        %get3A_2605 = arith.constant 80 : index
        %get3A_2606 = tpu.vector_load %arg5[%get3A_2603, %get3A_2604, %get3A_2605] {strides = array<i32>} : memref<4x128x128xf32, #tpu.memory_space<vmem>>, vector<16xf32>,
        %max3A_2607 = arith.maximumf %max3A_2543, %get3A_2606 : vector<16xf32>
        %add3A_2608 = arith.constant 2 : i32
        %add3A_2609 = arith.addi %mul3A_2431, %add3A_2608 : i32
        %get3A_2610 = arith.constant 0 : i32
        %get3A_2611 = arith.index_cast %get3A_2610 : i32 to index
        %get3A_2612 = arith.index_cast %add3A_2609 : i32 to index
        %get3A_2613 = arith.constant 96 : index
        %get3A_2614 = tpu.vector_load %arg5[%get3A_2611, %get3A_2612, %get3A_2613] {strides = array<i32>} : memref<4x128x128xf32, #tpu.memory_space<vmem>>, vector<16xf32>,
        %max3A_2615 = arith.maximumf %max3A_2551, %get3A_2614 : vector<16xf32>
        %add3A_2616 = arith.constant 2 : i32
        %add3A_2617 = arith.addi %mul3A_2431, %add3A_2616 : i32
        %get3A_2618 = arith.constant 0 : i32
        %get3A_2619 = arith.index_cast %get3A_2618 : i32 to index
        %get3A_2620 = arith.index_cast %add3A_2617 : i32 to index
        %get3A_2621 = arith.constant 112 : index
        %get3A_2622 = tpu.vector_load %arg5[%get3A_2619, %get3A_2620, %get3A_2621] {strides = array<i32>} : memref<4x128x128xf32, #tpu.memory_space<vmem>>, vector<16xf32>,
        %max3A_2623 = arith.maximumf %max3A_2559, %get3A_2622 : vector<16xf32>
        %add3A_2624 = arith.constant 3 : i32
        %add3A_2625 = arith.addi %mul3A_2431, %add3A_2624 : i32
        %get3A_2626 = arith.constant 0 : i32
        %get3A_2627 = arith.index_cast %get3A_2626 : i32 to index
        %get3A_2628 = arith.index_cast %add3A_2625 : i32 to index
        %get3A_2629 = arith.constant 0 : index
        %get3A_2630 = tpu.vector_load %arg5[%get3A_2627, %get3A_2628, %get3A_2629] {strides = array<i32>} : memref<4x128x128xf32, #tpu.memory_space<vmem>>, vector<16xf32>,
        %max3A_2631 = arith.maximumf %max3A_2567, %get3A_2630 : vector<16xf32>
        %add3A_2632 = arith.constant 3 : i32
        %add3A_2633 = arith.addi %mul3A_2431, %add3A_2632 : i32
        %get3A_2634 = arith.constant 0 : i32
        %get3A_2635 = arith.index_cast %get3A_2634 : i32 to index
        %get3A_2636 = arith.index_cast %add3A_2633 : i32 to index
        %get3A_2637 = arith.constant 16 : index
        %get3A_2638 = tpu.vector_load %arg5[%get3A_2635, %get3A_2636, %get3A_2637] {strides = array<i32>} : memref<4x128x128xf32, #tpu.memory_space<vmem>>, vector<16xf32>,
        %max3A_2639 = arith.maximumf %max3A_2575, %get3A_2638 : vector<16xf32>
        %add3A_2640 = arith.constant 3 : i32
        %add3A_2641 = arith.addi %mul3A_2431, %add3A_2640 : i32
        %get3A_2642 = arith.constant 0 : i32
        %get3A_2643 = arith.index_cast %get3A_2642 : i32 to index
        %get3A_2644 = arith.index_cast %add3A_2641 : i32 to index
        %get3A_2645 = arith.constant 32 : index
        %get3A_2646 = tpu.vector_load %arg5[%get3A_2643, %get3A_2644, %get3A_2645] {strides = array<i32>} : memref<4x128x128xf32, #tpu.memory_space<vmem>>, vector<16xf32>,
        %max3A_2647 = arith.maximumf %max3A_2583, %get3A_2646 : vector<16xf32>
        %add3A_2648 = arith.constant 3 : i32
        %add3A_2649 = arith.addi %mul3A_2431, %add3A_2648 : i32
        %get3A_2650 = arith.constant 0 : i32
        %get3A_2651 = arith.index_cast %get3A_2650 : i32 to index
        %get3A_2652 = arith.index_cast %add3A_2649 : i32 to index
        %get3A_2653 = arith.constant 48 : index
        %get3A_2654 = tpu.vector_load %arg5[%get3A_2651, %get3A_2652, %get3A_2653] {strides = array<i32>} : memref<4x128x128xf32, #tpu.memory_space<vmem>>, vector<16xf32>,
        %max3A_2655 = arith.maximumf %max3A_2591, %get3A_2654 : vector<16xf32>
        %add3A_2656 = arith.constant 3 : i32
        %add3A_2657 = arith.addi %mul3A_2431, %add3A_2656 : i32
        %get3A_2658 = arith.constant 0 : i32
        %get3A_2659 = arith.index_cast %get3A_2658 : i32 to index
        %get3A_2660 = arith.index_cast %add3A_2657 : i32 to index
        %get3A_2661 = arith.constant 64 : index
        %get3A_2662 = tpu.vector_load %arg5[%get3A_2659, %get3A_2660, %get3A_2661] {strides = array<i32>} : memref<4x128x128xf32, #tpu.memory_space<vmem>>, vector<16xf32>,
        %max3A_2663 = arith.maximumf %max3A_2599, %get3A_2662 : vector<16xf32>
        %add3A_2664 = arith.constant 3 : i32
        %add3A_2665 = arith.addi %mul3A_2431, %add3A_2664 : i32
        %get3A_2666 = arith.constant 0 : i32
        %get3A_2667 = arith.index_cast %get3A_2666 : i32 to index
        %get3A_2668 = arith.index_cast %add3A_2665 : i32 to index
        %get3A_2669 = arith.constant 80 : index
        %get3A_2670 = tpu.vector_load %arg5[%get3A_2667, %get3A_2668, %get3A_2669] {strides = array<i32>} : memref<4x128x128xf32, #tpu.memory_space<vmem>>, vector<16xf32>,
        %max3A_2671 = arith.maximumf %max3A_2607, %get3A_2670 : vector<16xf32>
        %add3A_2672 = arith.constant 3 : i32
        %add3A_2673 = arith.addi %mul3A_2431, %add3A_2672 : i32
        %get3A_2674 = arith.constant 0 : i32
        %get3A_2675 = arith.index_cast %get3A_2674 : i32 to index
        %get3A_2676 = arith.index_cast %add3A_2673 : i32 to index
        %get3A_2677 = arith.constant 96 : index
        %get3A_2678 = tpu.vector_load %arg5[%get3A_2675, %get3A_2676, %get3A_2677] {strides = array<i32>} : memref<4x128x128xf32, #tpu.memory_space<vmem>>, vector<16xf32>,
        %max3A_2679 = arith.maximumf %max3A_2615, %get3A_2678 : vector<16xf32>
        %add3A_2680 = arith.constant 3 : i32
        %add3A_2681 = arith.addi %mul3A_2431, %add3A_2680 : i32
        %get3A_2682 = arith.constant 0 : i32
        %get3A_2683 = arith.index_cast %get3A_2682 : i32 to index
        %get3A_2684 = arith.index_cast %add3A_2681 : i32 to index
        %get3A_2685 = arith.constant 112 : index
        %get3A_2686 = tpu.vector_load %arg5[%get3A_2683, %get3A_2684, %get3A_2685] {strides = array<i32>} : memref<4x128x128xf32, #tpu.memory_space<vmem>>, vector<16xf32>,
        %max3A_2687 = arith.maximumf %max3A_2623, %get3A_2686 : vector<16xf32>
        scf.yield %max3A_2631, %max3A_2639, %max3A_2647, %max3A_2655, %max3A_2663, %max3A_2671, %max3A_2679, %max3A_2687 : vector<16xf32>, vector<16xf32>, vector<16xf32>, vector<16xf32>, vector<16xf32>, vector<16xf32>, vector<16xf32>, vector<16xf32>
      }
      %scan3A_1491 = arith.constant 32 : i32
      %mul3A_1492 = arith.constant 128 : i32
      %mul3A_1493 = arith.muli %scan3A_59, %mul3A_1492 : i32
      %add3A_1494 = arith.addi %add3A_4, %mul3A_1493 : i32
      %dma_wait3A_1495 = arith.constant 1 : i32
      %dma_wait3A_1496 = arith.constant 0 : i32
      %dma_wait3A_1497 = arith.constant 0 : i32
      %dma_wait3A_1498 = tpu.memref_slice %arg5[%dma_wait3A_1495, %dma_wait3A_1496, %dma_wait3A_1497] : memref<4x128x128xf32, #tpu.memory_space<vmem>> -> memref<1x128x128xf32, #tpu.memory_space<vmem>>
      %dma_wait3A_1499 = tpu.memref_squeeze %dma_wait3A_1498 : memref<1x128x128xf32, #tpu.memory_space<vmem>> -> memref<128x128xf32, #tpu.memory_space<vmem>>
      %dma_wait3A_1500 = arith.constant 640 : i32
      %dma_wait3A_1501 = tpu.memref_slice %arg2[%dma_wait3A_1500, %add3A_1494] : memref<1000x16384xf32, #tpu.memory_space<hbm>> -> memref<128x128xf32, #tpu.memory_space<hbm>>
      %dma_wait3A_1502 = arith.constant 0 : i32
      %dma_wait3A_1503 = arith.constant 0 : i32
      %dma_wait3A_1504 = tpu.memref_slice %arg5[%dma_wait3A_1495, %dma_wait3A_1502, %dma_wait3A_1503] : memref<4x128x128xf32, #tpu.memory_space<vmem>> -> memref<1x128x128xf32, #tpu.memory_space<vmem>>
      %dma_wait3A_1505 = tpu.memref_squeeze %dma_wait3A_1504 : memref<1x128x128xf32, #tpu.memory_space<vmem>> -> memref<128x128xf32, #tpu.memory_space<vmem>>
      %dma_wait3A_1506 = arith.constant 640 : i32
      %dma_wait3A_1507 = tpu.memref_slice %arg2[%dma_wait3A_1506, %add3A_1494] : memref<1000x16384xf32, #tpu.memory_space<hbm>> -> memref<128x128xf32, #tpu.memory_space<hbm>>
      tpu.wait_dma2 semaphore(%arg9 : memref<!tpu.dma_semaphore, #tpu.memory_space<semaphore_mem>>) src(%dma_wait3A_1507 : memref<128x128xf32, #tpu.memory_space<hbm>>) dst(%dma_wait3A_1505 : memref<128x128xf32, #tpu.memory_space<vmem>>)
      %add3A_1508 = arith.constant 1 : i32
      %add3A_1509 = arith.addi %scan3A_59, %add3A_1508 : i32
      %lt3A_1510 = arith.constant 2 : i32
      %lt3A_1511 = arith.cmpi slt, %add3A_1509, %lt3A_1510 : i32
      %convert_element_type3A = arith.extui %lt3A_1511 : i1 to i32
      %cond3A = arith.constant 0 : i32
      %cond3A_1512 = arith.cmpi ne, %convert_element_type3A, %cond3A : i32
      scf.if %cond3A_1512 {
        %add3A_2421 = arith.constant 1 : i32
        %add3A_2422 = arith.addi %scan3A_59, %add3A_2421 : i32
        %mul3A_2423 = arith.constant 128 : i32
        %mul3A_2424 = arith.muli %add3A_2422, %mul3A_2423 : i32
        %add3A_2425 = arith.addi %add3A_4, %mul3A_2424 : i32
        %dma_start3A_2426 = arith.constant 0 : i32
        %dma_start3A_2427 = arith.constant 0 : i32
        %dma_start3A_2428 = arith.constant 0 : i32
        %dma_start3A_2429 = tpu.memref_slice %arg5[%dma_start3A_2426, %dma_start3A_2427, %dma_start3A_2428] : memref<4x128x128xf32, #tpu.memory_space<vmem>> -> memref<1x128x128xf32, #tpu.memory_space<vmem>>
        %dma_start3A_2430 = tpu.memref_squeeze %dma_start3A_2429 : memref<1x128x128xf32, #tpu.memory_space<vmem>> -> memref<128x128xf32, #tpu.memory_space<vmem>>
        %dma_start3A_2431 = arith.constant 0 : i32
        %dma_start3A_2432 = tpu.memref_slice %arg2[%dma_start3A_2431, %add3A_2425] : memref<1000x16384xf32, #tpu.memory_space<hbm>> -> memref<128x128xf32, #tpu.memory_space<hbm>>
        %dma_start3A_2433 = arith.constant 0 : i32
        %dma_start3A_2434 = arith.constant 0 : i32
        %dma_start3A_2435 = tpu.memref_slice %arg5[%dma_start3A_2426, %dma_start3A_2433, %dma_start3A_2434] : memref<4x128x128xf32, #tpu.memory_space<vmem>> -> memref<1x128x128xf32, #tpu.memory_space<vmem>>
        %dma_start3A_2436 = tpu.memref_squeeze %dma_start3A_2435 : memref<1x128x128xf32, #tpu.memory_space<vmem>> -> memref<128x128xf32, #tpu.memory_space<vmem>>
        %dma_start3A_2437 = arith.constant 0 : i32
        %dma_start3A_2438 = tpu.memref_slice %arg2[%dma_start3A_2437, %add3A_2425] : memref<1000x16384xf32, #tpu.memory_space<hbm>> -> memref<128x128xf32, #tpu.memory_space<hbm>>
        tpu.enqueue_dma source(%dma_start3A_2438 : memref<128x128xf32, #tpu.memory_space<hbm>>) target(%dma_start3A_2436 : memref<128x128xf32, #tpu.memory_space<vmem>>) target_semaphore(%arg8 : memref<!tpu.dma_semaphore, #tpu.memory_space<semaphore_mem>>)
      } else {
      }
      %broadcast_in_dim3A_1513 = arith.constant 1 : i32
      %broadcast_in_dim3A_1514 = vector.broadcast %broadcast_in_dim3A_1513 : i32 to vector<16xi32>
      %broadcast_in_dim3A_1515 = arith.constant -1.000000e+10 : f32
      %broadcast_in_dim3A_1516 = vector.broadcast %broadcast_in_dim3A_1515 : f32 to vector<16xf32>
      %mul3A_1517 = arith.constant 128 : i32
      %mul3A_1518 = arith.muli %scan3A_59, %mul3A_1517 : i32
      %add3A_1519 = arith.constant 0 : i32
      %add3A_1520 = arith.addi %mul3A_1518, %add3A_1519 : i32
      %get3A_1521 = arith.index_cast %add3A_1520 : i32 to index
      %get3A_1522 = tpu.vector_load %arg6[%get3A_1521] {strides = array<i32>} : memref<256xi32, #tpu.memory_space<vmem>>, vector<16xi32>,
      %sub3A_1523 = arith.constant 640 : i32
      %sub3A_1524 = vector.broadcast %sub3A_1523 : i32 to vector<16xi32>
      %sub3A_1525 = arith.subi %get3A_1522, %sub3A_1524 : vector<16xi32>
      %ge3A_1526 = arith.constant 0 : i32
      %ge3A_1527 = vector.broadcast %ge3A_1526 : i32 to vector<16xi32>
      %ge3A_1528 = arith.cmpi sge, %sub3A_1525, %ge3A_1527 : vector<16xi32>
      %lt3A_1529 = arith.constant 128 : i32
      %lt3A_1530 = vector.broadcast %lt3A_1529 : i32 to vector<16xi32>
      %lt3A_1531 = arith.cmpi slt, %sub3A_1525, %lt3A_1530 : vector<16xi32>
      %and3A_1532 = arith.andi %ge3A_1528, %lt3A_1531 : vector<16xi1>
      %jit3A_1533 = arith.constant 0 : i32
      %jit3A_1534 = arith.constant 127 : i32
      %max3A_1535 = vector.broadcast %jit3A_1533 : i32 to vector<16xi32>
      %max3A_1536 = arith.maxsi %max3A_1535, %sub3A_1525 : vector<16xi32>
      %min3A_1537 = vector.broadcast %jit3A_1534 : i32 to vector<16xi32>
      %min3A_1538 = arith.minsi %min3A_1537, %max3A_1536 : vector<16xi32>
      %add3A_1539 = arith.constant 0 : i32
      %add3A_1540 = vector.broadcast %add3A_1539 : i32 to vector<16xi32>
      %add3A_1541 = arith.addi %add3A_1540, %iota3A : vector<16xi32>
      %gather3A_1542 = tpu.vector_load_idx %arg5[%broadcast_in_dim3A_1514, %min3A_1538, %add3A_1541] masked %and3A_1532 : memref<4x128x128xf32, #tpu.memory_space<vmem>>[vector<16xi32>, vector<16xi32>, vector<16xi32>], vector<16xf32>, vector<16xi1>
      %select_n3A_1543 = arith.select %and3A_1532, %gather3A_1542, %select_n3A_1272 : vector<16xi1>, vector<16xf32>
      %add3A_1544 = arith.constant 0 : i32
      %add3A_1545 = vector.broadcast %add3A_1544 : i32 to vector<16xi32>
      %add3A_1546 = arith.addi %add3A_1545, %iota3A : vector<16xi32>
      tpu.vector_store_idx %arg5[%broadcast_in_dim3A_1514, %min3A_1538, %add3A_1546], %broadcast_in_dim3A_1516 masked %and3A_1532 : memref<4x128x128xf32, #tpu.memory_space<vmem>>[vector<16xi32>, vector<16xi32>, vector<16xi32>], vector<16xf32>, vector<16xi1>
      %mul3A_1547 = arith.constant 128 : i32
      %mul3A_1548 = arith.muli %scan3A_59, %mul3A_1547 : i32
      %add3A_1549 = arith.constant 16 : i32
      %add3A_1550 = arith.addi %mul3A_1548, %add3A_1549 : i32
      %get3A_1551 = arith.index_cast %add3A_1550 : i32 to index
      %get3A_1552 = tpu.vector_load %arg6[%get3A_1551] {strides = array<i32>} : memref<256xi32, #tpu.memory_space<vmem>>, vector<16xi32>,
      %sub3A_1553 = arith.constant 640 : i32
      %sub3A_1554 = vector.broadcast %sub3A_1553 : i32 to vector<16xi32>
      %sub3A_1555 = arith.subi %get3A_1552, %sub3A_1554 : vector<16xi32>
      %ge3A_1556 = arith.constant 0 : i32
      %ge3A_1557 = vector.broadcast %ge3A_1556 : i32 to vector<16xi32>
      %ge3A_1558 = arith.cmpi sge, %sub3A_1555, %ge3A_1557 : vector<16xi32>
      %lt3A_1559 = arith.constant 128 : i32
      %lt3A_1560 = vector.broadcast %lt3A_1559 : i32 to vector<16xi32>
      %lt3A_1561 = arith.cmpi slt, %sub3A_1555, %lt3A_1560 : vector<16xi32>
      %and3A_1562 = arith.andi %ge3A_1558, %lt3A_1561 : vector<16xi1>
      %jit3A_1563 = arith.constant 0 : i32
      %jit3A_1564 = arith.constant 127 : i32
      %max3A_1565 = vector.broadcast %jit3A_1563 : i32 to vector<16xi32>
      %max3A_1566 = arith.maxsi %max3A_1565, %sub3A_1555 : vector<16xi32>
      %min3A_1567 = vector.broadcast %jit3A_1564 : i32 to vector<16xi32>
      %min3A_1568 = arith.minsi %min3A_1567, %max3A_1566 : vector<16xi32>
      %add3A_1569 = arith.constant 16 : i32
      %add3A_1570 = vector.broadcast %add3A_1569 : i32 to vector<16xi32>
      %add3A_1571 = arith.addi %add3A_1570, %iota3A : vector<16xi32>
      %gather3A_1572 = tpu.vector_load_idx %arg5[%broadcast_in_dim3A_1514, %min3A_1568, %add3A_1571] masked %and3A_1562 : memref<4x128x128xf32, #tpu.memory_space<vmem>>[vector<16xi32>, vector<16xi32>, vector<16xi32>], vector<16xf32>, vector<16xi1>
      %select_n3A_1573 = arith.select %and3A_1562, %gather3A_1572, %select_n3A_1302 : vector<16xi1>, vector<16xf32>
      %add3A_1574 = arith.constant 16 : i32
      %add3A_1575 = vector.broadcast %add3A_1574 : i32 to vector<16xi32>
      %add3A_1576 = arith.addi %add3A_1575, %iota3A : vector<16xi32>
      tpu.vector_store_idx %arg5[%broadcast_in_dim3A_1514, %min3A_1568, %add3A_1576], %broadcast_in_dim3A_1516 masked %and3A_1562 : memref<4x128x128xf32, #tpu.memory_space<vmem>>[vector<16xi32>, vector<16xi32>, vector<16xi32>], vector<16xf32>, vector<16xi1>
      %mul3A_1577 = arith.constant 128 : i32
      %mul3A_1578 = arith.muli %scan3A_59, %mul3A_1577 : i32
      %add3A_1579 = arith.constant 32 : i32
      %add3A_1580 = arith.addi %mul3A_1578, %add3A_1579 : i32
      %get3A_1581 = arith.index_cast %add3A_1580 : i32 to index
      %get3A_1582 = tpu.vector_load %arg6[%get3A_1581] {strides = array<i32>} : memref<256xi32, #tpu.memory_space<vmem>>, vector<16xi32>,
      %sub3A_1583 = arith.constant 640 : i32
      %sub3A_1584 = vector.broadcast %sub3A_1583 : i32 to vector<16xi32>
      %sub3A_1585 = arith.subi %get3A_1582, %sub3A_1584 : vector<16xi32>
      %ge3A_1586 = arith.constant 0 : i32
      %ge3A_1587 = vector.broadcast %ge3A_1586 : i32 to vector<16xi32>
      %ge3A_1588 = arith.cmpi sge, %sub3A_1585, %ge3A_1587 : vector<16xi32>
      %lt3A_1589 = arith.constant 128 : i32
      %lt3A_1590 = vector.broadcast %lt3A_1589 : i32 to vector<16xi32>
      %lt3A_1591 = arith.cmpi slt, %sub3A_1585, %lt3A_1590 : vector<16xi32>
      %and3A_1592 = arith.andi %ge3A_1588, %lt3A_1591 : vector<16xi1>
      %jit3A_1593 = arith.constant 0 : i32
      %jit3A_1594 = arith.constant 127 : i32
      %max3A_1595 = vector.broadcast %jit3A_1593 : i32 to vector<16xi32>
      %max3A_1596 = arith.maxsi %max3A_1595, %sub3A_1585 : vector<16xi32>
      %min3A_1597 = vector.broadcast %jit3A_1594 : i32 to vector<16xi32>
      %min3A_1598 = arith.minsi %min3A_1597, %max3A_1596 : vector<16xi32>
      %add3A_1599 = arith.constant 32 : i32
      %add3A_1600 = vector.broadcast %add3A_1599 : i32 to vector<16xi32>
      %add3A_1601 = arith.addi %add3A_1600, %iota3A : vector<16xi32>
      %gather3A_1602 = tpu.vector_load_idx %arg5[%broadcast_in_dim3A_1514, %min3A_1598, %add3A_1601] masked %and3A_1592 : memref<4x128x128xf32, #tpu.memory_space<vmem>>[vector<16xi32>, vector<16xi32>, vector<16xi32>], vector<16xf32>, vector<16xi1>
      %select_n3A_1603 = arith.select %and3A_1592, %gather3A_1602, %select_n3A_1332 : vector<16xi1>, vector<16xf32>
      %add3A_1604 = arith.constant 32 : i32
      %add3A_1605 = vector.broadcast %add3A_1604 : i32 to vector<16xi32>
      %add3A_1606 = arith.addi %add3A_1605, %iota3A : vector<16xi32>
      tpu.vector_store_idx %arg5[%broadcast_in_dim3A_1514, %min3A_1598, %add3A_1606], %broadcast_in_dim3A_1516 masked %and3A_1592 : memref<4x128x128xf32, #tpu.memory_space<vmem>>[vector<16xi32>, vector<16xi32>, vector<16xi32>], vector<16xf32>, vector<16xi1>
      %mul3A_1607 = arith.constant 128 : i32
      %mul3A_1608 = arith.muli %scan3A_59, %mul3A_1607 : i32
      %add3A_1609 = arith.constant 48 : i32
      %add3A_1610 = arith.addi %mul3A_1608, %add3A_1609 : i32
      %get3A_1611 = arith.index_cast %add3A_1610 : i32 to index
      %get3A_1612 = tpu.vector_load %arg6[%get3A_1611] {strides = array<i32>} : memref<256xi32, #tpu.memory_space<vmem>>, vector<16xi32>,
      %sub3A_1613 = arith.constant 640 : i32
      %sub3A_1614 = vector.broadcast %sub3A_1613 : i32 to vector<16xi32>
      %sub3A_1615 = arith.subi %get3A_1612, %sub3A_1614 : vector<16xi32>
      %ge3A_1616 = arith.constant 0 : i32
      %ge3A_1617 = vector.broadcast %ge3A_1616 : i32 to vector<16xi32>
      %ge3A_1618 = arith.cmpi sge, %sub3A_1615, %ge3A_1617 : vector<16xi32>
      %lt3A_1619 = arith.constant 128 : i32
      %lt3A_1620 = vector.broadcast %lt3A_1619 : i32 to vector<16xi32>
      %lt3A_1621 = arith.cmpi slt, %sub3A_1615, %lt3A_1620 : vector<16xi32>
      %and3A_1622 = arith.andi %ge3A_1618, %lt3A_1621 : vector<16xi1>
      %jit3A_1623 = arith.constant 0 : i32
      %jit3A_1624 = arith.constant 127 : i32
      %max3A_1625 = vector.broadcast %jit3A_1623 : i32 to vector<16xi32>
      %max3A_1626 = arith.maxsi %max3A_1625, %sub3A_1615 : vector<16xi32>
      %min3A_1627 = vector.broadcast %jit3A_1624 : i32 to vector<16xi32>
      %min3A_1628 = arith.minsi %min3A_1627, %max3A_1626 : vector<16xi32>
      %add3A_1629 = arith.constant 48 : i32
      %add3A_1630 = vector.broadcast %add3A_1629 : i32 to vector<16xi32>
      %add3A_1631 = arith.addi %add3A_1630, %iota3A : vector<16xi32>
      %gather3A_1632 = tpu.vector_load_idx %arg5[%broadcast_in_dim3A_1514, %min3A_1628, %add3A_1631] masked %and3A_1622 : memref<4x128x128xf32, #tpu.memory_space<vmem>>[vector<16xi32>, vector<16xi32>, vector<16xi32>], vector<16xf32>, vector<16xi1>
      %select_n3A_1633 = arith.select %and3A_1622, %gather3A_1632, %select_n3A_1362 : vector<16xi1>, vector<16xf32>
      %add3A_1634 = arith.constant 48 : i32
      %add3A_1635 = vector.broadcast %add3A_1634 : i32 to vector<16xi32>
      %add3A_1636 = arith.addi %add3A_1635, %iota3A : vector<16xi32>
      tpu.vector_store_idx %arg5[%broadcast_in_dim3A_1514, %min3A_1628, %add3A_1636], %broadcast_in_dim3A_1516 masked %and3A_1622 : memref<4x128x128xf32, #tpu.memory_space<vmem>>[vector<16xi32>, vector<16xi32>, vector<16xi32>], vector<16xf32>, vector<16xi1>
      %mul3A_1637 = arith.constant 128 : i32
      %mul3A_1638 = arith.muli %scan3A_59, %mul3A_1637 : i32
      %add3A_1639 = arith.constant 64 : i32
      %add3A_1640 = arith.addi %mul3A_1638, %add3A_1639 : i32
      %get3A_1641 = arith.index_cast %add3A_1640 : i32 to index
      %get3A_1642 = tpu.vector_load %arg6[%get3A_1641] {strides = array<i32>} : memref<256xi32, #tpu.memory_space<vmem>>, vector<16xi32>,
      %sub3A_1643 = arith.constant 640 : i32
      %sub3A_1644 = vector.broadcast %sub3A_1643 : i32 to vector<16xi32>
      %sub3A_1645 = arith.subi %get3A_1642, %sub3A_1644 : vector<16xi32>
      %ge3A_1646 = arith.constant 0 : i32
      %ge3A_1647 = vector.broadcast %ge3A_1646 : i32 to vector<16xi32>
      %ge3A_1648 = arith.cmpi sge, %sub3A_1645, %ge3A_1647 : vector<16xi32>
      %lt3A_1649 = arith.constant 128 : i32
      %lt3A_1650 = vector.broadcast %lt3A_1649 : i32 to vector<16xi32>
      %lt3A_1651 = arith.cmpi slt, %sub3A_1645, %lt3A_1650 : vector<16xi32>
      %and3A_1652 = arith.andi %ge3A_1648, %lt3A_1651 : vector<16xi1>
      %jit3A_1653 = arith.constant 0 : i32
      %jit3A_1654 = arith.constant 127 : i32
      %max3A_1655 = vector.broadcast %jit3A_1653 : i32 to vector<16xi32>
      %max3A_1656 = arith.maxsi %max3A_1655, %sub3A_1645 : vector<16xi32>
      %min3A_1657 = vector.broadcast %jit3A_1654 : i32 to vector<16xi32>
      %min3A_1658 = arith.minsi %min3A_1657, %max3A_1656 : vector<16xi32>
      %add3A_1659 = arith.constant 64 : i32
      %add3A_1660 = vector.broadcast %add3A_1659 : i32 to vector<16xi32>
      %add3A_1661 = arith.addi %add3A_1660, %iota3A : vector<16xi32>
      %gather3A_1662 = tpu.vector_load_idx %arg5[%broadcast_in_dim3A_1514, %min3A_1658, %add3A_1661] masked %and3A_1652 : memref<4x128x128xf32, #tpu.memory_space<vmem>>[vector<16xi32>, vector<16xi32>, vector<16xi32>], vector<16xf32>, vector<16xi1>
      %select_n3A_1663 = arith.select %and3A_1652, %gather3A_1662, %select_n3A_1392 : vector<16xi1>, vector<16xf32>
      %add3A_1664 = arith.constant 64 : i32
      %add3A_1665 = vector.broadcast %add3A_1664 : i32 to vector<16xi32>
      %add3A_1666 = arith.addi %add3A_1665, %iota3A : vector<16xi32>
      tpu.vector_store_idx %arg5[%broadcast_in_dim3A_1514, %min3A_1658, %add3A_1666], %broadcast_in_dim3A_1516 masked %and3A_1652 : memref<4x128x128xf32, #tpu.memory_space<vmem>>[vector<16xi32>, vector<16xi32>, vector<16xi32>], vector<16xf32>, vector<16xi1>
      %mul3A_1667 = arith.constant 128 : i32
      %mul3A_1668 = arith.muli %scan3A_59, %mul3A_1667 : i32
      %add3A_1669 = arith.constant 80 : i32
      %add3A_1670 = arith.addi %mul3A_1668, %add3A_1669 : i32
      %get3A_1671 = arith.index_cast %add3A_1670 : i32 to index
      %get3A_1672 = tpu.vector_load %arg6[%get3A_1671] {strides = array<i32>} : memref<256xi32, #tpu.memory_space<vmem>>, vector<16xi32>,
      %sub3A_1673 = arith.constant 640 : i32
      %sub3A_1674 = vector.broadcast %sub3A_1673 : i32 to vector<16xi32>
      %sub3A_1675 = arith.subi %get3A_1672, %sub3A_1674 : vector<16xi32>
      %ge3A_1676 = arith.constant 0 : i32
      %ge3A_1677 = vector.broadcast %ge3A_1676 : i32 to vector<16xi32>
      %ge3A_1678 = arith.cmpi sge, %sub3A_1675, %ge3A_1677 : vector<16xi32>
      %lt3A_1679 = arith.constant 128 : i32
      %lt3A_1680 = vector.broadcast %lt3A_1679 : i32 to vector<16xi32>
      %lt3A_1681 = arith.cmpi slt, %sub3A_1675, %lt3A_1680 : vector<16xi32>
      %and3A_1682 = arith.andi %ge3A_1678, %lt3A_1681 : vector<16xi1>
      %jit3A_1683 = arith.constant 0 : i32
      %jit3A_1684 = arith.constant 127 : i32
      %max3A_1685 = vector.broadcast %jit3A_1683 : i32 to vector<16xi32>
      %max3A_1686 = arith.maxsi %max3A_1685, %sub3A_1675 : vector<16xi32>
      %min3A_1687 = vector.broadcast %jit3A_1684 : i32 to vector<16xi32>
      %min3A_1688 = arith.minsi %min3A_1687, %max3A_1686 : vector<16xi32>
      %add3A_1689 = arith.constant 80 : i32
      %add3A_1690 = vector.broadcast %add3A_1689 : i32 to vector<16xi32>
      %add3A_1691 = arith.addi %add3A_1690, %iota3A : vector<16xi32>
      %gather3A_1692 = tpu.vector_load_idx %arg5[%broadcast_in_dim3A_1514, %min3A_1688, %add3A_1691] masked %and3A_1682 : memref<4x128x128xf32, #tpu.memory_space<vmem>>[vector<16xi32>, vector<16xi32>, vector<16xi32>], vector<16xf32>, vector<16xi1>
      %select_n3A_1693 = arith.select %and3A_1682, %gather3A_1692, %select_n3A_1422 : vector<16xi1>, vector<16xf32>
      %add3A_1694 = arith.constant 80 : i32
      %add3A_1695 = vector.broadcast %add3A_1694 : i32 to vector<16xi32>
      %add3A_1696 = arith.addi %add3A_1695, %iota3A : vector<16xi32>
      tpu.vector_store_idx %arg5[%broadcast_in_dim3A_1514, %min3A_1688, %add3A_1696], %broadcast_in_dim3A_1516 masked %and3A_1682 : memref<4x128x128xf32, #tpu.memory_space<vmem>>[vector<16xi32>, vector<16xi32>, vector<16xi32>], vector<16xf32>, vector<16xi1>
      %mul3A_1697 = arith.constant 128 : i32
      %mul3A_1698 = arith.muli %scan3A_59, %mul3A_1697 : i32
      %add3A_1699 = arith.constant 96 : i32
      %add3A_1700 = arith.addi %mul3A_1698, %add3A_1699 : i32
      %get3A_1701 = arith.index_cast %add3A_1700 : i32 to index
      %get3A_1702 = tpu.vector_load %arg6[%get3A_1701] {strides = array<i32>} : memref<256xi32, #tpu.memory_space<vmem>>, vector<16xi32>,
      %sub3A_1703 = arith.constant 640 : i32
      %sub3A_1704 = vector.broadcast %sub3A_1703 : i32 to vector<16xi32>
      %sub3A_1705 = arith.subi %get3A_1702, %sub3A_1704 : vector<16xi32>
      %ge3A_1706 = arith.constant 0 : i32
      %ge3A_1707 = vector.broadcast %ge3A_1706 : i32 to vector<16xi32>
      %ge3A_1708 = arith.cmpi sge, %sub3A_1705, %ge3A_1707 : vector<16xi32>
      %lt3A_1709 = arith.constant 128 : i32
      %lt3A_1710 = vector.broadcast %lt3A_1709 : i32 to vector<16xi32>
      %lt3A_1711 = arith.cmpi slt, %sub3A_1705, %lt3A_1710 : vector<16xi32>
      %and3A_1712 = arith.andi %ge3A_1708, %lt3A_1711 : vector<16xi1>
      %jit3A_1713 = arith.constant 0 : i32
      %jit3A_1714 = arith.constant 127 : i32
      %max3A_1715 = vector.broadcast %jit3A_1713 : i32 to vector<16xi32>
      %max3A_1716 = arith.maxsi %max3A_1715, %sub3A_1705 : vector<16xi32>
      %min3A_1717 = vector.broadcast %jit3A_1714 : i32 to vector<16xi32>
      %min3A_1718 = arith.minsi %min3A_1717, %max3A_1716 : vector<16xi32>
      %add3A_1719 = arith.constant 96 : i32
      %add3A_1720 = vector.broadcast %add3A_1719 : i32 to vector<16xi32>
      %add3A_1721 = arith.addi %add3A_1720, %iota3A : vector<16xi32>
      %gather3A_1722 = tpu.vector_load_idx %arg5[%broadcast_in_dim3A_1514, %min3A_1718, %add3A_1721] masked %and3A_1712 : memref<4x128x128xf32, #tpu.memory_space<vmem>>[vector<16xi32>, vector<16xi32>, vector<16xi32>], vector<16xf32>, vector<16xi1>
      %select_n3A_1723 = arith.select %and3A_1712, %gather3A_1722, %select_n3A_1452 : vector<16xi1>, vector<16xf32>
      %add3A_1724 = arith.constant 96 : i32
      %add3A_1725 = vector.broadcast %add3A_1724 : i32 to vector<16xi32>
      %add3A_1726 = arith.addi %add3A_1725, %iota3A : vector<16xi32>
      tpu.vector_store_idx %arg5[%broadcast_in_dim3A_1514, %min3A_1718, %add3A_1726], %broadcast_in_dim3A_1516 masked %and3A_1712 : memref<4x128x128xf32, #tpu.memory_space<vmem>>[vector<16xi32>, vector<16xi32>, vector<16xi32>], vector<16xf32>, vector<16xi1>
      %mul3A_1727 = arith.constant 128 : i32
      %mul3A_1728 = arith.muli %scan3A_59, %mul3A_1727 : i32
      %add3A_1729 = arith.constant 112 : i32
      %add3A_1730 = arith.addi %mul3A_1728, %add3A_1729 : i32
      %get3A_1731 = arith.index_cast %add3A_1730 : i32 to index
      %get3A_1732 = tpu.vector_load %arg6[%get3A_1731] {strides = array<i32>} : memref<256xi32, #tpu.memory_space<vmem>>, vector<16xi32>,
      %sub3A_1733 = arith.constant 640 : i32
      %sub3A_1734 = vector.broadcast %sub3A_1733 : i32 to vector<16xi32>
      %sub3A_1735 = arith.subi %get3A_1732, %sub3A_1734 : vector<16xi32>
      %ge3A_1736 = arith.constant 0 : i32
      %ge3A_1737 = vector.broadcast %ge3A_1736 : i32 to vector<16xi32>
      %ge3A_1738 = arith.cmpi sge, %sub3A_1735, %ge3A_1737 : vector<16xi32>
      %lt3A_1739 = arith.constant 128 : i32
      %lt3A_1740 = vector.broadcast %lt3A_1739 : i32 to vector<16xi32>
      %lt3A_1741 = arith.cmpi slt, %sub3A_1735, %lt3A_1740 : vector<16xi32>
      %and3A_1742 = arith.andi %ge3A_1738, %lt3A_1741 : vector<16xi1>
      %jit3A_1743 = arith.constant 0 : i32
      %jit3A_1744 = arith.constant 127 : i32
      %max3A_1745 = vector.broadcast %jit3A_1743 : i32 to vector<16xi32>
      %max3A_1746 = arith.maxsi %max3A_1745, %sub3A_1735 : vector<16xi32>
      %min3A_1747 = vector.broadcast %jit3A_1744 : i32 to vector<16xi32>
      %min3A_1748 = arith.minsi %min3A_1747, %max3A_1746 : vector<16xi32>
      %add3A_1749 = arith.constant 112 : i32
      %add3A_1750 = vector.broadcast %add3A_1749 : i32 to vector<16xi32>
      %add3A_1751 = arith.addi %add3A_1750, %iota3A : vector<16xi32>
      %gather3A_1752 = tpu.vector_load_idx %arg5[%broadcast_in_dim3A_1514, %min3A_1748, %add3A_1751] masked %and3A_1742 : memref<4x128x128xf32, #tpu.memory_space<vmem>>[vector<16xi32>, vector<16xi32>, vector<16xi32>], vector<16xf32>, vector<16xi1>
      %select_n3A_1753 = arith.select %and3A_1742, %gather3A_1752, %select_n3A_1482 : vector<16xi1>, vector<16xf32>
      %add3A_1754 = arith.constant 112 : i32
      %add3A_1755 = vector.broadcast %add3A_1754 : i32 to vector<16xi32>
      %add3A_1756 = arith.addi %add3A_1755, %iota3A : vector<16xi32>
      tpu.vector_store_idx %arg5[%broadcast_in_dim3A_1514, %min3A_1748, %add3A_1756], %broadcast_in_dim3A_1516 masked %and3A_1742 : memref<4x128x128xf32, #tpu.memory_space<vmem>>[vector<16xi32>, vector<16xi32>, vector<16xi32>], vector<16xf32>, vector<16xi1>
      %scan3A_1757 = arith.constant 0 : i32
      %scan3A_1758 = arith.constant 32 : i32
      %scan3A_1759 = arith.addi %scan3A_1757, %scan3A_1758 : i32
      %scan3A_1760 = arith.constant 1 : i32
      %scan3A_1761:8 = scf.for %scan3A_2421 = %scan3A_1757 to %scan3A_1759 step %scan3A_1760 iter_args(%scan3A_2422 = %scan3A_1490#0, %scan3A_2423 = %scan3A_1490#1, %scan3A_2424 = %scan3A_1490#2, %scan3A_2425 = %scan3A_1490#3, %scan3A_2426 = %scan3A_1490#4, %scan3A_2427 = %scan3A_1490#5, %scan3A_2428 = %scan3A_1490#6, %scan3A_2429 = %scan3A_1490#7) -> (vector<16xf32>, vector<16xf32>, vector<16xf32>, vector<16xf32>, vector<16xf32>, vector<16xf32>, vector<16xf32>, vector<16xf32>)  : i32 {
        %mul3A_2430 = arith.constant 4 : i32
        %mul3A_2431 = arith.muli %mul3A_2430, %scan3A_2421 : i32
        %add3A_2432 = arith.constant 0 : i32
        %add3A_2433 = arith.addi %mul3A_2431, %add3A_2432 : i32
        %get3A_2434 = arith.constant 1 : i32
        %get3A_2435 = arith.index_cast %get3A_2434 : i32 to index
        %get3A_2436 = arith.index_cast %add3A_2433 : i32 to index
        %get3A_2437 = arith.constant 0 : index
        %get3A_2438 = tpu.vector_load %arg5[%get3A_2435, %get3A_2436, %get3A_2437] {strides = array<i32>} : memref<4x128x128xf32, #tpu.memory_space<vmem>>, vector<16xf32>,
        %max3A_2439 = arith.maximumf %scan3A_2422, %get3A_2438 : vector<16xf32>
        %add3A_2440 = arith.constant 0 : i32
        %add3A_2441 = arith.addi %mul3A_2431, %add3A_2440 : i32
        %get3A_2442 = arith.constant 1 : i32
        %get3A_2443 = arith.index_cast %get3A_2442 : i32 to index
        %get3A_2444 = arith.index_cast %add3A_2441 : i32 to index
        %get3A_2445 = arith.constant 16 : index
        %get3A_2446 = tpu.vector_load %arg5[%get3A_2443, %get3A_2444, %get3A_2445] {strides = array<i32>} : memref<4x128x128xf32, #tpu.memory_space<vmem>>, vector<16xf32>,
        %max3A_2447 = arith.maximumf %scan3A_2423, %get3A_2446 : vector<16xf32>
        %add3A_2448 = arith.constant 0 : i32
        %add3A_2449 = arith.addi %mul3A_2431, %add3A_2448 : i32
        %get3A_2450 = arith.constant 1 : i32
        %get3A_2451 = arith.index_cast %get3A_2450 : i32 to index
        %get3A_2452 = arith.index_cast %add3A_2449 : i32 to index
        %get3A_2453 = arith.constant 32 : index
        %get3A_2454 = tpu.vector_load %arg5[%get3A_2451, %get3A_2452, %get3A_2453] {strides = array<i32>} : memref<4x128x128xf32, #tpu.memory_space<vmem>>, vector<16xf32>,
        %max3A_2455 = arith.maximumf %scan3A_2424, %get3A_2454 : vector<16xf32>
        %add3A_2456 = arith.constant 0 : i32
        %add3A_2457 = arith.addi %mul3A_2431, %add3A_2456 : i32
        %get3A_2458 = arith.constant 1 : i32
        %get3A_2459 = arith.index_cast %get3A_2458 : i32 to index
        %get3A_2460 = arith.index_cast %add3A_2457 : i32 to index
        %get3A_2461 = arith.constant 48 : index
        %get3A_2462 = tpu.vector_load %arg5[%get3A_2459, %get3A_2460, %get3A_2461] {strides = array<i32>} : memref<4x128x128xf32, #tpu.memory_space<vmem>>, vector<16xf32>,
        %max3A_2463 = arith.maximumf %scan3A_2425, %get3A_2462 : vector<16xf32>
        %add3A_2464 = arith.constant 0 : i32
        %add3A_2465 = arith.addi %mul3A_2431, %add3A_2464 : i32
        %get3A_2466 = arith.constant 1 : i32
        %get3A_2467 = arith.index_cast %get3A_2466 : i32 to index
        %get3A_2468 = arith.index_cast %add3A_2465 : i32 to index
        %get3A_2469 = arith.constant 64 : index
        %get3A_2470 = tpu.vector_load %arg5[%get3A_2467, %get3A_2468, %get3A_2469] {strides = array<i32>} : memref<4x128x128xf32, #tpu.memory_space<vmem>>, vector<16xf32>,
        %max3A_2471 = arith.maximumf %scan3A_2426, %get3A_2470 : vector<16xf32>
        %add3A_2472 = arith.constant 0 : i32
        %add3A_2473 = arith.addi %mul3A_2431, %add3A_2472 : i32
        %get3A_2474 = arith.constant 1 : i32
        %get3A_2475 = arith.index_cast %get3A_2474 : i32 to index
        %get3A_2476 = arith.index_cast %add3A_2473 : i32 to index
        %get3A_2477 = arith.constant 80 : index
        %get3A_2478 = tpu.vector_load %arg5[%get3A_2475, %get3A_2476, %get3A_2477] {strides = array<i32>} : memref<4x128x128xf32, #tpu.memory_space<vmem>>, vector<16xf32>,
        %max3A_2479 = arith.maximumf %scan3A_2427, %get3A_2478 : vector<16xf32>
        %add3A_2480 = arith.constant 0 : i32
        %add3A_2481 = arith.addi %mul3A_2431, %add3A_2480 : i32
        %get3A_2482 = arith.constant 1 : i32
        %get3A_2483 = arith.index_cast %get3A_2482 : i32 to index
        %get3A_2484 = arith.index_cast %add3A_2481 : i32 to index
        %get3A_2485 = arith.constant 96 : index
        %get3A_2486 = tpu.vector_load %arg5[%get3A_2483, %get3A_2484, %get3A_2485] {strides = array<i32>} : memref<4x128x128xf32, #tpu.memory_space<vmem>>, vector<16xf32>,
        %max3A_2487 = arith.maximumf %scan3A_2428, %get3A_2486 : vector<16xf32>
        %add3A_2488 = arith.constant 0 : i32
        %add3A_2489 = arith.addi %mul3A_2431, %add3A_2488 : i32
        %get3A_2490 = arith.constant 1 : i32
        %get3A_2491 = arith.index_cast %get3A_2490 : i32 to index
        %get3A_2492 = arith.index_cast %add3A_2489 : i32 to index
        %get3A_2493 = arith.constant 112 : index
        %get3A_2494 = tpu.vector_load %arg5[%get3A_2491, %get3A_2492, %get3A_2493] {strides = array<i32>} : memref<4x128x128xf32, #tpu.memory_space<vmem>>, vector<16xf32>,
        %max3A_2495 = arith.maximumf %scan3A_2429, %get3A_2494 : vector<16xf32>
        %add3A_2496 = arith.constant 1 : i32
        %add3A_2497 = arith.addi %mul3A_2431, %add3A_2496 : i32
        %get3A_2498 = arith.constant 1 : i32
        %get3A_2499 = arith.index_cast %get3A_2498 : i32 to index
        %get3A_2500 = arith.index_cast %add3A_2497 : i32 to index
        %get3A_2501 = arith.constant 0 : index
        %get3A_2502 = tpu.vector_load %arg5[%get3A_2499, %get3A_2500, %get3A_2501] {strides = array<i32>} : memref<4x128x128xf32, #tpu.memory_space<vmem>>, vector<16xf32>,
        %max3A_2503 = arith.maximumf %max3A_2439, %get3A_2502 : vector<16xf32>
        %add3A_2504 = arith.constant 1 : i32
        %add3A_2505 = arith.addi %mul3A_2431, %add3A_2504 : i32
        %get3A_2506 = arith.constant 1 : i32
        %get3A_2507 = arith.index_cast %get3A_2506 : i32 to index
        %get3A_2508 = arith.index_cast %add3A_2505 : i32 to index
        %get3A_2509 = arith.constant 16 : index
        %get3A_2510 = tpu.vector_load %arg5[%get3A_2507, %get3A_2508, %get3A_2509] {strides = array<i32>} : memref<4x128x128xf32, #tpu.memory_space<vmem>>, vector<16xf32>,
        %max3A_2511 = arith.maximumf %max3A_2447, %get3A_2510 : vector<16xf32>
        %add3A_2512 = arith.constant 1 : i32
        %add3A_2513 = arith.addi %mul3A_2431, %add3A_2512 : i32
        %get3A_2514 = arith.constant 1 : i32
        %get3A_2515 = arith.index_cast %get3A_2514 : i32 to index
        %get3A_2516 = arith.index_cast %add3A_2513 : i32 to index
        %get3A_2517 = arith.constant 32 : index
        %get3A_2518 = tpu.vector_load %arg5[%get3A_2515, %get3A_2516, %get3A_2517] {strides = array<i32>} : memref<4x128x128xf32, #tpu.memory_space<vmem>>, vector<16xf32>,
        %max3A_2519 = arith.maximumf %max3A_2455, %get3A_2518 : vector<16xf32>
        %add3A_2520 = arith.constant 1 : i32
        %add3A_2521 = arith.addi %mul3A_2431, %add3A_2520 : i32
        %get3A_2522 = arith.constant 1 : i32
        %get3A_2523 = arith.index_cast %get3A_2522 : i32 to index
        %get3A_2524 = arith.index_cast %add3A_2521 : i32 to index
        %get3A_2525 = arith.constant 48 : index
        %get3A_2526 = tpu.vector_load %arg5[%get3A_2523, %get3A_2524, %get3A_2525] {strides = array<i32>} : memref<4x128x128xf32, #tpu.memory_space<vmem>>, vector<16xf32>,
        %max3A_2527 = arith.maximumf %max3A_2463, %get3A_2526 : vector<16xf32>
        %add3A_2528 = arith.constant 1 : i32
        %add3A_2529 = arith.addi %mul3A_2431, %add3A_2528 : i32
        %get3A_2530 = arith.constant 1 : i32
        %get3A_2531 = arith.index_cast %get3A_2530 : i32 to index
        %get3A_2532 = arith.index_cast %add3A_2529 : i32 to index
        %get3A_2533 = arith.constant 64 : index
        %get3A_2534 = tpu.vector_load %arg5[%get3A_2531, %get3A_2532, %get3A_2533] {strides = array<i32>} : memref<4x128x128xf32, #tpu.memory_space<vmem>>, vector<16xf32>,
        %max3A_2535 = arith.maximumf %max3A_2471, %get3A_2534 : vector<16xf32>
        %add3A_2536 = arith.constant 1 : i32
        %add3A_2537 = arith.addi %mul3A_2431, %add3A_2536 : i32
        %get3A_2538 = arith.constant 1 : i32
        %get3A_2539 = arith.index_cast %get3A_2538 : i32 to index
        %get3A_2540 = arith.index_cast %add3A_2537 : i32 to index
        %get3A_2541 = arith.constant 80 : index
        %get3A_2542 = tpu.vector_load %arg5[%get3A_2539, %get3A_2540, %get3A_2541] {strides = array<i32>} : memref<4x128x128xf32, #tpu.memory_space<vmem>>, vector<16xf32>,
        %max3A_2543 = arith.maximumf %max3A_2479, %get3A_2542 : vector<16xf32>
        %add3A_2544 = arith.constant 1 : i32
        %add3A_2545 = arith.addi %mul3A_2431, %add3A_2544 : i32
        %get3A_2546 = arith.constant 1 : i32
        %get3A_2547 = arith.index_cast %get3A_2546 : i32 to index
        %get3A_2548 = arith.index_cast %add3A_2545 : i32 to index
        %get3A_2549 = arith.constant 96 : index
        %get3A_2550 = tpu.vector_load %arg5[%get3A_2547, %get3A_2548, %get3A_2549] {strides = array<i32>} : memref<4x128x128xf32, #tpu.memory_space<vmem>>, vector<16xf32>,
        %max3A_2551 = arith.maximumf %max3A_2487, %get3A_2550 : vector<16xf32>
        %add3A_2552 = arith.constant 1 : i32
        %add3A_2553 = arith.addi %mul3A_2431, %add3A_2552 : i32
        %get3A_2554 = arith.constant 1 : i32
        %get3A_2555 = arith.index_cast %get3A_2554 : i32 to index
        %get3A_2556 = arith.index_cast %add3A_2553 : i32 to index
        %get3A_2557 = arith.constant 112 : index
        %get3A_2558 = tpu.vector_load %arg5[%get3A_2555, %get3A_2556, %get3A_2557] {strides = array<i32>} : memref<4x128x128xf32, #tpu.memory_space<vmem>>, vector<16xf32>,
        %max3A_2559 = arith.maximumf %max3A_2495, %get3A_2558 : vector<16xf32>
        %add3A_2560 = arith.constant 2 : i32
        %add3A_2561 = arith.addi %mul3A_2431, %add3A_2560 : i32
        %get3A_2562 = arith.constant 1 : i32
        %get3A_2563 = arith.index_cast %get3A_2562 : i32 to index
        %get3A_2564 = arith.index_cast %add3A_2561 : i32 to index
        %get3A_2565 = arith.constant 0 : index
        %get3A_2566 = tpu.vector_load %arg5[%get3A_2563, %get3A_2564, %get3A_2565] {strides = array<i32>} : memref<4x128x128xf32, #tpu.memory_space<vmem>>, vector<16xf32>,
        %max3A_2567 = arith.maximumf %max3A_2503, %get3A_2566 : vector<16xf32>
        %add3A_2568 = arith.constant 2 : i32
        %add3A_2569 = arith.addi %mul3A_2431, %add3A_2568 : i32
        %get3A_2570 = arith.constant 1 : i32
        %get3A_2571 = arith.index_cast %get3A_2570 : i32 to index
        %get3A_2572 = arith.index_cast %add3A_2569 : i32 to index
        %get3A_2573 = arith.constant 16 : index
        %get3A_2574 = tpu.vector_load %arg5[%get3A_2571, %get3A_2572, %get3A_2573] {strides = array<i32>} : memref<4x128x128xf32, #tpu.memory_space<vmem>>, vector<16xf32>,
        %max3A_2575 = arith.maximumf %max3A_2511, %get3A_2574 : vector<16xf32>
        %add3A_2576 = arith.constant 2 : i32
        %add3A_2577 = arith.addi %mul3A_2431, %add3A_2576 : i32
        %get3A_2578 = arith.constant 1 : i32
        %get3A_2579 = arith.index_cast %get3A_2578 : i32 to index
        %get3A_2580 = arith.index_cast %add3A_2577 : i32 to index
        %get3A_2581 = arith.constant 32 : index
        %get3A_2582 = tpu.vector_load %arg5[%get3A_2579, %get3A_2580, %get3A_2581] {strides = array<i32>} : memref<4x128x128xf32, #tpu.memory_space<vmem>>, vector<16xf32>,
        %max3A_2583 = arith.maximumf %max3A_2519, %get3A_2582 : vector<16xf32>
        %add3A_2584 = arith.constant 2 : i32
        %add3A_2585 = arith.addi %mul3A_2431, %add3A_2584 : i32
        %get3A_2586 = arith.constant 1 : i32
        %get3A_2587 = arith.index_cast %get3A_2586 : i32 to index
        %get3A_2588 = arith.index_cast %add3A_2585 : i32 to index
        %get3A_2589 = arith.constant 48 : index
        %get3A_2590 = tpu.vector_load %arg5[%get3A_2587, %get3A_2588, %get3A_2589] {strides = array<i32>} : memref<4x128x128xf32, #tpu.memory_space<vmem>>, vector<16xf32>,
        %max3A_2591 = arith.maximumf %max3A_2527, %get3A_2590 : vector<16xf32>
        %add3A_2592 = arith.constant 2 : i32
        %add3A_2593 = arith.addi %mul3A_2431, %add3A_2592 : i32
        %get3A_2594 = arith.constant 1 : i32
        %get3A_2595 = arith.index_cast %get3A_2594 : i32 to index
        %get3A_2596 = arith.index_cast %add3A_2593 : i32 to index
        %get3A_2597 = arith.constant 64 : index
        %get3A_2598 = tpu.vector_load %arg5[%get3A_2595, %get3A_2596, %get3A_2597] {strides = array<i32>} : memref<4x128x128xf32, #tpu.memory_space<vmem>>, vector<16xf32>,
        %max3A_2599 = arith.maximumf %max3A_2535, %get3A_2598 : vector<16xf32>
        %add3A_2600 = arith.constant 2 : i32
        %add3A_2601 = arith.addi %mul3A_2431, %add3A_2600 : i32
        %get3A_2602 = arith.constant 1 : i32
        %get3A_2603 = arith.index_cast %get3A_2602 : i32 to index
        %get3A_2604 = arith.index_cast %add3A_2601 : i32 to index
        %get3A_2605 = arith.constant 80 : index
        %get3A_2606 = tpu.vector_load %arg5[%get3A_2603, %get3A_2604, %get3A_2605] {strides = array<i32>} : memref<4x128x128xf32, #tpu.memory_space<vmem>>, vector<16xf32>,
        %max3A_2607 = arith.maximumf %max3A_2543, %get3A_2606 : vector<16xf32>
        %add3A_2608 = arith.constant 2 : i32
        %add3A_2609 = arith.addi %mul3A_2431, %add3A_2608 : i32
        %get3A_2610 = arith.constant 1 : i32
        %get3A_2611 = arith.index_cast %get3A_2610 : i32 to index
        %get3A_2612 = arith.index_cast %add3A_2609 : i32 to index
        %get3A_2613 = arith.constant 96 : index
        %get3A_2614 = tpu.vector_load %arg5[%get3A_2611, %get3A_2612, %get3A_2613] {strides = array<i32>} : memref<4x128x128xf32, #tpu.memory_space<vmem>>, vector<16xf32>,
        %max3A_2615 = arith.maximumf %max3A_2551, %get3A_2614 : vector<16xf32>
        %add3A_2616 = arith.constant 2 : i32
        %add3A_2617 = arith.addi %mul3A_2431, %add3A_2616 : i32
        %get3A_2618 = arith.constant 1 : i32
        %get3A_2619 = arith.index_cast %get3A_2618 : i32 to index
        %get3A_2620 = arith.index_cast %add3A_2617 : i32 to index
        %get3A_2621 = arith.constant 112 : index
        %get3A_2622 = tpu.vector_load %arg5[%get3A_2619, %get3A_2620, %get3A_2621] {strides = array<i32>} : memref<4x128x128xf32, #tpu.memory_space<vmem>>, vector<16xf32>,
        %max3A_2623 = arith.maximumf %max3A_2559, %get3A_2622 : vector<16xf32>
        %add3A_2624 = arith.constant 3 : i32
        %add3A_2625 = arith.addi %mul3A_2431, %add3A_2624 : i32
        %get3A_2626 = arith.constant 1 : i32
        %get3A_2627 = arith.index_cast %get3A_2626 : i32 to index
        %get3A_2628 = arith.index_cast %add3A_2625 : i32 to index
        %get3A_2629 = arith.constant 0 : index
        %get3A_2630 = tpu.vector_load %arg5[%get3A_2627, %get3A_2628, %get3A_2629] {strides = array<i32>} : memref<4x128x128xf32, #tpu.memory_space<vmem>>, vector<16xf32>,
        %max3A_2631 = arith.maximumf %max3A_2567, %get3A_2630 : vector<16xf32>
        %add3A_2632 = arith.constant 3 : i32
        %add3A_2633 = arith.addi %mul3A_2431, %add3A_2632 : i32
        %get3A_2634 = arith.constant 1 : i32
        %get3A_2635 = arith.index_cast %get3A_2634 : i32 to index
        %get3A_2636 = arith.index_cast %add3A_2633 : i32 to index
        %get3A_2637 = arith.constant 16 : index
        %get3A_2638 = tpu.vector_load %arg5[%get3A_2635, %get3A_2636, %get3A_2637] {strides = array<i32>} : memref<4x128x128xf32, #tpu.memory_space<vmem>>, vector<16xf32>,
        %max3A_2639 = arith.maximumf %max3A_2575, %get3A_2638 : vector<16xf32>
        %add3A_2640 = arith.constant 3 : i32
        %add3A_2641 = arith.addi %mul3A_2431, %add3A_2640 : i32
        %get3A_2642 = arith.constant 1 : i32
        %get3A_2643 = arith.index_cast %get3A_2642 : i32 to index
        %get3A_2644 = arith.index_cast %add3A_2641 : i32 to index
        %get3A_2645 = arith.constant 32 : index
        %get3A_2646 = tpu.vector_load %arg5[%get3A_2643, %get3A_2644, %get3A_2645] {strides = array<i32>} : memref<4x128x128xf32, #tpu.memory_space<vmem>>, vector<16xf32>,
        %max3A_2647 = arith.maximumf %max3A_2583, %get3A_2646 : vector<16xf32>
        %add3A_2648 = arith.constant 3 : i32
        %add3A_2649 = arith.addi %mul3A_2431, %add3A_2648 : i32
        %get3A_2650 = arith.constant 1 : i32
        %get3A_2651 = arith.index_cast %get3A_2650 : i32 to index
        %get3A_2652 = arith.index_cast %add3A_2649 : i32 to index
        %get3A_2653 = arith.constant 48 : index
        %get3A_2654 = tpu.vector_load %arg5[%get3A_2651, %get3A_2652, %get3A_2653] {strides = array<i32>} : memref<4x128x128xf32, #tpu.memory_space<vmem>>, vector<16xf32>,
        %max3A_2655 = arith.maximumf %max3A_2591, %get3A_2654 : vector<16xf32>
        %add3A_2656 = arith.constant 3 : i32
        %add3A_2657 = arith.addi %mul3A_2431, %add3A_2656 : i32
        %get3A_2658 = arith.constant 1 : i32
        %get3A_2659 = arith.index_cast %get3A_2658 : i32 to index
        %get3A_2660 = arith.index_cast %add3A_2657 : i32 to index
        %get3A_2661 = arith.constant 64 : index
        %get3A_2662 = tpu.vector_load %arg5[%get3A_2659, %get3A_2660, %get3A_2661] {strides = array<i32>} : memref<4x128x128xf32, #tpu.memory_space<vmem>>, vector<16xf32>,
        %max3A_2663 = arith.maximumf %max3A_2599, %get3A_2662 : vector<16xf32>
        %add3A_2664 = arith.constant 3 : i32
        %add3A_2665 = arith.addi %mul3A_2431, %add3A_2664 : i32
        %get3A_2666 = arith.constant 1 : i32
        %get3A_2667 = arith.index_cast %get3A_2666 : i32 to index
        %get3A_2668 = arith.index_cast %add3A_2665 : i32 to index
        %get3A_2669 = arith.constant 80 : index
        %get3A_2670 = tpu.vector_load %arg5[%get3A_2667, %get3A_2668, %get3A_2669] {strides = array<i32>} : memref<4x128x128xf32, #tpu.memory_space<vmem>>, vector<16xf32>,
        %max3A_2671 = arith.maximumf %max3A_2607, %get3A_2670 : vector<16xf32>
        %add3A_2672 = arith.constant 3 : i32
        %add3A_2673 = arith.addi %mul3A_2431, %add3A_2672 : i32
        %get3A_2674 = arith.constant 1 : i32
        %get3A_2675 = arith.index_cast %get3A_2674 : i32 to index
        %get3A_2676 = arith.index_cast %add3A_2673 : i32 to index
        %get3A_2677 = arith.constant 96 : index
        %get3A_2678 = tpu.vector_load %arg5[%get3A_2675, %get3A_2676, %get3A_2677] {strides = array<i32>} : memref<4x128x128xf32, #tpu.memory_space<vmem>>, vector<16xf32>,
        %max3A_2679 = arith.maximumf %max3A_2615, %get3A_2678 : vector<16xf32>
        %add3A_2680 = arith.constant 3 : i32
        %add3A_2681 = arith.addi %mul3A_2431, %add3A_2680 : i32
        %get3A_2682 = arith.constant 1 : i32
        %get3A_2683 = arith.index_cast %get3A_2682 : i32 to index
        %get3A_2684 = arith.index_cast %add3A_2681 : i32 to index
        %get3A_2685 = arith.constant 112 : index
        %get3A_2686 = tpu.vector_load %arg5[%get3A_2683, %get3A_2684, %get3A_2685] {strides = array<i32>} : memref<4x128x128xf32, #tpu.memory_space<vmem>>, vector<16xf32>,
        %max3A_2687 = arith.maximumf %max3A_2623, %get3A_2686 : vector<16xf32>
        scf.yield %max3A_2631, %max3A_2639, %max3A_2647, %max3A_2655, %max3A_2663, %max3A_2671, %max3A_2679, %max3A_2687 : vector<16xf32>, vector<16xf32>, vector<16xf32>, vector<16xf32>, vector<16xf32>, vector<16xf32>, vector<16xf32>, vector<16xf32>
      }
      %scan3A_1762 = arith.constant 32 : i32
      %mul3A_1763 = arith.constant 128 : i32
      %mul3A_1764 = arith.muli %scan3A_59, %mul3A_1763 : i32
      %add3A_1765 = arith.addi %add3A_4, %mul3A_1764 : i32
      %dma_wait3A_1766 = arith.constant 2 : i32
      %dma_wait3A_1767 = arith.constant 0 : i32
      %dma_wait3A_1768 = arith.constant 0 : i32
      %dma_wait3A_1769 = tpu.memref_slice %arg5[%dma_wait3A_1766, %dma_wait3A_1767, %dma_wait3A_1768] : memref<4x128x128xf32, #tpu.memory_space<vmem>> -> memref<1x128x128xf32, #tpu.memory_space<vmem>>
      %dma_wait3A_1770 = tpu.memref_squeeze %dma_wait3A_1769 : memref<1x128x128xf32, #tpu.memory_space<vmem>> -> memref<128x128xf32, #tpu.memory_space<vmem>>
      %dma_wait3A_1771 = arith.constant 768 : i32
      %dma_wait3A_1772 = tpu.memref_slice %arg2[%dma_wait3A_1771, %add3A_1765] : memref<1000x16384xf32, #tpu.memory_space<hbm>> -> memref<128x128xf32, #tpu.memory_space<hbm>>
      %dma_wait3A_1773 = arith.constant 0 : i32
      %dma_wait3A_1774 = arith.constant 0 : i32
      %dma_wait3A_1775 = tpu.memref_slice %arg5[%dma_wait3A_1766, %dma_wait3A_1773, %dma_wait3A_1774] : memref<4x128x128xf32, #tpu.memory_space<vmem>> -> memref<1x128x128xf32, #tpu.memory_space<vmem>>
      %dma_wait3A_1776 = tpu.memref_squeeze %dma_wait3A_1775 : memref<1x128x128xf32, #tpu.memory_space<vmem>> -> memref<128x128xf32, #tpu.memory_space<vmem>>
      %dma_wait3A_1777 = arith.constant 768 : i32
      %dma_wait3A_1778 = tpu.memref_slice %arg2[%dma_wait3A_1777, %add3A_1765] : memref<1000x16384xf32, #tpu.memory_space<hbm>> -> memref<128x128xf32, #tpu.memory_space<hbm>>
      tpu.wait_dma2 semaphore(%arg10 : memref<!tpu.dma_semaphore, #tpu.memory_space<semaphore_mem>>) src(%dma_wait3A_1778 : memref<128x128xf32, #tpu.memory_space<hbm>>) dst(%dma_wait3A_1776 : memref<128x128xf32, #tpu.memory_space<vmem>>)
      %add3A_1779 = arith.constant 1 : i32
      %add3A_1780 = arith.addi %scan3A_59, %add3A_1779 : i32
      %lt3A_1781 = arith.constant 2 : i32
      %lt3A_1782 = arith.cmpi slt, %add3A_1780, %lt3A_1781 : i32
      %convert_element_type3A_1783 = arith.extui %lt3A_1782 : i1 to i32
      %cond3A_1784 = arith.constant 0 : i32
      %cond3A_1785 = arith.cmpi ne, %convert_element_type3A_1783, %cond3A_1784 : i32
      scf.if %cond3A_1785 {
        %add3A_2421 = arith.constant 1 : i32
        %add3A_2422 = arith.addi %scan3A_59, %add3A_2421 : i32
        %mul3A_2423 = arith.constant 128 : i32
        %mul3A_2424 = arith.muli %add3A_2422, %mul3A_2423 : i32
        %add3A_2425 = arith.addi %add3A_4, %mul3A_2424 : i32
        %dma_start3A_2426 = arith.constant 1 : i32
        %dma_start3A_2427 = arith.constant 0 : i32
        %dma_start3A_2428 = arith.constant 0 : i32
        %dma_start3A_2429 = tpu.memref_slice %arg5[%dma_start3A_2426, %dma_start3A_2427, %dma_start3A_2428] : memref<4x128x128xf32, #tpu.memory_space<vmem>> -> memref<1x128x128xf32, #tpu.memory_space<vmem>>
        %dma_start3A_2430 = tpu.memref_squeeze %dma_start3A_2429 : memref<1x128x128xf32, #tpu.memory_space<vmem>> -> memref<128x128xf32, #tpu.memory_space<vmem>>
        %dma_start3A_2431 = arith.constant 128 : i32
        %dma_start3A_2432 = tpu.memref_slice %arg2[%dma_start3A_2431, %add3A_2425] : memref<1000x16384xf32, #tpu.memory_space<hbm>> -> memref<128x128xf32, #tpu.memory_space<hbm>>
        %dma_start3A_2433 = arith.constant 0 : i32
        %dma_start3A_2434 = arith.constant 0 : i32
        %dma_start3A_2435 = tpu.memref_slice %arg5[%dma_start3A_2426, %dma_start3A_2433, %dma_start3A_2434] : memref<4x128x128xf32, #tpu.memory_space<vmem>> -> memref<1x128x128xf32, #tpu.memory_space<vmem>>
        %dma_start3A_2436 = tpu.memref_squeeze %dma_start3A_2435 : memref<1x128x128xf32, #tpu.memory_space<vmem>> -> memref<128x128xf32, #tpu.memory_space<vmem>>
        %dma_start3A_2437 = arith.constant 128 : i32
        %dma_start3A_2438 = tpu.memref_slice %arg2[%dma_start3A_2437, %add3A_2425] : memref<1000x16384xf32, #tpu.memory_space<hbm>> -> memref<128x128xf32, #tpu.memory_space<hbm>>
        tpu.enqueue_dma source(%dma_start3A_2438 : memref<128x128xf32, #tpu.memory_space<hbm>>) target(%dma_start3A_2436 : memref<128x128xf32, #tpu.memory_space<vmem>>) target_semaphore(%arg9 : memref<!tpu.dma_semaphore, #tpu.memory_space<semaphore_mem>>)
      } else {
      }
      %broadcast_in_dim3A_1786 = arith.constant 2 : i32
      %broadcast_in_dim3A_1787 = vector.broadcast %broadcast_in_dim3A_1786 : i32 to vector<16xi32>
      %broadcast_in_dim3A_1788 = arith.constant -1.000000e+10 : f32
      %broadcast_in_dim3A_1789 = vector.broadcast %broadcast_in_dim3A_1788 : f32 to vector<16xf32>
      %mul3A_1790 = arith.constant 128 : i32
      %mul3A_1791 = arith.muli %scan3A_59, %mul3A_1790 : i32
      %add3A_1792 = arith.constant 0 : i32
      %add3A_1793 = arith.addi %mul3A_1791, %add3A_1792 : i32
      %get3A_1794 = arith.index_cast %add3A_1793 : i32 to index
      %get3A_1795 = tpu.vector_load %arg6[%get3A_1794] {strides = array<i32>} : memref<256xi32, #tpu.memory_space<vmem>>, vector<16xi32>,
      %sub3A_1796 = arith.constant 768 : i32
      %sub3A_1797 = vector.broadcast %sub3A_1796 : i32 to vector<16xi32>
      %sub3A_1798 = arith.subi %get3A_1795, %sub3A_1797 : vector<16xi32>
      %ge3A_1799 = arith.constant 0 : i32
      %ge3A_1800 = vector.broadcast %ge3A_1799 : i32 to vector<16xi32>
      %ge3A_1801 = arith.cmpi sge, %sub3A_1798, %ge3A_1800 : vector<16xi32>
      %lt3A_1802 = arith.constant 128 : i32
      %lt3A_1803 = vector.broadcast %lt3A_1802 : i32 to vector<16xi32>
      %lt3A_1804 = arith.cmpi slt, %sub3A_1798, %lt3A_1803 : vector<16xi32>
      %and3A_1805 = arith.andi %ge3A_1801, %lt3A_1804 : vector<16xi1>
      %jit3A_1806 = arith.constant 0 : i32
      %jit3A_1807 = arith.constant 127 : i32
      %max3A_1808 = vector.broadcast %jit3A_1806 : i32 to vector<16xi32>
      %max3A_1809 = arith.maxsi %max3A_1808, %sub3A_1798 : vector<16xi32>
      %min3A_1810 = vector.broadcast %jit3A_1807 : i32 to vector<16xi32>
      %min3A_1811 = arith.minsi %min3A_1810, %max3A_1809 : vector<16xi32>
      %add3A_1812 = arith.constant 0 : i32
      %add3A_1813 = vector.broadcast %add3A_1812 : i32 to vector<16xi32>
      %add3A_1814 = arith.addi %add3A_1813, %iota3A : vector<16xi32>
      %gather3A_1815 = tpu.vector_load_idx %arg5[%broadcast_in_dim3A_1787, %min3A_1811, %add3A_1814] masked %and3A_1805 : memref<4x128x128xf32, #tpu.memory_space<vmem>>[vector<16xi32>, vector<16xi32>, vector<16xi32>], vector<16xf32>, vector<16xi1>
      %select_n3A_1816 = arith.select %and3A_1805, %gather3A_1815, %select_n3A_1543 : vector<16xi1>, vector<16xf32>
      %add3A_1817 = arith.constant 0 : i32
      %add3A_1818 = vector.broadcast %add3A_1817 : i32 to vector<16xi32>
      %add3A_1819 = arith.addi %add3A_1818, %iota3A : vector<16xi32>
      tpu.vector_store_idx %arg5[%broadcast_in_dim3A_1787, %min3A_1811, %add3A_1819], %broadcast_in_dim3A_1789 masked %and3A_1805 : memref<4x128x128xf32, #tpu.memory_space<vmem>>[vector<16xi32>, vector<16xi32>, vector<16xi32>], vector<16xf32>, vector<16xi1>
      %mul3A_1820 = arith.constant 128 : i32
      %mul3A_1821 = arith.muli %scan3A_59, %mul3A_1820 : i32
      %add3A_1822 = arith.constant 16 : i32
      %add3A_1823 = arith.addi %mul3A_1821, %add3A_1822 : i32
      %get3A_1824 = arith.index_cast %add3A_1823 : i32 to index
      %get3A_1825 = tpu.vector_load %arg6[%get3A_1824] {strides = array<i32>} : memref<256xi32, #tpu.memory_space<vmem>>, vector<16xi32>,
      %sub3A_1826 = arith.constant 768 : i32
      %sub3A_1827 = vector.broadcast %sub3A_1826 : i32 to vector<16xi32>
      %sub3A_1828 = arith.subi %get3A_1825, %sub3A_1827 : vector<16xi32>
      %ge3A_1829 = arith.constant 0 : i32
      %ge3A_1830 = vector.broadcast %ge3A_1829 : i32 to vector<16xi32>
      %ge3A_1831 = arith.cmpi sge, %sub3A_1828, %ge3A_1830 : vector<16xi32>
      %lt3A_1832 = arith.constant 128 : i32
      %lt3A_1833 = vector.broadcast %lt3A_1832 : i32 to vector<16xi32>
      %lt3A_1834 = arith.cmpi slt, %sub3A_1828, %lt3A_1833 : vector<16xi32>
      %and3A_1835 = arith.andi %ge3A_1831, %lt3A_1834 : vector<16xi1>
      %jit3A_1836 = arith.constant 0 : i32
      %jit3A_1837 = arith.constant 127 : i32
      %max3A_1838 = vector.broadcast %jit3A_1836 : i32 to vector<16xi32>
      %max3A_1839 = arith.maxsi %max3A_1838, %sub3A_1828 : vector<16xi32>
      %min3A_1840 = vector.broadcast %jit3A_1837 : i32 to vector<16xi32>
      %min3A_1841 = arith.minsi %min3A_1840, %max3A_1839 : vector<16xi32>
      %add3A_1842 = arith.constant 16 : i32
      %add3A_1843 = vector.broadcast %add3A_1842 : i32 to vector<16xi32>
      %add3A_1844 = arith.addi %add3A_1843, %iota3A : vector<16xi32>
      %gather3A_1845 = tpu.vector_load_idx %arg5[%broadcast_in_dim3A_1787, %min3A_1841, %add3A_1844] masked %and3A_1835 : memref<4x128x128xf32, #tpu.memory_space<vmem>>[vector<16xi32>, vector<16xi32>, vector<16xi32>], vector<16xf32>, vector<16xi1>
      %select_n3A_1846 = arith.select %and3A_1835, %gather3A_1845, %select_n3A_1573 : vector<16xi1>, vector<16xf32>
      %add3A_1847 = arith.constant 16 : i32
      %add3A_1848 = vector.broadcast %add3A_1847 : i32 to vector<16xi32>
      %add3A_1849 = arith.addi %add3A_1848, %iota3A : vector<16xi32>
      tpu.vector_store_idx %arg5[%broadcast_in_dim3A_1787, %min3A_1841, %add3A_1849], %broadcast_in_dim3A_1789 masked %and3A_1835 : memref<4x128x128xf32, #tpu.memory_space<vmem>>[vector<16xi32>, vector<16xi32>, vector<16xi32>], vector<16xf32>, vector<16xi1>
      %mul3A_1850 = arith.constant 128 : i32
      %mul3A_1851 = arith.muli %scan3A_59, %mul3A_1850 : i32
      %add3A_1852 = arith.constant 32 : i32
      %add3A_1853 = arith.addi %mul3A_1851, %add3A_1852 : i32
      %get3A_1854 = arith.index_cast %add3A_1853 : i32 to index
      %get3A_1855 = tpu.vector_load %arg6[%get3A_1854] {strides = array<i32>} : memref<256xi32, #tpu.memory_space<vmem>>, vector<16xi32>,
      %sub3A_1856 = arith.constant 768 : i32
      %sub3A_1857 = vector.broadcast %sub3A_1856 : i32 to vector<16xi32>
      %sub3A_1858 = arith.subi %get3A_1855, %sub3A_1857 : vector<16xi32>
      %ge3A_1859 = arith.constant 0 : i32
      %ge3A_1860 = vector.broadcast %ge3A_1859 : i32 to vector<16xi32>
      %ge3A_1861 = arith.cmpi sge, %sub3A_1858, %ge3A_1860 : vector<16xi32>
      %lt3A_1862 = arith.constant 128 : i32
      %lt3A_1863 = vector.broadcast %lt3A_1862 : i32 to vector<16xi32>
      %lt3A_1864 = arith.cmpi slt, %sub3A_1858, %lt3A_1863 : vector<16xi32>
      %and3A_1865 = arith.andi %ge3A_1861, %lt3A_1864 : vector<16xi1>
      %jit3A_1866 = arith.constant 0 : i32
      %jit3A_1867 = arith.constant 127 : i32
      %max3A_1868 = vector.broadcast %jit3A_1866 : i32 to vector<16xi32>
      %max3A_1869 = arith.maxsi %max3A_1868, %sub3A_1858 : vector<16xi32>
      %min3A_1870 = vector.broadcast %jit3A_1867 : i32 to vector<16xi32>
      %min3A_1871 = arith.minsi %min3A_1870, %max3A_1869 : vector<16xi32>
      %add3A_1872 = arith.constant 32 : i32
      %add3A_1873 = vector.broadcast %add3A_1872 : i32 to vector<16xi32>
      %add3A_1874 = arith.addi %add3A_1873, %iota3A : vector<16xi32>
      %gather3A_1875 = tpu.vector_load_idx %arg5[%broadcast_in_dim3A_1787, %min3A_1871, %add3A_1874] masked %and3A_1865 : memref<4x128x128xf32, #tpu.memory_space<vmem>>[vector<16xi32>, vector<16xi32>, vector<16xi32>], vector<16xf32>, vector<16xi1>
      %select_n3A_1876 = arith.select %and3A_1865, %gather3A_1875, %select_n3A_1603 : vector<16xi1>, vector<16xf32>
      %add3A_1877 = arith.constant 32 : i32
      %add3A_1878 = vector.broadcast %add3A_1877 : i32 to vector<16xi32>
      %add3A_1879 = arith.addi %add3A_1878, %iota3A : vector<16xi32>
      tpu.vector_store_idx %arg5[%broadcast_in_dim3A_1787, %min3A_1871, %add3A_1879], %broadcast_in_dim3A_1789 masked %and3A_1865 : memref<4x128x128xf32, #tpu.memory_space<vmem>>[vector<16xi32>, vector<16xi32>, vector<16xi32>], vector<16xf32>, vector<16xi1>
      %mul3A_1880 = arith.constant 128 : i32
      %mul3A_1881 = arith.muli %scan3A_59, %mul3A_1880 : i32
      %add3A_1882 = arith.constant 48 : i32
      %add3A_1883 = arith.addi %mul3A_1881, %add3A_1882 : i32
      %get3A_1884 = arith.index_cast %add3A_1883 : i32 to index
      %get3A_1885 = tpu.vector_load %arg6[%get3A_1884] {strides = array<i32>} : memref<256xi32, #tpu.memory_space<vmem>>, vector<16xi32>,
      %sub3A_1886 = arith.constant 768 : i32
      %sub3A_1887 = vector.broadcast %sub3A_1886 : i32 to vector<16xi32>
      %sub3A_1888 = arith.subi %get3A_1885, %sub3A_1887 : vector<16xi32>
      %ge3A_1889 = arith.constant 0 : i32
      %ge3A_1890 = vector.broadcast %ge3A_1889 : i32 to vector<16xi32>
      %ge3A_1891 = arith.cmpi sge, %sub3A_1888, %ge3A_1890 : vector<16xi32>
      %lt3A_1892 = arith.constant 128 : i32
      %lt3A_1893 = vector.broadcast %lt3A_1892 : i32 to vector<16xi32>
      %lt3A_1894 = arith.cmpi slt, %sub3A_1888, %lt3A_1893 : vector<16xi32>
      %and3A_1895 = arith.andi %ge3A_1891, %lt3A_1894 : vector<16xi1>
      %jit3A_1896 = arith.constant 0 : i32
      %jit3A_1897 = arith.constant 127 : i32
      %max3A_1898 = vector.broadcast %jit3A_1896 : i32 to vector<16xi32>
      %max3A_1899 = arith.maxsi %max3A_1898, %sub3A_1888 : vector<16xi32>
      %min3A_1900 = vector.broadcast %jit3A_1897 : i32 to vector<16xi32>
      %min3A_1901 = arith.minsi %min3A_1900, %max3A_1899 : vector<16xi32>
      %add3A_1902 = arith.constant 48 : i32
      %add3A_1903 = vector.broadcast %add3A_1902 : i32 to vector<16xi32>
      %add3A_1904 = arith.addi %add3A_1903, %iota3A : vector<16xi32>
      %gather3A_1905 = tpu.vector_load_idx %arg5[%broadcast_in_dim3A_1787, %min3A_1901, %add3A_1904] masked %and3A_1895 : memref<4x128x128xf32, #tpu.memory_space<vmem>>[vector<16xi32>, vector<16xi32>, vector<16xi32>], vector<16xf32>, vector<16xi1>
      %select_n3A_1906 = arith.select %and3A_1895, %gather3A_1905, %select_n3A_1633 : vector<16xi1>, vector<16xf32>
      %add3A_1907 = arith.constant 48 : i32
      %add3A_1908 = vector.broadcast %add3A_1907 : i32 to vector<16xi32>
      %add3A_1909 = arith.addi %add3A_1908, %iota3A : vector<16xi32>
      tpu.vector_store_idx %arg5[%broadcast_in_dim3A_1787, %min3A_1901, %add3A_1909], %broadcast_in_dim3A_1789 masked %and3A_1895 : memref<4x128x128xf32, #tpu.memory_space<vmem>>[vector<16xi32>, vector<16xi32>, vector<16xi32>], vector<16xf32>, vector<16xi1>
      %mul3A_1910 = arith.constant 128 : i32
      %mul3A_1911 = arith.muli %scan3A_59, %mul3A_1910 : i32
      %add3A_1912 = arith.constant 64 : i32
      %add3A_1913 = arith.addi %mul3A_1911, %add3A_1912 : i32
      %get3A_1914 = arith.index_cast %add3A_1913 : i32 to index
      %get3A_1915 = tpu.vector_load %arg6[%get3A_1914] {strides = array<i32>} : memref<256xi32, #tpu.memory_space<vmem>>, vector<16xi32>,
      %sub3A_1916 = arith.constant 768 : i32
      %sub3A_1917 = vector.broadcast %sub3A_1916 : i32 to vector<16xi32>
      %sub3A_1918 = arith.subi %get3A_1915, %sub3A_1917 : vector<16xi32>
      %ge3A_1919 = arith.constant 0 : i32
      %ge3A_1920 = vector.broadcast %ge3A_1919 : i32 to vector<16xi32>
      %ge3A_1921 = arith.cmpi sge, %sub3A_1918, %ge3A_1920 : vector<16xi32>
      %lt3A_1922 = arith.constant 128 : i32
      %lt3A_1923 = vector.broadcast %lt3A_1922 : i32 to vector<16xi32>
      %lt3A_1924 = arith.cmpi slt, %sub3A_1918, %lt3A_1923 : vector<16xi32>
      %and3A_1925 = arith.andi %ge3A_1921, %lt3A_1924 : vector<16xi1>
      %jit3A_1926 = arith.constant 0 : i32
      %jit3A_1927 = arith.constant 127 : i32
      %max3A_1928 = vector.broadcast %jit3A_1926 : i32 to vector<16xi32>
      %max3A_1929 = arith.maxsi %max3A_1928, %sub3A_1918 : vector<16xi32>
      %min3A_1930 = vector.broadcast %jit3A_1927 : i32 to vector<16xi32>
      %min3A_1931 = arith.minsi %min3A_1930, %max3A_1929 : vector<16xi32>
      %add3A_1932 = arith.constant 64 : i32
      %add3A_1933 = vector.broadcast %add3A_1932 : i32 to vector<16xi32>
      %add3A_1934 = arith.addi %add3A_1933, %iota3A : vector<16xi32>
      %gather3A_1935 = tpu.vector_load_idx %arg5[%broadcast_in_dim3A_1787, %min3A_1931, %add3A_1934] masked %and3A_1925 : memref<4x128x128xf32, #tpu.memory_space<vmem>>[vector<16xi32>, vector<16xi32>, vector<16xi32>], vector<16xf32>, vector<16xi1>
      %select_n3A_1936 = arith.select %and3A_1925, %gather3A_1935, %select_n3A_1663 : vector<16xi1>, vector<16xf32>
      %add3A_1937 = arith.constant 64 : i32
      %add3A_1938 = vector.broadcast %add3A_1937 : i32 to vector<16xi32>
      %add3A_1939 = arith.addi %add3A_1938, %iota3A : vector<16xi32>
      tpu.vector_store_idx %arg5[%broadcast_in_dim3A_1787, %min3A_1931, %add3A_1939], %broadcast_in_dim3A_1789 masked %and3A_1925 : memref<4x128x128xf32, #tpu.memory_space<vmem>>[vector<16xi32>, vector<16xi32>, vector<16xi32>], vector<16xf32>, vector<16xi1>
      %mul3A_1940 = arith.constant 128 : i32
      %mul3A_1941 = arith.muli %scan3A_59, %mul3A_1940 : i32
      %add3A_1942 = arith.constant 80 : i32
      %add3A_1943 = arith.addi %mul3A_1941, %add3A_1942 : i32
      %get3A_1944 = arith.index_cast %add3A_1943 : i32 to index
      %get3A_1945 = tpu.vector_load %arg6[%get3A_1944] {strides = array<i32>} : memref<256xi32, #tpu.memory_space<vmem>>, vector<16xi32>,
      %sub3A_1946 = arith.constant 768 : i32
      %sub3A_1947 = vector.broadcast %sub3A_1946 : i32 to vector<16xi32>
      %sub3A_1948 = arith.subi %get3A_1945, %sub3A_1947 : vector<16xi32>
      %ge3A_1949 = arith.constant 0 : i32
      %ge3A_1950 = vector.broadcast %ge3A_1949 : i32 to vector<16xi32>
      %ge3A_1951 = arith.cmpi sge, %sub3A_1948, %ge3A_1950 : vector<16xi32>
      %lt3A_1952 = arith.constant 128 : i32
      %lt3A_1953 = vector.broadcast %lt3A_1952 : i32 to vector<16xi32>
      %lt3A_1954 = arith.cmpi slt, %sub3A_1948, %lt3A_1953 : vector<16xi32>
      %and3A_1955 = arith.andi %ge3A_1951, %lt3A_1954 : vector<16xi1>
      %jit3A_1956 = arith.constant 0 : i32
      %jit3A_1957 = arith.constant 127 : i32
      %max3A_1958 = vector.broadcast %jit3A_1956 : i32 to vector<16xi32>
      %max3A_1959 = arith.maxsi %max3A_1958, %sub3A_1948 : vector<16xi32>
      %min3A_1960 = vector.broadcast %jit3A_1957 : i32 to vector<16xi32>
      %min3A_1961 = arith.minsi %min3A_1960, %max3A_1959 : vector<16xi32>
      %add3A_1962 = arith.constant 80 : i32
      %add3A_1963 = vector.broadcast %add3A_1962 : i32 to vector<16xi32>
      %add3A_1964 = arith.addi %add3A_1963, %iota3A : vector<16xi32>
      %gather3A_1965 = tpu.vector_load_idx %arg5[%broadcast_in_dim3A_1787, %min3A_1961, %add3A_1964] masked %and3A_1955 : memref<4x128x128xf32, #tpu.memory_space<vmem>>[vector<16xi32>, vector<16xi32>, vector<16xi32>], vector<16xf32>, vector<16xi1>
      %select_n3A_1966 = arith.select %and3A_1955, %gather3A_1965, %select_n3A_1693 : vector<16xi1>, vector<16xf32>
      %add3A_1967 = arith.constant 80 : i32
      %add3A_1968 = vector.broadcast %add3A_1967 : i32 to vector<16xi32>
      %add3A_1969 = arith.addi %add3A_1968, %iota3A : vector<16xi32>
      tpu.vector_store_idx %arg5[%broadcast_in_dim3A_1787, %min3A_1961, %add3A_1969], %broadcast_in_dim3A_1789 masked %and3A_1955 : memref<4x128x128xf32, #tpu.memory_space<vmem>>[vector<16xi32>, vector<16xi32>, vector<16xi32>], vector<16xf32>, vector<16xi1>
      %mul3A_1970 = arith.constant 128 : i32
      %mul3A_1971 = arith.muli %scan3A_59, %mul3A_1970 : i32
      %add3A_1972 = arith.constant 96 : i32
      %add3A_1973 = arith.addi %mul3A_1971, %add3A_1972 : i32
      %get3A_1974 = arith.index_cast %add3A_1973 : i32 to index
      %get3A_1975 = tpu.vector_load %arg6[%get3A_1974] {strides = array<i32>} : memref<256xi32, #tpu.memory_space<vmem>>, vector<16xi32>,
      %sub3A_1976 = arith.constant 768 : i32
      %sub3A_1977 = vector.broadcast %sub3A_1976 : i32 to vector<16xi32>
      %sub3A_1978 = arith.subi %get3A_1975, %sub3A_1977 : vector<16xi32>
      %ge3A_1979 = arith.constant 0 : i32
      %ge3A_1980 = vector.broadcast %ge3A_1979 : i32 to vector<16xi32>
      %ge3A_1981 = arith.cmpi sge, %sub3A_1978, %ge3A_1980 : vector<16xi32>
      %lt3A_1982 = arith.constant 128 : i32
      %lt3A_1983 = vector.broadcast %lt3A_1982 : i32 to vector<16xi32>
      %lt3A_1984 = arith.cmpi slt, %sub3A_1978, %lt3A_1983 : vector<16xi32>
      %and3A_1985 = arith.andi %ge3A_1981, %lt3A_1984 : vector<16xi1>
      %jit3A_1986 = arith.constant 0 : i32
      %jit3A_1987 = arith.constant 127 : i32
      %max3A_1988 = vector.broadcast %jit3A_1986 : i32 to vector<16xi32>
      %max3A_1989 = arith.maxsi %max3A_1988, %sub3A_1978 : vector<16xi32>
      %min3A_1990 = vector.broadcast %jit3A_1987 : i32 to vector<16xi32>
      %min3A_1991 = arith.minsi %min3A_1990, %max3A_1989 : vector<16xi32>
      %add3A_1992 = arith.constant 96 : i32
      %add3A_1993 = vector.broadcast %add3A_1992 : i32 to vector<16xi32>
      %add3A_1994 = arith.addi %add3A_1993, %iota3A : vector<16xi32>
      %gather3A_1995 = tpu.vector_load_idx %arg5[%broadcast_in_dim3A_1787, %min3A_1991, %add3A_1994] masked %and3A_1985 : memref<4x128x128xf32, #tpu.memory_space<vmem>>[vector<16xi32>, vector<16xi32>, vector<16xi32>], vector<16xf32>, vector<16xi1>
      %select_n3A_1996 = arith.select %and3A_1985, %gather3A_1995, %select_n3A_1723 : vector<16xi1>, vector<16xf32>
      %add3A_1997 = arith.constant 96 : i32
      %add3A_1998 = vector.broadcast %add3A_1997 : i32 to vector<16xi32>
      %add3A_1999 = arith.addi %add3A_1998, %iota3A : vector<16xi32>
      tpu.vector_store_idx %arg5[%broadcast_in_dim3A_1787, %min3A_1991, %add3A_1999], %broadcast_in_dim3A_1789 masked %and3A_1985 : memref<4x128x128xf32, #tpu.memory_space<vmem>>[vector<16xi32>, vector<16xi32>, vector<16xi32>], vector<16xf32>, vector<16xi1>
      %mul3A_2000 = arith.constant 128 : i32
      %mul3A_2001 = arith.muli %scan3A_59, %mul3A_2000 : i32
      %add3A_2002 = arith.constant 112 : i32
      %add3A_2003 = arith.addi %mul3A_2001, %add3A_2002 : i32
      %get3A_2004 = arith.index_cast %add3A_2003 : i32 to index
      %get3A_2005 = tpu.vector_load %arg6[%get3A_2004] {strides = array<i32>} : memref<256xi32, #tpu.memory_space<vmem>>, vector<16xi32>,
      %sub3A_2006 = arith.constant 768 : i32
      %sub3A_2007 = vector.broadcast %sub3A_2006 : i32 to vector<16xi32>
      %sub3A_2008 = arith.subi %get3A_2005, %sub3A_2007 : vector<16xi32>
      %ge3A_2009 = arith.constant 0 : i32
      %ge3A_2010 = vector.broadcast %ge3A_2009 : i32 to vector<16xi32>
      %ge3A_2011 = arith.cmpi sge, %sub3A_2008, %ge3A_2010 : vector<16xi32>
      %lt3A_2012 = arith.constant 128 : i32
      %lt3A_2013 = vector.broadcast %lt3A_2012 : i32 to vector<16xi32>
      %lt3A_2014 = arith.cmpi slt, %sub3A_2008, %lt3A_2013 : vector<16xi32>
      %and3A_2015 = arith.andi %ge3A_2011, %lt3A_2014 : vector<16xi1>
      %jit3A_2016 = arith.constant 0 : i32
      %jit3A_2017 = arith.constant 127 : i32
      %max3A_2018 = vector.broadcast %jit3A_2016 : i32 to vector<16xi32>
      %max3A_2019 = arith.maxsi %max3A_2018, %sub3A_2008 : vector<16xi32>
      %min3A_2020 = vector.broadcast %jit3A_2017 : i32 to vector<16xi32>
      %min3A_2021 = arith.minsi %min3A_2020, %max3A_2019 : vector<16xi32>
      %add3A_2022 = arith.constant 112 : i32
      %add3A_2023 = vector.broadcast %add3A_2022 : i32 to vector<16xi32>
      %add3A_2024 = arith.addi %add3A_2023, %iota3A : vector<16xi32>
      %gather3A_2025 = tpu.vector_load_idx %arg5[%broadcast_in_dim3A_1787, %min3A_2021, %add3A_2024] masked %and3A_2015 : memref<4x128x128xf32, #tpu.memory_space<vmem>>[vector<16xi32>, vector<16xi32>, vector<16xi32>], vector<16xf32>, vector<16xi1>
      %select_n3A_2026 = arith.select %and3A_2015, %gather3A_2025, %select_n3A_1753 : vector<16xi1>, vector<16xf32>
      %add3A_2027 = arith.constant 112 : i32
      %add3A_2028 = vector.broadcast %add3A_2027 : i32 to vector<16xi32>
      %add3A_2029 = arith.addi %add3A_2028, %iota3A : vector<16xi32>
      tpu.vector_store_idx %arg5[%broadcast_in_dim3A_1787, %min3A_2021, %add3A_2029], %broadcast_in_dim3A_1789 masked %and3A_2015 : memref<4x128x128xf32, #tpu.memory_space<vmem>>[vector<16xi32>, vector<16xi32>, vector<16xi32>], vector<16xf32>, vector<16xi1>
      %scan3A_2030 = arith.constant 0 : i32
      %scan3A_2031 = arith.constant 32 : i32
      %scan3A_2032 = arith.addi %scan3A_2030, %scan3A_2031 : i32
      %scan3A_2033 = arith.constant 1 : i32
      %scan3A_2034:8 = scf.for %scan3A_2421 = %scan3A_2030 to %scan3A_2032 step %scan3A_2033 iter_args(%scan3A_2422 = %scan3A_1761#0, %scan3A_2423 = %scan3A_1761#1, %scan3A_2424 = %scan3A_1761#2, %scan3A_2425 = %scan3A_1761#3, %scan3A_2426 = %scan3A_1761#4, %scan3A_2427 = %scan3A_1761#5, %scan3A_2428 = %scan3A_1761#6, %scan3A_2429 = %scan3A_1761#7) -> (vector<16xf32>, vector<16xf32>, vector<16xf32>, vector<16xf32>, vector<16xf32>, vector<16xf32>, vector<16xf32>, vector<16xf32>)  : i32 {
        %mul3A_2430 = arith.constant 4 : i32
        %mul3A_2431 = arith.muli %mul3A_2430, %scan3A_2421 : i32
        %add3A_2432 = arith.constant 0 : i32
        %add3A_2433 = arith.addi %mul3A_2431, %add3A_2432 : i32
        %get3A_2434 = arith.constant 2 : i32
        %get3A_2435 = arith.index_cast %get3A_2434 : i32 to index
        %get3A_2436 = arith.index_cast %add3A_2433 : i32 to index
        %get3A_2437 = arith.constant 0 : index
        %get3A_2438 = tpu.vector_load %arg5[%get3A_2435, %get3A_2436, %get3A_2437] {strides = array<i32>} : memref<4x128x128xf32, #tpu.memory_space<vmem>>, vector<16xf32>,
        %max3A_2439 = arith.maximumf %scan3A_2422, %get3A_2438 : vector<16xf32>
        %add3A_2440 = arith.constant 0 : i32
        %add3A_2441 = arith.addi %mul3A_2431, %add3A_2440 : i32
        %get3A_2442 = arith.constant 2 : i32
        %get3A_2443 = arith.index_cast %get3A_2442 : i32 to index
        %get3A_2444 = arith.index_cast %add3A_2441 : i32 to index
        %get3A_2445 = arith.constant 16 : index
        %get3A_2446 = tpu.vector_load %arg5[%get3A_2443, %get3A_2444, %get3A_2445] {strides = array<i32>} : memref<4x128x128xf32, #tpu.memory_space<vmem>>, vector<16xf32>,
        %max3A_2447 = arith.maximumf %scan3A_2423, %get3A_2446 : vector<16xf32>
        %add3A_2448 = arith.constant 0 : i32
        %add3A_2449 = arith.addi %mul3A_2431, %add3A_2448 : i32
        %get3A_2450 = arith.constant 2 : i32
        %get3A_2451 = arith.index_cast %get3A_2450 : i32 to index
        %get3A_2452 = arith.index_cast %add3A_2449 : i32 to index
        %get3A_2453 = arith.constant 32 : index
        %get3A_2454 = tpu.vector_load %arg5[%get3A_2451, %get3A_2452, %get3A_2453] {strides = array<i32>} : memref<4x128x128xf32, #tpu.memory_space<vmem>>, vector<16xf32>,
        %max3A_2455 = arith.maximumf %scan3A_2424, %get3A_2454 : vector<16xf32>
        %add3A_2456 = arith.constant 0 : i32
        %add3A_2457 = arith.addi %mul3A_2431, %add3A_2456 : i32
        %get3A_2458 = arith.constant 2 : i32
        %get3A_2459 = arith.index_cast %get3A_2458 : i32 to index
        %get3A_2460 = arith.index_cast %add3A_2457 : i32 to index
        %get3A_2461 = arith.constant 48 : index
        %get3A_2462 = tpu.vector_load %arg5[%get3A_2459, %get3A_2460, %get3A_2461] {strides = array<i32>} : memref<4x128x128xf32, #tpu.memory_space<vmem>>, vector<16xf32>,
        %max3A_2463 = arith.maximumf %scan3A_2425, %get3A_2462 : vector<16xf32>
        %add3A_2464 = arith.constant 0 : i32
        %add3A_2465 = arith.addi %mul3A_2431, %add3A_2464 : i32
        %get3A_2466 = arith.constant 2 : i32
        %get3A_2467 = arith.index_cast %get3A_2466 : i32 to index
        %get3A_2468 = arith.index_cast %add3A_2465 : i32 to index
        %get3A_2469 = arith.constant 64 : index
        %get3A_2470 = tpu.vector_load %arg5[%get3A_2467, %get3A_2468, %get3A_2469] {strides = array<i32>} : memref<4x128x128xf32, #tpu.memory_space<vmem>>, vector<16xf32>,
        %max3A_2471 = arith.maximumf %scan3A_2426, %get3A_2470 : vector<16xf32>
        %add3A_2472 = arith.constant 0 : i32
        %add3A_2473 = arith.addi %mul3A_2431, %add3A_2472 : i32
        %get3A_2474 = arith.constant 2 : i32
        %get3A_2475 = arith.index_cast %get3A_2474 : i32 to index
        %get3A_2476 = arith.index_cast %add3A_2473 : i32 to index
        %get3A_2477 = arith.constant 80 : index
        %get3A_2478 = tpu.vector_load %arg5[%get3A_2475, %get3A_2476, %get3A_2477] {strides = array<i32>} : memref<4x128x128xf32, #tpu.memory_space<vmem>>, vector<16xf32>,
        %max3A_2479 = arith.maximumf %scan3A_2427, %get3A_2478 : vector<16xf32>
        %add3A_2480 = arith.constant 0 : i32
        %add3A_2481 = arith.addi %mul3A_2431, %add3A_2480 : i32
        %get3A_2482 = arith.constant 2 : i32
        %get3A_2483 = arith.index_cast %get3A_2482 : i32 to index
        %get3A_2484 = arith.index_cast %add3A_2481 : i32 to index
        %get3A_2485 = arith.constant 96 : index
        %get3A_2486 = tpu.vector_load %arg5[%get3A_2483, %get3A_2484, %get3A_2485] {strides = array<i32>} : memref<4x128x128xf32, #tpu.memory_space<vmem>>, vector<16xf32>,
        %max3A_2487 = arith.maximumf %scan3A_2428, %get3A_2486 : vector<16xf32>
        %add3A_2488 = arith.constant 0 : i32
        %add3A_2489 = arith.addi %mul3A_2431, %add3A_2488 : i32
        %get3A_2490 = arith.constant 2 : i32
        %get3A_2491 = arith.index_cast %get3A_2490 : i32 to index
        %get3A_2492 = arith.index_cast %add3A_2489 : i32 to index
        %get3A_2493 = arith.constant 112 : index
        %get3A_2494 = tpu.vector_load %arg5[%get3A_2491, %get3A_2492, %get3A_2493] {strides = array<i32>} : memref<4x128x128xf32, #tpu.memory_space<vmem>>, vector<16xf32>,
        %max3A_2495 = arith.maximumf %scan3A_2429, %get3A_2494 : vector<16xf32>
        %add3A_2496 = arith.constant 1 : i32
        %add3A_2497 = arith.addi %mul3A_2431, %add3A_2496 : i32
        %get3A_2498 = arith.constant 2 : i32
        %get3A_2499 = arith.index_cast %get3A_2498 : i32 to index
        %get3A_2500 = arith.index_cast %add3A_2497 : i32 to index
        %get3A_2501 = arith.constant 0 : index
        %get3A_2502 = tpu.vector_load %arg5[%get3A_2499, %get3A_2500, %get3A_2501] {strides = array<i32>} : memref<4x128x128xf32, #tpu.memory_space<vmem>>, vector<16xf32>,
        %max3A_2503 = arith.maximumf %max3A_2439, %get3A_2502 : vector<16xf32>
        %add3A_2504 = arith.constant 1 : i32
        %add3A_2505 = arith.addi %mul3A_2431, %add3A_2504 : i32
        %get3A_2506 = arith.constant 2 : i32
        %get3A_2507 = arith.index_cast %get3A_2506 : i32 to index
        %get3A_2508 = arith.index_cast %add3A_2505 : i32 to index
        %get3A_2509 = arith.constant 16 : index
        %get3A_2510 = tpu.vector_load %arg5[%get3A_2507, %get3A_2508, %get3A_2509] {strides = array<i32>} : memref<4x128x128xf32, #tpu.memory_space<vmem>>, vector<16xf32>,
        %max3A_2511 = arith.maximumf %max3A_2447, %get3A_2510 : vector<16xf32>
        %add3A_2512 = arith.constant 1 : i32
        %add3A_2513 = arith.addi %mul3A_2431, %add3A_2512 : i32
        %get3A_2514 = arith.constant 2 : i32
        %get3A_2515 = arith.index_cast %get3A_2514 : i32 to index
        %get3A_2516 = arith.index_cast %add3A_2513 : i32 to index
        %get3A_2517 = arith.constant 32 : index
        %get3A_2518 = tpu.vector_load %arg5[%get3A_2515, %get3A_2516, %get3A_2517] {strides = array<i32>} : memref<4x128x128xf32, #tpu.memory_space<vmem>>, vector<16xf32>,
        %max3A_2519 = arith.maximumf %max3A_2455, %get3A_2518 : vector<16xf32>
        %add3A_2520 = arith.constant 1 : i32
        %add3A_2521 = arith.addi %mul3A_2431, %add3A_2520 : i32
        %get3A_2522 = arith.constant 2 : i32
        %get3A_2523 = arith.index_cast %get3A_2522 : i32 to index
        %get3A_2524 = arith.index_cast %add3A_2521 : i32 to index
        %get3A_2525 = arith.constant 48 : index
        %get3A_2526 = tpu.vector_load %arg5[%get3A_2523, %get3A_2524, %get3A_2525] {strides = array<i32>} : memref<4x128x128xf32, #tpu.memory_space<vmem>>, vector<16xf32>,
        %max3A_2527 = arith.maximumf %max3A_2463, %get3A_2526 : vector<16xf32>
        %add3A_2528 = arith.constant 1 : i32
        %add3A_2529 = arith.addi %mul3A_2431, %add3A_2528 : i32
        %get3A_2530 = arith.constant 2 : i32
        %get3A_2531 = arith.index_cast %get3A_2530 : i32 to index
        %get3A_2532 = arith.index_cast %add3A_2529 : i32 to index
        %get3A_2533 = arith.constant 64 : index
        %get3A_2534 = tpu.vector_load %arg5[%get3A_2531, %get3A_2532, %get3A_2533] {strides = array<i32>} : memref<4x128x128xf32, #tpu.memory_space<vmem>>, vector<16xf32>,
        %max3A_2535 = arith.maximumf %max3A_2471, %get3A_2534 : vector<16xf32>
        %add3A_2536 = arith.constant 1 : i32
        %add3A_2537 = arith.addi %mul3A_2431, %add3A_2536 : i32
        %get3A_2538 = arith.constant 2 : i32
        %get3A_2539 = arith.index_cast %get3A_2538 : i32 to index
        %get3A_2540 = arith.index_cast %add3A_2537 : i32 to index
        %get3A_2541 = arith.constant 80 : index
        %get3A_2542 = tpu.vector_load %arg5[%get3A_2539, %get3A_2540, %get3A_2541] {strides = array<i32>} : memref<4x128x128xf32, #tpu.memory_space<vmem>>, vector<16xf32>,
        %max3A_2543 = arith.maximumf %max3A_2479, %get3A_2542 : vector<16xf32>
        %add3A_2544 = arith.constant 1 : i32
        %add3A_2545 = arith.addi %mul3A_2431, %add3A_2544 : i32
        %get3A_2546 = arith.constant 2 : i32
        %get3A_2547 = arith.index_cast %get3A_2546 : i32 to index
        %get3A_2548 = arith.index_cast %add3A_2545 : i32 to index
        %get3A_2549 = arith.constant 96 : index
        %get3A_2550 = tpu.vector_load %arg5[%get3A_2547, %get3A_2548, %get3A_2549] {strides = array<i32>} : memref<4x128x128xf32, #tpu.memory_space<vmem>>, vector<16xf32>,
        %max3A_2551 = arith.maximumf %max3A_2487, %get3A_2550 : vector<16xf32>
        %add3A_2552 = arith.constant 1 : i32
        %add3A_2553 = arith.addi %mul3A_2431, %add3A_2552 : i32
        %get3A_2554 = arith.constant 2 : i32
        %get3A_2555 = arith.index_cast %get3A_2554 : i32 to index
        %get3A_2556 = arith.index_cast %add3A_2553 : i32 to index
        %get3A_2557 = arith.constant 112 : index
        %get3A_2558 = tpu.vector_load %arg5[%get3A_2555, %get3A_2556, %get3A_2557] {strides = array<i32>} : memref<4x128x128xf32, #tpu.memory_space<vmem>>, vector<16xf32>,
        %max3A_2559 = arith.maximumf %max3A_2495, %get3A_2558 : vector<16xf32>
        %add3A_2560 = arith.constant 2 : i32
        %add3A_2561 = arith.addi %mul3A_2431, %add3A_2560 : i32
        %get3A_2562 = arith.constant 2 : i32
        %get3A_2563 = arith.index_cast %get3A_2562 : i32 to index
        %get3A_2564 = arith.index_cast %add3A_2561 : i32 to index
        %get3A_2565 = arith.constant 0 : index
        %get3A_2566 = tpu.vector_load %arg5[%get3A_2563, %get3A_2564, %get3A_2565] {strides = array<i32>} : memref<4x128x128xf32, #tpu.memory_space<vmem>>, vector<16xf32>,
        %max3A_2567 = arith.maximumf %max3A_2503, %get3A_2566 : vector<16xf32>
        %add3A_2568 = arith.constant 2 : i32
        %add3A_2569 = arith.addi %mul3A_2431, %add3A_2568 : i32
        %get3A_2570 = arith.constant 2 : i32
        %get3A_2571 = arith.index_cast %get3A_2570 : i32 to index
        %get3A_2572 = arith.index_cast %add3A_2569 : i32 to index
        %get3A_2573 = arith.constant 16 : index
        %get3A_2574 = tpu.vector_load %arg5[%get3A_2571, %get3A_2572, %get3A_2573] {strides = array<i32>} : memref<4x128x128xf32, #tpu.memory_space<vmem>>, vector<16xf32>,
        %max3A_2575 = arith.maximumf %max3A_2511, %get3A_2574 : vector<16xf32>
        %add3A_2576 = arith.constant 2 : i32
        %add3A_2577 = arith.addi %mul3A_2431, %add3A_2576 : i32
        %get3A_2578 = arith.constant 2 : i32
        %get3A_2579 = arith.index_cast %get3A_2578 : i32 to index
        %get3A_2580 = arith.index_cast %add3A_2577 : i32 to index
        %get3A_2581 = arith.constant 32 : index
        %get3A_2582 = tpu.vector_load %arg5[%get3A_2579, %get3A_2580, %get3A_2581] {strides = array<i32>} : memref<4x128x128xf32, #tpu.memory_space<vmem>>, vector<16xf32>,
        %max3A_2583 = arith.maximumf %max3A_2519, %get3A_2582 : vector<16xf32>
        %add3A_2584 = arith.constant 2 : i32
        %add3A_2585 = arith.addi %mul3A_2431, %add3A_2584 : i32
        %get3A_2586 = arith.constant 2 : i32
        %get3A_2587 = arith.index_cast %get3A_2586 : i32 to index
        %get3A_2588 = arith.index_cast %add3A_2585 : i32 to index
        %get3A_2589 = arith.constant 48 : index
        %get3A_2590 = tpu.vector_load %arg5[%get3A_2587, %get3A_2588, %get3A_2589] {strides = array<i32>} : memref<4x128x128xf32, #tpu.memory_space<vmem>>, vector<16xf32>,
        %max3A_2591 = arith.maximumf %max3A_2527, %get3A_2590 : vector<16xf32>
        %add3A_2592 = arith.constant 2 : i32
        %add3A_2593 = arith.addi %mul3A_2431, %add3A_2592 : i32
        %get3A_2594 = arith.constant 2 : i32
        %get3A_2595 = arith.index_cast %get3A_2594 : i32 to index
        %get3A_2596 = arith.index_cast %add3A_2593 : i32 to index
        %get3A_2597 = arith.constant 64 : index
        %get3A_2598 = tpu.vector_load %arg5[%get3A_2595, %get3A_2596, %get3A_2597] {strides = array<i32>} : memref<4x128x128xf32, #tpu.memory_space<vmem>>, vector<16xf32>,
        %max3A_2599 = arith.maximumf %max3A_2535, %get3A_2598 : vector<16xf32>
        %add3A_2600 = arith.constant 2 : i32
        %add3A_2601 = arith.addi %mul3A_2431, %add3A_2600 : i32
        %get3A_2602 = arith.constant 2 : i32
        %get3A_2603 = arith.index_cast %get3A_2602 : i32 to index
        %get3A_2604 = arith.index_cast %add3A_2601 : i32 to index
        %get3A_2605 = arith.constant 80 : index
        %get3A_2606 = tpu.vector_load %arg5[%get3A_2603, %get3A_2604, %get3A_2605] {strides = array<i32>} : memref<4x128x128xf32, #tpu.memory_space<vmem>>, vector<16xf32>,
        %max3A_2607 = arith.maximumf %max3A_2543, %get3A_2606 : vector<16xf32>
        %add3A_2608 = arith.constant 2 : i32
        %add3A_2609 = arith.addi %mul3A_2431, %add3A_2608 : i32
        %get3A_2610 = arith.constant 2 : i32
        %get3A_2611 = arith.index_cast %get3A_2610 : i32 to index
        %get3A_2612 = arith.index_cast %add3A_2609 : i32 to index
        %get3A_2613 = arith.constant 96 : index
        %get3A_2614 = tpu.vector_load %arg5[%get3A_2611, %get3A_2612, %get3A_2613] {strides = array<i32>} : memref<4x128x128xf32, #tpu.memory_space<vmem>>, vector<16xf32>,
        %max3A_2615 = arith.maximumf %max3A_2551, %get3A_2614 : vector<16xf32>
        %add3A_2616 = arith.constant 2 : i32
        %add3A_2617 = arith.addi %mul3A_2431, %add3A_2616 : i32
        %get3A_2618 = arith.constant 2 : i32
        %get3A_2619 = arith.index_cast %get3A_2618 : i32 to index
        %get3A_2620 = arith.index_cast %add3A_2617 : i32 to index
        %get3A_2621 = arith.constant 112 : index
        %get3A_2622 = tpu.vector_load %arg5[%get3A_2619, %get3A_2620, %get3A_2621] {strides = array<i32>} : memref<4x128x128xf32, #tpu.memory_space<vmem>>, vector<16xf32>,
        %max3A_2623 = arith.maximumf %max3A_2559, %get3A_2622 : vector<16xf32>
        %add3A_2624 = arith.constant 3 : i32
        %add3A_2625 = arith.addi %mul3A_2431, %add3A_2624 : i32
        %get3A_2626 = arith.constant 2 : i32
        %get3A_2627 = arith.index_cast %get3A_2626 : i32 to index
        %get3A_2628 = arith.index_cast %add3A_2625 : i32 to index
        %get3A_2629 = arith.constant 0 : index
        %get3A_2630 = tpu.vector_load %arg5[%get3A_2627, %get3A_2628, %get3A_2629] {strides = array<i32>} : memref<4x128x128xf32, #tpu.memory_space<vmem>>, vector<16xf32>,
        %max3A_2631 = arith.maximumf %max3A_2567, %get3A_2630 : vector<16xf32>
        %add3A_2632 = arith.constant 3 : i32
        %add3A_2633 = arith.addi %mul3A_2431, %add3A_2632 : i32
        %get3A_2634 = arith.constant 2 : i32
        %get3A_2635 = arith.index_cast %get3A_2634 : i32 to index
        %get3A_2636 = arith.index_cast %add3A_2633 : i32 to index
        %get3A_2637 = arith.constant 16 : index
        %get3A_2638 = tpu.vector_load %arg5[%get3A_2635, %get3A_2636, %get3A_2637] {strides = array<i32>} : memref<4x128x128xf32, #tpu.memory_space<vmem>>, vector<16xf32>,
        %max3A_2639 = arith.maximumf %max3A_2575, %get3A_2638 : vector<16xf32>
        %add3A_2640 = arith.constant 3 : i32
        %add3A_2641 = arith.addi %mul3A_2431, %add3A_2640 : i32
        %get3A_2642 = arith.constant 2 : i32
        %get3A_2643 = arith.index_cast %get3A_2642 : i32 to index
        %get3A_2644 = arith.index_cast %add3A_2641 : i32 to index
        %get3A_2645 = arith.constant 32 : index
        %get3A_2646 = tpu.vector_load %arg5[%get3A_2643, %get3A_2644, %get3A_2645] {strides = array<i32>} : memref<4x128x128xf32, #tpu.memory_space<vmem>>, vector<16xf32>,
        %max3A_2647 = arith.maximumf %max3A_2583, %get3A_2646 : vector<16xf32>
        %add3A_2648 = arith.constant 3 : i32
        %add3A_2649 = arith.addi %mul3A_2431, %add3A_2648 : i32
        %get3A_2650 = arith.constant 2 : i32
        %get3A_2651 = arith.index_cast %get3A_2650 : i32 to index
        %get3A_2652 = arith.index_cast %add3A_2649 : i32 to index
        %get3A_2653 = arith.constant 48 : index
        %get3A_2654 = tpu.vector_load %arg5[%get3A_2651, %get3A_2652, %get3A_2653] {strides = array<i32>} : memref<4x128x128xf32, #tpu.memory_space<vmem>>, vector<16xf32>,
        %max3A_2655 = arith.maximumf %max3A_2591, %get3A_2654 : vector<16xf32>
        %add3A_2656 = arith.constant 3 : i32
        %add3A_2657 = arith.addi %mul3A_2431, %add3A_2656 : i32
        %get3A_2658 = arith.constant 2 : i32
        %get3A_2659 = arith.index_cast %get3A_2658 : i32 to index
        %get3A_2660 = arith.index_cast %add3A_2657 : i32 to index
        %get3A_2661 = arith.constant 64 : index
        %get3A_2662 = tpu.vector_load %arg5[%get3A_2659, %get3A_2660, %get3A_2661] {strides = array<i32>} : memref<4x128x128xf32, #tpu.memory_space<vmem>>, vector<16xf32>,
        %max3A_2663 = arith.maximumf %max3A_2599, %get3A_2662 : vector<16xf32>
        %add3A_2664 = arith.constant 3 : i32
        %add3A_2665 = arith.addi %mul3A_2431, %add3A_2664 : i32
        %get3A_2666 = arith.constant 2 : i32
        %get3A_2667 = arith.index_cast %get3A_2666 : i32 to index
        %get3A_2668 = arith.index_cast %add3A_2665 : i32 to index
        %get3A_2669 = arith.constant 80 : index
        %get3A_2670 = tpu.vector_load %arg5[%get3A_2667, %get3A_2668, %get3A_2669] {strides = array<i32>} : memref<4x128x128xf32, #tpu.memory_space<vmem>>, vector<16xf32>,
        %max3A_2671 = arith.maximumf %max3A_2607, %get3A_2670 : vector<16xf32>
        %add3A_2672 = arith.constant 3 : i32
        %add3A_2673 = arith.addi %mul3A_2431, %add3A_2672 : i32
        %get3A_2674 = arith.constant 2 : i32
        %get3A_2675 = arith.index_cast %get3A_2674 : i32 to index
        %get3A_2676 = arith.index_cast %add3A_2673 : i32 to index
        %get3A_2677 = arith.constant 96 : index
        %get3A_2678 = tpu.vector_load %arg5[%get3A_2675, %get3A_2676, %get3A_2677] {strides = array<i32>} : memref<4x128x128xf32, #tpu.memory_space<vmem>>, vector<16xf32>,
        %max3A_2679 = arith.maximumf %max3A_2615, %get3A_2678 : vector<16xf32>
        %add3A_2680 = arith.constant 3 : i32
        %add3A_2681 = arith.addi %mul3A_2431, %add3A_2680 : i32
        %get3A_2682 = arith.constant 2 : i32
        %get3A_2683 = arith.index_cast %get3A_2682 : i32 to index
        %get3A_2684 = arith.index_cast %add3A_2681 : i32 to index
        %get3A_2685 = arith.constant 112 : index
        %get3A_2686 = tpu.vector_load %arg5[%get3A_2683, %get3A_2684, %get3A_2685] {strides = array<i32>} : memref<4x128x128xf32, #tpu.memory_space<vmem>>, vector<16xf32>,
        %max3A_2687 = arith.maximumf %max3A_2623, %get3A_2686 : vector<16xf32>
        scf.yield %max3A_2631, %max3A_2639, %max3A_2647, %max3A_2655, %max3A_2663, %max3A_2671, %max3A_2679, %max3A_2687 : vector<16xf32>, vector<16xf32>, vector<16xf32>, vector<16xf32>, vector<16xf32>, vector<16xf32>, vector<16xf32>, vector<16xf32>
      }
      %scan3A_2035 = arith.constant 32 : i32
      %mul3A_2036 = arith.constant 128 : i32
      %mul3A_2037 = arith.muli %scan3A_59, %mul3A_2036 : i32
      %add3A_2038 = arith.addi %add3A_4, %mul3A_2037 : i32
      %dma_wait3A_2039 = arith.constant 3 : i32
      %dma_wait3A_2040 = arith.constant 0 : i32
      %dma_wait3A_2041 = arith.constant 0 : i32
      %dma_wait3A_2042 = tpu.memref_slice %arg5[%dma_wait3A_2039, %dma_wait3A_2040, %dma_wait3A_2041] : memref<4x128x128xf32, #tpu.memory_space<vmem>> -> memref<1x104x128xf32, #tpu.memory_space<vmem>>
      %dma_wait3A_2043 = tpu.memref_squeeze %dma_wait3A_2042 : memref<1x104x128xf32, #tpu.memory_space<vmem>> -> memref<104x128xf32, #tpu.memory_space<vmem>>
      %dma_wait3A_2044 = arith.constant 896 : i32
      %dma_wait3A_2045 = tpu.memref_slice %arg2[%dma_wait3A_2044, %add3A_2038] : memref<1000x16384xf32, #tpu.memory_space<hbm>> -> memref<104x128xf32, #tpu.memory_space<hbm>>
      %dma_wait3A_2046 = arith.constant 0 : i32
      %dma_wait3A_2047 = arith.constant 0 : i32
      %dma_wait3A_2048 = tpu.memref_slice %arg5[%dma_wait3A_2039, %dma_wait3A_2046, %dma_wait3A_2047] : memref<4x128x128xf32, #tpu.memory_space<vmem>> -> memref<1x104x128xf32, #tpu.memory_space<vmem>>
      %dma_wait3A_2049 = tpu.memref_squeeze %dma_wait3A_2048 : memref<1x104x128xf32, #tpu.memory_space<vmem>> -> memref<104x128xf32, #tpu.memory_space<vmem>>
      %dma_wait3A_2050 = arith.constant 896 : i32
      %dma_wait3A_2051 = tpu.memref_slice %arg2[%dma_wait3A_2050, %add3A_2038] : memref<1000x16384xf32, #tpu.memory_space<hbm>> -> memref<104x128xf32, #tpu.memory_space<hbm>>
      tpu.wait_dma2 semaphore(%arg11 : memref<!tpu.dma_semaphore, #tpu.memory_space<semaphore_mem>>) src(%dma_wait3A_2051 : memref<104x128xf32, #tpu.memory_space<hbm>>) dst(%dma_wait3A_2049 : memref<104x128xf32, #tpu.memory_space<vmem>>)
      %add3A_2052 = arith.constant 1 : i32
      %add3A_2053 = arith.addi %scan3A_59, %add3A_2052 : i32
      %lt3A_2054 = arith.constant 2 : i32
      %lt3A_2055 = arith.cmpi slt, %add3A_2053, %lt3A_2054 : i32
      %convert_element_type3A_2056 = arith.extui %lt3A_2055 : i1 to i32
      %cond3A_2057 = arith.constant 0 : i32
      %cond3A_2058 = arith.cmpi ne, %convert_element_type3A_2056, %cond3A_2057 : i32
      scf.if %cond3A_2058 {
        %add3A_2421 = arith.constant 1 : i32
        %add3A_2422 = arith.addi %scan3A_59, %add3A_2421 : i32
        %mul3A_2423 = arith.constant 128 : i32
        %mul3A_2424 = arith.muli %add3A_2422, %mul3A_2423 : i32
        %add3A_2425 = arith.addi %add3A_4, %mul3A_2424 : i32
        %dma_start3A_2426 = arith.constant 2 : i32
        %dma_start3A_2427 = arith.constant 0 : i32
        %dma_start3A_2428 = arith.constant 0 : i32
        %dma_start3A_2429 = tpu.memref_slice %arg5[%dma_start3A_2426, %dma_start3A_2427, %dma_start3A_2428] : memref<4x128x128xf32, #tpu.memory_space<vmem>> -> memref<1x128x128xf32, #tpu.memory_space<vmem>>
        %dma_start3A_2430 = tpu.memref_squeeze %dma_start3A_2429 : memref<1x128x128xf32, #tpu.memory_space<vmem>> -> memref<128x128xf32, #tpu.memory_space<vmem>>
        %dma_start3A_2431 = arith.constant 256 : i32
        %dma_start3A_2432 = tpu.memref_slice %arg2[%dma_start3A_2431, %add3A_2425] : memref<1000x16384xf32, #tpu.memory_space<hbm>> -> memref<128x128xf32, #tpu.memory_space<hbm>>
        %dma_start3A_2433 = arith.constant 0 : i32
        %dma_start3A_2434 = arith.constant 0 : i32
        %dma_start3A_2435 = tpu.memref_slice %arg5[%dma_start3A_2426, %dma_start3A_2433, %dma_start3A_2434] : memref<4x128x128xf32, #tpu.memory_space<vmem>> -> memref<1x128x128xf32, #tpu.memory_space<vmem>>
        %dma_start3A_2436 = tpu.memref_squeeze %dma_start3A_2435 : memref<1x128x128xf32, #tpu.memory_space<vmem>> -> memref<128x128xf32, #tpu.memory_space<vmem>>
        %dma_start3A_2437 = arith.constant 256 : i32
        %dma_start3A_2438 = tpu.memref_slice %arg2[%dma_start3A_2437, %add3A_2425] : memref<1000x16384xf32, #tpu.memory_space<hbm>> -> memref<128x128xf32, #tpu.memory_space<hbm>>
        tpu.enqueue_dma source(%dma_start3A_2438 : memref<128x128xf32, #tpu.memory_space<hbm>>) target(%dma_start3A_2436 : memref<128x128xf32, #tpu.memory_space<vmem>>) target_semaphore(%arg10 : memref<!tpu.dma_semaphore, #tpu.memory_space<semaphore_mem>>)
      } else {
      }
      %broadcast_in_dim3A_2059 = arith.constant 3 : i32
      %broadcast_in_dim3A_2060 = vector.broadcast %broadcast_in_dim3A_2059 : i32 to vector<16xi32>
      %broadcast_in_dim3A_2061 = arith.constant -1.000000e+10 : f32
      %broadcast_in_dim3A_2062 = vector.broadcast %broadcast_in_dim3A_2061 : f32 to vector<16xf32>
      %mul3A_2063 = arith.constant 128 : i32
      %mul3A_2064 = arith.muli %scan3A_59, %mul3A_2063 : i32
      %add3A_2065 = arith.constant 0 : i32
      %add3A_2066 = arith.addi %mul3A_2064, %add3A_2065 : i32
      %get3A_2067 = arith.index_cast %add3A_2066 : i32 to index
      %get3A_2068 = tpu.vector_load %arg6[%get3A_2067] {strides = array<i32>} : memref<256xi32, #tpu.memory_space<vmem>>, vector<16xi32>,
      %sub3A_2069 = arith.constant 896 : i32
      %sub3A_2070 = vector.broadcast %sub3A_2069 : i32 to vector<16xi32>
      %sub3A_2071 = arith.subi %get3A_2068, %sub3A_2070 : vector<16xi32>
      %ge3A_2072 = arith.constant 0 : i32
      %ge3A_2073 = vector.broadcast %ge3A_2072 : i32 to vector<16xi32>
      %ge3A_2074 = arith.cmpi sge, %sub3A_2071, %ge3A_2073 : vector<16xi32>
      %lt3A_2075 = arith.constant 104 : i32
      %lt3A_2076 = vector.broadcast %lt3A_2075 : i32 to vector<16xi32>
      %lt3A_2077 = arith.cmpi slt, %sub3A_2071, %lt3A_2076 : vector<16xi32>
      %and3A_2078 = arith.andi %ge3A_2074, %lt3A_2077 : vector<16xi1>
      %jit3A_2079 = arith.constant 0 : i32
      %jit3A_2080 = arith.constant 103 : i32
      %max3A_2081 = vector.broadcast %jit3A_2079 : i32 to vector<16xi32>
      %max3A_2082 = arith.maxsi %max3A_2081, %sub3A_2071 : vector<16xi32>
      %min3A_2083 = vector.broadcast %jit3A_2080 : i32 to vector<16xi32>
      %min3A_2084 = arith.minsi %min3A_2083, %max3A_2082 : vector<16xi32>
      %add3A_2085 = arith.constant 0 : i32
      %add3A_2086 = vector.broadcast %add3A_2085 : i32 to vector<16xi32>
      %add3A_2087 = arith.addi %add3A_2086, %iota3A : vector<16xi32>
      %gather3A_2088 = tpu.vector_load_idx %arg5[%broadcast_in_dim3A_2060, %min3A_2084, %add3A_2087] masked %and3A_2078 : memref<4x128x128xf32, #tpu.memory_space<vmem>>[vector<16xi32>, vector<16xi32>, vector<16xi32>], vector<16xf32>, vector<16xi1>
      %select_n3A_2089 = arith.select %and3A_2078, %gather3A_2088, %select_n3A_1816 : vector<16xi1>, vector<16xf32>
      %add3A_2090 = arith.constant 0 : i32
      %add3A_2091 = vector.broadcast %add3A_2090 : i32 to vector<16xi32>
      %add3A_2092 = arith.addi %add3A_2091, %iota3A : vector<16xi32>
      tpu.vector_store_idx %arg5[%broadcast_in_dim3A_2060, %min3A_2084, %add3A_2092], %broadcast_in_dim3A_2062 masked %and3A_2078 : memref<4x128x128xf32, #tpu.memory_space<vmem>>[vector<16xi32>, vector<16xi32>, vector<16xi32>], vector<16xf32>, vector<16xi1>
      %mul3A_2093 = arith.constant 128 : i32
      %mul3A_2094 = arith.muli %scan3A_59, %mul3A_2093 : i32
      %add3A_2095 = arith.constant 16 : i32
      %add3A_2096 = arith.addi %mul3A_2094, %add3A_2095 : i32
      %get3A_2097 = arith.index_cast %add3A_2096 : i32 to index
      %get3A_2098 = tpu.vector_load %arg6[%get3A_2097] {strides = array<i32>} : memref<256xi32, #tpu.memory_space<vmem>>, vector<16xi32>,
      %sub3A_2099 = arith.constant 896 : i32
      %sub3A_2100 = vector.broadcast %sub3A_2099 : i32 to vector<16xi32>
      %sub3A_2101 = arith.subi %get3A_2098, %sub3A_2100 : vector<16xi32>
      %ge3A_2102 = arith.constant 0 : i32
      %ge3A_2103 = vector.broadcast %ge3A_2102 : i32 to vector<16xi32>
      %ge3A_2104 = arith.cmpi sge, %sub3A_2101, %ge3A_2103 : vector<16xi32>
      %lt3A_2105 = arith.constant 104 : i32
      %lt3A_2106 = vector.broadcast %lt3A_2105 : i32 to vector<16xi32>
      %lt3A_2107 = arith.cmpi slt, %sub3A_2101, %lt3A_2106 : vector<16xi32>
      %and3A_2108 = arith.andi %ge3A_2104, %lt3A_2107 : vector<16xi1>
      %jit3A_2109 = arith.constant 0 : i32
      %jit3A_2110 = arith.constant 103 : i32
      %max3A_2111 = vector.broadcast %jit3A_2109 : i32 to vector<16xi32>
      %max3A_2112 = arith.maxsi %max3A_2111, %sub3A_2101 : vector<16xi32>
      %min3A_2113 = vector.broadcast %jit3A_2110 : i32 to vector<16xi32>
      %min3A_2114 = arith.minsi %min3A_2113, %max3A_2112 : vector<16xi32>
      %add3A_2115 = arith.constant 16 : i32
      %add3A_2116 = vector.broadcast %add3A_2115 : i32 to vector<16xi32>
      %add3A_2117 = arith.addi %add3A_2116, %iota3A : vector<16xi32>
      %gather3A_2118 = tpu.vector_load_idx %arg5[%broadcast_in_dim3A_2060, %min3A_2114, %add3A_2117] masked %and3A_2108 : memref<4x128x128xf32, #tpu.memory_space<vmem>>[vector<16xi32>, vector<16xi32>, vector<16xi32>], vector<16xf32>, vector<16xi1>
      %select_n3A_2119 = arith.select %and3A_2108, %gather3A_2118, %select_n3A_1846 : vector<16xi1>, vector<16xf32>
      %add3A_2120 = arith.constant 16 : i32
      %add3A_2121 = vector.broadcast %add3A_2120 : i32 to vector<16xi32>
      %add3A_2122 = arith.addi %add3A_2121, %iota3A : vector<16xi32>
      tpu.vector_store_idx %arg5[%broadcast_in_dim3A_2060, %min3A_2114, %add3A_2122], %broadcast_in_dim3A_2062 masked %and3A_2108 : memref<4x128x128xf32, #tpu.memory_space<vmem>>[vector<16xi32>, vector<16xi32>, vector<16xi32>], vector<16xf32>, vector<16xi1>
      %mul3A_2123 = arith.constant 128 : i32
      %mul3A_2124 = arith.muli %scan3A_59, %mul3A_2123 : i32
      %add3A_2125 = arith.constant 32 : i32
      %add3A_2126 = arith.addi %mul3A_2124, %add3A_2125 : i32
      %get3A_2127 = arith.index_cast %add3A_2126 : i32 to index
      %get3A_2128 = tpu.vector_load %arg6[%get3A_2127] {strides = array<i32>} : memref<256xi32, #tpu.memory_space<vmem>>, vector<16xi32>,
      %sub3A_2129 = arith.constant 896 : i32
      %sub3A_2130 = vector.broadcast %sub3A_2129 : i32 to vector<16xi32>
      %sub3A_2131 = arith.subi %get3A_2128, %sub3A_2130 : vector<16xi32>
      %ge3A_2132 = arith.constant 0 : i32
      %ge3A_2133 = vector.broadcast %ge3A_2132 : i32 to vector<16xi32>
      %ge3A_2134 = arith.cmpi sge, %sub3A_2131, %ge3A_2133 : vector<16xi32>
      %lt3A_2135 = arith.constant 104 : i32
      %lt3A_2136 = vector.broadcast %lt3A_2135 : i32 to vector<16xi32>
      %lt3A_2137 = arith.cmpi slt, %sub3A_2131, %lt3A_2136 : vector<16xi32>
      %and3A_2138 = arith.andi %ge3A_2134, %lt3A_2137 : vector<16xi1>
      %jit3A_2139 = arith.constant 0 : i32
      %jit3A_2140 = arith.constant 103 : i32
      %max3A_2141 = vector.broadcast %jit3A_2139 : i32 to vector<16xi32>
      %max3A_2142 = arith.maxsi %max3A_2141, %sub3A_2131 : vector<16xi32>
      %min3A_2143 = vector.broadcast %jit3A_2140 : i32 to vector<16xi32>
      %min3A_2144 = arith.minsi %min3A_2143, %max3A_2142 : vector<16xi32>
      %add3A_2145 = arith.constant 32 : i32
      %add3A_2146 = vector.broadcast %add3A_2145 : i32 to vector<16xi32>
      %add3A_2147 = arith.addi %add3A_2146, %iota3A : vector<16xi32>
      %gather3A_2148 = tpu.vector_load_idx %arg5[%broadcast_in_dim3A_2060, %min3A_2144, %add3A_2147] masked %and3A_2138 : memref<4x128x128xf32, #tpu.memory_space<vmem>>[vector<16xi32>, vector<16xi32>, vector<16xi32>], vector<16xf32>, vector<16xi1>
      %select_n3A_2149 = arith.select %and3A_2138, %gather3A_2148, %select_n3A_1876 : vector<16xi1>, vector<16xf32>
      %add3A_2150 = arith.constant 32 : i32
      %add3A_2151 = vector.broadcast %add3A_2150 : i32 to vector<16xi32>
      %add3A_2152 = arith.addi %add3A_2151, %iota3A : vector<16xi32>
      tpu.vector_store_idx %arg5[%broadcast_in_dim3A_2060, %min3A_2144, %add3A_2152], %broadcast_in_dim3A_2062 masked %and3A_2138 : memref<4x128x128xf32, #tpu.memory_space<vmem>>[vector<16xi32>, vector<16xi32>, vector<16xi32>], vector<16xf32>, vector<16xi1>
      %mul3A_2153 = arith.constant 128 : i32
      %mul3A_2154 = arith.muli %scan3A_59, %mul3A_2153 : i32
      %add3A_2155 = arith.constant 48 : i32
      %add3A_2156 = arith.addi %mul3A_2154, %add3A_2155 : i32
      %get3A_2157 = arith.index_cast %add3A_2156 : i32 to index
      %get3A_2158 = tpu.vector_load %arg6[%get3A_2157] {strides = array<i32>} : memref<256xi32, #tpu.memory_space<vmem>>, vector<16xi32>,
      %sub3A_2159 = arith.constant 896 : i32
      %sub3A_2160 = vector.broadcast %sub3A_2159 : i32 to vector<16xi32>
      %sub3A_2161 = arith.subi %get3A_2158, %sub3A_2160 : vector<16xi32>
      %ge3A_2162 = arith.constant 0 : i32
      %ge3A_2163 = vector.broadcast %ge3A_2162 : i32 to vector<16xi32>
      %ge3A_2164 = arith.cmpi sge, %sub3A_2161, %ge3A_2163 : vector<16xi32>
      %lt3A_2165 = arith.constant 104 : i32
      %lt3A_2166 = vector.broadcast %lt3A_2165 : i32 to vector<16xi32>
      %lt3A_2167 = arith.cmpi slt, %sub3A_2161, %lt3A_2166 : vector<16xi32>
      %and3A_2168 = arith.andi %ge3A_2164, %lt3A_2167 : vector<16xi1>
      %jit3A_2169 = arith.constant 0 : i32
      %jit3A_2170 = arith.constant 103 : i32
      %max3A_2171 = vector.broadcast %jit3A_2169 : i32 to vector<16xi32>
      %max3A_2172 = arith.maxsi %max3A_2171, %sub3A_2161 : vector<16xi32>
      %min3A_2173 = vector.broadcast %jit3A_2170 : i32 to vector<16xi32>
      %min3A_2174 = arith.minsi %min3A_2173, %max3A_2172 : vector<16xi32>
      %add3A_2175 = arith.constant 48 : i32
      %add3A_2176 = vector.broadcast %add3A_2175 : i32 to vector<16xi32>
      %add3A_2177 = arith.addi %add3A_2176, %iota3A : vector<16xi32>
      %gather3A_2178 = tpu.vector_load_idx %arg5[%broadcast_in_dim3A_2060, %min3A_2174, %add3A_2177] masked %and3A_2168 : memref<4x128x128xf32, #tpu.memory_space<vmem>>[vector<16xi32>, vector<16xi32>, vector<16xi32>], vector<16xf32>, vector<16xi1>
      %select_n3A_2179 = arith.select %and3A_2168, %gather3A_2178, %select_n3A_1906 : vector<16xi1>, vector<16xf32>
      %add3A_2180 = arith.constant 48 : i32
      %add3A_2181 = vector.broadcast %add3A_2180 : i32 to vector<16xi32>
      %add3A_2182 = arith.addi %add3A_2181, %iota3A : vector<16xi32>
      tpu.vector_store_idx %arg5[%broadcast_in_dim3A_2060, %min3A_2174, %add3A_2182], %broadcast_in_dim3A_2062 masked %and3A_2168 : memref<4x128x128xf32, #tpu.memory_space<vmem>>[vector<16xi32>, vector<16xi32>, vector<16xi32>], vector<16xf32>, vector<16xi1>
      %mul3A_2183 = arith.constant 128 : i32
      %mul3A_2184 = arith.muli %scan3A_59, %mul3A_2183 : i32
      %add3A_2185 = arith.constant 64 : i32
      %add3A_2186 = arith.addi %mul3A_2184, %add3A_2185 : i32
      %get3A_2187 = arith.index_cast %add3A_2186 : i32 to index
      %get3A_2188 = tpu.vector_load %arg6[%get3A_2187] {strides = array<i32>} : memref<256xi32, #tpu.memory_space<vmem>>, vector<16xi32>,
      %sub3A_2189 = arith.constant 896 : i32
      %sub3A_2190 = vector.broadcast %sub3A_2189 : i32 to vector<16xi32>
      %sub3A_2191 = arith.subi %get3A_2188, %sub3A_2190 : vector<16xi32>
      %ge3A_2192 = arith.constant 0 : i32
      %ge3A_2193 = vector.broadcast %ge3A_2192 : i32 to vector<16xi32>
      %ge3A_2194 = arith.cmpi sge, %sub3A_2191, %ge3A_2193 : vector<16xi32>
      %lt3A_2195 = arith.constant 104 : i32
      %lt3A_2196 = vector.broadcast %lt3A_2195 : i32 to vector<16xi32>
      %lt3A_2197 = arith.cmpi slt, %sub3A_2191, %lt3A_2196 : vector<16xi32>
      %and3A_2198 = arith.andi %ge3A_2194, %lt3A_2197 : vector<16xi1>
      %jit3A_2199 = arith.constant 0 : i32
      %jit3A_2200 = arith.constant 103 : i32
      %max3A_2201 = vector.broadcast %jit3A_2199 : i32 to vector<16xi32>
      %max3A_2202 = arith.maxsi %max3A_2201, %sub3A_2191 : vector<16xi32>
      %min3A_2203 = vector.broadcast %jit3A_2200 : i32 to vector<16xi32>
      %min3A_2204 = arith.minsi %min3A_2203, %max3A_2202 : vector<16xi32>
      %add3A_2205 = arith.constant 64 : i32
      %add3A_2206 = vector.broadcast %add3A_2205 : i32 to vector<16xi32>
      %add3A_2207 = arith.addi %add3A_2206, %iota3A : vector<16xi32>
      %gather3A_2208 = tpu.vector_load_idx %arg5[%broadcast_in_dim3A_2060, %min3A_2204, %add3A_2207] masked %and3A_2198 : memref<4x128x128xf32, #tpu.memory_space<vmem>>[vector<16xi32>, vector<16xi32>, vector<16xi32>], vector<16xf32>, vector<16xi1>
      %select_n3A_2209 = arith.select %and3A_2198, %gather3A_2208, %select_n3A_1936 : vector<16xi1>, vector<16xf32>
      %add3A_2210 = arith.constant 64 : i32
      %add3A_2211 = vector.broadcast %add3A_2210 : i32 to vector<16xi32>
      %add3A_2212 = arith.addi %add3A_2211, %iota3A : vector<16xi32>
      tpu.vector_store_idx %arg5[%broadcast_in_dim3A_2060, %min3A_2204, %add3A_2212], %broadcast_in_dim3A_2062 masked %and3A_2198 : memref<4x128x128xf32, #tpu.memory_space<vmem>>[vector<16xi32>, vector<16xi32>, vector<16xi32>], vector<16xf32>, vector<16xi1>
      %mul3A_2213 = arith.constant 128 : i32
      %mul3A_2214 = arith.muli %scan3A_59, %mul3A_2213 : i32
      %add3A_2215 = arith.constant 80 : i32
      %add3A_2216 = arith.addi %mul3A_2214, %add3A_2215 : i32
      %get3A_2217 = arith.index_cast %add3A_2216 : i32 to index
      %get3A_2218 = tpu.vector_load %arg6[%get3A_2217] {strides = array<i32>} : memref<256xi32, #tpu.memory_space<vmem>>, vector<16xi32>,
      %sub3A_2219 = arith.constant 896 : i32
      %sub3A_2220 = vector.broadcast %sub3A_2219 : i32 to vector<16xi32>
      %sub3A_2221 = arith.subi %get3A_2218, %sub3A_2220 : vector<16xi32>
      %ge3A_2222 = arith.constant 0 : i32
      %ge3A_2223 = vector.broadcast %ge3A_2222 : i32 to vector<16xi32>
      %ge3A_2224 = arith.cmpi sge, %sub3A_2221, %ge3A_2223 : vector<16xi32>
      %lt3A_2225 = arith.constant 104 : i32
      %lt3A_2226 = vector.broadcast %lt3A_2225 : i32 to vector<16xi32>
      %lt3A_2227 = arith.cmpi slt, %sub3A_2221, %lt3A_2226 : vector<16xi32>
      %and3A_2228 = arith.andi %ge3A_2224, %lt3A_2227 : vector<16xi1>
      %jit3A_2229 = arith.constant 0 : i32
      %jit3A_2230 = arith.constant 103 : i32
      %max3A_2231 = vector.broadcast %jit3A_2229 : i32 to vector<16xi32>
      %max3A_2232 = arith.maxsi %max3A_2231, %sub3A_2221 : vector<16xi32>
      %min3A_2233 = vector.broadcast %jit3A_2230 : i32 to vector<16xi32>
      %min3A_2234 = arith.minsi %min3A_2233, %max3A_2232 : vector<16xi32>
      %add3A_2235 = arith.constant 80 : i32
      %add3A_2236 = vector.broadcast %add3A_2235 : i32 to vector<16xi32>
      %add3A_2237 = arith.addi %add3A_2236, %iota3A : vector<16xi32>
      %gather3A_2238 = tpu.vector_load_idx %arg5[%broadcast_in_dim3A_2060, %min3A_2234, %add3A_2237] masked %and3A_2228 : memref<4x128x128xf32, #tpu.memory_space<vmem>>[vector<16xi32>, vector<16xi32>, vector<16xi32>], vector<16xf32>, vector<16xi1>
      %select_n3A_2239 = arith.select %and3A_2228, %gather3A_2238, %select_n3A_1966 : vector<16xi1>, vector<16xf32>
      %add3A_2240 = arith.constant 80 : i32
      %add3A_2241 = vector.broadcast %add3A_2240 : i32 to vector<16xi32>
      %add3A_2242 = arith.addi %add3A_2241, %iota3A : vector<16xi32>
      tpu.vector_store_idx %arg5[%broadcast_in_dim3A_2060, %min3A_2234, %add3A_2242], %broadcast_in_dim3A_2062 masked %and3A_2228 : memref<4x128x128xf32, #tpu.memory_space<vmem>>[vector<16xi32>, vector<16xi32>, vector<16xi32>], vector<16xf32>, vector<16xi1>
      %mul3A_2243 = arith.constant 128 : i32
      %mul3A_2244 = arith.muli %scan3A_59, %mul3A_2243 : i32
      %add3A_2245 = arith.constant 96 : i32
      %add3A_2246 = arith.addi %mul3A_2244, %add3A_2245 : i32
      %get3A_2247 = arith.index_cast %add3A_2246 : i32 to index
      %get3A_2248 = tpu.vector_load %arg6[%get3A_2247] {strides = array<i32>} : memref<256xi32, #tpu.memory_space<vmem>>, vector<16xi32>,
      %sub3A_2249 = arith.constant 896 : i32
      %sub3A_2250 = vector.broadcast %sub3A_2249 : i32 to vector<16xi32>
      %sub3A_2251 = arith.subi %get3A_2248, %sub3A_2250 : vector<16xi32>
      %ge3A_2252 = arith.constant 0 : i32
      %ge3A_2253 = vector.broadcast %ge3A_2252 : i32 to vector<16xi32>
      %ge3A_2254 = arith.cmpi sge, %sub3A_2251, %ge3A_2253 : vector<16xi32>
      %lt3A_2255 = arith.constant 104 : i32
      %lt3A_2256 = vector.broadcast %lt3A_2255 : i32 to vector<16xi32>
      %lt3A_2257 = arith.cmpi slt, %sub3A_2251, %lt3A_2256 : vector<16xi32>
      %and3A_2258 = arith.andi %ge3A_2254, %lt3A_2257 : vector<16xi1>
      %jit3A_2259 = arith.constant 0 : i32
      %jit3A_2260 = arith.constant 103 : i32
      %max3A_2261 = vector.broadcast %jit3A_2259 : i32 to vector<16xi32>
      %max3A_2262 = arith.maxsi %max3A_2261, %sub3A_2251 : vector<16xi32>
      %min3A_2263 = vector.broadcast %jit3A_2260 : i32 to vector<16xi32>
      %min3A_2264 = arith.minsi %min3A_2263, %max3A_2262 : vector<16xi32>
      %add3A_2265 = arith.constant 96 : i32
      %add3A_2266 = vector.broadcast %add3A_2265 : i32 to vector<16xi32>
      %add3A_2267 = arith.addi %add3A_2266, %iota3A : vector<16xi32>
      %gather3A_2268 = tpu.vector_load_idx %arg5[%broadcast_in_dim3A_2060, %min3A_2264, %add3A_2267] masked %and3A_2258 : memref<4x128x128xf32, #tpu.memory_space<vmem>>[vector<16xi32>, vector<16xi32>, vector<16xi32>], vector<16xf32>, vector<16xi1>
      %select_n3A_2269 = arith.select %and3A_2258, %gather3A_2268, %select_n3A_1996 : vector<16xi1>, vector<16xf32>
      %add3A_2270 = arith.constant 96 : i32
      %add3A_2271 = vector.broadcast %add3A_2270 : i32 to vector<16xi32>
      %add3A_2272 = arith.addi %add3A_2271, %iota3A : vector<16xi32>
      tpu.vector_store_idx %arg5[%broadcast_in_dim3A_2060, %min3A_2264, %add3A_2272], %broadcast_in_dim3A_2062 masked %and3A_2258 : memref<4x128x128xf32, #tpu.memory_space<vmem>>[vector<16xi32>, vector<16xi32>, vector<16xi32>], vector<16xf32>, vector<16xi1>
      %mul3A_2273 = arith.constant 128 : i32
      %mul3A_2274 = arith.muli %scan3A_59, %mul3A_2273 : i32
      %add3A_2275 = arith.constant 112 : i32
      %add3A_2276 = arith.addi %mul3A_2274, %add3A_2275 : i32
      %get3A_2277 = arith.index_cast %add3A_2276 : i32 to index
      %get3A_2278 = tpu.vector_load %arg6[%get3A_2277] {strides = array<i32>} : memref<256xi32, #tpu.memory_space<vmem>>, vector<16xi32>,
      %sub3A_2279 = arith.constant 896 : i32
      %sub3A_2280 = vector.broadcast %sub3A_2279 : i32 to vector<16xi32>
      %sub3A_2281 = arith.subi %get3A_2278, %sub3A_2280 : vector<16xi32>
      %ge3A_2282 = arith.constant 0 : i32
      %ge3A_2283 = vector.broadcast %ge3A_2282 : i32 to vector<16xi32>
      %ge3A_2284 = arith.cmpi sge, %sub3A_2281, %ge3A_2283 : vector<16xi32>
      %lt3A_2285 = arith.constant 104 : i32
      %lt3A_2286 = vector.broadcast %lt3A_2285 : i32 to vector<16xi32>
      %lt3A_2287 = arith.cmpi slt, %sub3A_2281, %lt3A_2286 : vector<16xi32>
      %and3A_2288 = arith.andi %ge3A_2284, %lt3A_2287 : vector<16xi1>
      %jit3A_2289 = arith.constant 0 : i32
      %jit3A_2290 = arith.constant 103 : i32
      %max3A_2291 = vector.broadcast %jit3A_2289 : i32 to vector<16xi32>
      %max3A_2292 = arith.maxsi %max3A_2291, %sub3A_2281 : vector<16xi32>
      %min3A_2293 = vector.broadcast %jit3A_2290 : i32 to vector<16xi32>
      %min3A_2294 = arith.minsi %min3A_2293, %max3A_2292 : vector<16xi32>
      %add3A_2295 = arith.constant 112 : i32
      %add3A_2296 = vector.broadcast %add3A_2295 : i32 to vector<16xi32>
      %add3A_2297 = arith.addi %add3A_2296, %iota3A : vector<16xi32>
      %gather3A_2298 = tpu.vector_load_idx %arg5[%broadcast_in_dim3A_2060, %min3A_2294, %add3A_2297] masked %and3A_2288 : memref<4x128x128xf32, #tpu.memory_space<vmem>>[vector<16xi32>, vector<16xi32>, vector<16xi32>], vector<16xf32>, vector<16xi1>
      %select_n3A_2299 = arith.select %and3A_2288, %gather3A_2298, %select_n3A_2026 : vector<16xi1>, vector<16xf32>
      %add3A_2300 = arith.constant 112 : i32
      %add3A_2301 = vector.broadcast %add3A_2300 : i32 to vector<16xi32>
      %add3A_2302 = arith.addi %add3A_2301, %iota3A : vector<16xi32>
      tpu.vector_store_idx %arg5[%broadcast_in_dim3A_2060, %min3A_2294, %add3A_2302], %broadcast_in_dim3A_2062 masked %and3A_2288 : memref<4x128x128xf32, #tpu.memory_space<vmem>>[vector<16xi32>, vector<16xi32>, vector<16xi32>], vector<16xf32>, vector<16xi1>
      %scan3A_2303 = arith.constant 0 : i32
      %scan3A_2304 = arith.constant 26 : i32
      %scan3A_2305 = arith.addi %scan3A_2303, %scan3A_2304 : i32
      %scan3A_2306 = arith.constant 1 : i32
      %scan3A_2307:8 = scf.for %scan3A_2421 = %scan3A_2303 to %scan3A_2305 step %scan3A_2306 iter_args(%scan3A_2422 = %scan3A_2034#0, %scan3A_2423 = %scan3A_2034#1, %scan3A_2424 = %scan3A_2034#2, %scan3A_2425 = %scan3A_2034#3, %scan3A_2426 = %scan3A_2034#4, %scan3A_2427 = %scan3A_2034#5, %scan3A_2428 = %scan3A_2034#6, %scan3A_2429 = %scan3A_2034#7) -> (vector<16xf32>, vector<16xf32>, vector<16xf32>, vector<16xf32>, vector<16xf32>, vector<16xf32>, vector<16xf32>, vector<16xf32>)  : i32 {
        %mul3A_2430 = arith.constant 4 : i32
        %mul3A_2431 = arith.muli %mul3A_2430, %scan3A_2421 : i32
        %add3A_2432 = arith.constant 0 : i32
        %add3A_2433 = arith.addi %mul3A_2431, %add3A_2432 : i32
        %get3A_2434 = arith.constant 3 : i32
        %get3A_2435 = arith.index_cast %get3A_2434 : i32 to index
        %get3A_2436 = arith.index_cast %add3A_2433 : i32 to index
        %get3A_2437 = arith.constant 0 : index
        %get3A_2438 = tpu.vector_load %arg5[%get3A_2435, %get3A_2436, %get3A_2437] {strides = array<i32>} : memref<4x128x128xf32, #tpu.memory_space<vmem>>, vector<16xf32>,
        %max3A_2439 = arith.maximumf %scan3A_2422, %get3A_2438 : vector<16xf32>
        %add3A_2440 = arith.constant 0 : i32
        %add3A_2441 = arith.addi %mul3A_2431, %add3A_2440 : i32
        %get3A_2442 = arith.constant 3 : i32
        %get3A_2443 = arith.index_cast %get3A_2442 : i32 to index
        %get3A_2444 = arith.index_cast %add3A_2441 : i32 to index
        %get3A_2445 = arith.constant 16 : index
        %get3A_2446 = tpu.vector_load %arg5[%get3A_2443, %get3A_2444, %get3A_2445] {strides = array<i32>} : memref<4x128x128xf32, #tpu.memory_space<vmem>>, vector<16xf32>,
        %max3A_2447 = arith.maximumf %scan3A_2423, %get3A_2446 : vector<16xf32>
        %add3A_2448 = arith.constant 0 : i32
        %add3A_2449 = arith.addi %mul3A_2431, %add3A_2448 : i32
        %get3A_2450 = arith.constant 3 : i32
        %get3A_2451 = arith.index_cast %get3A_2450 : i32 to index
        %get3A_2452 = arith.index_cast %add3A_2449 : i32 to index
        %get3A_2453 = arith.constant 32 : index
        %get3A_2454 = tpu.vector_load %arg5[%get3A_2451, %get3A_2452, %get3A_2453] {strides = array<i32>} : memref<4x128x128xf32, #tpu.memory_space<vmem>>, vector<16xf32>,
        %max3A_2455 = arith.maximumf %scan3A_2424, %get3A_2454 : vector<16xf32>
        %add3A_2456 = arith.constant 0 : i32
        %add3A_2457 = arith.addi %mul3A_2431, %add3A_2456 : i32
        %get3A_2458 = arith.constant 3 : i32
        %get3A_2459 = arith.index_cast %get3A_2458 : i32 to index
        %get3A_2460 = arith.index_cast %add3A_2457 : i32 to index
        %get3A_2461 = arith.constant 48 : index
        %get3A_2462 = tpu.vector_load %arg5[%get3A_2459, %get3A_2460, %get3A_2461] {strides = array<i32>} : memref<4x128x128xf32, #tpu.memory_space<vmem>>, vector<16xf32>,
        %max3A_2463 = arith.maximumf %scan3A_2425, %get3A_2462 : vector<16xf32>
        %add3A_2464 = arith.constant 0 : i32
        %add3A_2465 = arith.addi %mul3A_2431, %add3A_2464 : i32
        %get3A_2466 = arith.constant 3 : i32
        %get3A_2467 = arith.index_cast %get3A_2466 : i32 to index
        %get3A_2468 = arith.index_cast %add3A_2465 : i32 to index
        %get3A_2469 = arith.constant 64 : index
        %get3A_2470 = tpu.vector_load %arg5[%get3A_2467, %get3A_2468, %get3A_2469] {strides = array<i32>} : memref<4x128x128xf32, #tpu.memory_space<vmem>>, vector<16xf32>,
        %max3A_2471 = arith.maximumf %scan3A_2426, %get3A_2470 : vector<16xf32>
        %add3A_2472 = arith.constant 0 : i32
        %add3A_2473 = arith.addi %mul3A_2431, %add3A_2472 : i32
        %get3A_2474 = arith.constant 3 : i32
        %get3A_2475 = arith.index_cast %get3A_2474 : i32 to index
        %get3A_2476 = arith.index_cast %add3A_2473 : i32 to index
        %get3A_2477 = arith.constant 80 : index
        %get3A_2478 = tpu.vector_load %arg5[%get3A_2475, %get3A_2476, %get3A_2477] {strides = array<i32>} : memref<4x128x128xf32, #tpu.memory_space<vmem>>, vector<16xf32>,
        %max3A_2479 = arith.maximumf %scan3A_2427, %get3A_2478 : vector<16xf32>
        %add3A_2480 = arith.constant 0 : i32
        %add3A_2481 = arith.addi %mul3A_2431, %add3A_2480 : i32
        %get3A_2482 = arith.constant 3 : i32
        %get3A_2483 = arith.index_cast %get3A_2482 : i32 to index
        %get3A_2484 = arith.index_cast %add3A_2481 : i32 to index
        %get3A_2485 = arith.constant 96 : index
        %get3A_2486 = tpu.vector_load %arg5[%get3A_2483, %get3A_2484, %get3A_2485] {strides = array<i32>} : memref<4x128x128xf32, #tpu.memory_space<vmem>>, vector<16xf32>,
        %max3A_2487 = arith.maximumf %scan3A_2428, %get3A_2486 : vector<16xf32>
        %add3A_2488 = arith.constant 0 : i32
        %add3A_2489 = arith.addi %mul3A_2431, %add3A_2488 : i32
        %get3A_2490 = arith.constant 3 : i32
        %get3A_2491 = arith.index_cast %get3A_2490 : i32 to index
        %get3A_2492 = arith.index_cast %add3A_2489 : i32 to index
        %get3A_2493 = arith.constant 112 : index
        %get3A_2494 = tpu.vector_load %arg5[%get3A_2491, %get3A_2492, %get3A_2493] {strides = array<i32>} : memref<4x128x128xf32, #tpu.memory_space<vmem>>, vector<16xf32>,
        %max3A_2495 = arith.maximumf %scan3A_2429, %get3A_2494 : vector<16xf32>
        %add3A_2496 = arith.constant 1 : i32
        %add3A_2497 = arith.addi %mul3A_2431, %add3A_2496 : i32
        %get3A_2498 = arith.constant 3 : i32
        %get3A_2499 = arith.index_cast %get3A_2498 : i32 to index
        %get3A_2500 = arith.index_cast %add3A_2497 : i32 to index
        %get3A_2501 = arith.constant 0 : index
        %get3A_2502 = tpu.vector_load %arg5[%get3A_2499, %get3A_2500, %get3A_2501] {strides = array<i32>} : memref<4x128x128xf32, #tpu.memory_space<vmem>>, vector<16xf32>,
        %max3A_2503 = arith.maximumf %max3A_2439, %get3A_2502 : vector<16xf32>
        %add3A_2504 = arith.constant 1 : i32
        %add3A_2505 = arith.addi %mul3A_2431, %add3A_2504 : i32
        %get3A_2506 = arith.constant 3 : i32
        %get3A_2507 = arith.index_cast %get3A_2506 : i32 to index
        %get3A_2508 = arith.index_cast %add3A_2505 : i32 to index
        %get3A_2509 = arith.constant 16 : index
        %get3A_2510 = tpu.vector_load %arg5[%get3A_2507, %get3A_2508, %get3A_2509] {strides = array<i32>} : memref<4x128x128xf32, #tpu.memory_space<vmem>>, vector<16xf32>,
        %max3A_2511 = arith.maximumf %max3A_2447, %get3A_2510 : vector<16xf32>
        %add3A_2512 = arith.constant 1 : i32
        %add3A_2513 = arith.addi %mul3A_2431, %add3A_2512 : i32
        %get3A_2514 = arith.constant 3 : i32
        %get3A_2515 = arith.index_cast %get3A_2514 : i32 to index
        %get3A_2516 = arith.index_cast %add3A_2513 : i32 to index
        %get3A_2517 = arith.constant 32 : index
        %get3A_2518 = tpu.vector_load %arg5[%get3A_2515, %get3A_2516, %get3A_2517] {strides = array<i32>} : memref<4x128x128xf32, #tpu.memory_space<vmem>>, vector<16xf32>,
        %max3A_2519 = arith.maximumf %max3A_2455, %get3A_2518 : vector<16xf32>
        %add3A_2520 = arith.constant 1 : i32
        %add3A_2521 = arith.addi %mul3A_2431, %add3A_2520 : i32
        %get3A_2522 = arith.constant 3 : i32
        %get3A_2523 = arith.index_cast %get3A_2522 : i32 to index
        %get3A_2524 = arith.index_cast %add3A_2521 : i32 to index
        %get3A_2525 = arith.constant 48 : index
        %get3A_2526 = tpu.vector_load %arg5[%get3A_2523, %get3A_2524, %get3A_2525] {strides = array<i32>} : memref<4x128x128xf32, #tpu.memory_space<vmem>>, vector<16xf32>,
        %max3A_2527 = arith.maximumf %max3A_2463, %get3A_2526 : vector<16xf32>
        %add3A_2528 = arith.constant 1 : i32
        %add3A_2529 = arith.addi %mul3A_2431, %add3A_2528 : i32
        %get3A_2530 = arith.constant 3 : i32
        %get3A_2531 = arith.index_cast %get3A_2530 : i32 to index
        %get3A_2532 = arith.index_cast %add3A_2529 : i32 to index
        %get3A_2533 = arith.constant 64 : index
        %get3A_2534 = tpu.vector_load %arg5[%get3A_2531, %get3A_2532, %get3A_2533] {strides = array<i32>} : memref<4x128x128xf32, #tpu.memory_space<vmem>>, vector<16xf32>,
        %max3A_2535 = arith.maximumf %max3A_2471, %get3A_2534 : vector<16xf32>
        %add3A_2536 = arith.constant 1 : i32
        %add3A_2537 = arith.addi %mul3A_2431, %add3A_2536 : i32
        %get3A_2538 = arith.constant 3 : i32
        %get3A_2539 = arith.index_cast %get3A_2538 : i32 to index
        %get3A_2540 = arith.index_cast %add3A_2537 : i32 to index
        %get3A_2541 = arith.constant 80 : index
        %get3A_2542 = tpu.vector_load %arg5[%get3A_2539, %get3A_2540, %get3A_2541] {strides = array<i32>} : memref<4x128x128xf32, #tpu.memory_space<vmem>>, vector<16xf32>,
        %max3A_2543 = arith.maximumf %max3A_2479, %get3A_2542 : vector<16xf32>
        %add3A_2544 = arith.constant 1 : i32
        %add3A_2545 = arith.addi %mul3A_2431, %add3A_2544 : i32
        %get3A_2546 = arith.constant 3 : i32
        %get3A_2547 = arith.index_cast %get3A_2546 : i32 to index
        %get3A_2548 = arith.index_cast %add3A_2545 : i32 to index
        %get3A_2549 = arith.constant 96 : index
        %get3A_2550 = tpu.vector_load %arg5[%get3A_2547, %get3A_2548, %get3A_2549] {strides = array<i32>} : memref<4x128x128xf32, #tpu.memory_space<vmem>>, vector<16xf32>,
        %max3A_2551 = arith.maximumf %max3A_2487, %get3A_2550 : vector<16xf32>
        %add3A_2552 = arith.constant 1 : i32
        %add3A_2553 = arith.addi %mul3A_2431, %add3A_2552 : i32
        %get3A_2554 = arith.constant 3 : i32
        %get3A_2555 = arith.index_cast %get3A_2554 : i32 to index
        %get3A_2556 = arith.index_cast %add3A_2553 : i32 to index
        %get3A_2557 = arith.constant 112 : index
        %get3A_2558 = tpu.vector_load %arg5[%get3A_2555, %get3A_2556, %get3A_2557] {strides = array<i32>} : memref<4x128x128xf32, #tpu.memory_space<vmem>>, vector<16xf32>,
        %max3A_2559 = arith.maximumf %max3A_2495, %get3A_2558 : vector<16xf32>
        %add3A_2560 = arith.constant 2 : i32
        %add3A_2561 = arith.addi %mul3A_2431, %add3A_2560 : i32
        %get3A_2562 = arith.constant 3 : i32
        %get3A_2563 = arith.index_cast %get3A_2562 : i32 to index
        %get3A_2564 = arith.index_cast %add3A_2561 : i32 to index
        %get3A_2565 = arith.constant 0 : index
        %get3A_2566 = tpu.vector_load %arg5[%get3A_2563, %get3A_2564, %get3A_2565] {strides = array<i32>} : memref<4x128x128xf32, #tpu.memory_space<vmem>>, vector<16xf32>,
        %max3A_2567 = arith.maximumf %max3A_2503, %get3A_2566 : vector<16xf32>
        %add3A_2568 = arith.constant 2 : i32
        %add3A_2569 = arith.addi %mul3A_2431, %add3A_2568 : i32
        %get3A_2570 = arith.constant 3 : i32
        %get3A_2571 = arith.index_cast %get3A_2570 : i32 to index
        %get3A_2572 = arith.index_cast %add3A_2569 : i32 to index
        %get3A_2573 = arith.constant 16 : index
        %get3A_2574 = tpu.vector_load %arg5[%get3A_2571, %get3A_2572, %get3A_2573] {strides = array<i32>} : memref<4x128x128xf32, #tpu.memory_space<vmem>>, vector<16xf32>,
        %max3A_2575 = arith.maximumf %max3A_2511, %get3A_2574 : vector<16xf32>
        %add3A_2576 = arith.constant 2 : i32
        %add3A_2577 = arith.addi %mul3A_2431, %add3A_2576 : i32
        %get3A_2578 = arith.constant 3 : i32
        %get3A_2579 = arith.index_cast %get3A_2578 : i32 to index
        %get3A_2580 = arith.index_cast %add3A_2577 : i32 to index
        %get3A_2581 = arith.constant 32 : index
        %get3A_2582 = tpu.vector_load %arg5[%get3A_2579, %get3A_2580, %get3A_2581] {strides = array<i32>} : memref<4x128x128xf32, #tpu.memory_space<vmem>>, vector<16xf32>,
        %max3A_2583 = arith.maximumf %max3A_2519, %get3A_2582 : vector<16xf32>
        %add3A_2584 = arith.constant 2 : i32
        %add3A_2585 = arith.addi %mul3A_2431, %add3A_2584 : i32
        %get3A_2586 = arith.constant 3 : i32
        %get3A_2587 = arith.index_cast %get3A_2586 : i32 to index
        %get3A_2588 = arith.index_cast %add3A_2585 : i32 to index
        %get3A_2589 = arith.constant 48 : index
        %get3A_2590 = tpu.vector_load %arg5[%get3A_2587, %get3A_2588, %get3A_2589] {strides = array<i32>} : memref<4x128x128xf32, #tpu.memory_space<vmem>>, vector<16xf32>,
        %max3A_2591 = arith.maximumf %max3A_2527, %get3A_2590 : vector<16xf32>
        %add3A_2592 = arith.constant 2 : i32
        %add3A_2593 = arith.addi %mul3A_2431, %add3A_2592 : i32
        %get3A_2594 = arith.constant 3 : i32
        %get3A_2595 = arith.index_cast %get3A_2594 : i32 to index
        %get3A_2596 = arith.index_cast %add3A_2593 : i32 to index
        %get3A_2597 = arith.constant 64 : index
        %get3A_2598 = tpu.vector_load %arg5[%get3A_2595, %get3A_2596, %get3A_2597] {strides = array<i32>} : memref<4x128x128xf32, #tpu.memory_space<vmem>>, vector<16xf32>,
        %max3A_2599 = arith.maximumf %max3A_2535, %get3A_2598 : vector<16xf32>
        %add3A_2600 = arith.constant 2 : i32
        %add3A_2601 = arith.addi %mul3A_2431, %add3A_2600 : i32
        %get3A_2602 = arith.constant 3 : i32
        %get3A_2603 = arith.index_cast %get3A_2602 : i32 to index
        %get3A_2604 = arith.index_cast %add3A_2601 : i32 to index
        %get3A_2605 = arith.constant 80 : index
        %get3A_2606 = tpu.vector_load %arg5[%get3A_2603, %get3A_2604, %get3A_2605] {strides = array<i32>} : memref<4x128x128xf32, #tpu.memory_space<vmem>>, vector<16xf32>,
        %max3A_2607 = arith.maximumf %max3A_2543, %get3A_2606 : vector<16xf32>
        %add3A_2608 = arith.constant 2 : i32
        %add3A_2609 = arith.addi %mul3A_2431, %add3A_2608 : i32
        %get3A_2610 = arith.constant 3 : i32
        %get3A_2611 = arith.index_cast %get3A_2610 : i32 to index
        %get3A_2612 = arith.index_cast %add3A_2609 : i32 to index
        %get3A_2613 = arith.constant 96 : index
        %get3A_2614 = tpu.vector_load %arg5[%get3A_2611, %get3A_2612, %get3A_2613] {strides = array<i32>} : memref<4x128x128xf32, #tpu.memory_space<vmem>>, vector<16xf32>,
        %max3A_2615 = arith.maximumf %max3A_2551, %get3A_2614 : vector<16xf32>
        %add3A_2616 = arith.constant 2 : i32
        %add3A_2617 = arith.addi %mul3A_2431, %add3A_2616 : i32
        %get3A_2618 = arith.constant 3 : i32
        %get3A_2619 = arith.index_cast %get3A_2618 : i32 to index
        %get3A_2620 = arith.index_cast %add3A_2617 : i32 to index
        %get3A_2621 = arith.constant 112 : index
        %get3A_2622 = tpu.vector_load %arg5[%get3A_2619, %get3A_2620, %get3A_2621] {strides = array<i32>} : memref<4x128x128xf32, #tpu.memory_space<vmem>>, vector<16xf32>,
        %max3A_2623 = arith.maximumf %max3A_2559, %get3A_2622 : vector<16xf32>
        %add3A_2624 = arith.constant 3 : i32
        %add3A_2625 = arith.addi %mul3A_2431, %add3A_2624 : i32
        %get3A_2626 = arith.constant 3 : i32
        %get3A_2627 = arith.index_cast %get3A_2626 : i32 to index
        %get3A_2628 = arith.index_cast %add3A_2625 : i32 to index
        %get3A_2629 = arith.constant 0 : index
        %get3A_2630 = tpu.vector_load %arg5[%get3A_2627, %get3A_2628, %get3A_2629] {strides = array<i32>} : memref<4x128x128xf32, #tpu.memory_space<vmem>>, vector<16xf32>,
        %max3A_2631 = arith.maximumf %max3A_2567, %get3A_2630 : vector<16xf32>
        %add3A_2632 = arith.constant 3 : i32
        %add3A_2633 = arith.addi %mul3A_2431, %add3A_2632 : i32
        %get3A_2634 = arith.constant 3 : i32
        %get3A_2635 = arith.index_cast %get3A_2634 : i32 to index
        %get3A_2636 = arith.index_cast %add3A_2633 : i32 to index
        %get3A_2637 = arith.constant 16 : index
        %get3A_2638 = tpu.vector_load %arg5[%get3A_2635, %get3A_2636, %get3A_2637] {strides = array<i32>} : memref<4x128x128xf32, #tpu.memory_space<vmem>>, vector<16xf32>,
        %max3A_2639 = arith.maximumf %max3A_2575, %get3A_2638 : vector<16xf32>
        %add3A_2640 = arith.constant 3 : i32
        %add3A_2641 = arith.addi %mul3A_2431, %add3A_2640 : i32
        %get3A_2642 = arith.constant 3 : i32
        %get3A_2643 = arith.index_cast %get3A_2642 : i32 to index
        %get3A_2644 = arith.index_cast %add3A_2641 : i32 to index
        %get3A_2645 = arith.constant 32 : index
        %get3A_2646 = tpu.vector_load %arg5[%get3A_2643, %get3A_2644, %get3A_2645] {strides = array<i32>} : memref<4x128x128xf32, #tpu.memory_space<vmem>>, vector<16xf32>,
        %max3A_2647 = arith.maximumf %max3A_2583, %get3A_2646 : vector<16xf32>
        %add3A_2648 = arith.constant 3 : i32
        %add3A_2649 = arith.addi %mul3A_2431, %add3A_2648 : i32
        %get3A_2650 = arith.constant 3 : i32
        %get3A_2651 = arith.index_cast %get3A_2650 : i32 to index
        %get3A_2652 = arith.index_cast %add3A_2649 : i32 to index
        %get3A_2653 = arith.constant 48 : index
        %get3A_2654 = tpu.vector_load %arg5[%get3A_2651, %get3A_2652, %get3A_2653] {strides = array<i32>} : memref<4x128x128xf32, #tpu.memory_space<vmem>>, vector<16xf32>,
        %max3A_2655 = arith.maximumf %max3A_2591, %get3A_2654 : vector<16xf32>
        %add3A_2656 = arith.constant 3 : i32
        %add3A_2657 = arith.addi %mul3A_2431, %add3A_2656 : i32
        %get3A_2658 = arith.constant 3 : i32
        %get3A_2659 = arith.index_cast %get3A_2658 : i32 to index
        %get3A_2660 = arith.index_cast %add3A_2657 : i32 to index
        %get3A_2661 = arith.constant 64 : index
        %get3A_2662 = tpu.vector_load %arg5[%get3A_2659, %get3A_2660, %get3A_2661] {strides = array<i32>} : memref<4x128x128xf32, #tpu.memory_space<vmem>>, vector<16xf32>,
        %max3A_2663 = arith.maximumf %max3A_2599, %get3A_2662 : vector<16xf32>
        %add3A_2664 = arith.constant 3 : i32
        %add3A_2665 = arith.addi %mul3A_2431, %add3A_2664 : i32
        %get3A_2666 = arith.constant 3 : i32
        %get3A_2667 = arith.index_cast %get3A_2666 : i32 to index
        %get3A_2668 = arith.index_cast %add3A_2665 : i32 to index
        %get3A_2669 = arith.constant 80 : index
        %get3A_2670 = tpu.vector_load %arg5[%get3A_2667, %get3A_2668, %get3A_2669] {strides = array<i32>} : memref<4x128x128xf32, #tpu.memory_space<vmem>>, vector<16xf32>,
        %max3A_2671 = arith.maximumf %max3A_2607, %get3A_2670 : vector<16xf32>
        %add3A_2672 = arith.constant 3 : i32
        %add3A_2673 = arith.addi %mul3A_2431, %add3A_2672 : i32
        %get3A_2674 = arith.constant 3 : i32
        %get3A_2675 = arith.index_cast %get3A_2674 : i32 to index
        %get3A_2676 = arith.index_cast %add3A_2673 : i32 to index
        %get3A_2677 = arith.constant 96 : index
        %get3A_2678 = tpu.vector_load %arg5[%get3A_2675, %get3A_2676, %get3A_2677] {strides = array<i32>} : memref<4x128x128xf32, #tpu.memory_space<vmem>>, vector<16xf32>,
        %max3A_2679 = arith.maximumf %max3A_2615, %get3A_2678 : vector<16xf32>
        %add3A_2680 = arith.constant 3 : i32
        %add3A_2681 = arith.addi %mul3A_2431, %add3A_2680 : i32
        %get3A_2682 = arith.constant 3 : i32
        %get3A_2683 = arith.index_cast %get3A_2682 : i32 to index
        %get3A_2684 = arith.index_cast %add3A_2681 : i32 to index
        %get3A_2685 = arith.constant 112 : index
        %get3A_2686 = tpu.vector_load %arg5[%get3A_2683, %get3A_2684, %get3A_2685] {strides = array<i32>} : memref<4x128x128xf32, #tpu.memory_space<vmem>>, vector<16xf32>,
        %max3A_2687 = arith.maximumf %max3A_2623, %get3A_2686 : vector<16xf32>
        scf.yield %max3A_2631, %max3A_2639, %max3A_2647, %max3A_2655, %max3A_2663, %max3A_2671, %max3A_2679, %max3A_2687 : vector<16xf32>, vector<16xf32>, vector<16xf32>, vector<16xf32>, vector<16xf32>, vector<16xf32>, vector<16xf32>, vector<16xf32>
      }
      %scan3A_2308 = arith.constant 26 : i32
      %sub3A_2309 = arith.constant 8.000000e-01 : f32
      %sub3A_2310 = vector.broadcast %sub3A_2309 : f32 to vector<16xf32>
      %sub3A_2311 = arith.subf %sub3A_2310, %select_n3A_2089 : vector<16xf32>
      %max3A_2312 = arith.constant 0.000000e+00 : f32
      %max3A_2313 = vector.broadcast %max3A_2312 : f32 to vector<16xf32>
      %max3A_2314 = arith.maximumf %sub3A_2311, %max3A_2313 : vector<16xf32>
      %add3A_2315 = arith.constant 3.000000e-01 : f32
      %add3A_2316 = vector.broadcast %add3A_2315 : f32 to vector<16xf32>
      %add3A_2317 = arith.addf %add3A_2316, %scan3A_2307#0 : vector<16xf32>
      %max3A_2318 = arith.constant 0.000000e+00 : f32
      %max3A_2319 = vector.broadcast %max3A_2318 : f32 to vector<16xf32>
      %max3A_2320 = arith.maximumf %add3A_2317, %max3A_2319 : vector<16xf32>
      %add3A_2321 = arith.addf %max3A_2314, %max3A_2320 : vector<16xf32>
      %add3A_2322 = arith.addf %scan3A_60, %add3A_2321 : vector<16xf32>
      %sub3A_2323 = arith.constant 8.000000e-01 : f32
      %sub3A_2324 = vector.broadcast %sub3A_2323 : f32 to vector<16xf32>
      %sub3A_2325 = arith.subf %sub3A_2324, %select_n3A_2119 : vector<16xf32>
      %max3A_2326 = arith.constant 0.000000e+00 : f32
      %max3A_2327 = vector.broadcast %max3A_2326 : f32 to vector<16xf32>
      %max3A_2328 = arith.maximumf %sub3A_2325, %max3A_2327 : vector<16xf32>
      %add3A_2329 = arith.constant 3.000000e-01 : f32
      %add3A_2330 = vector.broadcast %add3A_2329 : f32 to vector<16xf32>
      %add3A_2331 = arith.addf %add3A_2330, %scan3A_2307#1 : vector<16xf32>
      %max3A_2332 = arith.constant 0.000000e+00 : f32
      %max3A_2333 = vector.broadcast %max3A_2332 : f32 to vector<16xf32>
      %max3A_2334 = arith.maximumf %add3A_2331, %max3A_2333 : vector<16xf32>
      %add3A_2335 = arith.addf %max3A_2328, %max3A_2334 : vector<16xf32>
      %add3A_2336 = arith.addf %add3A_2322, %add3A_2335 : vector<16xf32>
      %sub3A_2337 = arith.constant 8.000000e-01 : f32
      %sub3A_2338 = vector.broadcast %sub3A_2337 : f32 to vector<16xf32>
      %sub3A_2339 = arith.subf %sub3A_2338, %select_n3A_2149 : vector<16xf32>
      %max3A_2340 = arith.constant 0.000000e+00 : f32
      %max3A_2341 = vector.broadcast %max3A_2340 : f32 to vector<16xf32>
      %max3A_2342 = arith.maximumf %sub3A_2339, %max3A_2341 : vector<16xf32>
      %add3A_2343 = arith.constant 3.000000e-01 : f32
      %add3A_2344 = vector.broadcast %add3A_2343 : f32 to vector<16xf32>
      %add3A_2345 = arith.addf %add3A_2344, %scan3A_2307#2 : vector<16xf32>
      %max3A_2346 = arith.constant 0.000000e+00 : f32
      %max3A_2347 = vector.broadcast %max3A_2346 : f32 to vector<16xf32>
      %max3A_2348 = arith.maximumf %add3A_2345, %max3A_2347 : vector<16xf32>
      %add3A_2349 = arith.addf %max3A_2342, %max3A_2348 : vector<16xf32>
      %add3A_2350 = arith.addf %add3A_2336, %add3A_2349 : vector<16xf32>
      %sub3A_2351 = arith.constant 8.000000e-01 : f32
      %sub3A_2352 = vector.broadcast %sub3A_2351 : f32 to vector<16xf32>
      %sub3A_2353 = arith.subf %sub3A_2352, %select_n3A_2179 : vector<16xf32>
      %max3A_2354 = arith.constant 0.000000e+00 : f32
      %max3A_2355 = vector.broadcast %max3A_2354 : f32 to vector<16xf32>
      %max3A_2356 = arith.maximumf %sub3A_2353, %max3A_2355 : vector<16xf32>
      %add3A_2357 = arith.constant 3.000000e-01 : f32
      %add3A_2358 = vector.broadcast %add3A_2357 : f32 to vector<16xf32>
      %add3A_2359 = arith.addf %add3A_2358, %scan3A_2307#3 : vector<16xf32>
      %max3A_2360 = arith.constant 0.000000e+00 : f32
      %max3A_2361 = vector.broadcast %max3A_2360 : f32 to vector<16xf32>
      %max3A_2362 = arith.maximumf %add3A_2359, %max3A_2361 : vector<16xf32>
      %add3A_2363 = arith.addf %max3A_2356, %max3A_2362 : vector<16xf32>
      %add3A_2364 = arith.addf %add3A_2350, %add3A_2363 : vector<16xf32>
      %sub3A_2365 = arith.constant 8.000000e-01 : f32
      %sub3A_2366 = vector.broadcast %sub3A_2365 : f32 to vector<16xf32>
      %sub3A_2367 = arith.subf %sub3A_2366, %select_n3A_2209 : vector<16xf32>
      %max3A_2368 = arith.constant 0.000000e+00 : f32
      %max3A_2369 = vector.broadcast %max3A_2368 : f32 to vector<16xf32>
      %max3A_2370 = arith.maximumf %sub3A_2367, %max3A_2369 : vector<16xf32>
      %add3A_2371 = arith.constant 3.000000e-01 : f32
      %add3A_2372 = vector.broadcast %add3A_2371 : f32 to vector<16xf32>
      %add3A_2373 = arith.addf %add3A_2372, %scan3A_2307#4 : vector<16xf32>
      %max3A_2374 = arith.constant 0.000000e+00 : f32
      %max3A_2375 = vector.broadcast %max3A_2374 : f32 to vector<16xf32>
      %max3A_2376 = arith.maximumf %add3A_2373, %max3A_2375 : vector<16xf32>
      %add3A_2377 = arith.addf %max3A_2370, %max3A_2376 : vector<16xf32>
      %add3A_2378 = arith.addf %add3A_2364, %add3A_2377 : vector<16xf32>
      %sub3A_2379 = arith.constant 8.000000e-01 : f32
      %sub3A_2380 = vector.broadcast %sub3A_2379 : f32 to vector<16xf32>
      %sub3A_2381 = arith.subf %sub3A_2380, %select_n3A_2239 : vector<16xf32>
      %max3A_2382 = arith.constant 0.000000e+00 : f32
      %max3A_2383 = vector.broadcast %max3A_2382 : f32 to vector<16xf32>
      %max3A_2384 = arith.maximumf %sub3A_2381, %max3A_2383 : vector<16xf32>
      %add3A_2385 = arith.constant 3.000000e-01 : f32
      %add3A_2386 = vector.broadcast %add3A_2385 : f32 to vector<16xf32>
      %add3A_2387 = arith.addf %add3A_2386, %scan3A_2307#5 : vector<16xf32>
      %max3A_2388 = arith.constant 0.000000e+00 : f32
      %max3A_2389 = vector.broadcast %max3A_2388 : f32 to vector<16xf32>
      %max3A_2390 = arith.maximumf %add3A_2387, %max3A_2389 : vector<16xf32>
      %add3A_2391 = arith.addf %max3A_2384, %max3A_2390 : vector<16xf32>
      %add3A_2392 = arith.addf %add3A_2378, %add3A_2391 : vector<16xf32>
      %sub3A_2393 = arith.constant 8.000000e-01 : f32
      %sub3A_2394 = vector.broadcast %sub3A_2393 : f32 to vector<16xf32>
      %sub3A_2395 = arith.subf %sub3A_2394, %select_n3A_2269 : vector<16xf32>
      %max3A_2396 = arith.constant 0.000000e+00 : f32
      %max3A_2397 = vector.broadcast %max3A_2396 : f32 to vector<16xf32>
      %max3A_2398 = arith.maximumf %sub3A_2395, %max3A_2397 : vector<16xf32>
      %add3A_2399 = arith.constant 3.000000e-01 : f32
      %add3A_2400 = vector.broadcast %add3A_2399 : f32 to vector<16xf32>
      %add3A_2401 = arith.addf %add3A_2400, %scan3A_2307#6 : vector<16xf32>
      %max3A_2402 = arith.constant 0.000000e+00 : f32
      %max3A_2403 = vector.broadcast %max3A_2402 : f32 to vector<16xf32>
      %max3A_2404 = arith.maximumf %add3A_2401, %max3A_2403 : vector<16xf32>
      %add3A_2405 = arith.addf %max3A_2398, %max3A_2404 : vector<16xf32>
      %add3A_2406 = arith.addf %add3A_2392, %add3A_2405 : vector<16xf32>
      %sub3A_2407 = arith.constant 8.000000e-01 : f32
      %sub3A_2408 = vector.broadcast %sub3A_2407 : f32 to vector<16xf32>
      %sub3A_2409 = arith.subf %sub3A_2408, %select_n3A_2299 : vector<16xf32>
      %max3A_2410 = arith.constant 0.000000e+00 : f32
      %max3A_2411 = vector.broadcast %max3A_2410 : f32 to vector<16xf32>
      %max3A_2412 = arith.maximumf %sub3A_2409, %max3A_2411 : vector<16xf32>
      %add3A_2413 = arith.constant 3.000000e-01 : f32
      %add3A_2414 = vector.broadcast %add3A_2413 : f32 to vector<16xf32>
      %add3A_2415 = arith.addf %add3A_2414, %scan3A_2307#7 : vector<16xf32>
      %max3A_2416 = arith.constant 0.000000e+00 : f32
      %max3A_2417 = vector.broadcast %max3A_2416 : f32 to vector<16xf32>
      %max3A_2418 = arith.maximumf %add3A_2415, %max3A_2417 : vector<16xf32>
      %add3A_2419 = arith.addf %max3A_2412, %max3A_2418 : vector<16xf32>
      %add3A_2420 = arith.addf %add3A_2406, %add3A_2419 : vector<16xf32>
      scf.yield %add3A_2420 : vector<16xf32>
    }
    %scan3A_54 = arith.constant 2 : i32
    %mul3A_55 = arith.constant 6.10351563E-5 : f32
    %mul3A_56 = vector.broadcast %mul3A_55 : f32 to vector<16xf32>
    %mul3A_57 = arith.mulf %scan3A_53, %mul3A_56 : vector<16xf32>
    %swap3A = arith.constant 0 : index
    %swap3A_58 = tpu.vector_load %arg7[%swap3A] {strides = array<i32>} : memref<16xf32, #tpu.memory_space<vmem>>, vector<16xf32>,
    tpu.vector_store %arg7[%swap3A], %mul3A_57 {strides = array<i32>} : memref<16xf32, #tpu.memory_space<vmem>>, vector<16xf32>,
    "tpu.region"() ({
      %run_scoped3A = tpu.sem_alloc : memref<!tpu.dma_semaphore, #tpu.memory_space<semaphore_mem>>
      %dma_start3A_59 = arith.constant 0 : i32
      %dma_start3A_60 = tpu.memref_slice %arg4[%add3A, %dma_start3A_59] : memref<32x16xf32, #tpu.memory_space<hbm>> -> memref<1x16xf32, #tpu.memory_space<hbm>>
      %dma_start3A_61 = tpu.memref_squeeze %dma_start3A_60 : memref<1x16xf32, #tpu.memory_space<hbm>> -> memref<16xf32, #tpu.memory_space<hbm>>
      %dma_start3A_62 = arith.constant 0 : i32
      %dma_start3A_63 = tpu.memref_slice %arg4[%add3A, %dma_start3A_62] : memref<32x16xf32, #tpu.memory_space<hbm>> -> memref<1x16xf32, #tpu.memory_space<hbm>>
      %dma_start3A_64 = tpu.memref_squeeze %dma_start3A_63 : memref<1x16xf32, #tpu.memory_space<hbm>> -> memref<16xf32, #tpu.memory_space<hbm>>
      tpu.enqueue_dma source(%arg7 : memref<16xf32, #tpu.memory_space<vmem>>) target(%dma_start3A_64 : memref<16xf32, #tpu.memory_space<hbm>>) target_semaphore(%run_scoped3A : memref<!tpu.dma_semaphore, #tpu.memory_space<semaphore_mem>>)
      %dma_wait3A = arith.constant 0 : i32
      %dma_wait3A_65 = tpu.memref_slice %arg4[%add3A, %dma_wait3A] : memref<32x16xf32, #tpu.memory_space<hbm>> -> memref<1x16xf32, #tpu.memory_space<hbm>>
      %dma_wait3A_66 = tpu.memref_squeeze %dma_wait3A_65 : memref<1x16xf32, #tpu.memory_space<hbm>> -> memref<16xf32, #tpu.memory_space<hbm>>
      %dma_wait3A_67 = arith.constant 0 : i32
      %dma_wait3A_68 = tpu.memref_slice %arg4[%add3A, %dma_wait3A_67] : memref<32x16xf32, #tpu.memory_space<hbm>> -> memref<1x16xf32, #tpu.memory_space<hbm>>
      %dma_wait3A_69 = tpu.memref_squeeze %dma_wait3A_68 : memref<1x16xf32, #tpu.memory_space<hbm>> -> memref<16xf32, #tpu.memory_space<hbm>>
      tpu.wait_dma2 semaphore(%run_scoped3A : memref<!tpu.dma_semaphore, #tpu.memory_space<semaphore_mem>>) src(%arg7 : memref<16xf32, #tpu.memory_space<vmem>>) dst(%dma_wait3A_69 : memref<16xf32, #tpu.memory_space<hbm>>)
      tpu.yield
    }) : () -> ()
    return
  }
}

module attributes {stable_mosaic.version = 14 : i64} {
  func.func @_tc_body(%arg0: i32, %arg1: memref<1x1x1024xi32, #tpu.memory_space<vmem>>, %arg2: memref<1000x1024xf32, #tpu.memory_space<vmem>>, %arg3: memref<1x1xf32, #tpu.memory_space<vmem>>) attributes {dimension_semantics = [#tpu.dimension_semantics<arbitrary>], iteration_bounds = array<i64: 8>, scalar_prefetch = 0 : i64, scratch_operands = 0 : i64, tpu.core_type = #tpu.core_type<tc>, window_params = [{transform_indices = @transform_0, window_bounds = array<i64: 1, 1, 1024>}, {transform_indices = @transform_1, window_bounds = array<i64: 1000, 1024>}, {pipeline_mode = #tpu.pipeline_mode<synchronous>, transform_indices = @transform_2, window_bounds = array<i64: 1, 1>}]} {
    %get3A = arith.constant 0 : index
    %get3A_0 = arith.constant 0 : index
    %get3A_1 = arith.constant 0 : index
    %get3A_2 = vector.load %arg1[%get3A, %get3A_0, %get3A_1] : memref<1x1x1024xi32, #tpu.memory_space<vmem>>, vector<1x1x1024xi32>
    %get3A_3 = vector.shape_cast %get3A_2 : vector<1x1x1024xi32> to vector<1024xi32>
    %get3A_4 = arith.constant 0 : index
    %get3A_5 = arith.constant 0 : index
    %get3A_6 = vector.load %arg2[%get3A_4, %get3A_5] : memref<1000x1024xf32, #tpu.memory_space<vmem>>, vector<1000x1024xf32>
    %iota3A = tpu.iota {dimensions = array<i32: 0>} : vector<1000x1024xi32>
    %broadcast_in_dim3A = vector.shape_cast %get3A_3 : vector<1024xi32> to vector<1x1024xi32>
    %eq3A = vector.broadcast %broadcast_in_dim3A : vector<1x1024xi32> to vector<1000x1024xi32>
    %eq3A_7 = arith.cmpi eq, %iota3A, %eq3A : vector<1000x1024xi32>
    %jit3A = arith.constant -1.000000e+10 : f32
    %broadcast_in_dim3A_8 = vector.broadcast %jit3A : f32 to vector<1000x1024xf32>
    %select_n3A = arith.select %eq3A_7, %get3A_6, %broadcast_in_dim3A_8 : vector<1000x1024xi1>, vector<1000x1024xf32>
    %reduce_max3A = arith.constant dense<0xFF800000> : vector<1024xf32>
    %reduce_max3A_9 = vector.multi_reduction <maximumf>, %select_n3A, %reduce_max3A [0] : vector<1000x1024xf32> to vector<1024xf32>
    %jit3A_10 = arith.constant -1.000000e+10 : f32
    %broadcast_in_dim3A_11 = vector.broadcast %jit3A_10 : f32 to vector<1000x1024xf32>
    %select_n3A_12 = arith.select %eq3A_7, %broadcast_in_dim3A_11, %get3A_6 : vector<1000x1024xi1>, vector<1000x1024xf32>
    %reduce_max3A_13 = arith.constant dense<0xFF800000> : vector<1024xf32>
    %reduce_max3A_14 = vector.multi_reduction <maximumf>, %select_n3A_12, %reduce_max3A_13 [0] : vector<1000x1024xf32> to vector<1024xf32>
    %sub3A = arith.constant 8.000000e-01 : f32
    %sub3A_15 = vector.broadcast %sub3A : f32 to vector<1024xf32>
    %sub3A_16 = arith.subf %sub3A_15, %reduce_max3A_9 : vector<1024xf32>
    %max3A = arith.constant 0.000000e+00 : f32
    %max3A_17 = vector.broadcast %max3A : f32 to vector<1024xf32>
    %max3A_18 = arith.maximumf %sub3A_16, %max3A_17 : vector<1024xf32>
    %add3A = arith.constant 3.000000e-01 : f32
    %add3A_19 = vector.broadcast %add3A : f32 to vector<1024xf32>
    %add3A_20 = arith.addf %add3A_19, %reduce_max3A_14 : vector<1024xf32>
    %max3A_21 = arith.constant 0.000000e+00 : f32
    %max3A_22 = vector.broadcast %max3A_21 : f32 to vector<1024xf32>
    %max3A_23 = arith.maximumf %add3A_20, %max3A_22 : vector<1024xf32>
    %add3A_24 = arith.addf %max3A_18, %max3A_23 : vector<1024xf32>
    %reduce_sum3A = vector.shape_cast %add3A_24 : vector<1024xf32> to vector<1x1024xf32>
    %reduce_sum3A_25 = arith.constant dense<0.000000e+00> : vector<1xf32>
    %reduce_sum3A_26 = vector.multi_reduction <add>, %reduce_sum3A, %reduce_sum3A_25 [1] : vector<1x1024xf32> to vector<1xf32>
    %reduce_sum3A_27 = vector.shape_cast %reduce_sum3A_26 : vector<1xf32> to vector<1x1xf32>
    %reduce_sum3A_28 = vector.extract %reduce_sum3A_27[0, 0] : f32 from vector<1x1xf32>
    %mul3A = arith.constant 6.10351563E-5 : f32
    %mul3A_29 = arith.mulf %reduce_sum3A_28, %mul3A : f32
    %reshape3A = vector.broadcast %mul3A_29 : f32 to vector<1x1xf32>
    %eq3A_30 = arith.constant 0 : i32
    %eq3A_31 = arith.cmpi eq, %arg0, %eq3A_30 : i32
    %convert_element_type3A = arith.extui %eq3A_31 : i1 to i32
    %cond3A = arith.constant 0 : i32
    %cond3A_32 = arith.cmpi ne, %convert_element_type3A, %cond3A : i32
    scf.if %cond3A_32 {
      %broadcast_in_dim3A_39 = arith.constant 0.000000e+00 : f32
      %broadcast_in_dim3A_40 = vector.broadcast %broadcast_in_dim3A_39 : f32 to vector<1x1xf32>
      %swap3A_41 = arith.constant 0 : index
      %swap3A_42 = arith.constant 0 : index
      %swap3A_43 = vector.load %arg3[%swap3A_41, %swap3A_42] : memref<1x1xf32, #tpu.memory_space<vmem>>, vector<1x1xf32>
      tpu.vector_store %arg3[%swap3A_41, %swap3A_42], %broadcast_in_dim3A_40 {strides = array<i32>} : memref<1x1xf32, #tpu.memory_space<vmem>>, vector<1x1xf32>,
    } else {
    }
    %get3A_33 = arith.constant 0 : index
    %get3A_34 = arith.constant 0 : index
    %get3A_35 = vector.load %arg3[%get3A_33, %get3A_34] : memref<1x1xf32, #tpu.memory_space<vmem>>, vector<1x1xf32>
    %add3A_36 = arith.addf %get3A_35, %reshape3A : vector<1x1xf32>
    %swap3A = arith.constant 0 : index
    %swap3A_37 = arith.constant 0 : index
    %swap3A_38 = vector.load %arg3[%swap3A, %swap3A_37] : memref<1x1xf32, #tpu.memory_space<vmem>>, vector<1x1xf32>
    tpu.vector_store %arg3[%swap3A, %swap3A_37], %add3A_36 {strides = array<i32>} : memref<1x1xf32, #tpu.memory_space<vmem>>, vector<1x1xf32>,
    return
  }
  func.func @transform_0(%arg0: i32) -> (i32, i32, i32) {
    %c0_i32 = arith.constant 0 : i32
    %c0_i32_0 = arith.constant 0 : i32
    %c0_i32_1 = arith.constant 0 : i32
    return %arg0, %c0_i32, %c0_i32_0 : i32, i32, i32
  }
  func.func @transform_1(%arg0: i32) -> (i32, i32) {
    %c0_i32 = arith.constant 0 : i32
    %c0_i32_0 = arith.constant 0 : i32
    return %c0_i32, %arg0 : i32, i32
  }
  func.func @transform_2(%arg0: i32) -> (i32, i32) {
    %c0_i32 = arith.constant 0 : i32
    %c0_i32_0 = arith.constant 0 : i32
    %c0_i32_1 = arith.constant 0 : i32
    return %c0_i32, %c0_i32_0 : i32, i32
  }
}

</mosaic_0001>

<sc_bundles>
// kernel: kernel.4.cloned.1.call-start
scs
__scs_entry_jumppad:
0x0: {  	(pc) =	sbr.rel $0x88, $3  }
0x1: {  	(tag) =	ssettag $0x0;
	lr =	simm.s32 $0x1  }
0x2: {  	[smem:$0x3F9F] =	sst lr;
	_ =	strace $0xD0000000  }
0x3: {  	_ = 	snop  }
0x4: {  	_ = 	snop  }
0x5: {  	_ = 	snop  }
0x6: {  	_ = 	snop  }
0x7: {  	_ = 	snop  }
__scs_overlays_trampoline_lowered:
0x8: {  	[smem:$0x3FAE] =	sst s0  }
0x9: {  	[smem:$0x3FAF] =	sst s1  }
0xa: {  	[smem:$0x3FB0] =	sst s2  }
0xb: {  	[smem:$0x3FB1] =	sst s3  }
0xc: {  	[smem:$0x3FB2] =	sst s4  }
0xd: {  	[smem:$0x3FB3] =	sst s5  }
0xe: {  	[smem:$0x3FB4] =	sst s6  }
0xf: {  	[smem:$0x3FB5] =	sst s7  }
0x10: {  	[smem:$0x3FB6] =	sst s8  }
0x11: {  	[smem:$0x3FB7] =	sst s9;
	s0 =	simm.s32 @!p0 $0x0  }
0x12: {  	s1 =	sld [smem:$0x3F9D];
	s0 =	simm.s32 @p0 $0x1  }
0x13: {  	[smem:$0x3FB8] =	sst s0;
	s0 =	simm.s32 @!p1 $0x0  }
0x14: {  	s2 =	sld [smem:$0x3F9C];
	s0 =	simm.s32 @p1 $0x1  }
0x15: {  	[smem:$0x3FB9] =	sst s0;
	s0 =	simm.s32 @!p2 $0x0  }
0x16: {  	s3 =	sld [smem:$0x3FDB];
	s0 =	simm.s32 @p2 $0x1  }
0x17: {  	s4 =	simm.s32 $0x1BF5;
	[smem:$0x3FBB] =	sst s0  }
0x18: {  	s0 =	sld [smem:$0x3F9E];
	_ =	swait.ge [sflag:s4], $0x0  }
0x19: {  	s7 =	sld [smem:$0x3F9F]  }
0x1a: {  	s8 =	sadd.s32 $0xFFFFE003, lr  }
0x1b: {  	s9 =	sadd.s32 $0xFFFFFEF7, lr;
	s5 =	simm.s32 $0xFFFFFFFF;
	p2 =	slt.u32 s8, $0xFFFFF086  }
0x1c: {  	p1 =	slt.u32 s9, $0xF7A;
	s5 =	simm.s32 @!p2 $0x0  }
0x1d: {  	s5 =	simm.s32 @p1 $0x1;
	p0 =	seq.s32 s7, s2  }
0x1e: {  	s7 =	smul.u32 @!p0 $0xF7A, s2;
	p2 =	seq.s32 @!p0 s5, $0x0  }
0x1f: {  	s9 =	smul.u32 $0xF7A, s1;
	s8 =	simm.s32 @!p0 $0x1BF5;
	p2 =	por !p2, p0  }
0x20: {  	[sflag:s8] =	ssyncset.s32 @!p0 $0xFFFFF086;
	s6 =	sadd.s32 @!p0 s3, s7;
	s7 =	simm.s32 @!p0 $0x108  }
0x21: {  	s3 =	sadd.s32 s3, s9;
	s6 =	sadd.s32 @!p0 $0x88, s6;
	s7 =	simm.s32 @p2 $0x1082  }
0x22: {  	[simem:s7], [sflag:s8] =	dma.local @!p0 [hbm:s6], $0xF7A  }
0x23: {  	s9 =	sor.u32 $0xD0000000, s2;
	s6 =	simm.s32 $0x108;
	_ =	swait.ge @!p0 [sflag:s8], $0x0  }
0x24: {  	s3 =	sadd.s32 $0x88, s3;
	s6 =	simm.s32 @!p1 $0x1082;
	[sflag:s4] =	ssyncset.s32 $0xFFFFF086  }
0x25: {  	[simem:s6], [sflag:s4] =	dma.local [hbm:s3], $0xF7A  }
0x26: {  	[smem:$0x3F9F] =	sst s1;
	(tag) =	ssettag s2;
	_ =	strace s9  }
0x27: {  	s1 =	sld [smem:$0x3FAF]  }
0x28: {  	s2 =	sld [smem:$0x3FB0]  }
0x29: {  	s4 =	sld [smem:$0x3FB2]  }
0x2a: {  	p0 =	seq.s32 s5, $0x0;
	s5 =	sld [smem:$0x3FB3]  }
0x2b: {  	s6 =	sld [smem:$0x3FB4]  }
0x2c: {  	s7 =	sld [smem:$0x3FB5]  }
0x2d: {  	s3 =	simm.s32 $0x108;
	s8 =	sld [smem:$0x3FB6]  }
0x2e: {  	s3 =	simm.s32 @!p0 $0x1082;
	s9 =	sld [smem:$0x3FB7]  }
0x2f: {  	lr =	sadd.s32 s0, s3;
	s0 =	sld [smem:$0x3FAE]  }
0x30: {  	s3 =	sld [smem:$0x3FB1]  }
0x31: {  	[smem:$0x3FBA] =	sst s10  }
0x32: {  	s10 =	sld [smem:$0x3FB8];
	_ =	sdelay $0x3  }
0x33: {  	p0 =	seq.s32 s10, $0x1;
	s10 =	sld [smem:$0x3FBA];
	_ =	sdelay $0x3  }
0x34: {  	[smem:$0x3FBA] =	sst s10  }
0x35: {  	s10 =	sld [smem:$0x3FB9];
	_ =	sdelay $0x3  }
0x36: {  	p1 =	seq.s32 s10, $0x1;
	s10 =	sld [smem:$0x3FBA];
	_ =	sdelay $0x3  }
0x37: {  	[smem:$0x3FBA] =	sst s10  }
0x38: {  	s10 =	sld [smem:$0x3FBB]  }
0x39: {  	_ = 	snop;
	(pc) =	sbr.ind lr, $3  }
0x3a: {  	_ = 	snop  }
0x3b: {  	_ = 	snop  }
0x3c: {  	p2 =	seq.s32 s10, $0x1;
	s10 =	sld [smem:$0x3FBA]  }
0x3d: {  	_ =	shalt  }
0x3e: {  	_ =	shalt  }
0x3f: {  	_ =	shalt  }
0x40: {  	_ =	shalt  }
0x41: {  	_ =	shalt  }
0x42: {  	_ =	shalt  }
0x43: {  	_ =	shalt  }
0x44: {  	_ =	shalt  }
0x45: {  	_ =	shalt  }
0x46: {  	_ =	shalt  }
0x47: {  	_ =	shalt  }
0x48: {  	_ =	shalt  }
0x49: {  	_ =	shalt  }
0x4a: {  	_ =	shalt  }
0x4b: {  	_ =	shalt  }
0x4c: {  	_ =	shalt  }
0x4d: {  	_ =	shalt  }
0x4e: {  	_ =	shalt  }
0x4f: {  	_ =	shalt  }
0x50: {  	_ =	shalt  }
0x51: {  	_ =	shalt  }
0x52: {  	_ =	shalt  }
0x53: {  	_ =	shalt  }
0x54: {  	_ =	shalt  }
0x55: {  	_ =	shalt  }
0x56: {  	_ =	shalt  }
0x57: {  	_ =	shalt  }
0x58: {  	_ =	shalt  }
0x59: {  	_ =	shalt  }
0x5a: {  	_ =	shalt  }
0x5b: {  	_ =	shalt  }
0x5c: {  	_ =	shalt  }
0x5d: {  	_ =	shalt  }
0x5e: {  	_ =	shalt  }
0x5f: {  	_ =	shalt  }
0x60: {  	_ =	shalt  }
0x61: {  	_ =	shalt  }
0x62: {  	_ =	shalt  }
0x63: {  	_ =	shalt  }
0x64: {  	_ =	shalt  }
0x65: {  	_ =	shalt  }
0x66: {  	_ =	shalt  }
0x67: {  	_ =	shalt  }
0x68: {  	_ =	shalt  }
0x69: {  	_ =	shalt  }
0x6a: {  	_ =	shalt  }
0x6b: {  	_ =	shalt  }
0x6c: {  	_ =	shalt  }
0x6d: {  	_ =	shalt  }
0x6e: {  	_ =	shalt  }
0x6f: {  	_ =	shalt  }
0x70: {  	_ =	shalt  }
0x71: {  	_ =	shalt  }
0x72: {  	_ =	shalt  }
0x73: {  	_ =	shalt  }
0x74: {  	_ =	shalt  }
0x75: {  	_ =	shalt  }
0x76: {  	_ =	shalt  }
0x77: {  	_ =	shalt  }
0x78: {  	_ =	shalt  }
0x79: {  	_ =	shalt  }
0x7a: {  	_ =	shalt  }
0x7b: {  	_ =	shalt  }
0x7c: {  	_ =	shalt  }
0x7d: {  	_ =	shalt  }
0x7e: {  	_ =	shalt  }
0x7f: {  	_ =	shalt  }
0x80: {  	_ =	shalt  }
0x81: {  	_ =	shalt  }
0x82: {  	_ =	shalt  }
0x83: {  	_ =	shalt  }
0x84: {  	_ =	shalt  }
0x85: {  	_ =	shalt  }
0x86: {  	_ =	shalt  }
0x87: {  	_ =	shalt  }
.Lfunc_end0:
.L_simem_size_0:
called_computation_lowered:
.L_overlay_start_0:
0x88: {  	s2 =	sld [smem:$0x3FD9]  }
0x89: {  	s3 =	sld [smem:$0x3FFE];
	_ =	sdelay $0x1  }
0x8a: {  	s1 =	srdreg.scid  }
0x8b: {  	s0 =	sand.u32 $0x1, s1  }
0x8c: {  	s17 =	sshll.u32 s0, $0xA;
	s2 =	sadd.s32 s3, s2  }
0x8d: {  	s2 =	sadd.s32 s2, s17  }
0x8e: {  	[smem:$0x3FC6] =	sst s2  }
0x8f: {  	_ = 	snop  }
0x90: {  	s2 =	sld [smem:$0x3FC9]  }
0x91: {  	s18 =	sld [smem:$0x3FC8];
	(tm) =	ssettm $0x1  }
0x92: {  	s4 =	sld [smem:$0x3FFB];
	_ =	sdelay $0x3  }
0x93: {  	_ =	strace s4  }
0x94: {  	s4 =	sld [smem:$0x3FFC];
	_ =	sdelay $0x3  }
0x95: {  	_ =	strace s4  }
0x96: {  	s4 =	sld [smem:$0x3FFD];
	_ =	sdelay $0x3  }
0x97: {  	_ =	strace s4  }
0x98: {  	_ =	strace $0x8FFFFFFF  }
0x99: {  	s19 =	sld [smem:$0x3FDB];
	_ =	sdelay $0x1  }
0x9a: {  	s5 =	simm.s32 $_scs_section_size  }
0x9b: {  	s6 =	simm.s32 $_size__tile_overlayer_lowered;
	s7 =	simm.s32 $_tile_overlayer_lowered  }
0x9c: {  	s22 =	simm.s32 $0x1BFF;
	s21 =	sshll.u32 s7, $0x1;
	s4 =	sadd.s32 s5, s19  }
0x9d: {  	s8 =	simm.s32 $0x0;
	s20 =	sshll.u32 s6, $0x1;
	s6 =	sadd.s32 s21, s4  }
0x9e: {  	[timem:s8], [sflag:s22] =	dma.local [hbm:s6], s20  }
0x9f: {  	_ =	swait.ge [sflag:s22], s20  }
0xa0: {  	s5 =	ssub.s32 $0x0, s20;
	[sflag:s22] =	ssyncset.done $0x0  }
0xa1: {  	[sflag:s22] =	ssyncadd.s32 s5;
	_ =	sdelay $0x1  }
0xa2: {  	s23 =	simm.s32 $0x1B8B  }
0xa3: {  	_ =	swait.ge [sflag:s23], $0x1  }
0xa4: {  	[sflag:s23] =	ssyncset.done $0x0  }
0xa5: {  	s25 =	simm.s32 $0x1B8E;
	s24 =	sld [smem:$0x3FFE];
	[sflag:s23] =	ssyncadd.s32 $0xFFFFFFFF  }
0xa6: {  	s26 =	simm.s32 $execute0_lowered;
	[smem:$0x3FD2] =	sst s25  }
0xa7: {  	s6 =	sshll.u32 s26, $0x1;
	_ =	strace $0x80000046;
	[dreg:$0x1] =	wrdreg $0xFFFFFFFF  }
0xa8: {  	s28 =	simm.s32 $_size_execute0_lowered;
	s4 =	sadd.s32 s4, s6;
	[dreg:$0x0] =	wrdreg $0x0  }
0xa9: {  	s6 =	sshll.u32 s28, $0x1;
	[dreg:$0x2] =	wrdreg s4  }
0xaa: {  	[dreg:$0x3] =	wrdreg s6  }
0xab: {  	[dreg:$0x4] =	wrdreg $0xC0  }
0xac: {  	_ =	task [dreg:s8], $0x5FFFF  }
0xad: {  	[dreg:$0x1] =	wrdreg $0xFFFFFFFF  }
0xae: {  	[dreg:$0x0] =	wrdreg $0x60  }
0xaf: {  	[dreg:$0x2] =	wrdreg s2  }
0xb0: {  	[dreg:$0x3] =	wrdreg s18  }
0xb1: {  	[dreg:$0x4] =	wrdreg s24  }
0xb2: {  	[dreg:$0x5] =	wrdreg $0x9  }
0xb3: {  	_ =	task.clear_ibuf [dreg:s8], $0x6FFFF;
	_ =	strace $0x90000046  }
0xb4: {  	s29 =	simm.s32 $0x9;
	_ =	strace $0x80000048  }
0xb5: {  	_ =	swait.ge [sflag:s29], $0x1  }
0xb6: {  	[sflag:s29] =	ssyncadd.s32 $0xFFFFFFFF  }
0xb7: {  	_ =	strace $0x90000048  }
0xb8: {  	_ =	sfence  }
0xb9: {  	s30 =	sld [smem:$0x0];
	_ =	sdelay $0x2  }
0xba: {  	s31 =	sshll.u32 s1, $0xD;
	s1 =	sshrl.u32 s1, $0x2  }
0xbb: {  	s3 =	sand.u32 $0x4000, s31;
	s1 =	sadd.s32 s1, s30  }
0xbc: {  	s0 =	sor.u32 s3, s0;
	s1 =	sshll.u32 s1, $0x11  }
0xbd: {  	s0 =	sor.u32 s1, s0  }
0xbe: {  	s0 =	sadd.s32 $0x8F2B, s0  }
0xbf: {  	[sflag:s0] =	ssyncadd.remote.s32 $0x1  }
0xc0: {  	_ =	sfence.sel $0xFFFF  }
0xc1: {  	[dreg:$0x0] =	wrdreg $0xFFFFFFFF;
	(pc) =	sbr.abs _section_cstart, $3  }
0xc2: {  	[dreg:$0x1] =	wrdreg $0xFFFFFFFF  }
0xc3: {  	_ =	task.clear_ibuf [dreg:s8], $0x2FFFF;
	_ =	strace $0x9FFFFFFF  }
0xc4: {  	(tm) =	ssettm $0x7FFFFFFF  }
0xc5: {  	_ =	shalt  }
tec
execute0_lowered:
.L_overlay_start_1:
0x0: {  	(tag) =	ssettag $0x1  }
0x1: {  	s0 =	rddreg [dreg:$0x0]  }
0x2: {  	s1 =	rddreg [dreg:$0x1];
	s2 =	simm.s32 $0x0;
	v19 =	vlaneseq.u32  }
0x3: {  	[smem:$0x7FF] =	sst s2;
	v0 =	vor.u32 $0x4000, v19  }
0x4: {  	s3 =	rddreg [dreg:$0x2];
	s4 =	srdreg.scid;
	v51 =	vor.u32 $0x4010, v19;
	_ =	strace $0x80000047;
	[tilespmem:$0x1FF10] =	vst v0  }
0x5: {  	s7 =	stileid.u32;
	s19 =	simm.s32 $0x5;
	s20 =	simm.s32 $0x400;
	v52 =	vor.u32 $0x4020, v19;
	[tilespmem:$0x1FF20] =	vst v51  }
0x6: {  	s21 =	simm.s32 $0x20000;
	s28 =	simm.s32 $0x3;
	s29 =	simm.s32 $0x4;
	v53 =	vor.u32 $0x4030, v19;
	[tilespmem:$0x1FF30] =	vst v52  }
0x7: {  	s31 =	simm.s32 $0x0;
	s4 =	sand.u32 $0x1, s4;
	s6 =	sshll.u32 s7, $0x4;
	v54 =	vor.u32 $0x4040, v19;
	[tilespmem:$0x1FF40] =	vst v53  }
0x8: {  	s8 =	sadd.s32 $0xC0000, s0;
	s9 =	sadd.s32 $0x100000, s0;
	s10 =	sadd.s32 $0x140000, s0;
	v55 =	vor.u32 $0x4050, v19;
	[tilespmem:$0x1FF50] =	vst v54  }
0x9: {  	s11 =	sadd.s32 $0x180000, s0;
	v56 =	vor.u32 $0x4060, v19;
	s5 =	sshll.u32 s4, $0x4;
	s22 =	sand.u32 $0x70, s6;
	[tilespmem:$0x1FF60] =	vst v55  }
0xa: {  	v57 =	vor.u32 $0x4070, v19;
	s4 =	ssub.s32 $0x2, s4;
	[tilespmem:$0x1FF70] =	vst v56;
	s12 =	sor.u32 s7, s5;
	s16 =	sadd.s32 s22, s3  }
0xb: {  	v22 =	vor.u32 $0x10, v19;
	[tilespmem:$0x1FF80] =	vst v57;
	s24 =	sshrl.u32 s4, $0x1;
	s22 =	simm.s32 $0x4000;
	s23 =	sshll.u32 s12, $0x8  }
0xc: {  	v58 =	vor.u32 $0x20, v19;
	[tilespmem:$0x1FF90] =	vst v22;
	s17 =	ssub.s32 s4, s24;
	s26 =	sshll.u32 s12, $0x4;
	s12 =	sadd.s32 $0x1C0000, s0  }
0xd: {  	v59 =	vor.u32 $0x30, v19;
	[tilespmem:$0x1FFA0] =	vst v58;
	s24 =	simm.s32 $0x1;
	s3 =	sor.u32 $0x2000, s23;
	s15 =	sadd.s32 s23, s0  }
0xe: {  	v60 =	vor.u32 $0x40, v19;
	[tilespmem:$0x1FFB0] =	vst v59;
	s30 =	sand.u32 $0x180, s26;
	s17 =	smax.u32 s17, $0x1;
	s23 =	simm.s32 $0x8000  }
0xf: {  	v61 =	vor.u32 $0x50, v19;
	[tilespmem:$0x1FFC0] =	vst v60;
	s26 =	simm.s32 $0x2;
	s25 =	sshrl.u32 s3, $0x3;
	s5 =	sadd.s32 s0, s3  }
0x10: {  	v62 =	vor.u32 $0x60, v19;
	[tilespmem:$0x1FFD0] =	vst v61;
	s6 =	sadd.s32 $0x42000, s15;
	s7 =	sadd.s32 $0x82000, s15;
	s13 =	sadd.s32 $0x2080, s15  }
0x11: {  	v63 =	vor.u32 $0x70, v19;
	[tilespmem:$0x1FFE0] =	vst v62;
	s14 =	sadd.s32 $0x42080, s15;
	s15 =	sadd.s32 $0x82080, s15;
	s0 =	sadd.s32 s30, s16  }
0x12: {  	v9 =	vimm.f32 $-1.000000000e+10;
	[tilespmem:$0x1FFF0] =	vst v63;
	s4 =	sadd.s32 s1, s25;
	s16 =	sadd.s32 $0x200, s0;
	s25 =	simm.s32 $0xC000  }
.LBB2_1:
0x13: {  	s0 =	simm.s32 $0x10000  }
0x14: {  	[tilespmem:s0], [sflag:$0x5] =	stream.linear.gather [hbm4b:s4+s2], $0x100, $0x38;
	[tilespmem:$0x10180] =	vst v63  }
0x15: {  	_ =	swait.ge [sflag:s19], $0x100  }
0x16: {  	[sflag:s19] =	ssyncset.done $0x0  }
0x17: {  	[sflag:s19] =	ssyncadd.s32 $0xFFFFFF00  }
0x18: {  	[tilespmem:s2], [sflag:$0x1] =	stream.strided.gather [hbm4b:s5+s20], $0x4000, s21, s20, $0x38;
	[tilespmem:$0x10180] =	vst v63  }
0x19: {  	_ = 	snop  }
0x1a: {  	[tilespmem:s22], [sflag:$0x2] =	stream.strided.gather [hbm4b:s6+s20], $0x4000, s21, s20, $0x38;
	[tilespmem:$0x10180] =	vst v63  }
0x1b: {  	p1 =	por $0x1, $0x1;
	s0 =	simm.s32 $0x0  }
0x1c: {  	v0 =	vimm.f32 $0.0e+00;
	[tilespmem:s23], [sflag:$0x3] =	stream.strided.gather [hbm4b:s7+s20], $0x4000, s21, s20, $0x38;
	[tilespmem:$0x10180] =	vst v63  }
.LBB2_2:
0x1d: {  	[tilespmem:$0x1FE00] =	vst v0  }
0x1e: {  	s0 =	sshll.u32 s0, $0x7;
	_ =	swait.ge [sflag:s24], $0x4000  }
0x1f: {  	s1 =	sor.u32 s3, s0;
	[sflag:s24] =	ssyncset.done $0x0  }
0x20: {  	s0 =	sand.u32 $0x3FFFFF80, s0;
	s18 =	sadd.s32 s1, s8;
	[sflag:s24] =	ssyncadd.s32 $0xFFFFC000  }
0x21: {  	[tilespmem:s25], [sflag:$0x4] =	stream.strided.gather [hbm4b:s18+s20], $0x4000, s21, s20, $0x38;
	[tilespmem:$0x10180] =	vst v63  }
0x22: {  	v0 =	vld [tilespmem:s0+$0x10000];
	_ =	sdelay $0x4  }
0x23: {  	vm0 =	vgt.s32 v0, $0x0  }
0x24: {  	v1 =	vnsel vm0, $0x0, v0  }
0x25: {  	v1 =	vmin.u32 v1, $0x7F  }
0x26: {  	vm13 =	vlt.u32 v0, $0x80;
	v0 =	vshll.u32 v1, $0x7  }
0x27: {  	v0 =	vor.u32 v19, v0;
	_ =	sdelay $0x3  }
0x28: {  	s18 =	simm.s32 $0x0  }
0x29: {  	v1 =	vld.idx.msk [tilespmem:v0+s18+$0x0], vm13;
	_ =	sdelay $0x4  }
0x2a: {  	[tilespmem:$0x1FE10] =	vst v1;
	v1 =	vimm.f32 $-1.000000000e+10  }
0x2b: {  	[tilespmem:v0+s18+$0x0] =	vst.idx.msk vm13, v1  }
0x2c: {  	v0 =	vld [tilespmem:s0+$0x10010];
	_ =	sdelay $0x3  }
0x2d: {  	v2 =	vimm.s32 $0x0  }
0x2e: {  	v2 =	vsel vm13, $0xFFFFFFFF, v2;
	vm14 =	vgt.s32 v0, $0x0  }
0x2f: {  	[tilespmem:$0x1FE20] =	vst v2;
	v2 =	vnsel vm14, $0x0, v0  }
0x30: {  	v2 =	vmin.u32 v2, $0x7F  }
0x31: {  	vm15 =	vlt.u32 v0, $0x80;
	v0 =	vshll.u32 v2, $0x7  }
0x32: {  	v0 =	vor.u32 v22, v0;
	_ =	sdelay $0x4  }
0x33: {  	v2 =	vld.idx.msk [tilespmem:v0+s18+$0x0], vm15;
	[tilespmem:v0+s18+$0x0] =	vst.idx.msk vm15, v1  }
0x34: {  	v0 =	vld [tilespmem:s0+$0x10020];
	_ =	sdelay $0x3  }
0x35: {  	[tilespmem:$0x1FE30] =	vst v2;
	v2 =	vimm.s32 $0x0  }
0x36: {  	v2 =	vsel vm15, $0xFFFFFFFF, v2;
	vm4 =	vgt.s32 v0, $0x0  }
0x37: {  	[tilespmem:$0x1FE40] =	vst v2;
	v2 =	vnsel vm4, $0x0, v0  }
0x38: {  	v2 =	vmin.u32 v2, $0x7F  }
0x39: {  	vm5 =	vlt.u32 v0, $0x80;
	v0 =	vshll.u32 v2, $0x7  }
0x3a: {  	v0 =	vor.u32 v58, v0;
	_ =	sdelay $0x4  }
0x3b: {  	v2 =	vld.idx.msk [tilespmem:v0+s18+$0x0], vm5;
	[tilespmem:v0+s18+$0x0] =	vst.idx.msk vm5, v1  }
0x3c: {  	v0 =	vld [tilespmem:s0+$0x10030];
	_ =	sdelay $0x3  }
0x3d: {  	[tilespmem:$0x1FE50] =	vst v2;
	v2 =	vimm.s32 $0x0  }
0x3e: {  	v2 =	vsel vm5, $0xFFFFFFFF, v2;
	vm6 =	vgt.s32 v0, $0x0  }
0x3f: {  	[tilespmem:$0x1FE60] =	vst v2;
	v2 =	vnsel vm6, $0x0, v0  }
0x40: {  	v2 =	vmin.u32 v2, $0x7F  }
0x41: {  	vm7 =	vlt.u32 v0, $0x80;
	v0 =	vshll.u32 v2, $0x7  }
0x42: {  	v0 =	vor.u32 v59, v0;
	_ =	sdelay $0x4  }
0x43: {  	v2 =	vld.idx.msk [tilespmem:v0+s18+$0x0], vm7;
	[tilespmem:v0+s18+$0x0] =	vst.idx.msk vm7, v1  }
0x44: {  	v0 =	vld [tilespmem:s0+$0x10040];
	_ =	sdelay $0x3  }
0x45: {  	[tilespmem:$0x1FE70] =	vst v2;
	v2 =	vimm.s32 $0x0  }
0x46: {  	v2 =	vsel vm7, $0xFFFFFFFF, v2;
	vm8 =	vgt.s32 v0, $0x0  }
0x47: {  	[tilespmem:$0x1FE80] =	vst v2;
	v2 =	vnsel vm8, $0x0, v0  }
0x48: {  	v2 =	vmin.u32 v2, $0x7F  }
0x49: {  	vm9 =	vlt.u32 v0, $0x80;
	v0 =	vshll.u32 v2, $0x7  }
0x4a: {  	v0 =	vor.u32 v60, v0;
	_ =	sdelay $0x4  }
0x4b: {  	v2 =	vld.idx.msk [tilespmem:v0+s18+$0x0], vm9;
	[tilespmem:v0+s18+$0x0] =	vst.idx.msk vm9, v1  }
0x4c: {  	v0 =	vld [tilespmem:s0+$0x10050];
	_ =	sdelay $0x3  }
0x4d: {  	[tilespmem:$0x1FE90] =	vst v2;
	v2 =	vimm.s32 $0x0  }
0x4e: {  	v2 =	vsel vm9, $0xFFFFFFFF, v2;
	vm10 =	vgt.s32 v0, $0x0  }
0x4f: {  	[tilespmem:$0x1FEA0] =	vst v2;
	v2 =	vnsel vm10, $0x0, v0  }
0x50: {  	v2 =	vmin.u32 v2, $0x7F  }
0x51: {  	vm11 =	vlt.u32 v0, $0x80;
	v0 =	vshll.u32 v2, $0x7  }
0x52: {  	v0 =	vor.u32 v61, v0;
	_ =	sdelay $0x4  }
0x53: {  	v2 =	vld.idx.msk [tilespmem:v0+s18+$0x0], vm11;
	[tilespmem:v0+s18+$0x0] =	vst.idx.msk vm11, v1  }
0x54: {  	v0 =	vld [tilespmem:s0+$0x10060];
	_ =	sdelay $0x3  }
0x55: {  	[tilespmem:$0x1FEB0] =	vst v2;
	v2 =	vimm.s32 $0x0  }
0x56: {  	v2 =	vsel vm11, $0xFFFFFFFF, v2;
	vm12 =	vgt.s32 v0, $0x0  }
0x57: {  	[tilespmem:$0x1FEC0] =	vst v2;
	v2 =	vnsel vm12, $0x0, v0  }
0x58: {  	v2 =	vmin.u32 v2, $0x7F  }
0x59: {  	vm13 =	vlt.u32 v0, $0x80;
	v0 =	vshll.u32 v2, $0x7  }
0x5a: {  	v0 =	vor.u32 v62, v0;
	_ =	sdelay $0x4  }
0x5b: {  	v2 =	vld.idx.msk [tilespmem:v0+s18+$0x0], vm13;
	[tilespmem:v0+s18+$0x0] =	vst.idx.msk vm13, v1  }
0x5c: {  	v0 =	vld [tilespmem:s0+$0x10070];
	_ =	sdelay $0x3  }
0x5d: {  	[tilespmem:$0x1FED0] =	vst v2;
	v2 =	vimm.s32 $0x0  }
0x5e: {  	v2 =	vsel vm13, $0xFFFFFFFF, v2;
	vm14 =	vgt.s32 v0, $0x0  }
0x5f: {  	[tilespmem:$0x1FEE0] =	vst v2;
	v2 =	vnsel vm14, $0x0, v0  }
0x60: {  	v2 =	vmin.u32 v2, $0x7F  }
0x61: {  	vm15 =	vlt.u32 v0, $0x80;
	v0 =	vshll.u32 v2, $0x7  }
0x62: {  	v0 =	vor.u32 v63, v0;
	_ =	sdelay $0x4  }
0x63: {  	v2 =	vld.idx.msk [tilespmem:v0+s18+$0x0], vm15;
	[tilespmem:v0+s18+$0x0] =	vst.idx.msk vm15, v1;
	s18 =	simm.s32 $0x0  }
0x64: {  	v18 =	vld [tilespmem:s18+$0x180]  }
0x65: {  	v23 =	vld [tilespmem:s18+$0x190]  }
0x66: {  	v8 =	vld [tilespmem:s18+$0x1A0]  }
0x67: {  	v11 =	vld [tilespmem:s18+$0x1B0]  }
0x68: {  	v12 =	vld [tilespmem:s18+$0x1C0]  }
0x69: {  	v5 =	vld [tilespmem:s18+$0x1D0]  }
0x6a: {  	v3 =	vld [tilespmem:s18+$0x1E0]  }
0x6b: {  	v0 =	vld [tilespmem:s18+$0x100]  }
0x6c: {  	v29 =	vld [tilespmem:s18+$0x120]  }
0x6d: {  	v30 =	vld [tilespmem:s18+$0x130]  }
0x6e: {  	v31 =	vld [tilespmem:s18+$0x140]  }
0x6f: {  	v14 =	vld [tilespmem:s18+$0x150]  }
0x70: {  	v16 =	vld [tilespmem:s18+$0x160]  }
0x71: {  	v4 =	vld [tilespmem:s18+$0x80]  }
0x72: {  	v6 =	vld [tilespmem:s18+$0x90]  }
0x73: {  	v34 =	vld [tilespmem:s18+$0xA0]  }
0x74: {  	v38 =	vld [tilespmem:s18+$0xB0]  }
0x75: {  	v7 =	vld [tilespmem:s18+$0x0]  }
0x76: {  	v10 =	vld [tilespmem:s18+$0x10]  }
0x77: {  	v39 =	vld [tilespmem:s18+$0xC0]  }
0x78: {  	v32 =	vld [tilespmem:s18+$0xD0];
	[tilespmem:$0x1FEF0] =	vst v2;
	v2 =	vimm.s32 $0x0  }
0x79: {  	v42 =	vld [tilespmem:s18+$0x20];
	v2 =	vsel vm15, $0xFFFFFFFF, v2  }
0x7a: {  	[tilespmem:$0x1FF00] =	vst v2;
	v2 =	vld [tilespmem:s18+$0x110]  }
0x7b: {  	v43 =	vld [tilespmem:s18+$0x30]  }
0x7c: {  	v33 =	vimm.f32 $-1.000000000e+10;
	v26 =	vimm.f32 $-1.000000000e+10;
	v44 =	vld [tilespmem:s18+$0x40]  }
0x7d: {  	v27 =	vimm.f32 $-1.000000000e+10;
	v36 =	vld [tilespmem:s18+$0xE0];
	v7 =	vmax.f32 v1, v7;
	v10 =	vmax.f32 v1, v10  }
0x7e: {  	v28 =	vimm.f32 $-1.000000000e+10;
	v40 =	vld [tilespmem:s18+$0x50];
	v4 =	vmax.f32 v7, v4;
	v6 =	vmax.f32 v10, v6  }
0x7f: {  	p0 =	por p1, p1;
	s30 =	simm.s32 $0x800;
	v41 =	vld [tilespmem:s18+$0x60];
	v37 =	vmax.f32 v4, v0;
	v0 =	vimm.f32 $-1.000000000e+10;
	v49 =	vmax.f32 v6, v2  }
.LBB2_3:
0x80: {  	p1 =	sne.s32 s30, $0xF800;
	v2 =	vld [tilespmem:s18+$0x70];
	v4 =	vmax.f32 v37, v18;
	v6 =	vmax.f32 v49, v23  }
0x81: {  	v1 =	vmax.f32 v1, v42;
	v0 =	vmax.f32 v0, v43;
	v7 =	vmax.f32 v33, v44;
	v10 =	vld [tilespmem:s18+$0xF0]  }
0x82: {  	v1 =	vmax.f32 v1, v34;
	v0 =	vmax.f32 v0, v38;
	v7 =	vmax.f32 v7, v39;
	v13 =	vld [tilespmem:s18+$0x170]  }
0x83: {  	v1 =	vmax.f32 v1, v29;
	v0 =	vmax.f32 v0, v30;
	v7 =	vmax.f32 v7, v31;
	v15 =	vld [tilespmem:s18+$0x1F0];
	s18 =	sshra.s32 s30, $0x2  }
0x84: {  	v1 =	vmax.f32 v1, v8;
	v0 =	vmax.f32 v0, v11;
	v18 =	vld [tilespmem:s18+$0x180];
	v33 =	vmax.f32 v7, v12  }
0x85: {  	v7 =	vmax.f32 v26, v40;
	v11 =	vmax.f32 v27, v41;
	v23 =	vld [tilespmem:s18+$0x190];
	v2 =	vmax.f32 v28, v2  }
0x86: {  	v7 =	vmax.f32 v7, v32;
	v12 =	vmax.f32 v11, v36;
	v8 =	vld [tilespmem:s18+$0x1A0];
	v2 =	vmax.f32 v2, v10  }
0x87: {  	v7 =	vmax.f32 v7, v14;
	v10 =	vmax.f32 v12, v16;
	v11 =	vld [tilespmem:s18+$0x1B0];
	v2 =	vmax.f32 v2, v13  }
0x88: {  	v26 =	vmax.f32 v7, v5;
	v27 =	vmax.f32 v10, v3;
	v12 =	vld [tilespmem:s18+$0x1C0];
	v28 =	vmax.f32 v2, v15  }
0x89: {  	v5 =	vld [tilespmem:s18+$0x1D0]  }
0x8a: {  	v3 =	vld [tilespmem:s18+$0x1E0]  }
0x8b: {  	v2 =	vld [tilespmem:s18+$0x100]  }
0x8c: {  	v7 =	vld [tilespmem:s18+$0x110]  }
0x8d: {  	v29 =	vld [tilespmem:s18+$0x120]  }
0x8e: {  	v30 =	vld [tilespmem:s18+$0x130]  }
0x8f: {  	v31 =	vld [tilespmem:s18+$0x140]  }
0x90: {  	v14 =	vld [tilespmem:s18+$0x150]  }
0x91: {  	v16 =	vld [tilespmem:s18+$0x160]  }
0x92: {  	v10 =	vld [tilespmem:s18+$0x80]  }
0x93: {  	v13 =	vld [tilespmem:s18+$0x90]  }
0x94: {  	v34 =	vld [tilespmem:s18+$0xA0]  }
0x95: {  	v38 =	vld [tilespmem:s18+$0xB0]  }
0x96: {  	v39 =	vld [tilespmem:s18+$0xC0]  }
0x97: {  	v15 =	vld [tilespmem:s18+$0x0]  }
0x98: {  	v17 =	vld [tilespmem:s18+$0x10]  }
0x99: {  	v32 =	vld [tilespmem:s18+$0xD0]  }
0x9a: {  	v42 =	vld [tilespmem:s18+$0x20]  }
.Ltmp0:
0x9b: {  	v43 =	vld [tilespmem:s18+$0x30];
	(pc) =	sbr.rel @p1 .LBB2_3-.Ltmp0, $4  }
0x9c: {  	v44 =	vld [tilespmem:s18+$0x40]  }
0x9d: {  	v4 =	vmax.f32 v4, v15;
	v6 =	vmax.f32 v6, v17;
	v36 =	vld [tilespmem:s18+$0xE0]  }
0x9e: {  	v4 =	vmax.f32 v4, v10;
	v40 =	vld [tilespmem:s18+$0x50];
	v6 =	vmax.f32 v6, v13  }
0x9f: {  	s30 =	sadd.s32 $0x800, s30;
	v37 =	vmax.f32 v4, v2;
	v41 =	vld [tilespmem:s18+$0x60];
	v49 =	vmax.f32 v6, v7  }
0xa0: {  	v48 =	vld [tilespmem:s18+$0x70]  }
0xa1: {  	v47 =	vld [tilespmem:s18+$0xF0]  }
0xa2: {  	v46 =	vld [tilespmem:s18+$0x170]  }
0xa3: {  	v45 =	vld [tilespmem:s18+$0x1F0];
	_ =	swait.ge [sflag:s26], $0x4000  }
0xa4: {  	[sflag:s26] =	ssyncset.done $0x0  }
0xa5: {  	s30 =	sadd.s32 s1, s9;
	s18 =	simm.s32 $0x0;
	[sflag:s26] =	ssyncadd.s32 $0xFFFFC000  }
0xa6: {  	[tilespmem:s18], [sflag:$0x1] =	stream.strided.gather [hbm4b:s30+s20], $0x4000, s21, s20, $0x38;
	[tilespmem:$0x10180] =	vst v63  }
0xa7: {  	v2 =	vld [tilespmem:s0+$0x10000];
	_ =	sdelay $0x4  }
0xa8: {  	v4 =	vadd.s32 $0xFFFFFF80, v2  }
0xa9: {  	vm0 =	vgt.s32 v4, $0x0  }
0xaa: {  	v4 =	vnsel vm0, $0x0, v4  }
0xab: {  	v2 =	vand.u32 $0xFFFFFF80, v2;
	v4 =	vmin.u32 v4, $0x7F  }
0xac: {  	vm13 =	veq.s32 v2, $0x80;
	v2 =	vshll.u32 v4, $0x7;
	v4 =	vld [tilespmem:$0x1FF10];
	_ =	sdelay $0x4  }
0xad: {  	v2 =	vor.u32 v4, v2;
	_ =	sdelay $0x4  }
0xae: {  	v4 =	vld.idx.msk [tilespmem:v2+s18+$0x0], vm13  }
0xaf: {  	[tilespmem:v2+s18+$0x0] =	vst.idx.msk vm13, v9  }
0xb0: {  	v2 =	vld [tilespmem:s0+$0x10010];
	_ =	sdelay $0x2  }
0xb1: {  	[tilespmem:$0x1FD00] =	vst v4;
	v4 =	vimm.s32 $0x0  }
0xb2: {  	v4 =	vsel vm13, $0xFFFFFFFF, v4  }
0xb3: {  	[tilespmem:$0x1FD10] =	vst v4;
	v4 =	vadd.s32 $0xFFFFFF80, v2  }
0xb4: {  	vm14 =	vgt.s32 v4, $0x0  }
0xb5: {  	v4 =	vnsel vm14, $0x0, v4  }
0xb6: {  	v2 =	vand.u32 $0xFFFFFF80, v2;
	v4 =	vmin.u32 v4, $0x7F  }
0xb7: {  	vm15 =	veq.s32 v2, $0x80;
	v2 =	vshll.u32 v4, $0x7;
	v4 =	vld [tilespmem:$0x1FF20];
	_ =	sdelay $0x4  }
0xb8: {  	v2 =	vor.u32 v4, v2;
	_ =	sdelay $0x4  }
0xb9: {  	v4 =	vld.idx.msk [tilespmem:v2+s18+$0x0], vm15  }
0xba: {  	[tilespmem:v2+s18+$0x0] =	vst.idx.msk vm15, v9  }
0xbb: {  	v2 =	vld [tilespmem:s0+$0x10020];
	_ =	sdelay $0x2  }
0xbc: {  	[tilespmem:$0x1FD20] =	vst v4;
	v4 =	vimm.s32 $0x0  }
0xbd: {  	v4 =	vsel vm15, $0xFFFFFFFF, v4  }
0xbe: {  	[tilespmem:$0x1FD30] =	vst v4;
	v4 =	vadd.s32 $0xFFFFFF80, v2  }
0xbf: {  	vm4 =	vgt.s32 v4, $0x0  }
0xc0: {  	v4 =	vnsel vm4, $0x0, v4  }
0xc1: {  	v2 =	vand.u32 $0xFFFFFF80, v2;
	v4 =	vmin.u32 v4, $0x7F  }
0xc2: {  	vm5 =	veq.s32 v2, $0x80;
	v2 =	vshll.u32 v4, $0x7;
	v4 =	vld [tilespmem:$0x1FF30];
	_ =	sdelay $0x4  }
0xc3: {  	v2 =	vor.u32 v4, v2;
	_ =	sdelay $0x4  }
0xc4: {  	v4 =	vld.idx.msk [tilespmem:v2+s18+$0x0], vm5  }
0xc5: {  	[tilespmem:v2+s18+$0x0] =	vst.idx.msk vm5, v9  }
0xc6: {  	v2 =	vld [tilespmem:s0+$0x10030];
	_ =	sdelay $0x2  }
0xc7: {  	[tilespmem:$0x1FD40] =	vst v4;
	v4 =	vimm.s32 $0x0  }
0xc8: {  	v4 =	vsel vm5, $0xFFFFFFFF, v4  }
0xc9: {  	[tilespmem:$0x1FD50] =	vst v4;
	v4 =	vadd.s32 $0xFFFFFF80, v2  }
0xca: {  	vm6 =	vgt.s32 v4, $0x0  }
0xcb: {  	v4 =	vnsel vm6, $0x0, v4  }
0xcc: {  	v2 =	vand.u32 $0xFFFFFF80, v2;
	v4 =	vmin.u32 v4, $0x7F  }
0xcd: {  	vm7 =	veq.s32 v2, $0x80;
	v2 =	vshll.u32 v4, $0x7;
	v4 =	vld [tilespmem:$0x1FF40];
	_ =	sdelay $0x4  }
0xce: {  	v2 =	vor.u32 v4, v2;
	_ =	sdelay $0x4  }
0xcf: {  	v4 =	vld.idx.msk [tilespmem:v2+s18+$0x0], vm7  }
0xd0: {  	[tilespmem:v2+s18+$0x0] =	vst.idx.msk vm7, v9  }
0xd1: {  	v2 =	vld [tilespmem:s0+$0x10040];
	_ =	sdelay $0x2  }
0xd2: {  	[tilespmem:$0x1FD60] =	vst v4;
	v4 =	vimm.s32 $0x0  }
0xd3: {  	v4 =	vsel vm7, $0xFFFFFFFF, v4  }
0xd4: {  	[tilespmem:$0x1FD70] =	vst v4;
	v4 =	vadd.s32 $0xFFFFFF80, v2  }
0xd5: {  	vm8 =	vgt.s32 v4, $0x0  }
0xd6: {  	v4 =	vnsel vm8, $0x0, v4  }
0xd7: {  	v2 =	vand.u32 $0xFFFFFF80, v2;
	v4 =	vmin.u32 v4, $0x7F  }
0xd8: {  	vm9 =	veq.s32 v2, $0x80;
	v2 =	vshll.u32 v4, $0x7;
	v4 =	vld [tilespmem:$0x1FF50];
	_ =	sdelay $0x4  }
0xd9: {  	v2 =	vor.u32 v4, v2;
	_ =	sdelay $0x4  }
0xda: {  	v4 =	vld.idx.msk [tilespmem:v2+s18+$0x0], vm9  }
0xdb: {  	[tilespmem:v2+s18+$0x0] =	vst.idx.msk vm9, v9  }
0xdc: {  	v2 =	vld [tilespmem:s0+$0x10050];
	_ =	sdelay $0x2  }
0xdd: {  	[tilespmem:$0x1FD80] =	vst v4;
	v4 =	vimm.s32 $0x0  }
0xde: {  	v4 =	vsel vm9, $0xFFFFFFFF, v4  }
0xdf: {  	[tilespmem:$0x1FD90] =	vst v4;
	v4 =	vadd.s32 $0xFFFFFF80, v2  }
0xe0: {  	vm10 =	vgt.s32 v4, $0x0  }
0xe1: {  	v4 =	vnsel vm10, $0x0, v4  }
0xe2: {  	v2 =	vand.u32 $0xFFFFFF80, v2;
	v4 =	vmin.u32 v4, $0x7F  }
0xe3: {  	vm11 =	veq.s32 v2, $0x80;
	v2 =	vshll.u32 v4, $0x7;
	v4 =	vld [tilespmem:$0x1FF60];
	_ =	sdelay $0x4  }
0xe4: {  	v2 =	vor.u32 v4, v2;
	_ =	sdelay $0x4  }
0xe5: {  	v4 =	vld.idx.msk [tilespmem:v2+s18+$0x0], vm11  }
0xe6: {  	[tilespmem:v2+s18+$0x0] =	vst.idx.msk vm11, v9  }
0xe7: {  	v2 =	vld [tilespmem:s0+$0x10060];
	_ =	sdelay $0x2  }
0xe8: {  	[tilespmem:$0x1FDA0] =	vst v4;
	v4 =	vimm.s32 $0x0  }
0xe9: {  	v4 =	vsel vm11, $0xFFFFFFFF, v4  }
0xea: {  	[tilespmem:$0x1FDB0] =	vst v4;
	v4 =	vadd.s32 $0xFFFFFF80, v2  }
0xeb: {  	vm12 =	vgt.s32 v4, $0x0  }
0xec: {  	v4 =	vnsel vm12, $0x0, v4  }
0xed: {  	v2 =	vand.u32 $0xFFFFFF80, v2;
	v4 =	vmin.u32 v4, $0x7F  }
0xee: {  	vm13 =	veq.s32 v2, $0x80;
	v2 =	vshll.u32 v4, $0x7;
	v4 =	vld [tilespmem:$0x1FF70];
	_ =	sdelay $0x4  }
0xef: {  	v2 =	vor.u32 v4, v2;
	_ =	sdelay $0x4  }
0xf0: {  	v4 =	vld.idx.msk [tilespmem:v2+s18+$0x0], vm13  }
0xf1: {  	[tilespmem:v2+s18+$0x0] =	vst.idx.msk vm13, v9  }
0xf2: {  	v2 =	vld [tilespmem:s0+$0x10070];
	_ =	sdelay $0x2  }
0xf3: {  	[tilespmem:$0x1FDC0] =	vst v4;
	v4 =	vimm.s32 $0x0  }
0xf4: {  	v4 =	vsel vm13, $0xFFFFFFFF, v4  }
0xf5: {  	[tilespmem:$0x1FDD0] =	vst v4;
	v4 =	vadd.s32 $0xFFFFFF80, v2  }
0xf6: {  	vm14 =	vgt.s32 v4, $0x0  }
0xf7: {  	v4 =	vnsel vm14, $0x0, v4  }
0xf8: {  	v2 =	vand.u32 $0xFFFFFF80, v2;
	v4 =	vmin.u32 v4, $0x7F  }
0xf9: {  	vm15 =	veq.s32 v2, $0x80;
	v2 =	vshll.u32 v4, $0x7;
	v4 =	vld [tilespmem:$0x1FF80];
	_ =	sdelay $0x4  }
0xfa: {  	v2 =	vor.u32 v4, v2;
	_ =	sdelay $0x4  }
0xfb: {  	v4 =	vld.idx.msk [tilespmem:v2+s18+$0x0], vm15;
	[tilespmem:v2+s18+$0x0] =	vst.idx.msk vm15, v9;
	s18 =	simm.s32 $0x0  }
0xfc: {  	v17 =	vld [tilespmem:s18+$0x4180]  }
0xfd: {  	v20 =	vld [tilespmem:s18+$0x4190]  }
0xfe: {  	v6 =	vld [tilespmem:s18+$0x41A0]  }
0xff: {  	v7 =	vld [tilespmem:s18+$0x41B0]  }
0x100: {  	v10 =	vld [tilespmem:s18+$0x41C0]  }
0x101: {  	v2 =	vld [tilespmem:s18+$0x41E0]  }
0x102: {  	v50 =	vld [tilespmem:s18+$0x4100]  }
0x103: {  	v51 =	vld [tilespmem:s18+$0x4110]  }
0x104: {  	v21 =	vld [tilespmem:s18+$0x4120]  }
0x105: {  	v24 =	vld [tilespmem:s18+$0x4130]  }
0x106: {  	v25 =	vld [tilespmem:s18+$0x4140]  }
0x107: {  	v13 =	vld [tilespmem:s18+$0x4150]  }
0x108: {  	v15 =	vld [tilespmem:s18+$0x4160]  }
0x109: {  	v52 =	vld [tilespmem:s18+$0x4080]  }
0x10a: {  	v53 =	vld [tilespmem:s18+$0x4090]  }
0x10b: {  	v35 =	vld [tilespmem:s18+$0x40A0]  }
0x10c: {  	v18 =	vmax.f32 v37, v18;
	v37 =	vld [tilespmem:s18+$0x40B0]  }
0x10d: {  	v23 =	vmax.f32 v49, v23;
	v1 =	vmax.f32 v1, v42;
	v54 =	vmax.f32 v0, v43;
	v0 =	vld [tilespmem:s18+$0x40C0]  }
0x10e: {  	v33 =	vmax.f32 v33, v44;
	v1 =	vmax.f32 v1, v34;
	v55 =	vmax.f32 v54, v38;
	v56 =	vld [tilespmem:s18+$0x4000]  }
0x10f: {  	v33 =	vmax.f32 v33, v39;
	v1 =	vmax.f32 v1, v29;
	v30 =	vmax.f32 v55, v30;
	v57 =	vld [tilespmem:s18+$0x4010]  }
0x110: {  	v31 =	vmax.f32 v33, v31;
	v29 =	vmax.f32 v1, v8;
	v30 =	vmax.f32 v30, v11;
	v34 =	vld [tilespmem:s18+$0x40D0]  }
0x111: {  	v1 =	vmax.f32 v26, v40;
	v31 =	vmax.f32 v31, v12;
	v8 =	vmax.f32 v27, v41;
	v38 =	vld [tilespmem:s18+$0x4020]  }
0x112: {  	v1 =	vmax.f32 v1, v32;
	v11 =	vmax.f32 v28, v48;
	v8 =	vmax.f32 v8, v36;
	v40 =	vld [tilespmem:s18+$0x4030]  }
0x113: {  	v1 =	vmax.f32 v1, v14;
	v11 =	vmax.f32 v11, v47;
	v8 =	vmax.f32 v8, v16;
	v44 =	vld [tilespmem:s18+$0x4040]  }
0x114: {  	v1 =	vmax.f32 v1, v5;
	v11 =	vmax.f32 v11, v46;
	v32 =	vmax.f32 v8, v3;
	v41 =	vld [tilespmem:s18+$0x40E0]  }
0x115: {  	v42 =	vld [tilespmem:s18+$0x4050];
	[tilespmem:$0x1FDE0] =	vst v4;
	v4 =	vimm.s32 $0x0;
	v5 =	vmax.f32 v18, v56;
	v12 =	vmax.f32 v23, v57  }
0x116: {  	v43 =	vld [tilespmem:s18+$0x4060];
	v4 =	vsel vm15, $0xFFFFFFFF, v4;
	v3 =	vmax.f32 v5, v52;
	v5 =	vmax.f32 v12, v53  }
0x117: {  	s30 =	simm.s32 $0x800;
	v33 =	vmax.f32 v11, v45;
	[tilespmem:$0x1FDF0] =	vst v4;
	v4 =	vld [tilespmem:s18+$0x41D0];
	v39 =	vmax.f32 v3, v50;
	v49 =	vmax.f32 v5, v51  }
.LBB2_5:
0x118: {  	p1 =	sne.s32 s30, $0xF800;
	v3 =	vld [tilespmem:s18+$0x4070];
	v5 =	vmax.f32 v39, v17;
	v8 =	vmax.f32 v49, v20  }
0x119: {  	v11 =	vmax.f32 v29, v38;
	v12 =	vmax.f32 v30, v40;
	v14 =	vmax.f32 v31, v44;
	v16 =	vld [tilespmem:s18+$0x40F0]  }
0x11a: {  	v11 =	vmax.f32 v11, v35;
	v12 =	vmax.f32 v12, v37;
	v0 =	vmax.f32 v14, v0;
	v14 =	vld [tilespmem:s18+$0x4170]  }
0x11b: {  	v11 =	vmax.f32 v11, v21;
	v12 =	vmax.f32 v12, v24;
	v0 =	vmax.f32 v0, v25;
	v18 =	vld [tilespmem:s18+$0x41F0];
	s18 =	sshra.s32 s30, $0x2  }
0x11c: {  	v29 =	vmax.f32 v11, v6;
	v30 =	vmax.f32 v12, v7;
	v17 =	vld [tilespmem:s18+$0x4180];
	v31 =	vmax.f32 v0, v10  }
0x11d: {  	v0 =	vmax.f32 v1, v42;
	v1 =	vmax.f32 v32, v43;
	v20 =	vld [tilespmem:s18+$0x4190];
	v3 =	vmax.f32 v33, v3  }
0x11e: {  	v0 =	vmax.f32 v0, v34;
	v1 =	vmax.f32 v1, v41;
	v6 =	vld [tilespmem:s18+$0x41A0];
	v3 =	vmax.f32 v3, v16  }
0x11f: {  	v0 =	vmax.f32 v0, v13;
	v11 =	vmax.f32 v1, v15;
	v7 =	vld [tilespmem:s18+$0x41B0];
	v3 =	vmax.f32 v3, v14  }
0x120: {  	v1 =	vmax.f32 v0, v4;
	v32 =	vmax.f32 v11, v2;
	v10 =	vld [tilespmem:s18+$0x41C0];
	v33 =	vmax.f32 v3, v18  }
0x121: {  	v4 =	vld [tilespmem:s18+$0x41D0]  }
0x122: {  	v2 =	vld [tilespmem:s18+$0x41E0]  }
0x123: {  	v3 =	vld [tilespmem:s18+$0x4100]  }
0x124: {  	v11 =	vld [tilespmem:s18+$0x4110]  }
0x125: {  	v21 =	vld [tilespmem:s18+$0x4120]  }
0x126: {  	v24 =	vld [tilespmem:s18+$0x4130]  }
0x127: {  	v25 =	vld [tilespmem:s18+$0x4140]  }
0x128: {  	v13 =	vld [tilespmem:s18+$0x4150]  }
0x129: {  	v15 =	vld [tilespmem:s18+$0x4160]  }
0x12a: {  	v12 =	vld [tilespmem:s18+$0x4080]  }
0x12b: {  	v14 =	vld [tilespmem:s18+$0x4090]  }
0x12c: {  	v35 =	vld [tilespmem:s18+$0x40A0]  }
0x12d: {  	v37 =	vld [tilespmem:s18+$0x40B0]  }
0x12e: {  	v0 =	vld [tilespmem:s18+$0x40C0]  }
0x12f: {  	v16 =	vld [tilespmem:s18+$0x4000]  }
0x130: {  	v18 =	vld [tilespmem:s18+$0x4010]  }
0x131: {  	v34 =	vld [tilespmem:s18+$0x40D0]  }
0x132: {  	v38 =	vld [tilespmem:s18+$0x4020]  }
.Ltmp1:
0x133: {  	v40 =	vld [tilespmem:s18+$0x4030];
	(pc) =	sbr.rel @p1 .LBB2_5-.Ltmp1, $4  }
0x134: {  	v44 =	vld [tilespmem:s18+$0x4040]  }
0x135: {  	v5 =	vmax.f32 v5, v16;
	v8 =	vmax.f32 v8, v18;
	v41 =	vld [tilespmem:s18+$0x40E0]  }
0x136: {  	v5 =	vmax.f32 v5, v12;
	v42 =	vld [tilespmem:s18+$0x4050];
	v8 =	vmax.f32 v8, v14  }
0x137: {  	s30 =	sadd.s32 $0x800, s30;
	v39 =	vmax.f32 v5, v3;
	v43 =	vld [tilespmem:s18+$0x4060];
	v49 =	vmax.f32 v8, v11  }
0x138: {  	v48 =	vld [tilespmem:s18+$0x4070]  }
0x139: {  	v47 =	vld [tilespmem:s18+$0x40F0]  }
0x13a: {  	v45 =	vld [tilespmem:s18+$0x4170]  }
0x13b: {  	v46 =	vld [tilespmem:s18+$0x41F0];
	_ =	swait.ge [sflag:s28], $0x4000  }
0x13c: {  	[sflag:s28] =	ssyncset.done $0x0  }
0x13d: {  	s18 =	sadd.s32 s1, s10;
	[sflag:s28] =	ssyncadd.s32 $0xFFFFC000  }
0x13e: {  	[tilespmem:s22], [sflag:$0x2] =	stream.strided.gather [hbm4b:s18+s20], $0x4000, s21, s20, $0x38;
	[tilespmem:$0x10180] =	vst v63  }
0x13f: {  	v3 =	vld [tilespmem:s0+$0x10000];
	_ =	sdelay $0x4  }
0x140: {  	v5 =	vadd.s32 $0xFFFFFF00, v3  }
0x141: {  	vm0 =	vgt.s32 v5, $0x0  }
0x142: {  	v5 =	vnsel vm0, $0x0, v5  }
0x143: {  	v3 =	vand.u32 $0xFFFFFF80, v3;
	v5 =	vmin.u32 v5, $0x7F  }
0x144: {  	vm13 =	veq.s32 v3, $0x100;
	v3 =	vshll.u32 v5, $0x7;
	v5 =	vor.u32 $0x8000, v19  }
0x145: {  	v3 =	vor.u32 v5, v3;
	_ =	sdelay $0x3  }
0x146: {  	s18 =	simm.s32 $0x0  }
0x147: {  	[tilespmem:$0x1FB80] =	vst v5;
	v5 =	vld.idx.msk [tilespmem:v3+s18+$0x0], vm13  }
0x148: {  	[tilespmem:v3+s18+$0x0] =	vst.idx.msk vm13, v9  }
0x149: {  	v3 =	vld [tilespmem:s0+$0x10010];
	_ =	sdelay $0x2  }
0x14a: {  	[tilespmem:$0x1FB90] =	vst v5;
	v5 =	vimm.s32 $0x0  }
0x14b: {  	v5 =	vsel vm13, $0xFFFFFFFF, v5  }
0x14c: {  	[tilespmem:$0x1FBA0] =	vst v5;
	v5 =	vadd.s32 $0xFFFFFF00, v3  }
0x14d: {  	vm14 =	vgt.s32 v5, $0x0  }
0x14e: {  	v5 =	vnsel vm14, $0x0, v5  }
0x14f: {  	v3 =	vand.u32 $0xFFFFFF80, v3;
	v5 =	vmin.u32 v5, $0x7F  }
0x150: {  	vm15 =	veq.s32 v3, $0x100;
	v3 =	vshll.u32 v5, $0x7;
	v5 =	vor.u32 $0x8010, v19  }
0x151: {  	v3 =	vor.u32 v5, v3;
	_ =	sdelay $0x4  }
0x152: {  	[tilespmem:$0x1FBB0] =	vst v5;
	v5 =	vld.idx.msk [tilespmem:v3+s18+$0x0], vm15  }
0x153: {  	[tilespmem:v3+s18+$0x0] =	vst.idx.msk vm15, v9  }
0x154: {  	v3 =	vld [tilespmem:s0+$0x10020];
	_ =	sdelay $0x2  }
0x155: {  	[tilespmem:$0x1FBC0] =	vst v5;
	v5 =	vimm.s32 $0x0  }
0x156: {  	v5 =	vsel vm15, $0xFFFFFFFF, v5  }
0x157: {  	[tilespmem:$0x1FBD0] =	vst v5;
	v5 =	vadd.s32 $0xFFFFFF00, v3  }
0x158: {  	vm4 =	vgt.s32 v5, $0x0  }
0x159: {  	v5 =	vnsel vm4, $0x0, v5  }
0x15a: {  	v3 =	vand.u32 $0xFFFFFF80, v3;
	v5 =	vmin.u32 v5, $0x7F  }
0x15b: {  	vm5 =	veq.s32 v3, $0x100;
	v3 =	vshll.u32 v5, $0x7;
	v5 =	vor.u32 $0x8020, v19  }
0x15c: {  	v3 =	vor.u32 v5, v3;
	_ =	sdelay $0x4  }
0x15d: {  	[tilespmem:$0x1FBE0] =	vst v5;
	v5 =	vld.idx.msk [tilespmem:v3+s18+$0x0], vm5  }
0x15e: {  	[tilespmem:v3+s18+$0x0] =	vst.idx.msk vm5, v9  }
0x15f: {  	v3 =	vld [tilespmem:s0+$0x10030];
	_ =	sdelay $0x2  }
0x160: {  	[tilespmem:$0x1FBF0] =	vst v5;
	v5 =	vimm.s32 $0x0  }
0x161: {  	v5 =	vsel vm5, $0xFFFFFFFF, v5  }
0x162: {  	[tilespmem:$0x1FC00] =	vst v5;
	v5 =	vadd.s32 $0xFFFFFF00, v3  }
0x163: {  	vm6 =	vgt.s32 v5, $0x0  }
0x164: {  	v5 =	vnsel vm6, $0x0, v5  }
0x165: {  	v3 =	vand.u32 $0xFFFFFF80, v3;
	v5 =	vmin.u32 v5, $0x7F  }
0x166: {  	vm7 =	veq.s32 v3, $0x100;
	v3 =	vshll.u32 v5, $0x7;
	v5 =	vor.u32 $0x8030, v19  }
0x167: {  	v3 =	vor.u32 v5, v3;
	_ =	sdelay $0x4  }
0x168: {  	[tilespmem:$0x1FC10] =	vst v5;
	v5 =	vld.idx.msk [tilespmem:v3+s18+$0x0], vm7  }
0x169: {  	[tilespmem:v3+s18+$0x0] =	vst.idx.msk vm7, v9  }
0x16a: {  	v3 =	vld [tilespmem:s0+$0x10040];
	_ =	sdelay $0x2  }
0x16b: {  	[tilespmem:$0x1FC20] =	vst v5;
	v5 =	vimm.s32 $0x0  }
0x16c: {  	v5 =	vsel vm7, $0xFFFFFFFF, v5  }
0x16d: {  	[tilespmem:$0x1FC30] =	vst v5;
	v5 =	vadd.s32 $0xFFFFFF00, v3  }
0x16e: {  	vm8 =	vgt.s32 v5, $0x0  }
0x16f: {  	v5 =	vnsel vm8, $0x0, v5  }
0x170: {  	v3 =	vand.u32 $0xFFFFFF80, v3;
	v5 =	vmin.u32 v5, $0x7F  }
0x171: {  	vm9 =	veq.s32 v3, $0x100;
	v3 =	vshll.u32 v5, $0x7;
	v5 =	vor.u32 $0x8040, v19  }
0x172: {  	v3 =	vor.u32 v5, v3;
	_ =	sdelay $0x4  }
0x173: {  	[tilespmem:$0x1FC40] =	vst v5;
	v5 =	vld.idx.msk [tilespmem:v3+s18+$0x0], vm9  }
0x174: {  	[tilespmem:v3+s18+$0x0] =	vst.idx.msk vm9, v9  }
0x175: {  	v3 =	vld [tilespmem:s0+$0x10050];
	_ =	sdelay $0x2  }
0x176: {  	[tilespmem:$0x1FC50] =	vst v5;
	v5 =	vimm.s32 $0x0  }
0x177: {  	v5 =	vsel vm9, $0xFFFFFFFF, v5  }
0x178: {  	[tilespmem:$0x1FC60] =	vst v5;
	v5 =	vadd.s32 $0xFFFFFF00, v3  }
0x179: {  	vm10 =	vgt.s32 v5, $0x0  }
0x17a: {  	v5 =	vnsel vm10, $0x0, v5  }
0x17b: {  	v3 =	vand.u32 $0xFFFFFF80, v3;
	v5 =	vmin.u32 v5, $0x7F  }
0x17c: {  	vm11 =	veq.s32 v3, $0x100;
	v3 =	vshll.u32 v5, $0x7;
	v5 =	vor.u32 $0x8050, v19  }
0x17d: {  	v3 =	vor.u32 v5, v3;
	_ =	sdelay $0x4  }
0x17e: {  	[tilespmem:$0x1FC70] =	vst v5;
	v5 =	vld.idx.msk [tilespmem:v3+s18+$0x0], vm11  }
0x17f: {  	[tilespmem:v3+s18+$0x0] =	vst.idx.msk vm11, v9  }
0x180: {  	v3 =	vld [tilespmem:s0+$0x10060];
	_ =	sdelay $0x2  }
0x181: {  	[tilespmem:$0x1FC80] =	vst v5;
	v5 =	vimm.s32 $0x0  }
0x182: {  	v5 =	vsel vm11, $0xFFFFFFFF, v5  }
0x183: {  	[tilespmem:$0x1FC90] =	vst v5;
	v5 =	vadd.s32 $0xFFFFFF00, v3  }
0x184: {  	vm12 =	vgt.s32 v5, $0x0  }
0x185: {  	v5 =	vnsel vm12, $0x0, v5  }
0x186: {  	v3 =	vand.u32 $0xFFFFFF80, v3;
	v5 =	vmin.u32 v5, $0x7F  }
0x187: {  	vm13 =	veq.s32 v3, $0x100;
	v3 =	vshll.u32 v5, $0x7;
	v5 =	vor.u32 $0x8060, v19  }
0x188: {  	v3 =	vor.u32 v5, v3;
	_ =	sdelay $0x4  }
0x189: {  	[tilespmem:$0x1FCA0] =	vst v5;
	v5 =	vld.idx.msk [tilespmem:v3+s18+$0x0], vm13  }
0x18a: {  	[tilespmem:v3+s18+$0x0] =	vst.idx.msk vm13, v9  }
0x18b: {  	v3 =	vld [tilespmem:s0+$0x10070];
	_ =	sdelay $0x2  }
0x18c: {  	[tilespmem:$0x1FCB0] =	vst v5;
	v5 =	vimm.s32 $0x0  }
0x18d: {  	v5 =	vsel vm13, $0xFFFFFFFF, v5  }
0x18e: {  	[tilespmem:$0x1FCC0] =	vst v5;
	v5 =	vadd.s32 $0xFFFFFF00, v3  }
0x18f: {  	vm14 =	vgt.s32 v5, $0x0  }
0x190: {  	v5 =	vnsel vm14, $0x0, v5  }
0x191: {  	v3 =	vand.u32 $0xFFFFFF80, v3;
	v5 =	vmin.u32 v5, $0x7F  }
0x192: {  	vm15 =	veq.s32 v3, $0x100;
	v3 =	vshll.u32 v5, $0x7;
	v5 =	vor.u32 $0x8070, v19  }
0x193: {  	v3 =	vor.u32 v5, v3;
	_ =	sdelay $0x3  }
0x194: {  	[tilespmem:$0x1FCD0] =	vst v5  }
0x195: {  	v5 =	vld.idx.msk [tilespmem:v3+s18+$0x0], vm15;
	[tilespmem:v3+s18+$0x0] =	vst.idx.msk vm15, v9;
	s18 =	simm.s32 $0x0  }
0x196: {  	v18 =	vld [tilespmem:s18+$0x8180]  }
0x197: {  	v23 =	vld [tilespmem:s18+$0x8190]  }
0x198: {  	v8 =	vld [tilespmem:s18+$0x81A0]  }
0x199: {  	v11 =	vld [tilespmem:s18+$0x81B0]  }
0x19a: {  	v12 =	vld [tilespmem:s18+$0x81C0]  }
0x19b: {  	v3 =	vld [tilespmem:s18+$0x81E0]  }
0x19c: {  	v50 =	vld [tilespmem:s18+$0x8100]  }
0x19d: {  	v51 =	vld [tilespmem:s18+$0x8110]  }
0x19e: {  	v26 =	vld [tilespmem:s18+$0x8120]  }
0x19f: {  	v27 =	vld [tilespmem:s18+$0x8130]  }
0x1a0: {  	v28 =	vld [tilespmem:s18+$0x8140]  }
0x1a1: {  	v14 =	vld [tilespmem:s18+$0x8150]  }
0x1a2: {  	v16 =	vld [tilespmem:s18+$0x8160]  }
0x1a3: {  	v52 =	vld [tilespmem:s18+$0x8080]  }
0x1a4: {  	v53 =	vld [tilespmem:s18+$0x8090]  }
0x1a5: {  	v36 =	vld [tilespmem:s18+$0x80A0]  }
0x1a6: {  	v17 =	vmax.f32 v39, v17;
	v39 =	vld [tilespmem:s18+$0x80B0]  }
0x1a7: {  	v49 =	vmax.f32 v49, v20;
	v20 =	vmax.f32 v29, v38;
	v29 =	vmax.f32 v30, v40;
	v40 =	vld [tilespmem:s18+$0x80C0]  }
0x1a8: {  	v30 =	vmax.f32 v31, v44;
	v20 =	vmax.f32 v20, v35;
	v29 =	vmax.f32 v29, v37;
	v31 =	vld [tilespmem:s18+$0x8000]  }
0x1a9: {  	v0 =	vmax.f32 v30, v0;
	v20 =	vmax.f32 v20, v21;
	v21 =	vmax.f32 v29, v24;
	v24 =	vld [tilespmem:s18+$0x8010]  }
0x1aa: {  	v0 =	vmax.f32 v0, v25;
	v6 =	vmax.f32 v20, v6;
	v20 =	vmax.f32 v21, v7;
	v38 =	vld [tilespmem:s18+$0x80D0]  }
0x1ab: {  	v30 =	vmax.f32 v0, v10;
	v0 =	vmax.f32 v1, v42;
	v7 =	vmax.f32 v33, v48;
	v37 =	vld [tilespmem:s18+$0x8020]  }
0x1ac: {  	v1 =	vmax.f32 v32, v43;
	v0 =	vmax.f32 v0, v34;
	v7 =	vmax.f32 v7, v47;
	v44 =	vld [tilespmem:s18+$0x8030]  }
0x1ad: {  	v1 =	vmax.f32 v1, v41;
	v0 =	vmax.f32 v0, v13;
	v7 =	vmax.f32 v7, v45;
	v45 =	vld [tilespmem:s18+$0x8040]  }
0x1ae: {  	v1 =	vmax.f32 v1, v15;
	v4 =	vmax.f32 v0, v4;
	v41 =	vld [tilespmem:s18+$0x80E0];
	[tilespmem:$0x1FCE0] =	vst v5;
	v5 =	vimm.s32 $0x0  }
0x1af: {  	v42 =	vld [tilespmem:s18+$0x8050];
	v5 =	vsel vm15, $0xFFFFFFFF, v5;
	v0 =	vmax.f32 v17, v31;
	v10 =	vmax.f32 v49, v24  }
0x1b0: {  	v43 =	vld [tilespmem:s18+$0x8060];
	v31 =	vmax.f32 v1, v2;
	v0 =	vmax.f32 v0, v52;
	v2 =	vmax.f32 v10, v53  }
0x1b1: {  	s30 =	simm.s32 $0x800;
	v35 =	vmax.f32 v7, v46;
	[tilespmem:$0x1FCF0] =	vst v5;
	v5 =	vld [tilespmem:s18+$0x81D0];
	v1 =	vmax.f32 v0, v50;
	v2 =	vmax.f32 v2, v51  }
.LBB2_7:
0x1b2: {  	p1 =	sne.s32 s30, $0xF800;
	v0 =	vld [tilespmem:s18+$0x8070];
	v1 =	vmax.f32 v1, v18;
	v2 =	vmax.f32 v2, v23  }
0x1b3: {  	v6 =	vmax.f32 v6, v37;
	v7 =	vmax.f32 v20, v44;
	v10 =	vmax.f32 v30, v45;
	v13 =	vld [tilespmem:s18+$0x80F0]  }
0x1b4: {  	v6 =	vmax.f32 v6, v36;
	v7 =	vmax.f32 v7, v39;
	v10 =	vmax.f32 v10, v40;
	v15 =	vld [tilespmem:s18+$0x8170]  }
0x1b5: {  	v6 =	vmax.f32 v6, v26;
	v7 =	vmax.f32 v7, v27;
	v10 =	vmax.f32 v10, v28;
	v17 =	vld [tilespmem:s18+$0x81F0];
	s18 =	sshra.s32 s30, $0x2  }
0x1b6: {  	v6 =	vmax.f32 v6, v8;
	v20 =	vmax.f32 v7, v11;
	v18 =	vld [tilespmem:s18+$0x8180];
	v30 =	vmax.f32 v10, v12  }
0x1b7: {  	v4 =	vmax.f32 v4, v42;
	v7 =	vmax.f32 v31, v43;
	v23 =	vld [tilespmem:s18+$0x8190];
	v0 =	vmax.f32 v35, v0  }
0x1b8: {  	v4 =	vmax.f32 v4, v38;
	v7 =	vmax.f32 v7, v41;
	v8 =	vld [tilespmem:s18+$0x81A0];
	v0 =	vmax.f32 v0, v13  }
0x1b9: {  	v4 =	vmax.f32 v4, v14;
	v7 =	vmax.f32 v7, v16;
	v11 =	vld [tilespmem:s18+$0x81B0];
	v0 =	vmax.f32 v0, v15  }
0x1ba: {  	v4 =	vmax.f32 v4, v5;
	v31 =	vmax.f32 v7, v3;
	v12 =	vld [tilespmem:s18+$0x81C0];
	v35 =	vmax.f32 v0, v17  }
0x1bb: {  	v5 =	vld [tilespmem:s18+$0x81D0]  }
0x1bc: {  	v3 =	vld [tilespmem:s18+$0x81E0]  }
0x1bd: {  	v0 =	vld [tilespmem:s18+$0x8100]  }
0x1be: {  	v7 =	vld [tilespmem:s18+$0x8110]  }
0x1bf: {  	v26 =	vld [tilespmem:s18+$0x8120]  }
0x1c0: {  	v27 =	vld [tilespmem:s18+$0x8130]  }
0x1c1: {  	v28 =	vld [tilespmem:s18+$0x8140]  }
0x1c2: {  	v14 =	vld [tilespmem:s18+$0x8150]  }
0x1c3: {  	v16 =	vld [tilespmem:s18+$0x8160]  }
0x1c4: {  	v10 =	vld [tilespmem:s18+$0x8080]  }
0x1c5: {  	v13 =	vld [tilespmem:s18+$0x8090]  }
0x1c6: {  	v36 =	vld [tilespmem:s18+$0x80A0]  }
0x1c7: {  	v39 =	vld [tilespmem:s18+$0x80B0]  }
0x1c8: {  	v40 =	vld [tilespmem:s18+$0x80C0]  }
0x1c9: {  	v15 =	vld [tilespmem:s18+$0x8000]  }
0x1ca: {  	v17 =	vld [tilespmem:s18+$0x8010]  }
0x1cb: {  	v38 =	vld [tilespmem:s18+$0x80D0]  }
0x1cc: {  	v37 =	vld [tilespmem:s18+$0x8020]  }
.Ltmp2:
0x1cd: {  	v44 =	vld [tilespmem:s18+$0x8030];
	(pc) =	sbr.rel @p1 .LBB2_7-.Ltmp2, $4  }
0x1ce: {  	v45 =	vld [tilespmem:s18+$0x8040]  }
0x1cf: {  	v1 =	vmax.f32 v1, v15;
	v2 =	vmax.f32 v2, v17;
	v41 =	vld [tilespmem:s18+$0x80E0]  }
0x1d0: {  	v1 =	vmax.f32 v1, v10;
	v42 =	vld [tilespmem:s18+$0x8050];
	v2 =	vmax.f32 v2, v13  }
0x1d1: {  	s30 =	sadd.s32 $0x800, s30;
	v1 =	vmax.f32 v1, v0;
	v43 =	vld [tilespmem:s18+$0x8060];
	v2 =	vmax.f32 v2, v7  }
0x1d2: {  	v50 =	vld [tilespmem:s18+$0x8070]  }
0x1d3: {  	v49 =	vld [tilespmem:s18+$0x80F0]  }
0x1d4: {  	v47 =	vld [tilespmem:s18+$0x8170]  }
0x1d5: {  	v46 =	vld [tilespmem:s18+$0x81F0];
	_ =	swait.ge [sflag:s29], $0x4000  }
0x1d6: {  	[sflag:s29] =	ssyncset.done $0x0  }
0x1d7: {  	s18 =	sadd.s32 s1, s11;
	[sflag:s29] =	ssyncadd.s32 $0xFFFFC000  }
0x1d8: {  	[tilespmem:s23], [sflag:$0x3] =	stream.strided.gather [hbm4b:s18+s20], $0x4000, s21, s20, $0x38;
	[tilespmem:$0x10180] =	vst v63  }
0x1d9: {  	v0 =	vld [tilespmem:s0+$0x10000];
	_ =	sdelay $0x4  }
0x1da: {  	v7 =	vadd.s32 $0xFFFFFE80, v0  }
0x1db: {  	vm0 =	vgt.s32 v7, $0x0  }
0x1dc: {  	v7 =	vnsel vm0, $0x0, v7  }
0x1dd: {  	v0 =	vand.u32 $0xFFFFFF80, v0;
	v7 =	vmin.u32 v7, $0x7F  }
0x1de: {  	vm13 =	veq.s32 v0, $0x180;
	v0 =	vshll.u32 v7, $0x7;
	v7 =	vor.u32 $0xC000, v19  }
0x1df: {  	v0 =	vor.u32 v7, v0;
	_ =	sdelay $0x3  }
0x1e0: {  	s18 =	simm.s32 $0x0  }
0x1e1: {  	[tilespmem:$0x1FA00] =	vst v7;
	v7 =	vld.idx.msk [tilespmem:v0+s18+$0x0], vm13  }
0x1e2: {  	[tilespmem:v0+s18+$0x0] =	vst.idx.msk vm13, v9  }
0x1e3: {  	v0 =	vld [tilespmem:s0+$0x10010];
	_ =	sdelay $0x2  }
0x1e4: {  	[tilespmem:$0x1FA10] =	vst v7;
	v7 =	vimm.s32 $0x0  }
0x1e5: {  	v7 =	vsel vm13, $0xFFFFFFFF, v7  }
0x1e6: {  	[tilespmem:$0x1FA20] =	vst v7;
	v7 =	vadd.s32 $0xFFFFFE80, v0  }
0x1e7: {  	vm14 =	vgt.s32 v7, $0x0  }
0x1e8: {  	v7 =	vnsel vm14, $0x0, v7  }
0x1e9: {  	v0 =	vand.u32 $0xFFFFFF80, v0;
	v7 =	vmin.u32 v7, $0x7F  }
0x1ea: {  	vm15 =	veq.s32 v0, $0x180;
	v0 =	vshll.u32 v7, $0x7;
	v7 =	vor.u32 $0xC010, v19  }
0x1eb: {  	v0 =	vor.u32 v7, v0;
	_ =	sdelay $0x4  }
0x1ec: {  	[tilespmem:$0x1FA30] =	vst v7;
	v7 =	vld.idx.msk [tilespmem:v0+s18+$0x0], vm15  }
0x1ed: {  	[tilespmem:v0+s18+$0x0] =	vst.idx.msk vm15, v9  }
0x1ee: {  	v0 =	vld [tilespmem:s0+$0x10020];
	_ =	sdelay $0x2  }
0x1ef: {  	[tilespmem:$0x1FA40] =	vst v7;
	v7 =	vimm.s32 $0x0  }
0x1f0: {  	v7 =	vsel vm15, $0xFFFFFFFF, v7  }
0x1f1: {  	[tilespmem:$0x1FA50] =	vst v7;
	v7 =	vadd.s32 $0xFFFFFE80, v0  }
0x1f2: {  	vm4 =	vgt.s32 v7, $0x0  }
0x1f3: {  	v7 =	vnsel vm4, $0x0, v7  }
0x1f4: {  	v0 =	vand.u32 $0xFFFFFF80, v0;
	v7 =	vmin.u32 v7, $0x7F  }
0x1f5: {  	vm5 =	veq.s32 v0, $0x180;
	v0 =	vshll.u32 v7, $0x7;
	v7 =	vor.u32 $0xC020, v19  }
0x1f6: {  	v0 =	vor.u32 v7, v0;
	_ =	sdelay $0x4  }
0x1f7: {  	[tilespmem:$0x1FA60] =	vst v7;
	v7 =	vld.idx.msk [tilespmem:v0+s18+$0x0], vm5  }
0x1f8: {  	[tilespmem:v0+s18+$0x0] =	vst.idx.msk vm5, v9  }
0x1f9: {  	v0 =	vld [tilespmem:s0+$0x10030];
	_ =	sdelay $0x2  }
0x1fa: {  	[tilespmem:$0x1FA70] =	vst v7;
	v7 =	vimm.s32 $0x0  }
0x1fb: {  	v7 =	vsel vm5, $0xFFFFFFFF, v7  }
0x1fc: {  	[tilespmem:$0x1FA80] =	vst v7;
	v7 =	vadd.s32 $0xFFFFFE80, v0  }
0x1fd: {  	vm6 =	vgt.s32 v7, $0x0  }
0x1fe: {  	v7 =	vnsel vm6, $0x0, v7  }
0x1ff: {  	v0 =	vand.u32 $0xFFFFFF80, v0;
	v7 =	vmin.u32 v7, $0x7F  }
0x200: {  	vm7 =	veq.s32 v0, $0x180;
	v0 =	vshll.u32 v7, $0x7;
	v7 =	vor.u32 $0xC030, v19  }
0x201: {  	v0 =	vor.u32 v7, v0;
	_ =	sdelay $0x4  }
0x202: {  	[tilespmem:$0x1FA90] =	vst v7;
	v7 =	vld.idx.msk [tilespmem:v0+s18+$0x0], vm7  }
0x203: {  	[tilespmem:v0+s18+$0x0] =	vst.idx.msk vm7, v9  }
0x204: {  	v0 =	vld [tilespmem:s0+$0x10040];
	_ =	sdelay $0x2  }
0x205: {  	[tilespmem:$0x1FAA0] =	vst v7;
	v7 =	vimm.s32 $0x0  }
0x206: {  	v7 =	vsel vm7, $0xFFFFFFFF, v7  }
0x207: {  	[tilespmem:$0x1FAB0] =	vst v7;
	v7 =	vadd.s32 $0xFFFFFE80, v0  }
0x208: {  	vm8 =	vgt.s32 v7, $0x0  }
0x209: {  	v7 =	vnsel vm8, $0x0, v7  }
0x20a: {  	v0 =	vand.u32 $0xFFFFFF80, v0;
	v7 =	vmin.u32 v7, $0x7F  }
0x20b: {  	vm9 =	veq.s32 v0, $0x180;
	v0 =	vshll.u32 v7, $0x7;
	v7 =	vor.u32 $0xC040, v19  }
0x20c: {  	v0 =	vor.u32 v7, v0;
	_ =	sdelay $0x4  }
0x20d: {  	[tilespmem:$0x1FAC0] =	vst v7;
	v7 =	vld.idx.msk [tilespmem:v0+s18+$0x0], vm9  }
0x20e: {  	[tilespmem:v0+s18+$0x0] =	vst.idx.msk vm9, v9  }
0x20f: {  	v0 =	vld [tilespmem:s0+$0x10050];
	_ =	sdelay $0x2  }
0x210: {  	[tilespmem:$0x1FAD0] =	vst v7;
	v7 =	vimm.s32 $0x0  }
0x211: {  	v7 =	vsel vm9, $0xFFFFFFFF, v7  }
0x212: {  	[tilespmem:$0x1FAE0] =	vst v7;
	v7 =	vadd.s32 $0xFFFFFE80, v0  }
0x213: {  	vm10 =	vgt.s32 v7, $0x0  }
0x214: {  	v7 =	vnsel vm10, $0x0, v7  }
0x215: {  	v0 =	vand.u32 $0xFFFFFF80, v0;
	v7 =	vmin.u32 v7, $0x7F  }
0x216: {  	vm11 =	veq.s32 v0, $0x180;
	v0 =	vshll.u32 v7, $0x7;
	v7 =	vor.u32 $0xC050, v19  }
0x217: {  	v0 =	vor.u32 v7, v0;
	_ =	sdelay $0x4  }
0x218: {  	[tilespmem:$0x1FAF0] =	vst v7;
	v7 =	vld.idx.msk [tilespmem:v0+s18+$0x0], vm11  }
0x219: {  	[tilespmem:v0+s18+$0x0] =	vst.idx.msk vm11, v9  }
0x21a: {  	v0 =	vld [tilespmem:s0+$0x10060];
	_ =	sdelay $0x2  }
0x21b: {  	[tilespmem:$0x1FB00] =	vst v7;
	v7 =	vimm.s32 $0x0  }
0x21c: {  	v7 =	vsel vm11, $0xFFFFFFFF, v7  }
0x21d: {  	[tilespmem:$0x1FB10] =	vst v7;
	v7 =	vadd.s32 $0xFFFFFE80, v0  }
0x21e: {  	vm12 =	vgt.s32 v7, $0x0  }
0x21f: {  	v7 =	vnsel vm12, $0x0, v7  }
0x220: {  	v0 =	vand.u32 $0xFFFFFF80, v0;
	v7 =	vmin.u32 v7, $0x7F  }
0x221: {  	vm13 =	veq.s32 v0, $0x180;
	v0 =	vshll.u32 v7, $0x7;
	v7 =	vor.u32 $0xC060, v19  }
0x222: {  	v0 =	vor.u32 v7, v0;
	_ =	sdelay $0x4  }
0x223: {  	[tilespmem:$0x1FB20] =	vst v7;
	v7 =	vld.idx.msk [tilespmem:v0+s18+$0x0], vm13  }
0x224: {  	[tilespmem:v0+s18+$0x0] =	vst.idx.msk vm13, v9  }
0x225: {  	v0 =	vld [tilespmem:s0+$0x10070];
	_ =	sdelay $0x2  }
0x226: {  	[tilespmem:$0x1FB30] =	vst v7;
	v7 =	vimm.s32 $0x0  }
0x227: {  	v7 =	vsel vm13, $0xFFFFFFFF, v7  }
0x228: {  	[tilespmem:$0x1FB40] =	vst v7;
	v7 =	vadd.s32 $0xFFFFFE80, v0  }
0x229: {  	vm14 =	vgt.s32 v7, $0x0  }
0x22a: {  	v7 =	vnsel vm14, $0x0, v7  }
0x22b: {  	v0 =	vand.u32 $0xFFFFFF80, v0;
	v7 =	vmin.u32 v7, $0x7F  }
0x22c: {  	vm15 =	veq.s32 v0, $0x180;
	v0 =	vshll.u32 v7, $0x7;
	v7 =	vor.u32 $0xC070, v19  }
0x22d: {  	v0 =	vor.u32 v7, v0;
	_ =	sdelay $0x3  }
0x22e: {  	[tilespmem:$0x1FB50] =	vst v7  }
0x22f: {  	v7 =	vld.idx.msk [tilespmem:v0+s18+$0x0], vm15;
	[tilespmem:v0+s18+$0x0] =	vst.idx.msk vm15, v9;
	s18 =	simm.s32 $0x0  }
0x230: {  	v25 =	vld [tilespmem:s18+$0xC180]  }
0x231: {  	v29 =	vld [tilespmem:s18+$0xC190]  }
0x232: {  	v13 =	vld [tilespmem:s18+$0xC1A0]  }
0x233: {  	v15 =	vld [tilespmem:s18+$0xC1B0]  }
0x234: {  	v17 =	vld [tilespmem:s18+$0xC1C0]  }
0x235: {  	v10 =	vld [tilespmem:s18+$0xC1D0]  }
0x236: {  	v51 =	vld [tilespmem:s18+$0xC100]  }
0x237: {  	v54 =	vld [tilespmem:s18+$0xC110]  }
0x238: {  	v32 =	vld [tilespmem:s18+$0xC120]  }
0x239: {  	v33 =	vld [tilespmem:s18+$0xC130]  }
0x23a: {  	v34 =	vld [tilespmem:s18+$0xC140]  }
0x23b: {  	v21 =	vld [tilespmem:s18+$0xC150]  }
0x23c: {  	v24 =	vld [tilespmem:s18+$0xC160]  }
0x23d: {  	v55 =	vld [tilespmem:s18+$0xC080]  }
0x23e: {  	v56 =	vld [tilespmem:s18+$0xC090]  }
0x23f: {  	v0 =	vld [tilespmem:s18+$0xC0A0]  }
0x240: {  	v18 =	vmax.f32 v1, v18;
	v1 =	vld [tilespmem:s18+$0xC0B0]  }
0x241: {  	v23 =	vmax.f32 v2, v23;
	v6 =	vmax.f32 v6, v37;
	v20 =	vmax.f32 v20, v44;
	v2 =	vld [tilespmem:s18+$0xC0C0]  }
0x242: {  	v30 =	vmax.f32 v30, v45;
	v6 =	vmax.f32 v6, v36;
	v20 =	vmax.f32 v20, v39;
	v57 =	vld [tilespmem:s18+$0xC000]  }
0x243: {  	v30 =	vmax.f32 v30, v40;
	v6 =	vmax.f32 v6, v26;
	v20 =	vmax.f32 v20, v27;
	v27 =	vld [tilespmem:s18+$0xC010]  }
0x244: {  	v26 =	vmax.f32 v30, v28;
	v36 =	vmax.f32 v6, v8;
	v11 =	vmax.f32 v20, v11;
	v39 =	vld [tilespmem:s18+$0xC0D0]  }
0x245: {  	v4 =	vmax.f32 v4, v42;
	v37 =	vmax.f32 v26, v12;
	v6 =	vmax.f32 v31, v43;
	v8 =	vld [tilespmem:s18+$0xC020]  }
0x246: {  	v4 =	vmax.f32 v4, v38;
	v12 =	vmax.f32 v35, v50;
	v6 =	vmax.f32 v6, v41;
	v40 =	vld [tilespmem:s18+$0xC030]  }
0x247: {  	v4 =	vmax.f32 v4, v14;
	v12 =	vmax.f32 v12, v49;
	v6 =	vmax.f32 v6, v16;
	v41 =	vld [tilespmem:s18+$0xC040]  }
0x248: {  	v5 =	vmax.f32 v4, v5;
	v3 =	vmax.f32 v6, v3;
	v38 =	vld [tilespmem:s18+$0xC0E0];
	[tilespmem:$0x1FB60] =	vst v7;
	v7 =	vimm.s32 $0x0  }
0x249: {  	v6 =	vld [tilespmem:s18+$0xC060];
	v7 =	vsel vm15, $0xFFFFFFFF, v7;
	v4 =	vmax.f32 v18, v57;
	v14 =	vmax.f32 v23, v27  }
0x24a: {  	v12 =	vmax.f32 v12, v47;
	[tilespmem:$0x1FB70] =	vst v7;
	v7 =	vld [tilespmem:s18+$0xC1E0];
	v16 =	vmax.f32 v4, v55;
	v14 =	vmax.f32 v14, v56  }
0x24b: {  	s30 =	simm.s32 $0x800;
	v35 =	vmax.f32 v12, v46;
	v4 =	vld [tilespmem:s18+$0xC050];
	v44 =	vmax.f32 v16, v51;
	v45 =	vmax.f32 v14, v54  }
.LBB2_9:
0x24c: {  	p1 =	sne.s32 s30, $0xF800;
	v12 =	vld [tilespmem:s18+$0xC070];
	v14 =	vmax.f32 v44, v25;
	v16 =	vmax.f32 v45, v29  }
0x24d: {  	v8 =	vmax.f32 v36, v8;
	v11 =	vmax.f32 v11, v40;
	v18 =	vmax.f32 v37, v41;
	v20 =	vld [tilespmem:s18+$0xC0F0]  }
0x24e: {  	v0 =	vmax.f32 v8, v0;
	v1 =	vmax.f32 v11, v1;
	v2 =	vmax.f32 v18, v2;
	v8 =	vld [tilespmem:s18+$0xC170]  }
0x24f: {  	v0 =	vmax.f32 v0, v32;
	v1 =	vmax.f32 v1, v33;
	v2 =	vmax.f32 v2, v34;
	v18 =	vld [tilespmem:s18+$0xC1F0];
	s18 =	sshra.s32 s30, $0x2  }
0x250: {  	v36 =	vmax.f32 v0, v13;
	v11 =	vmax.f32 v1, v15;
	v25 =	vld [tilespmem:s18+$0xC180];
	v37 =	vmax.f32 v2, v17  }
0x251: {  	v0 =	vmax.f32 v5, v4;
	v1 =	vmax.f32 v3, v6;
	v29 =	vld [tilespmem:s18+$0xC190];
	v2 =	vmax.f32 v35, v12  }
0x252: {  	v0 =	vmax.f32 v0, v39;
	v1 =	vmax.f32 v1, v38;
	v13 =	vld [tilespmem:s18+$0xC1A0];
	v2 =	vmax.f32 v2, v20  }
0x253: {  	v0 =	vmax.f32 v0, v21;
	v1 =	vmax.f32 v1, v24;
	v15 =	vld [tilespmem:s18+$0xC1B0];
	v2 =	vmax.f32 v2, v8  }
0x254: {  	v5 =	vmax.f32 v0, v10;
	v3 =	vmax.f32 v1, v7;
	v17 =	vld [tilespmem:s18+$0xC1C0];
	v35 =	vmax.f32 v2, v18  }
0x255: {  	v10 =	vld [tilespmem:s18+$0xC1D0]  }
0x256: {  	v7 =	vld [tilespmem:s18+$0xC1E0]  }
0x257: {  	v12 =	vld [tilespmem:s18+$0xC100]  }
0x258: {  	v18 =	vld [tilespmem:s18+$0xC110]  }
0x259: {  	v32 =	vld [tilespmem:s18+$0xC120]  }
0x25a: {  	v33 =	vld [tilespmem:s18+$0xC130]  }
0x25b: {  	v34 =	vld [tilespmem:s18+$0xC140]  }
0x25c: {  	v21 =	vld [tilespmem:s18+$0xC150]  }
0x25d: {  	v24 =	vld [tilespmem:s18+$0xC160]  }
0x25e: {  	v6 =	vld [tilespmem:s18+$0xC080]  }
0x25f: {  	v20 =	vld [tilespmem:s18+$0xC090]  }
0x260: {  	v0 =	vld [tilespmem:s18+$0xC0A0]  }
0x261: {  	v1 =	vld [tilespmem:s18+$0xC0B0]  }
0x262: {  	v2 =	vld [tilespmem:s18+$0xC0C0]  }
0x263: {  	v4 =	vld [tilespmem:s18+$0xC000]  }
0x264: {  	v23 =	vld [tilespmem:s18+$0xC010]  }
0x265: {  	v39 =	vld [tilespmem:s18+$0xC0D0]  }
0x266: {  	v8 =	vld [tilespmem:s18+$0xC020]  }
.Ltmp3:
0x267: {  	v40 =	vld [tilespmem:s18+$0xC030];
	(pc) =	sbr.rel @p1 .LBB2_9-.Ltmp3, $4  }
0x268: {  	v41 =	vld [tilespmem:s18+$0xC040]  }
0x269: {  	v14 =	vmax.f32 v14, v4;
	v16 =	vmax.f32 v16, v23;
	v38 =	vld [tilespmem:s18+$0xC0E0]  }
0x26a: {  	v14 =	vmax.f32 v14, v6;
	v4 =	vld [tilespmem:s18+$0xC050];
	v16 =	vmax.f32 v16, v20  }
0x26b: {  	s30 =	sadd.s32 $0x800, s30;
	v44 =	vmax.f32 v14, v12;
	v6 =	vld [tilespmem:s18+$0xC060];
	v45 =	vmax.f32 v16, v18  }
0x26c: {  	v57 =	vld [tilespmem:s18+$0xC070]  }
0x26d: {  	v47 =	vld [tilespmem:s18+$0xC0F0]  }
0x26e: {  	v46 =	vld [tilespmem:s18+$0xC170]  }
0x26f: {  	v49 =	vld [tilespmem:s18+$0xC1F0];
	_ =	swait.ge [sflag:s24], $0x4000  }
0x270: {  	[sflag:s24] =	ssyncset.done $0x0  }
0x271: {  	s1 =	sadd.s32 s1, s12;
	[sflag:s24] =	ssyncadd.s32 $0xFFFFC000  }
0x272: {  	[tilespmem:s25], [sflag:$0x4] =	stream.strided.gather [hbm4b:s1+s20], $0x3400, s21, s20, $0x38;
	[tilespmem:$0x10180] =	vst v63  }
0x273: {  	v12 =	vld [tilespmem:s0+$0x10000];
	_ =	sdelay $0x4  }
0x274: {  	v14 =	vadd.s32 $0xFFFFFE00, v12  }
0x275: {  	vm0 =	vgt.s32 v14, $0x0  }
0x276: {  	v14 =	vnsel vm0, $0x0, v14  }
0x277: {  	v12 =	vand.u32 $0xFFFFFF80, v12;
	v14 =	vmin.u32 v14, $0x7F  }
0x278: {  	vm1 =	veq.s32 v12, $0x200;
	v48 =	vshll.u32 v14, $0x7  }
0x279: {  	v12 =	vor.u32 v19, v48;
	_ =	sdelay $0x3  }
0x27a: {  	s30 =	simm.s32 $0x0  }
0x27b: {  	v20 =	vld.idx.msk [tilespmem:v12+s30+$0x0], vm1;
	[tilespmem:v12+s30+$0x0] =	vst.idx.msk vm1, v9  }
0x27c: {  	v12 =	vld [tilespmem:s0+$0x10010];
	_ =	sdelay $0x4  }
0x27d: {  	v50 =	vadd.s32 $0xFFFFFE00, v12  }
0x27e: {  	vm0 =	vgt.s32 v50, $0x0  }
0x27f: {  	v14 =	vnsel vm0, $0x0, v50  }
0x280: {  	v12 =	vand.u32 $0xFFFFFF80, v12;
	v14 =	vmin.u32 v14, $0x7F  }
0x281: {  	vm3 =	veq.s32 v12, $0x200;
	v51 =	vshll.u32 v14, $0x7  }
0x282: {  	v12 =	vor.u32 v22, v51;
	_ =	sdelay $0x4  }
0x283: {  	v52 =	vld.idx.msk [tilespmem:v12+s30+$0x0], vm3;
	[tilespmem:v12+s30+$0x0] =	vst.idx.msk vm3, v9  }
0x284: {  	v12 =	vld [tilespmem:s0+$0x10020];
	_ =	sdelay $0x4  }
0x285: {  	v53 =	vadd.s32 $0xFFFFFE00, v12  }
0x286: {  	vm0 =	vgt.s32 v53, $0x0  }
0x287: {  	v14 =	vnsel vm0, $0x0, v53  }
0x288: {  	v12 =	vand.u32 $0xFFFFFF80, v12;
	v14 =	vmin.u32 v14, $0x7F  }
0x289: {  	vm5 =	veq.s32 v12, $0x200;
	v54 =	vshll.u32 v14, $0x7  }
0x28a: {  	v12 =	vor.u32 v58, v54;
	_ =	sdelay $0x4  }
0x28b: {  	v55 =	vld.idx.msk [tilespmem:v12+s30+$0x0], vm5;
	[tilespmem:v12+s30+$0x0] =	vst.idx.msk vm5, v9  }
0x28c: {  	v12 =	vld [tilespmem:s0+$0x10030];
	_ =	sdelay $0x4  }
0x28d: {  	v56 =	vadd.s32 $0xFFFFFE00, v12  }
0x28e: {  	vm0 =	vgt.s32 v56, $0x0  }
0x28f: {  	v14 =	vnsel vm0, $0x0, v56  }
0x290: {  	v12 =	vand.u32 $0xFFFFFF80, v12;
	v14 =	vmin.u32 v14, $0x7F  }
0x291: {  	vm8 =	veq.s32 v12, $0x200;
	v58 =	vshll.u32 v14, $0x7  }
0x292: {  	v14 =	vor.u32 v59, v58;
	_ =	sdelay $0x4  }
0x293: {  	v12 =	vld.idx.msk [tilespmem:v14+s30+$0x0], vm8;
	[tilespmem:v14+s30+$0x0] =	vst.idx.msk vm8, v9  }
0x294: {  	v14 =	vld [tilespmem:s0+$0x10040];
	_ =	sdelay $0x4  }
0x295: {  	v16 =	vadd.s32 $0xFFFFFE00, v14  }
0x296: {  	vm0 =	vgt.s32 v16, $0x0  }
0x297: {  	v16 =	vnsel vm0, $0x0, v16  }
0x298: {  	v14 =	vand.u32 $0xFFFFFF80, v14;
	v16 =	vmin.u32 v16, $0x7F  }
0x299: {  	vm10 =	veq.s32 v14, $0x200;
	v59 =	vshll.u32 v16, $0x7  }
0x29a: {  	v16 =	vor.u32 v60, v59;
	_ =	sdelay $0x4  }
0x29b: {  	v60 =	vld.idx.msk [tilespmem:v16+s30+$0x0], vm10;
	[tilespmem:v16+s30+$0x0] =	vst.idx.msk vm10, v9  }
0x29c: {  	v16 =	vld [tilespmem:s0+$0x10050];
	_ =	sdelay $0x4  }
0x29d: {  	v18 =	vadd.s32 $0xFFFFFE00, v16  }
0x29e: {  	vm0 =	vgt.s32 v18, $0x0  }
0x29f: {  	v18 =	vnsel vm0, $0x0, v18  }
0x2a0: {  	v16 =	vand.u32 $0xFFFFFF80, v16;
	v18 =	vmin.u32 v18, $0x7F  }
0x2a1: {  	vm12 =	veq.s32 v16, $0x200;
	v16 =	vshll.u32 v18, $0x7  }
0x2a2: {  	v16 =	vor.u32 v61, v16;
	_ =	sdelay $0x4  }
0x2a3: {  	v61 =	vld.idx.msk [tilespmem:v16+s30+$0x0], vm12;
	[tilespmem:v16+s30+$0x0] =	vst.idx.msk vm12, v9  }
0x2a4: {  	v16 =	vld [tilespmem:s0+$0x10060];
	_ =	sdelay $0x4  }
0x2a5: {  	v18 =	vadd.s32 $0xFFFFFE00, v16  }
0x2a6: {  	vm0 =	vgt.s32 v18, $0x0  }
0x2a7: {  	v18 =	vnsel vm0, $0x0, v18  }
0x2a8: {  	v16 =	vand.u32 $0xFFFFFF80, v16;
	v18 =	vmin.u32 v18, $0x7F  }
0x2a9: {  	vm14 =	veq.s32 v16, $0x200;
	v16 =	vshll.u32 v18, $0x7  }
0x2aa: {  	v16 =	vor.u32 v62, v16;
	_ =	sdelay $0x4  }
0x2ab: {  	v23 =	vld.idx.msk [tilespmem:v16+s30+$0x0], vm14;
	[tilespmem:v16+s30+$0x0] =	vst.idx.msk vm14, v9  }
0x2ac: {  	v16 =	vld [tilespmem:s0+$0x10070];
	_ =	sdelay $0x4  }
0x2ad: {  	v18 =	vadd.s32 $0xFFFFFE00, v16  }
0x2ae: {  	vm0 =	vgt.s32 v18, $0x0  }
0x2af: {  	v18 =	vnsel vm0, $0x0, v18  }
0x2b0: {  	v16 =	vand.u32 $0xFFFFFF80, v16;
	v18 =	vmin.u32 v18, $0x7F  }
0x2b1: {  	vm15 =	veq.s32 v16, $0x200;
	v16 =	vshll.u32 v18, $0x7  }
0x2b2: {  	v16 =	vor.u32 v63, v16;
	_ =	sdelay $0x4  }
0x2b3: {  	s1 =	simm.s32 $0x0;
	v27 =	vld.idx.msk [tilespmem:v16+s30+$0x0], vm15;
	[tilespmem:v16+s30+$0x0] =	vst.idx.msk vm15, v9  }
0x2b4: {  	v50 =	vld [tilespmem:s1+$0x180]  }
0x2b5: {  	v51 =	vld [tilespmem:s1+$0x190]  }
0x2b6: {  	v26 =	vld [tilespmem:s1+$0x1A0]  }
0x2b7: {  	v28 =	vld [tilespmem:s1+$0x1B0]  }
0x2b8: {  	v30 =	vld [tilespmem:s1+$0x1C0]  }
0x2b9: {  	v18 =	vld [tilespmem:s1+$0x1D0]  }
0x2ba: {  	v16 =	vld [tilespmem:s1+$0x1E0]  }
0x2bb: {  	v19 =	vld [tilespmem:s1+$0x100]  }
0x2bc: {  	v22 =	vld [tilespmem:s1+$0x110]  }
0x2bd: {  	v54 =	vld [tilespmem:s1+$0x120]  }
0x2be: {  	[tilespmem:$0x1F9C0] =	vst v55;
	v55 =	vld [tilespmem:s1+$0x130]  }
0x2bf: {  	v56 =	vld [tilespmem:s1+$0x140]  }
0x2c0: {  	v31 =	vld [tilespmem:s1+$0x150]  }
0x2c1: {  	v43 =	vld [tilespmem:s1+$0x160]  }
0x2c2: {  	[tilespmem:$0x1F9B0] =	vst v52;
	v52 =	vld [tilespmem:s1+$0x80]  }
0x2c3: {  	v53 =	vld [tilespmem:s1+$0x90]  }
0x2c4: {  	v42 =	vld [tilespmem:s1+$0xA0]  }
0x2c5: {  	v25 =	vmax.f32 v44, v25;
	v8 =	vmax.f32 v36, v8;
	v11 =	vmax.f32 v11, v40;
	v44 =	vld [tilespmem:s1+$0xB0]  }
0x2c6: {  	v29 =	vmax.f32 v45, v29;
	v0 =	vmax.f32 v8, v0;
	v1 =	vmax.f32 v11, v1;
	v45 =	vld [tilespmem:s1+$0xC0]  }
0x2c7: {  	v0 =	vmax.f32 v0, v32;
	v1 =	vmax.f32 v1, v33;
	v63 =	vmax.f32 v37, v41;
	v8 =	vld [tilespmem:s1+$0x0]  }
0x2c8: {  	v33 =	vmax.f32 v1, v15;
	v1 =	vmax.f32 v5, v4;
	v2 =	vmax.f32 v63, v2;
	v11 =	vld [tilespmem:s1+$0x10]  }
0x2c9: {  	v32 =	vmax.f32 v0, v13;
	v1 =	vmax.f32 v1, v39;
	v2 =	vmax.f32 v2, v34;
	v41 =	vld [tilespmem:s1+$0xD0]  }
0x2ca: {  	v34 =	vmax.f32 v2, v17;
	v2 =	vmax.f32 v3, v6;
	v3 =	vmax.f32 v35, v57;
	v0 =	vld [tilespmem:s1+$0x20]  }
0x2cb: {  	v1 =	vmax.f32 v1, v21;
	v4 =	vmax.f32 v2, v38;
	v3 =	vmax.f32 v3, v47;
	v2 =	vld [tilespmem:s1+$0x30]  }
0x2cc: {  	v57 =	vmax.f32 v1, v10;
	v5 =	vmax.f32 v3, v46;
	v3 =	vld [tilespmem:s1+$0x40]  }
0x2cd: {  	[tilespmem:$0x1F9D0] =	vst v12;
	v4 =	vmax.f32 v4, v24;
	v46 =	vld [tilespmem:s1+$0xE0];
	v1 =	vmax.f32 v25, v8;
	v6 =	vmax.f32 v29, v11  }
0x2ce: {  	[tilespmem:$0x1F9E0] =	vst v60;
	v35 =	vmax.f32 v4, v7;
	v47 =	vld [tilespmem:s1+$0x50];
	v4 =	vmax.f32 v1, v52;
	v6 =	vmax.f32 v6, v53  }
0x2cf: {  	s18 =	simm.s32 $0x800;
	[tilespmem:$0x1F9F0] =	vst v61;
	v38 =	vmax.f32 v5, v49;
	v1 =	vld [tilespmem:s1+$0x60];
	v10 =	vmax.f32 v4, v19;
	v8 =	vmax.f32 v6, v22  }
.LBB2_11:
0x2d0: {  	p1 =	sne.s32 s18, $0xF800;
	v4 =	vld [tilespmem:s1+$0x70];
	v5 =	vmax.f32 v10, v50;
	v6 =	vmax.f32 v8, v51  }
0x2d1: {  	v0 =	vmax.f32 v32, v0;
	v2 =	vmax.f32 v33, v2;
	v3 =	vmax.f32 v34, v3;
	v7 =	vld [tilespmem:s1+$0xF0]  }
0x2d2: {  	v0 =	vmax.f32 v0, v42;
	v2 =	vmax.f32 v2, v44;
	v3 =	vmax.f32 v3, v45;
	v8 =	vld [tilespmem:s1+$0x170]  }
0x2d3: {  	v0 =	vmax.f32 v0, v54;
	v2 =	vmax.f32 v2, v55;
	v3 =	vmax.f32 v3, v56;
	v10 =	vld [tilespmem:s1+$0x1F0];
	s1 =	sshra.s32 s18, $0x2  }
0x2d4: {  	v32 =	vmax.f32 v0, v26;
	v33 =	vmax.f32 v2, v28;
	v50 =	vld [tilespmem:s1+$0x180];
	v34 =	vmax.f32 v3, v30  }
0x2d5: {  	v0 =	vmax.f32 v57, v47;
	v1 =	vmax.f32 v35, v1;
	v51 =	vld [tilespmem:s1+$0x190];
	v2 =	vmax.f32 v38, v4  }
0x2d6: {  	v0 =	vmax.f32 v0, v41;
	v1 =	vmax.f32 v1, v46;
	v26 =	vld [tilespmem:s1+$0x1A0];
	v2 =	vmax.f32 v2, v7  }
0x2d7: {  	v0 =	vmax.f32 v0, v31;
	v1 =	vmax.f32 v1, v43;
	v28 =	vld [tilespmem:s1+$0x1B0];
	v2 =	vmax.f32 v2, v8  }
0x2d8: {  	v57 =	vmax.f32 v0, v18;
	v35 =	vmax.f32 v1, v16;
	v30 =	vld [tilespmem:s1+$0x1C0];
	v38 =	vmax.f32 v2, v10  }
0x2d9: {  	v18 =	vld [tilespmem:s1+$0x1D0]  }
0x2da: {  	v16 =	vld [tilespmem:s1+$0x1E0]  }
0x2db: {  	v4 =	vld [tilespmem:s1+$0x100]  }
0x2dc: {  	v7 =	vld [tilespmem:s1+$0x110]  }
0x2dd: {  	v54 =	vld [tilespmem:s1+$0x120]  }
0x2de: {  	v55 =	vld [tilespmem:s1+$0x130]  }
0x2df: {  	v56 =	vld [tilespmem:s1+$0x140]  }
0x2e0: {  	v31 =	vld [tilespmem:s1+$0x150]  }
0x2e1: {  	v43 =	vld [tilespmem:s1+$0x160]  }
0x2e2: {  	v1 =	vld [tilespmem:s1+$0x80]  }
0x2e3: {  	v8 =	vld [tilespmem:s1+$0x90]  }
0x2e4: {  	v42 =	vld [tilespmem:s1+$0xA0]  }
0x2e5: {  	v44 =	vld [tilespmem:s1+$0xB0]  }
0x2e6: {  	v45 =	vld [tilespmem:s1+$0xC0]  }
0x2e7: {  	v10 =	vld [tilespmem:s1+$0x0]  }
0x2e8: {  	v11 =	vld [tilespmem:s1+$0x10]  }
0x2e9: {  	v41 =	vld [tilespmem:s1+$0xD0]  }
0x2ea: {  	v0 =	vld [tilespmem:s1+$0x20]  }
.Ltmp4:
0x2eb: {  	v2 =	vld [tilespmem:s1+$0x30];
	(pc) =	sbr.rel @p1 .LBB2_11-.Ltmp4, $4  }
0x2ec: {  	v3 =	vld [tilespmem:s1+$0x40]  }
0x2ed: {  	v5 =	vmax.f32 v5, v10;
	v6 =	vmax.f32 v6, v11;
	v46 =	vld [tilespmem:s1+$0xE0]  }
0x2ee: {  	v5 =	vmax.f32 v5, v1;
	v47 =	vld [tilespmem:s1+$0x50];
	v6 =	vmax.f32 v6, v8  }
0x2ef: {  	s18 =	sadd.s32 $0x800, s18;
	v10 =	vmax.f32 v5, v4;
	v1 =	vld [tilespmem:s1+$0x60];
	v8 =	vmax.f32 v6, v7  }
0x2f0: {  	v7 =	vld [tilespmem:s1+$0x70]  }
0x2f1: {  	v6 =	vld [tilespmem:s1+$0xF0]  }
0x2f2: {  	v5 =	vld [tilespmem:s1+$0x170]  }
0x2f3: {  	v4 =	vld [tilespmem:s1+$0x1F0];
	_ =	swait.ge [sflag:s26], $0x4000  }
0x2f4: {  	s1 =	simm.s32 @p0 $0x400;
	[sflag:s26] =	ssyncset.done $0x0  }
0x2f5: {  	s18 =	simm.s32 @p0 $0x20000;
	s30 =	simm.s32 @p0 $0x0;
	[sflag:s26] =	ssyncadd.s32 $0xFFFFC000  }
0x2f6: {  	[tilespmem:s30], [sflag:$0x1] =	stream.strided.gather @p0 [hbm4b:s13+s1], $0x4000, s18, s1, $0x38;
	[tilespmem:$0x10180] =	vst v63  }
0x2f7: {  	v11 =	vld [tilespmem:s0+$0x10000];
	_ =	sdelay $0x4  }
0x2f8: {  	v13 =	vadd.s32 $0xFFFFFD80, v11  }
0x2f9: {  	v11 =	vand.u32 $0xFFFFFF80, v11;
	vm0 =	vgt.s32 v13, $0x0  }
0x2fa: {  	v13 =	vnsel vm0, $0x0, v13;
	vm0 =	veq.s32 v11, $0x280;
	v11 =	vld [tilespmem:$0x1FF10];
	_ =	sdelay $0x2  }
0x2fb: {  	v13 =	vmin.u32 v13, $0x7F  }
0x2fc: {  	v13 =	vshll.u32 v13, $0x7  }
0x2fd: {  	v11 =	vor.u32 v11, v13;
	_ =	sdelay $0x3  }
0x2fe: {  	s30 =	simm.s32 $0x0  }
0x2ff: {  	v12 =	vld.idx.msk [tilespmem:v11+s30+$0x0], vm0;
	[tilespmem:v11+s30+$0x0] =	vst.idx.msk vm0, v9  }
0x300: {  	v11 =	vld [tilespmem:s0+$0x10010];
	_ =	sdelay $0x4  }
0x301: {  	v13 =	vadd.s32 $0xFFFFFD80, v11  }
0x302: {  	v11 =	vand.u32 $0xFFFFFF80, v11;
	vm2 =	vgt.s32 v13, $0x0  }
0x303: {  	v13 =	vnsel vm2, $0x0, v13;
	vm2 =	veq.s32 v11, $0x280;
	v11 =	vld [tilespmem:$0x1FF20];
	_ =	sdelay $0x2  }
0x304: {  	v13 =	vmin.u32 v13, $0x7F  }
0x305: {  	v13 =	vshll.u32 v13, $0x7  }
0x306: {  	v11 =	vor.u32 v11, v13;
	_ =	sdelay $0x1  }
0x307: {  	[tilespmem:$0x1F920] =	vst v12;
	v12 =	vimm.s32 $0x0  }
0x308: {  	v12 =	vsel vm0, $0xFFFFFFFF, v12  }
0x309: {  	[tilespmem:$0x1F930] =	vst v12  }
0x30a: {  	v12 =	vld.idx.msk [tilespmem:v11+s30+$0x0], vm2;
	[tilespmem:v11+s30+$0x0] =	vst.idx.msk vm2, v9  }
0x30b: {  	v11 =	vld [tilespmem:s0+$0x10020];
	_ =	sdelay $0x4  }
0x30c: {  	v13 =	vadd.s32 $0xFFFFFD80, v11  }
0x30d: {  	v11 =	vand.u32 $0xFFFFFF80, v11;
	vm4 =	vgt.s32 v13, $0x0  }
0x30e: {  	v13 =	vnsel vm4, $0x0, v13;
	vm4 =	veq.s32 v11, $0x280;
	v11 =	vld [tilespmem:$0x1FF30];
	_ =	sdelay $0x2  }
0x30f: {  	v13 =	vmin.u32 v13, $0x7F  }
0x310: {  	v13 =	vshll.u32 v13, $0x7  }
0x311: {  	v11 =	vor.u32 v11, v13;
	_ =	sdelay $0x3  }
0x312: {  	[tilespmem:$0x1F940] =	vst v12  }
0x313: {  	v12 =	vld.idx.msk [tilespmem:v11+s30+$0x0], vm4;
	[tilespmem:v11+s30+$0x0] =	vst.idx.msk vm4, v9  }
0x314: {  	v11 =	vld [tilespmem:s0+$0x10030];
	_ =	sdelay $0x4  }
0x315: {  	v13 =	vadd.s32 $0xFFFFFD80, v11;
	v11 =	vand.u32 $0xFFFFFF80, v11  }
0x316: {  	vm7 =	veq.s32 v11, $0x280;
	v11 =	vld [tilespmem:$0x1FF40]  }
0x317: {  	vm6 =	vgt.s32 v13, $0x0  }
0x318: {  	v13 =	vnsel vm6, $0x0, v13  }
0x319: {  	v13 =	vmin.u32 v13, $0x7F  }
0x31a: {  	v13 =	vshll.u32 v13, $0x7  }
0x31b: {  	v13 =	vor.u32 v11, v13;
	_ =	sdelay $0x4  }
0x31c: {  	v11 =	vld.idx.msk [tilespmem:v13+s30+$0x0], vm7;
	[tilespmem:v13+s30+$0x0] =	vst.idx.msk vm7, v9  }
0x31d: {  	v13 =	vld [tilespmem:s0+$0x10040];
	_ =	sdelay $0x4  }
0x31e: {  	[tilespmem:$0x1F960] =	vst v11;
	v11 =	vld [tilespmem:$0x1FF50];
	v15 =	vadd.s32 $0xFFFFFD80, v13  }
0x31f: {  	vm6 =	vgt.s32 v15, $0x0  }
0x320: {  	v15 =	vnsel vm6, $0x0, v15  }
0x321: {  	v13 =	vand.u32 $0xFFFFFF80, v13;
	v15 =	vmin.u32 v15, $0x7F  }
0x322: {  	vm9 =	veq.s32 v13, $0x280;
	v15 =	vshll.u32 v15, $0x7  }
0x323: {  	v15 =	vor.u32 v11, v15;
	_ =	sdelay $0x4  }
0x324: {  	v11 =	vld.idx.msk [tilespmem:v15+s30+$0x0], vm9;
	[tilespmem:v15+s30+$0x0] =	vst.idx.msk vm9, v9  }
0x325: {  	v15 =	vld [tilespmem:s0+$0x10050];
	_ =	sdelay $0x4  }
0x326: {  	[tilespmem:$0x1F970] =	vst v11;
	v11 =	vld [tilespmem:$0x1FF60];
	v17 =	vadd.s32 $0xFFFFFD80, v15  }
0x327: {  	vm6 =	vgt.s32 v17, $0x0  }
0x328: {  	v17 =	vnsel vm6, $0x0, v17  }
0x329: {  	v15 =	vand.u32 $0xFFFFFF80, v15;
	v17 =	vmin.u32 v17, $0x7F  }
0x32a: {  	vm11 =	veq.s32 v15, $0x280;
	v17 =	vshll.u32 v17, $0x7  }
0x32b: {  	v17 =	vor.u32 v11, v17;
	_ =	sdelay $0x4  }
0x32c: {  	v11 =	vld.idx.msk [tilespmem:v17+s30+$0x0], vm11;
	[tilespmem:v17+s30+$0x0] =	vst.idx.msk vm11, v9  }
0x32d: {  	v17 =	vld [tilespmem:s0+$0x10060];
	_ =	sdelay $0x4  }
0x32e: {  	[tilespmem:$0x1F980] =	vst v11;
	v11 =	vld [tilespmem:$0x1FF70];
	v19 =	vadd.s32 $0xFFFFFD80, v17  }
0x32f: {  	vm6 =	vgt.s32 v19, $0x0  }
0x330: {  	v19 =	vnsel vm6, $0x0, v19  }
0x331: {  	v17 =	vand.u32 $0xFFFFFF80, v17;
	v19 =	vmin.u32 v19, $0x7F  }
0x332: {  	vm13 =	veq.s32 v17, $0x280;
	v19 =	vshll.u32 v19, $0x7  }
0x333: {  	v17 =	vor.u32 v11, v19;
	_ =	sdelay $0x4  }
0x334: {  	v11 =	vld.idx.msk [tilespmem:v17+s30+$0x0], vm13;
	[tilespmem:v17+s30+$0x0] =	vst.idx.msk vm13, v9  }
0x335: {  	v17 =	vld [tilespmem:s0+$0x10070];
	_ =	sdelay $0x4  }
0x336: {  	[tilespmem:$0x1F990] =	vst v11;
	v11 =	vld [tilespmem:$0x1FF80];
	v19 =	vadd.s32 $0xFFFFFD80, v17  }
0x337: {  	vm6 =	vgt.s32 v19, $0x0  }
0x338: {  	v19 =	vnsel vm6, $0x0, v19  }
0x339: {  	v17 =	vand.u32 $0xFFFFFF80, v17;
	v19 =	vmin.u32 v19, $0x7F  }
0x33a: {  	vm6 =	veq.s32 v17, $0x280;
	v19 =	vshll.u32 v19, $0x7  }
0x33b: {  	v17 =	vor.u32 v11, v19;
	_ =	sdelay $0x4  }
0x33c: {  	v11 =	vld.idx.msk [tilespmem:v17+s30+$0x0], vm6;
	_ =	sdelay $0x4  }
0x33d: {  	[tilespmem:$0x1F9A0] =	vst v11;
	v11 =	vld [tilespmem:$0x1FE20];
	_ =	sdelay $0x4  }
0x33e: {  	vm0 =	vnez.u8 v11;
	v11 =	vld [tilespmem:$0x1FE10];
	_ =	sdelay $0x4  }
0x33f: {  	v19 =	vnsel vm0, $0x0, v11;
	v11 =	vld [tilespmem:$0x1FE40];
	_ =	sdelay $0x4  }
0x340: {  	vm0 =	vnez.u8 v11;
	v11 =	vld [tilespmem:$0x1FE30];
	_ =	sdelay $0x4  }
0x341: {  	v22 =	vnsel vm0, $0x0, v11;
	v11 =	vld [tilespmem:$0x1FE60];
	_ =	sdelay $0x4  }
0x342: {  	vm0 =	vnez.u8 v11;
	v11 =	vld [tilespmem:$0x1FE50];
	_ =	sdelay $0x4  }
0x343: {  	v36 =	vnsel vm0, $0x0, v11;
	v11 =	vld [tilespmem:$0x1FE80];
	_ =	sdelay $0x4  }
0x344: {  	vm0 =	vnez.u8 v11;
	v11 =	vld [tilespmem:$0x1FE70];
	_ =	sdelay $0x4  }
0x345: {  	v37 =	vnsel vm0, $0x0, v11;
	v11 =	vld [tilespmem:$0x1FD10];
	_ =	sdelay $0x4  }
0x346: {  	vm0 =	vnez.u8 v11;
	v11 =	vld [tilespmem:$0x1FD00];
	_ =	sdelay $0x4  }
0x347: {  	v39 =	vsel vm0, v11, v19;
	v11 =	vld [tilespmem:$0x1FD30];
	_ =	sdelay $0x4  }
0x348: {  	vm0 =	vnez.u8 v11;
	v11 =	vld [tilespmem:$0x1FD20];
	_ =	sdelay $0x4  }
0x349: {  	v40 =	vsel vm0, v11, v22;
	v11 =	vld [tilespmem:$0x1FD50];
	_ =	sdelay $0x4  }
0x34a: {  	vm0 =	vnez.u8 v11;
	v11 =	vld [tilespmem:$0x1FD40];
	_ =	sdelay $0x4  }
0x34b: {  	v36 =	vsel vm0, v11, v36;
	v11 =	vld [tilespmem:$0x1FD70];
	_ =	sdelay $0x4  }
0x34c: {  	vm0 =	vnez.u8 v11;
	v11 =	vld [tilespmem:$0x1FD60];
	_ =	sdelay $0x4  }
0x34d: {  	v52 =	vsel vm0, v11, v37;
	v11 =	vld [tilespmem:$0x1FEA0];
	_ =	sdelay $0x4  }
0x34e: {  	vm0 =	vnez.u8 v11;
	v11 =	vld [tilespmem:$0x1FE90];
	_ =	sdelay $0x4  }
0x34f: {  	v58 =	vnsel vm0, $0x0, v11;
	v11 =	vld [tilespmem:$0x1FD90];
	_ =	sdelay $0x4  }
0x350: {  	vm0 =	vnez.u8 v11;
	v11 =	vld [tilespmem:$0x1FD80];
	_ =	sdelay $0x4  }
0x351: {  	v53 =	vsel vm0, v11, v58;
	v11 =	vld [tilespmem:$0x1FEC0];
	_ =	sdelay $0x4  }
0x352: {  	vm0 =	vnez.u8 v11;
	v11 =	vld [tilespmem:$0x1FEB0];
	_ =	sdelay $0x4  }
0x353: {  	v59 =	vnsel vm0, $0x0, v11;
	v11 =	vld [tilespmem:$0x1FEE0];
	_ =	sdelay $0x3  }
0x354: {  	[tilespmem:$0x1F950] =	vst v12;
	v12 =	vld [tilespmem:$0x1FDB0]  }
0x355: {  	vm0 =	vnez.u8 v11;
	v11 =	vld [tilespmem:$0x1FED0];
	_ =	sdelay $0x4  }
0x356: {  	v62 =	vnsel vm0, $0x0, v11;
	vm0 =	vnez.u8 v12;
	v12 =	vld [tilespmem:$0x1FDA0];
	_ =	sdelay $0x4  }
0x357: {  	v63 =	vsel vm0, v12, v59;
	v12 =	vld [tilespmem:$0x1FDD0];
	_ =	sdelay $0x4  }
0x358: {  	vm0 =	vnez.u8 v12;
	v12 =	vld [tilespmem:$0x1FDC0];
	_ =	sdelay $0x4  }
0x359: {  	v62 =	vsel vm0, v12, v62;
	v12 =	vld [tilespmem:$0x1FF00];
	_ =	sdelay $0x4  }
0x35a: {  	vm0 =	vnez.u8 v12;
	v12 =	vld [tilespmem:$0x1FEF0];
	_ =	sdelay $0x4  }
0x35b: {  	v61 =	vnsel vm0, $0x0, v12;
	v12 =	vld [tilespmem:$0x1FDF0];
	_ =	sdelay $0x4  }
0x35c: {  	vm0 =	vnez.u8 v12;
	v12 =	vld [tilespmem:$0x1FDE0];
	_ =	sdelay $0x4  }
0x35d: {  	v48 =	vsel vm0, v12, v61;
	v12 =	vld [tilespmem:$0x1FBA0];
	_ =	sdelay $0x4  }
0x35e: {  	vm0 =	vnez.u8 v12;
	v12 =	vld [tilespmem:$0x1FB90];
	_ =	sdelay $0x4  }
0x35f: {  	v58 =	vsel vm0, v12, v39;
	v12 =	vld [tilespmem:$0x1FBD0];
	_ =	sdelay $0x4  }
0x360: {  	vm0 =	vnez.u8 v12;
	v12 =	vld [tilespmem:$0x1FBC0];
	_ =	sdelay $0x4  }
0x361: {  	v59 =	vsel vm0, v12, v40;
	v12 =	vld [tilespmem:$0x1FC00];
	_ =	sdelay $0x4  }
0x362: {  	vm0 =	vnez.u8 v12;
	v12 =	vld [tilespmem:$0x1FBF0];
	_ =	sdelay $0x4  }
0x363: {  	v36 =	vsel vm0, v12, v36;
	v12 =	vld [tilespmem:$0x1FC30];
	_ =	sdelay $0x4  }
0x364: {  	vm0 =	vnez.u8 v12;
	v12 =	vld [tilespmem:$0x1FC20];
	_ =	sdelay $0x4  }
0x365: {  	v60 =	vsel vm0, v12, v52;
	v12 =	vld [tilespmem:$0x1FC60];
	_ =	sdelay $0x4  }
0x366: {  	vm0 =	vnez.u8 v12;
	v12 =	vld [tilespmem:$0x1FC50];
	_ =	sdelay $0x4  }
0x367: {  	v53 =	vsel vm0, v12, v53;
	v12 =	vld [tilespmem:$0x1FC90];
	_ =	sdelay $0x4  }
0x368: {  	vm0 =	vnez.u8 v12;
	v12 =	vld [tilespmem:$0x1FC80];
	_ =	sdelay $0x4  }
0x369: {  	v63 =	vsel vm0, v12, v63;
	v12 =	vld [tilespmem:$0x1FCC0];
	_ =	sdelay $0x4  }
0x36a: {  	vm0 =	vnez.u8 v12;
	v12 =	vld [tilespmem:$0x1FCB0];
	_ =	sdelay $0x4  }
0x36b: {  	v62 =	vsel vm0, v12, v62;
	v12 =	vld [tilespmem:$0x1FCF0];
	_ =	sdelay $0x4  }
0x36c: {  	vm0 =	vnez.u8 v12;
	v12 =	vld [tilespmem:$0x1FCE0];
	_ =	sdelay $0x4  }
0x36d: {  	v48 =	vsel vm0, v12, v48;
	v12 =	vld [tilespmem:$0x1FA20];
	_ =	sdelay $0x4  }
0x36e: {  	vm0 =	vnez.u8 v12;
	v12 =	vld [tilespmem:$0x1FA10];
	_ =	sdelay $0x4  }
0x36f: {  	v58 =	vsel vm0, v12, v58;
	v12 =	vld [tilespmem:$0x1FA50];
	_ =	sdelay $0x4  }
0x370: {  	vm0 =	vnez.u8 v12;
	v12 =	vld [tilespmem:$0x1FA40];
	_ =	sdelay $0x4  }
0x371: {  	v59 =	vsel vm0, v12, v59;
	v12 =	vld [tilespmem:$0x1FA80];
	_ =	sdelay $0x4  }
0x372: {  	vm0 =	vnez.u8 v12;
	v12 =	vld [tilespmem:$0x1FA70];
	_ =	sdelay $0x4  }
0x373: {  	v36 =	vsel vm0, v12, v36;
	v12 =	vld [tilespmem:$0x1FAB0];
	_ =	sdelay $0x4  }
0x374: {  	vm0 =	vnez.u8 v12;
	v12 =	vld [tilespmem:$0x1FAA0];
	_ =	sdelay $0x4  }
0x375: {  	v61 =	vsel vm0, v12, v60;
	v12 =	vld [tilespmem:$0x1FAE0];
	_ =	sdelay $0x1  }
0x376: {  	v14 =	vld [tilespmem:$0x1FB10]  }
0x377: {  	v21 =	vld [tilespmem:$0x1F9B0]  }
0x378: {  	v15 =	vld [tilespmem:$0x1FB70]  }
0x379: {  	s1 =	simm.s32 $0x0;
	[tilespmem:v17+s30+$0x0] =	vst.idx.msk vm6, v9;
	vm0 =	vnez.u8 v12;
	v12 =	vld [tilespmem:$0x1FAD0]  }
0x37a: {  	v49 =	vld [tilespmem:s1+$0x4180]  }
0x37b: {  	v17 =	vld [tilespmem:s1+$0x4190]  }
0x37c: {  	v24 =	vld [tilespmem:s1+$0x41A0]  }
0x37d: {  	v25 =	vld [tilespmem:s1+$0x41B0]  }
0x37e: {  	v12 =	vsel vm0, v12, v53;
	vm0 =	vnez.u8 v14;
	v14 =	vld [tilespmem:$0x1FB00]  }
0x37f: {  	v29 =	vld [tilespmem:s1+$0x41C0]  }
0x380: {  	v1 =	vmax.f32 v35, v1;
	v13 =	vld [tilespmem:s1+$0x4110]  }
0x381: {  	v8 =	vmax.f32 v8, v51;
	v1 =	vmax.f32 v1, v46;
	v51 =	vld [tilespmem:s1+$0x40B0]  }
0x382: {  	v2 =	vmax.f32 v33, v2;
	v46 =	vmax.f32 v1, v43;
	v1 =	vld [tilespmem:s1+$0x4040]  }
0x383: {  	v3 =	vmax.f32 v34, v3;
	v2 =	vmax.f32 v2, v44;
	v63 =	vsel vm0, v14, v63;
	v14 =	vld [tilespmem:$0x1FB40]  }
0x384: {  	v3 =	vmax.f32 v3, v45;
	v2 =	vmax.f32 v2, v55;
	v55 =	vld [tilespmem:s1+$0x4050]  }
0x385: {  	v3 =	vmax.f32 v3, v56;
	v56 =	vld [tilespmem:s1+$0x4060]  }
0x386: {  	v19 =	vld [tilespmem:s1+$0x41D0]  }
0x387: {  	v22 =	vld [tilespmem:s1+$0x41E0]  }
0x388: {  	vm0 =	vnez.u8 v14;
	v14 =	vld [tilespmem:$0x1FB30]  }
0x389: {  	v37 =	vld [tilespmem:s1+$0x4120]  }
0x38a: {  	v59 =	vsel vm3, v21, v59;
	v21 =	vld [tilespmem:$0x1F9C0]  }
0x38b: {  	v11 =	vld [tilespmem:s1+$0x4100]  }
0x38c: {  	v39 =	vld [tilespmem:s1+$0x4130]  }
0x38d: {  	v14 =	vsel vm0, v14, v62;
	v62 =	vld [tilespmem:$0x1F9E0]  }
0x38e: {  	v40 =	vld [tilespmem:s1+$0x4140]  }
0x38f: {  	v60 =	vsel vm5, v21, v36;
	v21 =	vld [tilespmem:$0x1F9D0]  }
0x390: {  	vm0 =	vnez.u8 v15;
	v15 =	vld [tilespmem:$0x1FB60]  }
0x391: {  	v52 =	vld [tilespmem:s1+$0x4150]  }
0x392: {  	v62 =	vsel vm10, v62, v12;
	v12 =	vld [tilespmem:$0x1F9F0]  }
0x393: {  	v58 =	vsel vm1, v20, v58;
	v20 =	vld [tilespmem:s1+$0x4080]  }
0x394: {  	v61 =	vsel vm8, v21, v61;
	v21 =	vld [tilespmem:s1+$0x4090]  }
0x395: {  	v36 =	vsel vm14, v23, v14;
	v14 =	vld [tilespmem:s1+$0x4000];
	v15 =	vsel vm0, v15, v48  }
0x396: {  	v44 =	vmax.f32 v3, v30;
	v3 =	vmax.f32 v38, v7;
	v23 =	vsel vm15, v27, v15;
	v15 =	vld [tilespmem:s1+$0x4010]  }
0x397: {  	v53 =	vld [tilespmem:s1+$0x4160];
	v63 =	vsel vm12, v12, v63;
	v12 =	vmax.f32 v10, v50;
	v10 =	vmax.f32 v32, v0  }
0x398: {  	v48 =	vld [tilespmem:s1+$0x40A0];
	v10 =	vmax.f32 v10, v42;
	v42 =	vmax.f32 v2, v28;
	v2 =	vmax.f32 v57, v47  }
0x399: {  	v3 =	vmax.f32 v3, v6;
	v57 =	vld [tilespmem:s1+$0x4020];
	v10 =	vmax.f32 v10, v54;
	v2 =	vmax.f32 v2, v41  }
0x39a: {  	v3 =	vmax.f32 v3, v5;
	v45 =	vmax.f32 v10, v26;
	v10 =	vld [tilespmem:s1+$0x4030];
	v2 =	vmax.f32 v2, v31  }
0x39b: {  	v0 =	vld [tilespmem:s1+$0x40C0];
	v47 =	vmax.f32 v8, v15;
	v41 =	vmax.f32 v2, v18;
	v2 =	vmax.f32 v12, v14  }
0x39c: {  	v43 =	vmax.f32 v46, v16;
	v50 =	vld [tilespmem:s1+$0x40D0];
	v5 =	vmax.f32 v47, v21;
	v2 =	vmax.f32 v2, v20  }
0x39d: {  	s18 =	simm.s32 $0x800;
	v46 =	vmax.f32 v3, v4;
	v54 =	vld [tilespmem:s1+$0x40E0];
	v14 =	vmax.f32 v5, v13;
	v12 =	vmax.f32 v2, v11  }
.LBB2_13:
0x39e: {  	p1 =	sne.s32 s18, $0xF800;
	v2 =	vld [tilespmem:s1+$0x4070];
	v3 =	vmax.f32 v12, v49;
	v4 =	vmax.f32 v14, v17  }
0x39f: {  	v5 =	vmax.f32 v45, v57;
	v6 =	vmax.f32 v42, v10;
	v1 =	vmax.f32 v44, v1;
	v7 =	vld [tilespmem:s1+$0x40F0]  }
0x3a0: {  	v5 =	vmax.f32 v5, v48;
	v6 =	vmax.f32 v6, v51;
	v0 =	vmax.f32 v1, v0;
	v1 =	vld [tilespmem:s1+$0x4170]  }
0x3a1: {  	v5 =	vmax.f32 v5, v37;
	v6 =	vmax.f32 v6, v39;
	v0 =	vmax.f32 v0, v40;
	v8 =	vld [tilespmem:s1+$0x41F0];
	s1 =	sshra.s32 s18, $0x2  }
0x3a2: {  	v45 =	vmax.f32 v5, v24;
	v42 =	vmax.f32 v6, v25;
	v49 =	vld [tilespmem:s1+$0x4180];
	v44 =	vmax.f32 v0, v29  }
0x3a3: {  	v0 =	vmax.f32 v41, v55;
	v5 =	vmax.f32 v43, v56;
	v17 =	vld [tilespmem:s1+$0x4190];
	v2 =	vmax.f32 v46, v2  }
0x3a4: {  	v0 =	vmax.f32 v0, v50;
	v5 =	vmax.f32 v5, v54;
	v24 =	vld [tilespmem:s1+$0x41A0];
	v2 =	vmax.f32 v2, v7  }
0x3a5: {  	v0 =	vmax.f32 v0, v52;
	v5 =	vmax.f32 v5, v53;
	v25 =	vld [tilespmem:s1+$0x41B0];
	v1 =	vmax.f32 v2, v1  }
0x3a6: {  	v41 =	vmax.f32 v0, v19;
	v43 =	vmax.f32 v5, v22;
	v29 =	vld [tilespmem:s1+$0x41C0];
	v46 =	vmax.f32 v1, v8  }
0x3a7: {  	v19 =	vld [tilespmem:s1+$0x41D0]  }
0x3a8: {  	v22 =	vld [tilespmem:s1+$0x41E0]  }
0x3a9: {  	v2 =	vld [tilespmem:s1+$0x4100]  }
0x3aa: {  	v5 =	vld [tilespmem:s1+$0x4110]  }
0x3ab: {  	v37 =	vld [tilespmem:s1+$0x4120]  }
0x3ac: {  	v39 =	vld [tilespmem:s1+$0x4130]  }
0x3ad: {  	v40 =	vld [tilespmem:s1+$0x4140]  }
0x3ae: {  	v52 =	vld [tilespmem:s1+$0x4150]  }
0x3af: {  	v53 =	vld [tilespmem:s1+$0x4160]  }
0x3b0: {  	v6 =	vld [tilespmem:s1+$0x4080]  }
0x3b1: {  	v7 =	vld [tilespmem:s1+$0x4090]  }
0x3b2: {  	v48 =	vld [tilespmem:s1+$0x40A0]  }
0x3b3: {  	v51 =	vld [tilespmem:s1+$0x40B0]  }
0x3b4: {  	v0 =	vld [tilespmem:s1+$0x40C0]  }
0x3b5: {  	v8 =	vld [tilespmem:s1+$0x4000]  }
0x3b6: {  	v11 =	vld [tilespmem:s1+$0x4010]  }
0x3b7: {  	v50 =	vld [tilespmem:s1+$0x40D0]  }
0x3b8: {  	v57 =	vld [tilespmem:s1+$0x4020]  }
.Ltmp5:
0x3b9: {  	v10 =	vld [tilespmem:s1+$0x4030];
	(pc) =	sbr.rel @p1 .LBB2_13-.Ltmp5, $4  }
0x3ba: {  	v1 =	vld [tilespmem:s1+$0x4040]  }
0x3bb: {  	v3 =	vmax.f32 v3, v8;
	v4 =	vmax.f32 v4, v11;
	v54 =	vld [tilespmem:s1+$0x40E0]  }
0x3bc: {  	v3 =	vmax.f32 v3, v6;
	v55 =	vld [tilespmem:s1+$0x4050];
	v4 =	vmax.f32 v4, v7  }
0x3bd: {  	s18 =	sadd.s32 $0x800, s18;
	v12 =	vmax.f32 v3, v2;
	v56 =	vld [tilespmem:s1+$0x4060];
	v14 =	vmax.f32 v4, v5  }
0x3be: {  	v6 =	vld [tilespmem:s1+$0x4070]  }
0x3bf: {  	v8 =	vld [tilespmem:s1+$0x40F0]  }
0x3c0: {  	v4 =	vld [tilespmem:s1+$0x4170]  }
0x3c1: {  	v2 =	vld [tilespmem:s1+$0x41F0];
	_ =	swait.ge [sflag:s28], $0x4000  }
0x3c2: {  	s1 =	simm.s32 @p0 $0x400;
	[sflag:s28] =	ssyncset.done $0x0  }
0x3c3: {  	s18 =	simm.s32 @p0 $0x20000;
	s30 =	simm.s32 @p0 $0x4000;
	[sflag:s28] =	ssyncadd.s32 $0xFFFFC000  }
0x3c4: {  	[tilespmem:s30], [sflag:$0x2] =	stream.strided.gather @p0 [hbm4b:s14+s1], $0x4000, s18, s1, $0x38;
	[tilespmem:$0x10180] =	vst v63  }
0x3c5: {  	v3 =	vld [tilespmem:s0+$0x10000];
	_ =	sdelay $0x4  }
0x3c6: {  	v5 =	vadd.s32 $0xFFFFFD00, v3  }
0x3c7: {  	vm1 =	vgt.s32 v5, $0x0  }
0x3c8: {  	v5 =	vnsel vm1, $0x0, v5  }
0x3c9: {  	v3 =	vand.u32 $0xFFFFFF80, v3;
	v5 =	vmin.u32 v5, $0x7F  }
0x3ca: {  	vm1 =	veq.s32 v3, $0x300;
	v3 =	vshll.u32 v5, $0x7;
	v5 =	vld [tilespmem:$0x1FB80];
	_ =	sdelay $0x4  }
0x3cb: {  	v3 =	vor.u32 v5, v3;
	_ =	sdelay $0x3  }
0x3cc: {  	s30 =	simm.s32 $0x0  }
0x3cd: {  	v5 =	vld.idx.msk [tilespmem:v3+s30+$0x0], vm1;
	[tilespmem:v3+s30+$0x0] =	vst.idx.msk vm1, v9  }
0x3ce: {  	v3 =	vld [tilespmem:s0+$0x10010];
	_ =	sdelay $0x4  }
0x3cf: {  	[tilespmem:$0x1F860] =	vst v5;
	v5 =	vadd.s32 $0xFFFFFD00, v3  }
0x3d0: {  	vm3 =	vgt.s32 v5, $0x0  }
0x3d1: {  	v5 =	vnsel vm3, $0x0, v5  }
0x3d2: {  	v3 =	vand.u32 $0xFFFFFF80, v3;
	v5 =	vmin.u32 v5, $0x7F  }
0x3d3: {  	vm3 =	veq.s32 v3, $0x300;
	v3 =	vshll.u32 v5, $0x7;
	v5 =	vld [tilespmem:$0x1FBB0];
	_ =	sdelay $0x4  }
0x3d4: {  	v3 =	vor.u32 v5, v3;
	_ =	sdelay $0x4  }
0x3d5: {  	v5 =	vld.idx.msk [tilespmem:v3+s30+$0x0], vm3;
	[tilespmem:v3+s30+$0x0] =	vst.idx.msk vm3, v9  }
0x3d6: {  	v3 =	vld [tilespmem:s0+$0x10020];
	_ =	sdelay $0x4  }
0x3d7: {  	[tilespmem:$0x1F870] =	vst v5;
	v5 =	vadd.s32 $0xFFFFFD00, v3  }
0x3d8: {  	vm5 =	vgt.s32 v5, $0x0  }
0x3d9: {  	v5 =	vnsel vm5, $0x0, v5  }
0x3da: {  	v3 =	vand.u32 $0xFFFFFF80, v3;
	v5 =	vmin.u32 v5, $0x7F  }
0x3db: {  	vm5 =	veq.s32 v3, $0x300;
	v3 =	vshll.u32 v5, $0x7;
	v5 =	vld [tilespmem:$0x1FBE0];
	_ =	sdelay $0x4  }
0x3dc: {  	v3 =	vor.u32 v5, v3;
	_ =	sdelay $0x4  }
0x3dd: {  	v5 =	vld.idx.msk [tilespmem:v3+s30+$0x0], vm5;
	[tilespmem:v3+s30+$0x0] =	vst.idx.msk vm5, v9  }
0x3de: {  	v3 =	vld [tilespmem:s0+$0x10030];
	_ =	sdelay $0x4  }
0x3df: {  	[tilespmem:$0x1F880] =	vst v5;
	v5 =	vadd.s32 $0xFFFFFD00, v3  }
0x3e0: {  	vm8 =	vgt.s32 v5, $0x0  }
0x3e1: {  	v5 =	vnsel vm8, $0x0, v5  }
0x3e2: {  	v3 =	vand.u32 $0xFFFFFF80, v3;
	v5 =	vmin.u32 v5, $0x7F  }
0x3e3: {  	vm10 =	veq.s32 v3, $0x300;
	v3 =	vshll.u32 v5, $0x7;
	v5 =	vld [tilespmem:$0x1FC10];
	_ =	sdelay $0x4  }
0x3e4: {  	v3 =	vor.u32 v5, v3;
	_ =	sdelay $0x4  }
0x3e5: {  	v5 =	vld.idx.msk [tilespmem:v3+s30+$0x0], vm10;
	[tilespmem:v3+s30+$0x0] =	vst.idx.msk vm10, v9  }
0x3e6: {  	v3 =	vld [tilespmem:s0+$0x10040];
	_ =	sdelay $0x4  }
0x3e7: {  	[tilespmem:$0x1F890] =	vst v5;
	v5 =	vadd.s32 $0xFFFFFD00, v3  }
0x3e8: {  	vm8 =	vgt.s32 v5, $0x0  }
0x3e9: {  	v5 =	vnsel vm8, $0x0, v5  }
0x3ea: {  	v3 =	vand.u32 $0xFFFFFF80, v3;
	v5 =	vmin.u32 v5, $0x7F  }
0x3eb: {  	vm12 =	veq.s32 v3, $0x300;
	v3 =	vshll.u32 v5, $0x7;
	v5 =	vld [tilespmem:$0x1FC40];
	_ =	sdelay $0x4  }
0x3ec: {  	v3 =	vor.u32 v5, v3;
	_ =	sdelay $0x4  }
0x3ed: {  	v5 =	vld.idx.msk [tilespmem:v3+s30+$0x0], vm12;
	[tilespmem:v3+s30+$0x0] =	vst.idx.msk vm12, v9  }
0x3ee: {  	v3 =	vld [tilespmem:s0+$0x10050];
	_ =	sdelay $0x4  }
0x3ef: {  	[tilespmem:$0x1F8A0] =	vst v5;
	v5 =	vadd.s32 $0xFFFFFD00, v3  }
0x3f0: {  	vm8 =	vgt.s32 v5, $0x0  }
0x3f1: {  	v5 =	vnsel vm8, $0x0, v5  }
0x3f2: {  	v3 =	vand.u32 $0xFFFFFF80, v3;
	v5 =	vmin.u32 v5, $0x7F  }
0x3f3: {  	vm14 =	veq.s32 v3, $0x300;
	v3 =	vshll.u32 v5, $0x7;
	v5 =	vld [tilespmem:$0x1FC70];
	_ =	sdelay $0x4  }
0x3f4: {  	v3 =	vor.u32 v5, v3;
	_ =	sdelay $0x4  }
0x3f5: {  	v5 =	vld.idx.msk [tilespmem:v3+s30+$0x0], vm14;
	[tilespmem:v3+s30+$0x0] =	vst.idx.msk vm14, v9  }
0x3f6: {  	v3 =	vld [tilespmem:s0+$0x10060];
	_ =	sdelay $0x4  }
0x3f7: {  	[tilespmem:$0x1F8B0] =	vst v5;
	v5 =	vadd.s32 $0xFFFFFD00, v3  }
0x3f8: {  	vm8 =	vgt.s32 v5, $0x0  }
0x3f9: {  	v5 =	vnsel vm8, $0x0, v5  }
0x3fa: {  	v3 =	vand.u32 $0xFFFFFF80, v3;
	v5 =	vmin.u32 v5, $0x7F  }
0x3fb: {  	vm15 =	veq.s32 v3, $0x300;
	v3 =	vshll.u32 v5, $0x7;
	v5 =	vld [tilespmem:$0x1FCA0];
	_ =	sdelay $0x4  }
0x3fc: {  	v3 =	vor.u32 v5, v3;
	_ =	sdelay $0x3  }
0x3fd: {  	v15 =	vld [tilespmem:$0x1F950]  }
0x3fe: {  	v5 =	vld.idx.msk [tilespmem:v3+s30+$0x0], vm15;
	[tilespmem:v3+s30+$0x0] =	vst.idx.msk vm15, v9  }
0x3ff: {  	v3 =	vld [tilespmem:s0+$0x10070];
	_ =	sdelay $0x4  }
0x400: {  	v15 =	vsel vm4, v15, v60;
	[tilespmem:$0x1F8C0] =	vst v5;
	v5 =	vadd.s32 $0xFFFFFD00, v3  }
0x401: {  	[tilespmem:$0x1F8E0] =	vst v15;
	v15 =	vld [tilespmem:$0x1F960];
	vm8 =	vgt.s32 v5, $0x0  }
0x402: {  	v5 =	vnsel vm8, $0x0, v5  }
0x403: {  	v3 =	vand.u32 $0xFFFFFF80, v3;
	v5 =	vmin.u32 v5, $0x7F  }
0x404: {  	vm8 =	veq.s32 v3, $0x300;
	v3 =	vshll.u32 v5, $0x7;
	v5 =	vld [tilespmem:$0x1FCD0];
	_ =	sdelay $0x1  }
0x405: {  	v15 =	vsel vm7, v15, v61  }
0x406: {  	[tilespmem:$0x1F8F0] =	vst v15;
	v15 =	vld [tilespmem:$0x1F970]  }
0x407: {  	v1 =	vmax.f32 v44, v1  }
0x408: {  	v0 =	vmax.f32 v1, v0;
	v6 =	vmax.f32 v46, v6;
	v3 =	vor.u32 v5, v3  }
0x409: {  	v0 =	vmax.f32 v0, v40;
	v6 =	vmax.f32 v6, v8  }
0x40a: {  	v21 =	vld [tilespmem:$0x1F990];
	v44 =	vmax.f32 v0, v29;
	v4 =	vmax.f32 v6, v4  }
0x40b: {  	v0 =	vmax.f32 v41, v55;
	v41 =	vmax.f32 v4, v2;
	v2 =	vld [tilespmem:$0x1F9A0];
	v15 =	vsel vm9, v15, v62  }
0x40c: {  	[tilespmem:$0x1F900] =	vst v15;
	v15 =	vld [tilespmem:$0x1F980]  }
0x40d: {  	v5 =	vld.idx.msk [tilespmem:v3+s30+$0x0], vm8  }
0x40e: {  	s1 =	simm.s32 $0x0;
	[tilespmem:v3+s30+$0x0] =	vst.idx.msk vm8, v9;
	v3 =	vld [tilespmem:$0x1F930]  }
0x40f: {  	v32 =	vld [tilespmem:s1+$0x8180]  }
0x410: {  	v33 =	vld [tilespmem:s1+$0x8190]  }
0x411: {  	v26 =	vld [tilespmem:s1+$0x81A0]  }
0x412: {  	v27 =	vld [tilespmem:s1+$0x81B0]  }
0x413: {  	v28 =	vld [tilespmem:s1+$0x81C0]  }
0x414: {  	v18 =	vld [tilespmem:s1+$0x81D0]  }
0x415: {  	v20 =	vld [tilespmem:s1+$0x81E0]  }
0x416: {  	v7 =	vld [tilespmem:s1+$0x8100]  }
0x417: {  	v13 =	vld [tilespmem:s1+$0x8110]  }
0x418: {  	v34 =	vld [tilespmem:s1+$0x8120]  }
0x419: {  	v35 =	vld [tilespmem:s1+$0x8130]  }
0x41a: {  	v38 =	vld [tilespmem:s1+$0x8140]  }
0x41b: {  	v30 =	vld [tilespmem:s1+$0x8150]  }
0x41c: {  	v31 =	vld [tilespmem:s1+$0x8160]  }
0x41d: {  	v11 =	vld [tilespmem:s1+$0x8080]  }
0x41e: {  	v16 =	vld [tilespmem:s1+$0x8090]  }
0x41f: {  	v47 =	vld [tilespmem:s1+$0x80A0]  }
0x420: {  	v12 =	vmax.f32 v12, v49;
	v14 =	vmax.f32 v14, v17;
	v17 =	vmax.f32 v45, v57;
	v49 =	vld [tilespmem:s1+$0x80B0]  }
0x421: {  	v17 =	vmax.f32 v17, v48;
	v48 =	vld [tilespmem:s1+$0x80C0]  }
0x422: {  	v1 =	vmax.f32 v17, v37;
	v17 =	vld [tilespmem:s1+$0x8000]  }
0x423: {  	v10 =	vmax.f32 v42, v10;
	v40 =	vmax.f32 v1, v24;
	v1 =	vld [tilespmem:s1+$0x8010]  }
0x424: {  	v10 =	vmax.f32 v10, v51;
	[tilespmem:$0x1F8D0] =	vst v5;
	v5 =	vld [tilespmem:$0x1F940]  }
0x425: {  	v10 =	vmax.f32 v10, v39;
	v45 =	vld [tilespmem:s1+$0x80D0]  }
0x426: {  	v42 =	vmax.f32 v10, v25;
	v10 =	vmax.f32 v43, v56;
	v57 =	vld [tilespmem:s1+$0x8020]  }
0x427: {  	v0 =	vmax.f32 v0, v50;
	v10 =	vmax.f32 v10, v54;
	vm0 =	vnez.u8 v3;
	v3 =	vld [tilespmem:$0x1F920]  }
0x428: {  	v21 =	vsel vm13, v21, v36;
	v0 =	vmax.f32 v0, v52;
	v8 =	vmax.f32 v10, v53;
	v61 =	vld [tilespmem:s1+$0x8040]  }
0x429: {  	v37 =	vmax.f32 v0, v19;
	v39 =	vmax.f32 v8, v22;
	v5 =	vsel vm2, v5, v59;
	v59 =	vld [tilespmem:s1+$0x8030]  }
0x42a: {  	v2 =	vsel vm6, v2, v23;
	v46 =	vld [tilespmem:s1+$0x80E0];
	v0 =	vmax.f32 v12, v17;
	v1 =	vmax.f32 v14, v1  }
0x42b: {  	v15 =	vsel vm11, v15, v63;
	v50 =	vld [tilespmem:s1+$0x8050];
	v0 =	vmax.f32 v0, v11;
	v1 =	vmax.f32 v1, v16  }
0x42c: {  	s18 =	simm.s32 $0x800;
	[tilespmem:$0x1F910] =	vst v2;
	v52 =	vld [tilespmem:s1+$0x8060];
	v11 =	vmax.f32 v0, v7;
	v13 =	vmax.f32 v1, v13;
	v3 =	vsel vm0, v3, v58  }
.LBB2_15:
0x42d: {  	p1 =	sne.s32 s18, $0xF800;
	v0 =	vld [tilespmem:s1+$0x8070];
	v1 =	vmax.f32 v11, v32;
	v2 =	vmax.f32 v13, v33  }
0x42e: {  	v4 =	vmax.f32 v40, v57;
	v6 =	vmax.f32 v42, v59;
	v7 =	vmax.f32 v44, v61;
	v8 =	vld [tilespmem:s1+$0x80F0]  }
0x42f: {  	v4 =	vmax.f32 v4, v47;
	v6 =	vmax.f32 v6, v49;
	v7 =	vmax.f32 v7, v48;
	v10 =	vld [tilespmem:s1+$0x8170]  }
0x430: {  	v4 =	vmax.f32 v4, v34;
	v6 =	vmax.f32 v6, v35;
	v7 =	vmax.f32 v7, v38;
	v11 =	vld [tilespmem:s1+$0x81F0];
	s1 =	sshra.s32 s18, $0x2  }
0x431: {  	v40 =	vmax.f32 v4, v26;
	v42 =	vmax.f32 v6, v27;
	v32 =	vld [tilespmem:s1+$0x8180];
	v44 =	vmax.f32 v7, v28  }
0x432: {  	v4 =	vmax.f32 v37, v50;
	v6 =	vmax.f32 v39, v52;
	v33 =	vld [tilespmem:s1+$0x8190];
	v0 =	vmax.f32 v41, v0  }
0x433: {  	v4 =	vmax.f32 v4, v45;
	v6 =	vmax.f32 v6, v46;
	v26 =	vld [tilespmem:s1+$0x81A0];
	v0 =	vmax.f32 v0, v8  }
0x434: {  	v4 =	vmax.f32 v4, v30;
	v6 =	vmax.f32 v6, v31;
	v27 =	vld [tilespmem:s1+$0x81B0];
	v0 =	vmax.f32 v0, v10  }
0x435: {  	v37 =	vmax.f32 v4, v18;
	v39 =	vmax.f32 v6, v20;
	v28 =	vld [tilespmem:s1+$0x81C0];
	v41 =	vmax.f32 v0, v11  }
0x436: {  	v18 =	vld [tilespmem:s1+$0x81D0]  }
0x437: {  	v20 =	vld [tilespmem:s1+$0x81E0]  }
0x438: {  	v0 =	vld [tilespmem:s1+$0x8100]  }
0x439: {  	v4 =	vld [tilespmem:s1+$0x8110]  }
0x43a: {  	v34 =	vld [tilespmem:s1+$0x8120]  }
0x43b: {  	v35 =	vld [tilespmem:s1+$0x8130]  }
0x43c: {  	v38 =	vld [tilespmem:s1+$0x8140]  }
0x43d: {  	v30 =	vld [tilespmem:s1+$0x8150]  }
0x43e: {  	v31 =	vld [tilespmem:s1+$0x8160]  }
0x43f: {  	v6 =	vld [tilespmem:s1+$0x8080]  }
0x440: {  	v7 =	vld [tilespmem:s1+$0x8090]  }
0x441: {  	v47 =	vld [tilespmem:s1+$0x80A0]  }
0x442: {  	v49 =	vld [tilespmem:s1+$0x80B0]  }
0x443: {  	v48 =	vld [tilespmem:s1+$0x80C0]  }
0x444: {  	v8 =	vld [tilespmem:s1+$0x8000]  }
0x445: {  	v10 =	vld [tilespmem:s1+$0x8010]  }
0x446: {  	v45 =	vld [tilespmem:s1+$0x80D0]  }
0x447: {  	v57 =	vld [tilespmem:s1+$0x8020]  }
.Ltmp6:
0x448: {  	v59 =	vld [tilespmem:s1+$0x8030];
	(pc) =	sbr.rel @p1 .LBB2_15-.Ltmp6, $4  }
0x449: {  	v61 =	vld [tilespmem:s1+$0x8040]  }
0x44a: {  	v1 =	vmax.f32 v1, v8;
	v2 =	vmax.f32 v2, v10;
	v46 =	vld [tilespmem:s1+$0x80E0]  }
0x44b: {  	v1 =	vmax.f32 v1, v6;
	v50 =	vld [tilespmem:s1+$0x8050];
	v2 =	vmax.f32 v2, v7  }
0x44c: {  	s18 =	sadd.s32 $0x800, s18;
	v11 =	vmax.f32 v1, v0;
	v52 =	vld [tilespmem:s1+$0x8060];
	v13 =	vmax.f32 v2, v4  }
0x44d: {  	v16 =	vld [tilespmem:s1+$0x8070]  }
0x44e: {  	v12 =	vld [tilespmem:s1+$0x80F0]  }
0x44f: {  	v6 =	vld [tilespmem:s1+$0x8170]  }
0x450: {  	v63 =	vld [tilespmem:s1+$0x81F0];
	_ =	swait.ge [sflag:s29], $0x3400  }
0x451: {  	s1 =	simm.s32 @p0 $0x400;
	[sflag:s29] =	ssyncset.done $0x0  }
0x452: {  	s18 =	simm.s32 @p0 $0x20000;
	s30 =	simm.s32 @p0 $0x8000;
	[sflag:s29] =	ssyncadd.s32 $0xFFFFCC00  }
0x453: {  	[tilespmem:s30], [sflag:$0x3] =	stream.strided.gather @p0 [hbm4b:s15+s1], $0x4000, s18, s1, $0x38;
	[tilespmem:$0x10180] =	vst v63  }
0x454: {  	v0 =	vld [tilespmem:s0+$0x10000];
	_ =	sdelay $0x4  }
0x455: {  	v0 =	vadd.s32 $0xFFFFFC80, v0  }
0x456: {  	vm0 =	vgt.s32 v0, $0x0  }
0x457: {  	v1 =	vnsel vm0, $0x0, v0  }
0x458: {  	v1 =	vmin.u32 v1, $0x67  }
0x459: {  	vm0 =	vlt.u32 v0, $0x68;
	v0 =	vshll.u32 v1, $0x7;
	v1 =	vld [tilespmem:$0x1FA00];
	_ =	sdelay $0x4  }
0x45a: {  	v0 =	vor.u32 v1, v0;
	_ =	sdelay $0x3  }
0x45b: {  	s30 =	simm.s32 $0x0  }
0x45c: {  	v1 =	vld.idx.msk [tilespmem:v0+s30+$0x0], vm0;
	[tilespmem:v0+s30+$0x0] =	vst.idx.msk vm0, v9  }
0x45d: {  	v0 =	vld [tilespmem:s0+$0x10010];
	_ =	sdelay $0x4  }
0x45e: {  	v0 =	vadd.s32 $0xFFFFFC80, v0  }
0x45f: {  	vm2 =	vgt.s32 v0, $0x0  }
0x460: {  	[tilespmem:$0x1F7F0] =	vst v1;
	v1 =	vnsel vm2, $0x0, v0  }
0x461: {  	v1 =	vmin.u32 v1, $0x67  }
0x462: {  	vm6 =	vlt.u32 v0, $0x68;
	v0 =	vshll.u32 v1, $0x7;
	v1 =	vld [tilespmem:$0x1FA30];
	_ =	sdelay $0x4  }
0x463: {  	v0 =	vor.u32 v1, v0;
	_ =	sdelay $0x4  }
0x464: {  	v1 =	vld.idx.msk [tilespmem:v0+s30+$0x0], vm6;
	[tilespmem:v0+s30+$0x0] =	vst.idx.msk vm6, v9  }
0x465: {  	v0 =	vld [tilespmem:s0+$0x10020];
	_ =	sdelay $0x4  }
0x466: {  	v0 =	vadd.s32 $0xFFFFFC80, v0  }
0x467: {  	vm2 =	vgt.s32 v0, $0x0  }
0x468: {  	[tilespmem:$0x1F800] =	vst v1;
	v1 =	vnsel vm2, $0x0, v0  }
0x469: {  	v1 =	vmin.u32 v1, $0x67  }
0x46a: {  	vm7 =	vlt.u32 v0, $0x68;
	v0 =	vshll.u32 v1, $0x7;
	v1 =	vld [tilespmem:$0x1FA60];
	_ =	sdelay $0x4  }
0x46b: {  	v0 =	vor.u32 v1, v0;
	_ =	sdelay $0x4  }
0x46c: {  	v1 =	vld.idx.msk [tilespmem:v0+s30+$0x0], vm7;
	[tilespmem:v0+s30+$0x0] =	vst.idx.msk vm7, v9  }
0x46d: {  	v0 =	vld [tilespmem:s0+$0x10030];
	_ =	sdelay $0x4  }
0x46e: {  	v0 =	vadd.s32 $0xFFFFFC80, v0  }
0x46f: {  	vm2 =	vgt.s32 v0, $0x0  }
0x470: {  	[tilespmem:$0x1F810] =	vst v1;
	v1 =	vnsel vm2, $0x0, v0  }
0x471: {  	v1 =	vmin.u32 v1, $0x67  }
0x472: {  	vm2 =	vlt.u32 v0, $0x68;
	v0 =	vshll.u32 v1, $0x7;
	v1 =	vld [tilespmem:$0x1FA90];
	_ =	sdelay $0x4  }
0x473: {  	v0 =	vor.u32 v1, v0;
	_ =	sdelay $0x4  }
0x474: {  	v1 =	vld.idx.msk [tilespmem:v0+s30+$0x0], vm2;
	[tilespmem:v0+s30+$0x0] =	vst.idx.msk vm2, v9  }
0x475: {  	v0 =	vld [tilespmem:s0+$0x10040];
	_ =	sdelay $0x4  }
0x476: {  	v0 =	vadd.s32 $0xFFFFFC80, v0  }
0x477: {  	vm4 =	vgt.s32 v0, $0x0  }
0x478: {  	[tilespmem:$0x1F820] =	vst v1;
	v1 =	vnsel vm4, $0x0, v0  }
0x479: {  	v1 =	vmin.u32 v1, $0x67  }
0x47a: {  	vm4 =	vlt.u32 v0, $0x68;
	v0 =	vshll.u32 v1, $0x7;
	v1 =	vld [tilespmem:$0x1FAC0];
	_ =	sdelay $0x4  }
0x47b: {  	v0 =	vor.u32 v1, v0;
	_ =	sdelay $0x4  }
0x47c: {  	v1 =	vld.idx.msk [tilespmem:v0+s30+$0x0], vm4;
	[tilespmem:v0+s30+$0x0] =	vst.idx.msk vm4, v9  }
0x47d: {  	v0 =	vld [tilespmem:s0+$0x10050];
	_ =	sdelay $0x4  }
0x47e: {  	v0 =	vadd.s32 $0xFFFFFC80, v0  }
0x47f: {  	vm9 =	vgt.s32 v0, $0x0  }
0x480: {  	[tilespmem:$0x1F830] =	vst v1;
	v1 =	vnsel vm9, $0x0, v0  }
0x481: {  	v1 =	vmin.u32 v1, $0x67  }
0x482: {  	vm9 =	vlt.u32 v0, $0x68;
	v0 =	vshll.u32 v1, $0x7;
	v1 =	vld [tilespmem:$0x1FAF0];
	_ =	sdelay $0x4  }
0x483: {  	v0 =	vor.u32 v1, v0;
	_ =	sdelay $0x4  }
0x484: {  	v1 =	vld.idx.msk [tilespmem:v0+s30+$0x0], vm9;
	[tilespmem:v0+s30+$0x0] =	vst.idx.msk vm9, v9  }
0x485: {  	v0 =	vld [tilespmem:s0+$0x10060];
	_ =	sdelay $0x4  }
0x486: {  	v0 =	vadd.s32 $0xFFFFFC80, v0  }
0x487: {  	vm11 =	vgt.s32 v0, $0x0  }
0x488: {  	[tilespmem:$0x1F840] =	vst v1;
	v1 =	vnsel vm11, $0x0, v0  }
0x489: {  	v1 =	vmin.u32 v1, $0x67  }
0x48a: {  	vm11 =	vlt.u32 v0, $0x68;
	v0 =	vshll.u32 v1, $0x7;
	v1 =	vld [tilespmem:$0x1FB20];
	_ =	sdelay $0x4  }
0x48b: {  	v0 =	vor.u32 v1, v0;
	_ =	sdelay $0x4  }
0x48c: {  	v1 =	vld.idx.msk [tilespmem:v0+s30+$0x0], vm11;
	[tilespmem:v0+s30+$0x0] =	vst.idx.msk vm11, v9  }
0x48d: {  	v0 =	vld [tilespmem:s0+$0x10070];
	_ =	sdelay $0x4  }
0x48e: {  	v0 =	vadd.s32 $0xFFFFFC80, v0  }
0x48f: {  	vm13 =	vgt.s32 v0, $0x0  }
0x490: {  	[tilespmem:$0x1F850] =	vst v1;
	v1 =	vnsel vm13, $0x0, v0  }
0x491: {  	v1 =	vmin.u32 v1, $0x67  }
0x492: {  	vm13 =	vlt.u32 v0, $0x68;
	v0 =	vshll.u32 v1, $0x7;
	v1 =	vld [tilespmem:$0x1FB50];
	_ =	sdelay $0x2  }
0x493: {  	v29 =	vmax.f32 v13, v33;
	v13 =	vmax.f32 v42, v59  }
0x494: {  	v13 =	vmax.f32 v13, v49  }
0x495: {  	v13 =	vmax.f32 v13, v35;
	v0 =	vor.u32 v1, v0  }
0x496: {  	v13 =	vmax.f32 v13, v27;
	v27 =	vmax.f32 v37, v50;
	v16 =	vmax.f32 v41, v16;
	v1 =	vld [tilespmem:$0x1F860]  }
0x497: {  	v27 =	vmax.f32 v27, v45;
	v12 =	vmax.f32 v16, v12  }
0x498: {  	v2 =	vld [tilespmem:$0x1F8E0];
	v16 =	vmax.f32 v27, v30;
	v6 =	vmax.f32 v12, v6  }
0x499: {  	v12 =	vmax.f32 v16, v18;
	v18 =	vmax.f32 v6, v63;
	v6 =	vld [tilespmem:$0x1F8D0]  }
0x49a: {  	v36 =	vld.idx.msk [tilespmem:v0+s30+$0x0], vm13  }
0x49b: {  	s0 =	simm.s32 $0x0;
	[tilespmem:v0+s30+$0x0] =	vst.idx.msk vm13, v9;
	v53 =	vsel vm1, v1, v3;
	v1 =	vld [tilespmem:$0x1F870]  }
0x49c: {  	v62 =	vld [tilespmem:s0+$0xC180]  }
0x49d: {  	v8 =	vld [tilespmem:s0+$0xC190]  }
0x49e: {  	v56 =	vld [tilespmem:s0+$0xC1A0]  }
0x49f: {  	v58 =	vld [tilespmem:s0+$0xC1B0]  }
0x4a0: {  	v60 =	vld [tilespmem:s0+$0xC1C0]  }
0x4a1: {  	v0 =	vld [tilespmem:s0+$0xC1D0]  }
0x4a2: {  	v54 =	vsel vm3, v1, v5;
	v1 =	vld [tilespmem:$0x1F880]  }
0x4a3: {  	v43 =	vld [tilespmem:s0+$0xC1E0]  }
0x4a4: {  	v17 =	vld [tilespmem:s0+$0xC100]  }
0x4a5: {  	v19 =	vld [tilespmem:s0+$0xC110]  }
0x4a6: {  	v23 =	vld [tilespmem:s0+$0xC120]  }
0x4a7: {  	v5 =	vsel vm5, v1, v2;
	v1 =	vld [tilespmem:$0x1F890]  }
0x4a8: {  	v2 =	vld [tilespmem:$0x1F8F0]  }
0x4a9: {  	v7 =	vld [tilespmem:s0+$0xC130]  }
0x4aa: {  	v10 =	vld [tilespmem:s0+$0xC140]  }
0x4ab: {  	v55 =	vld [tilespmem:s0+$0xC150]  }
0x4ac: {  	v51 =	vld [tilespmem:s0+$0xC160]  }
0x4ad: {  	v4 =	vsel vm10, v1, v2;
	v1 =	vld [tilespmem:$0x1F8A0]  }
0x4ae: {  	v2 =	vld [tilespmem:$0x1F900]  }
0x4af: {  	v22 =	vld [tilespmem:s0+$0xC080]  }
0x4b0: {  	v24 =	vld [tilespmem:s0+$0xC090]  }
0x4b1: {  	v59 =	vld [tilespmem:s0+$0xC000]  }
0x4b2: {  	v14 =	vld [tilespmem:s0+$0xC0A0]  }
0x4b3: {  	v25 =	vmax.f32 v11, v32;
	v11 =	vmax.f32 v40, v57;
	v3 =	vsel vm12, v1, v2;
	v1 =	vld [tilespmem:$0x1F8B0]  }
0x4b4: {  	v11 =	vmax.f32 v11, v47;
	v32 =	vld [tilespmem:s0+$0xC0B0]  }
0x4b5: {  	v11 =	vmax.f32 v11, v34;
	v33 =	vld [tilespmem:s0+$0xC0C0]  }
0x4b6: {  	v11 =	vmax.f32 v11, v26;
	v26 =	vld [tilespmem:s0+$0xC010];
	v25 =	vmax.f32 v25, v59  }
0x4b7: {  	v30 =	vld [tilespmem:s0+$0xC030];
	v22 =	vmax.f32 v25, v22  }
0x4b8: {  	v25 =	vld [tilespmem:$0x1F910];
	v2 =	vsel vm14, v1, v15;
	v15 =	vmax.f32 v44, v61;
	v61 =	vmax.f32 v39, v52  }
0x4b9: {  	v1 =	vld [tilespmem:$0x1F8C0];
	v15 =	vmax.f32 v15, v48;
	v35 =	vmax.f32 v61, v46  }
0x4ba: {  	v15 =	vmax.f32 v15, v38;
	v27 =	vmax.f32 v35, v31;
	v31 =	vld [tilespmem:s0+$0xC040]  }
0x4bb: {  	v15 =	vmax.f32 v15, v28;
	v28 =	vld [tilespmem:s0+$0xC020]  }
0x4bc: {  	v16 =	vmax.f32 v27, v20;
	v20 =	vld [tilespmem:s0+$0xC0E0]  }
0x4bd: {  	v27 =	vmax.f32 v29, v26;
	v26 =	vld [tilespmem:s0+$0xC050]  }
0x4be: {  	v34 =	vmax.f32 v22, v17;
	v24 =	vmax.f32 v27, v24;
	v27 =	vld [tilespmem:s0+$0xC060]  }
0x4bf: {  	s1 =	simm.s32 $0x800;
	v6 =	vsel vm8, v6, v25;
	v1 =	vsel vm15, v1, v21;
	v21 =	vld [tilespmem:s0+$0xC0D0];
	v35 =	vmax.f32 v24, v19  }
.LBB2_17:
0x4c0: {  	p1 =	sne.s32 s1, $0xC800;
	v17 =	vld [tilespmem:s0+$0xC070];
	v19 =	vmax.f32 v34, v62;
	v22 =	vmax.f32 v35, v8  }
0x4c1: {  	v8 =	vmax.f32 v11, v28;
	v11 =	vmax.f32 v13, v30;
	v13 =	vmax.f32 v15, v31;
	v24 =	vld [tilespmem:s0+$0xC0F0]  }
0x4c2: {  	v8 =	vmax.f32 v8, v14;
	v11 =	vmax.f32 v11, v32;
	v13 =	vmax.f32 v13, v33;
	v14 =	vld [tilespmem:s0+$0xC170]  }
0x4c3: {  	v8 =	vmax.f32 v8, v23;
	v7 =	vmax.f32 v11, v7;
	v10 =	vmax.f32 v13, v10;
	v23 =	vld [tilespmem:s0+$0xC1F0];
	s0 =	sshra.s32 s1, $0x2  }
0x4c4: {  	v11 =	vmax.f32 v8, v56;
	v13 =	vmax.f32 v7, v58;
	v62 =	vld [tilespmem:s0+$0xC180];
	v15 =	vmax.f32 v10, v60  }
0x4c5: {  	v7 =	vmax.f32 v12, v26;
	v10 =	vmax.f32 v16, v27;
	v8 =	vld [tilespmem:s0+$0xC190];
	v12 =	vmax.f32 v18, v17  }
0x4c6: {  	v7 =	vmax.f32 v7, v21;
	v10 =	vmax.f32 v10, v20;
	v56 =	vld [tilespmem:s0+$0xC1A0];
	v12 =	vmax.f32 v12, v24  }
0x4c7: {  	v7 =	vmax.f32 v7, v55;
	v10 =	vmax.f32 v10, v51;
	v58 =	vld [tilespmem:s0+$0xC1B0];
	v14 =	vmax.f32 v12, v14  }
0x4c8: {  	v12 =	vmax.f32 v7, v0;
	v16 =	vmax.f32 v10, v43;
	v60 =	vld [tilespmem:s0+$0xC1C0];
	v18 =	vmax.f32 v14, v23  }
0x4c9: {  	v0 =	vld [tilespmem:s0+$0xC1D0]  }
0x4ca: {  	v43 =	vld [tilespmem:s0+$0xC1E0]  }
0x4cb: {  	v17 =	vld [tilespmem:s0+$0xC100]  }
0x4cc: {  	v24 =	vld [tilespmem:s0+$0xC110]  }
0x4cd: {  	v23 =	vld [tilespmem:s0+$0xC120]  }
0x4ce: {  	v7 =	vld [tilespmem:s0+$0xC130]  }
0x4cf: {  	v10 =	vld [tilespmem:s0+$0xC140]  }
0x4d0: {  	v55 =	vld [tilespmem:s0+$0xC150]  }
0x4d1: {  	v51 =	vld [tilespmem:s0+$0xC160]  }
0x4d2: {  	v25 =	vld [tilespmem:s0+$0xC080]  }
0x4d3: {  	v27 =	vld [tilespmem:s0+$0xC090]  }
0x4d4: {  	v14 =	vld [tilespmem:s0+$0xC0A0]  }
0x4d5: {  	v32 =	vld [tilespmem:s0+$0xC0B0]  }
0x4d6: {  	v33 =	vld [tilespmem:s0+$0xC0C0]  }
0x4d7: {  	v20 =	vld [tilespmem:s0+$0xC000]  }
0x4d8: {  	v26 =	vld [tilespmem:s0+$0xC010]  }
0x4d9: {  	v21 =	vld [tilespmem:s0+$0xC0D0]  }
0x4da: {  	v28 =	vld [tilespmem:s0+$0xC020]  }
.Ltmp7:
0x4db: {  	v30 =	vld [tilespmem:s0+$0xC030];
	(pc) =	sbr.rel @p1 .LBB2_17-.Ltmp7, $4  }
0x4dc: {  	v31 =	vld [tilespmem:s0+$0xC040]  }
0x4dd: {  	v19 =	vmax.f32 v19, v20;
	v22 =	vmax.f32 v22, v26;
	v20 =	vld [tilespmem:s0+$0xC0E0]  }
0x4de: {  	v19 =	vmax.f32 v19, v25;
	v26 =	vld [tilespmem:s0+$0xC050];
	v22 =	vmax.f32 v22, v27  }
0x4df: {  	s1 =	sadd.s32 $0x800, s1;
	v34 =	vmax.f32 v19, v17;
	v27 =	vld [tilespmem:s0+$0xC060];
	v35 =	vmax.f32 v22, v24  }
0x4e0: {  	v17 =	vld [tilespmem:s0+$0xC070];
	v11 =	vmax.f32 v11, v28  }
0x4e1: {  	v11 =	vmax.f32 v11, v14  }
0x4e2: {  	v11 =	vmax.f32 v11, v23  }
0x4e3: {  	v11 =	vmax.f32 v11, v56;
	v56 =	vld [tilespmem:$0x1F7F0]  }
0x4e4: {  	v50 =	vmax.f32 v16, v27;
	v16 =	vld [tilespmem:s0+$0xC0F0]  }
0x4e5: {  	v52 =	vmax.f32 v18, v17;
	v17 =	vld [tilespmem:$0x1F800]  }
0x4e6: {  	v19 =	vmax.f32 v34, v62  }
0x4e7: {  	v15 =	vmax.f32 v15, v31;
	v18 =	vadd.f32 $3.000000120e-01, v19;
	v19 =	vld [tilespmem:$0x1F810]  }
0x4e8: {  	v8 =	vmax.f32 v35, v8;
	v49 =	vmax.f32 v15, v33;
	v15 =	vsel vm0, v56, v53  }
0x4e9: {  	v13 =	vmax.f32 v13, v30;
	v15 =	vsub.f32 $8.000000110e-01, v15;
	v14 =	vmax.f32 v52, v16;
	v16 =	vld [tilespmem:$0x1FE00]  }
0x4ea: {  	v13 =	vmax.f32 v13, v32;
	v8 =	vadd.f32 $3.000000120e-01, v8;
	v17 =	vsel vm6, v17, v54  }
0x4eb: {  	v18 =	vmax.f32 v18, $0.0e+00;
	v17 =	vsub.f32 $8.000000110e-01, v17;
	v15 =	vmax.f32 v15, $0.0e+00  }
0x4ec: {  	v8 =	vmax.f32 v8, $0.0e+00;
	v5 =	vsel vm7, v19, v5;
	v15 =	vadd.f32 v18, v15  }
0x4ed: {  	v11 =	vadd.f32 $3.000000120e-01, v11;
	v5 =	vsub.f32 $8.000000110e-01, v5;
	v17 =	vmax.f32 v17, $0.0e+00  }
0x4ee: {  	v7 =	vmax.f32 v13, v7;
	v15 =	vadd.f32 v15, v16;
	v8 =	vadd.f32 v8, v17  }
0x4ef: {  	v7 =	vmax.f32 v7, v58;
	v11 =	vmax.f32 v11, $0.0e+00;
	v5 =	vmax.f32 v5, $0.0e+00  }
0x4f0: {  	v58 =	vld [tilespmem:$0x1F830];
	v13 =	vmax.f32 v50, v20;
	v5 =	vadd.f32 v11, v5;
	v8 =	vadd.f32 v8, v15  }
0x4f1: {  	v17 =	vld [tilespmem:$0x1F820];
	v11 =	vmax.f32 v13, v51  }
0x4f2: {  	v5 =	vadd.f32 v5, v8;
	v8 =	vmax.f32 v11, v43;
	v11 =	vld [tilespmem:$0x1F840];
	_ =	sdelay $0x1  }
0x4f3: {  	v6 =	vsel vm13, v36, v6;
	v10 =	vmax.f32 v49, v10;
	v12 =	vmax.f32 v12, v26  }
0x4f4: {  	v62 =	vsub.f32 $8.000000110e-01, v6;
	v10 =	vmax.f32 v10, v60;
	v12 =	vmax.f32 v12, v21  }
0x4f5: {  	v7 =	vadd.f32 $3.000000120e-01, v7;
	v12 =	vmax.f32 v12, v55;
	v18 =	vld [tilespmem:s0+$0xC170];
	v4 =	vsel vm2, v17, v4  }
0x4f6: {  	v3 =	vsel vm4, v58, v3;
	v4 =	vsub.f32 $8.000000110e-01, v4;
	v2 =	vsel vm9, v11, v2;
	v11 =	vld [tilespmem:$0x1F850]  }
0x4f7: {  	v10 =	vadd.f32 $3.000000120e-01, v10;
	v0 =	vmax.f32 v12, v0;
	v3 =	vsub.f32 $8.000000110e-01, v3  }
0x4f8: {  	v7 =	vmax.f32 v7, $0.0e+00;
	v0 =	vadd.f32 $3.000000120e-01, v0;
	v16 =	vld [tilespmem:s0+$0xC1F0];
	v4 =	vmax.f32 v4, $0.0e+00  }
0x4f9: {  	v60 =	vmax.f32 v10, $0.0e+00;
	v3 =	vmax.f32 v3, $0.0e+00;
	v4 =	vadd.f32 v7, v4  }
0x4fa: {  	v0 =	vmax.f32 v0, $0.0e+00;
	v3 =	vadd.f32 v60, v3;
	v2 =	vsub.f32 $8.000000110e-01, v2  }
0x4fb: {  	v57 =	vmax.f32 v14, v18;
	v4 =	vadd.f32 v4, v5;
	v1 =	vsel vm11, v11, v1  }
0x4fc: {  	v61 =	vadd.f32 $3.000000120e-01, v8;
	v2 =	vmax.f32 v2, $0.0e+00;
	v1 =	vsub.f32 $8.000000110e-01, v1  }
0x4fd: {  	v59 =	vmax.f32 v57, v16;
	v3 =	vadd.f32 v3, v4;
	v0 =	vadd.f32 v0, v2  }
0x4fe: {  	v22 =	vld [tilespmem:$0x1FF90];
	v63 =	vadd.f32 $3.000000120e-01, v59;
	v2 =	vmax.f32 v61, $0.0e+00;
	v1 =	vmax.f32 v1, $0.0e+00  }
0x4ff: {  	v58 =	vld [tilespmem:$0x1FFA0];
	v0 =	vadd.f32 v0, v3;
	v1 =	vadd.f32 v2, v1  }
.Ltmp8:
0x500: {  	v60 =	vld [tilespmem:$0x1FFC0];
	v3 =	vmax.f32 v63, $0.0e+00;
	v2 =	vmax.f32 v62, $0.0e+00;
	(pc) =	sbr.rel @p0 .LBB2_2-.Ltmp8, $4  }
0x501: {  	v59 =	vld [tilespmem:$0x1FFB0];
	v0 =	vadd.f32 v1, v0;
	v1 =	vadd.f32 v3, v2  }
0x502: {  	v61 =	vld [tilespmem:$0x1FFD0]  }
0x503: {  	v63 =	vld [tilespmem:$0x1FFF0];
	v0 =	vadd.f32 v1, v0  }
0x504: {  	p1 =	por $0x0, $0x0;
	v19 =	vlaneseq.u32;
	s0 =	simm.s32 $0x1;
	v62 =	vld [tilespmem:$0x1FFE0]  }
0x505: {  	v0 =	vmul.f32 $6.103515630e-05, v0;
	s31 =	sadd.s32 $0x1, s31  }
0x506: {  	p0 =	sne.s32 s31, s17  }
.Ltmp9:
0x507: {  	s0 =	simm.s32 $0x10100;
	[tilespmem:$0x10100] =	vst v0;
	(pc) =	sbr.rel @p0 .LBB2_1-.Ltmp9, $4  }
0x508: {  	[hbm4b:s16+s2] =	stream.linear.scatter [tilespmem:s0], [sflag:$0x5], $0x80, $0x38;
	[tilespmem:$0x10180] =	vst v63  }
0x509: {  	_ =	swait.ge [sflag:s19], $0x80  }
0x50a: {  	[sflag:s19] =	ssyncset.done $0x0  }
0x50b: {  	[sflag:s19] =	ssyncadd.s32 $0xFFFFFF80  }
0x50c: {  	_ =	sfence.sel $0x180000  }
0x50d: {  	[bflag:$0x0] =	sbarrier.arrive $0xFFFF  }
0x50e: {  	_ =	strace $0x90000047  }
0x50f: {  	s0 =	stileid.u32;
	[bflag:$0x2] =	sbarrier.arrive $0xFFFF  }
0x510: {  	p0 =	sne.s32 s0, $0x0;
	s0 =	rddreg [dreg:$0x3]  }
0x511: {  	s0 =	sadd.s32 @!p0 $0x100000, s0  }
0x512: {  	[sflag:s0] =	ssyncadd.tile.s32 @!p0 $0x1;
	_ =	shalt  }
.Lfunc_end2:
_tile_overlayer_lowered:
.L_overlay_start_2:
0x513: {  	(tag) =	ssettag $0x2  }
0x514: {  	s0 =	rddreg [dreg:$0x0];
	s2 =	stileid.u32  }
0x515: {  	s1 =	rddreg [dreg:$0x1];
	p0 =	sne.s32 s2, $0x0  }
0x516: {  	s3 =	rddreg [dreg:$0x2];
	[bflag:$0x3] =	sbarrier.arrive $0xFFFF;
	s2 =	simm.s32 @!p0 $0x1C05  }
0x517: {  	[timem:s3], [sflag:s2] =	dma.local @!p0 [hbm:s0], s1  }
0x518: {  	s0 =	simm.s32 @!p0 $0x5  }
0x519: {  	_ =	swait.ge @!p0 [sflag:s0], s1  }
0x51a: {  	s1 =	ssub.s32 @!p0 $0x0, s1;
	[sflag:s0] =	ssyncset.done @!p0 $0x0  }
0x51b: {  	[sflag:s0] =	ssyncadd.s32 @!p0 s1  }
0x51c: {  	[bflag:$0x3] =	sbarrier.arrive $0xFFFF  }
0x51d: {  	_ =	shalt  }

</sc_bundles>
